<compile_context>
chip_gen: v7x
topology: tpu7x:2x2x1
jax: 0.10.2.dev20260603
libtpu: 0.0.44.dev20260713+nightly
codegen_flags: <defaults>
</compile_context>

<pallas_src>
import functools

import jax
import jax.numpy as jnp
from jax import lax
from jax.experimental import pallas as pl
from jax.experimental.pallas import tpu as pltpu
from jax.experimental.pallas import tpu_sc as plsc

N = 10000
E = 320000
D_IN = 128
D_HID = 128
D_OUT = 41
D_OUT_PAD = 48

NC = 2
NS = 16
NW = NC * NS
EPW = E // NW

_mesh = plsc.VectorSubcoreMesh(core_axis_name="c", subcore_axis_name="s")


EPW_A = 10112
EPW_B = E - 31 * EPW_A

_RB = 2000
_GRID = N // _RB


@functools.partial(
    pl.kernel,
    mesh=_mesh,
    compiler_params=pltpu.CompilerParams(needs_layout_passes=False),
    out_type=[
        jax.ShapeDtypeStruct((NW, N), jnp.float32),
        jax.ShapeDtypeStruct((NW, N), jnp.float32),
        jax.ShapeDtypeStruct((E,), jnp.int32),
        jax.ShapeDtypeStruct((E,), jnp.int32),
    ],
    scratch_types=[
        pltpu.VMEM((EPW_A,), jnp.int32),
        pltpu.VMEM((EPW_A,), jnp.int32),
        pltpu.VMEM((N,), jnp.float32),
        pltpu.VMEM((N,), jnp.float32),
        pltpu.SemaphoreType.DMA,
    ],
)
def _degree_kernel(e_hbm, dsrc_out, ddst_out, src_out, dst_out, src_v, dst_v, hs_v, hd_v, esem):
    c = lax.axis_index("c")
    s = lax.axis_index("s")
    wid = s * NC + c
    base = wid * EPW_A
    is_last = wid == NW - 1

    @pl.when(jnp.logical_not(is_last))
    def _():
        pltpu.sync_copy(e_hbm.at[0, pl.ds(base, EPW_A)], src_v)
        pltpu.sync_copy(e_hbm.at[1, pl.ds(base, EPW_A)], dst_v)
        pltpu.async_copy(src_v, src_out.at[pl.ds(base, EPW_A)], esem)
        pltpu.async_copy(dst_v, dst_out.at[pl.ds(base, EPW_A)], esem)

    @pl.when(is_last)
    def _():
        pltpu.sync_copy(e_hbm.at[0, pl.ds(base, EPW_B)], src_v.at[pl.ds(0, EPW_B)])
        pltpu.sync_copy(e_hbm.at[1, pl.ds(base, EPW_B)], dst_v.at[pl.ds(0, EPW_B)])
        pltpu.async_copy(src_v.at[pl.ds(0, EPW_B)], src_out.at[pl.ds(base, EPW_B)], esem)
        pltpu.async_copy(dst_v.at[pl.ds(0, EPW_B)], dst_out.at[pl.ds(base, EPW_B)], esem)

    zero16 = jnp.zeros((16,), jnp.float32)

    def zbody(i, carry):
        hs_v[pl.ds(i * 16, 16)] = zero16
        hd_v[pl.ds(i * 16, 16)] = zero16
        return carry

    lax.fori_loop(0, N // 16, zbody, 0)

    ones16 = jnp.ones((16,), jnp.float32)

    def body(i, carry):
        sv = src_v[pl.ds(i * 16, 16)]
        dv = dst_v[pl.ds(i * 16, 16)]
        plsc.addupdate_scatter(hs_v, [sv], ones16)
        plsc.addupdate_scatter(hd_v, [dv], ones16)
        return carry

    nvec = jnp.where(is_last, EPW_B // 16, EPW_A // 16)
    lax.fori_loop(0, nvec, body, 0)

    pltpu.sync_copy(hs_v, dsrc_out.at[wid])
    pltpu.sync_copy(hd_v, ddst_out.at[wid])

    @pl.when(jnp.logical_not(is_last))
    def _():
        pltpu.make_async_copy(src_v, src_out.at[pl.ds(base, EPW_A)], esem).wait()
        pltpu.make_async_copy(dst_v, dst_out.at[pl.ds(base, EPW_A)], esem).wait()

    @pl.when(is_last)
    def _():
        pltpu.make_async_copy(src_v.at[pl.ds(0, EPW_B)], src_out.at[pl.ds(base, EPW_B)], esem).wait()
        pltpu.make_async_copy(dst_v.at[pl.ds(0, EPW_B)], dst_out.at[pl.ds(base, EPW_B)], esem).wait()


def _make_agg(d, chunk, idxb, depth):
    nch = EPW // chunk
    nbat = nch // idxb
    zr = 80
    nrowch = N // zr
    kmax = -(-nrowch // NS)
    assert idxb % depth == 0 and nch % idxb == 0 and depth >= 2

    @functools.partial(
        pl.kernel,
        mesh=_mesh,
        compiler_params=pltpu.CompilerParams(
            needs_layout_passes=False, use_tc_tiling_on_sc=False
        ),
        out_type=jax.ShapeDtypeStruct((NC, N, d), jnp.float32),
        scratch_types=[
            pltpu.VMEM((2, idxb, chunk), jnp.int32),
            pltpu.VMEM((2, idxb, chunk), jnp.int32),
            [pltpu.VMEM((chunk, d), jnp.float32) for _ in range(depth)],
            pltpu.VMEM((zr, d), jnp.float32),
            pltpu.VMEM_SHARED((N, d), jnp.float32),
            [pltpu.SemaphoreType.DMA for _ in range(depth)],
            [pltpu.SemaphoreType.DMA for _ in range(depth)],
            [pltpu.SemaphoreType.DMA for _ in range(2)],
        ],
    )
    def _agg_kernel(h_hbm, src_hbm, dst_hbm, out_hbm, src_b, dst_b, rows, zbuf, acc_sh, gsem, ssem, isem):
        c = lax.axis_index("c")
        s = lax.axis_index("s")
        wid = s * NC + c

        def _ibatch_start(k, p):
            pltpu.async_copy(src_hbm.at[wid, pl.ds(k * idxb, idxb)], src_b.at[p], isem[0])
            pltpu.async_copy(dst_hbm.at[wid, pl.ds(k * idxb, idxb)], dst_b.at[p], isem[1])

        def _ibatch_wait(k, p):
            pltpu.make_async_copy(src_hbm.at[wid, pl.ds(k * idxb, idxb)], src_b.at[p], isem[0]).wait()
            pltpu.make_async_copy(dst_hbm.at[wid, pl.ds(k * idxb, idxb)], dst_b.at[p], isem[1]).wait()

        _ibatch_start(0, 0)

        zero16 = jnp.zeros((16,), jnp.float32)
        dl = d // 16

        def zfill(i, carry):
            r = i // dl
            col = lax.rem(i, dl)
            zbuf[r, pl.ds(col * 16, 16)] = zero16
            return carry

        lax.fori_loop(0, zr * dl, zfill, 0)

        def zcopy(k, carry):
            ch = k * NS + s

            @pl.when(ch < nrowch)
            def _():
                pltpu.async_copy(zbuf, acc_sh.at[pl.ds(ch * zr, zr)], ssem[0])

            return carry

        lax.fori_loop(0, kmax, zcopy, 0)

        def zdrain(k, carry):
            ch = k * NS + s

            @pl.when(ch < nrowch)
            def _():
                pltpu.make_async_copy(zbuf, acc_sh.at[pl.ds(ch * zr, zr)], ssem[0]).wait()

            return carry

        lax.fori_loop(0, kmax, zdrain, 0)
        plsc.subcore_barrier()

        def _gather_start(p, j2, b):
            pltpu.async_copy(h_hbm.at[src_b.at[p, j2]], rows[b], gsem[b])

        def _gather_wait(p, j2, b):
            pltpu.make_async_copy(h_hbm.at[src_b.at[p, j2]], rows[b], gsem[b]).wait()

        def _scatter_start(p, j2, b):
            pltpu.async_copy(rows[b], acc_sh.at[dst_b.at[p, j2]], ssem[b], add=True)

        def _scatter_wait(p, j2, b):
            pltpu.make_async_copy(rows[b], acc_sh.at[dst_b.at[p, j2]], ssem[b]).wait()

        _ibatch_wait(0, 0)
        for jj in range(depth - 1):
            _gather_start(0, jj, jj)

        def batch(k, carry):
            p = lax.rem(k, 2)
            first_b = k == 0
            last_b = k == nbat - 1

            for j2 in range(idxb):
                b = j2 % depth
                pb = (j2 - 1) % depth

                if j2 == 0:
                    @pl.when(jnp.logical_not(first_b))
                    def _():
                        _scatter_wait(p, idxb - 1, pb)

                    @pl.when(jnp.logical_not(last_b))
                    def _():
                        _ibatch_start(k + 1, 1 - p)
                else:
                    _scatter_wait(p, j2 - 1, pb)

                jg = j2 + depth - 1
                if jg < idxb:
                    _gather_start(p, jg, pb)
                else:
                    if jg == idxb:
                        @pl.when(jnp.logical_not(last_b))
                        def _():
                            _ibatch_wait(k + 1, 1 - p)

                    @pl.when(jnp.logical_not(last_b))
                    def _():
                        _gather_start(1 - p, jg - idxb, pb)

                _gather_wait(p, j2, b)
                _scatter_start(p, j2, b)

            return carry

        lax.fori_loop(0, nbat, batch, 0)
        _scatter_wait((nbat - 1) % 2, idxb - 1, (idxb - 1) % depth)
        plsc.subcore_barrier()

        def _rd(k):
            b = k % 2
            ch = k * NS + s

            @pl.when(ch < nrowch)
            def _():
                pltpu.async_copy(
                    acc_sh.at[pl.ds(ch * zr, zr)], rows[b].at[pl.ds(0, zr)], gsem[b]
                )

        def _wr(k):
            b = k % 2
            ch = k * NS + s

            @pl.when(ch < nrowch)
            def _():
                pltpu.make_async_copy(
                    acc_sh.at[pl.ds(ch * zr, zr)], rows[b].at[pl.ds(0, zr)], gsem[b]
                ).wait()
                pltpu.async_copy(
                    rows[b].at[pl.ds(0, zr)], out_hbm.at[c, pl.ds(ch * zr, zr)], ssem[b]
                )

        def _wr_wait(k):
            b = k % 2
            ch = k * NS + s

            @pl.when(ch < nrowch)
            def _():
                pltpu.make_async_copy(
                    rows[b].at[pl.ds(0, zr)], out_hbm.at[c, pl.ds(ch * zr, zr)], ssem[b]
                ).wait()

        _rd(0)
        if kmax > 1:
            _rd(1)
        for k in range(kmax):
            _wr(k)
            if k + 2 < kmax:
                _wr_wait(k)
                _rd(k + 2)
        for k in (kmax - 2, kmax - 1):
            if 0 <= k:
                _wr_wait(k)

    return _agg_kernel


CHUNK = 125
NCHK = EPW // CHUNK
_agg128 = _make_agg(D_HID, CHUNK, 8, 2)
_agg48 = _make_agg(D_OUT_PAD, CHUNK, 8, 4)


def _norm(deg):
    return jnp.where(deg > 0, lax.rsqrt(jnp.maximum(deg, 1.0)), 0.0)





def _tc1_body(x_ref, dp_ref, w1_ref, h1_ref):
    no = _norm(jnp.sum(dp_ref[0], axis=0))
    h1_ref[...] = jnp.dot(
        x_ref[...] * no[:, None], w1_ref[...], preferred_element_type=jnp.float32
    )


def _tc1_call(x, dsrc_p, W1):
    return pl.pallas_call(
        _tc1_body,
        grid=(_GRID,),
        in_specs=[
            pl.BlockSpec((_RB, D_IN), lambda i: (i, 0)),
            pl.BlockSpec((1, NW, _RB), lambda i: (i, 0, 0)),
            pl.BlockSpec((D_IN, D_HID), lambda i: (0, 0)),
        ],
        out_specs=pl.BlockSpec((_RB, D_HID), lambda i: (i, 0)),
        out_shape=jax.ShapeDtypeStruct((N, D_HID), jnp.float32),
    )(x, dsrc_p, W1)


def _tc2_body(agg_ref, dps_ref, dpd_ref, b1_ref, w2_ref, h2_ref):
    agg = agg_ref[0] + agg_ref[1]
    ni = _norm(jnp.sum(dpd_ref[0], axis=0))
    no = _norm(jnp.sum(dps_ref[0], axis=0))
    o1 = jnp.maximum(agg * ni[:, None] + b1_ref[0][None, :], 0.0)
    h2_ref[...] = jnp.dot(
        o1 * no[:, None], w2_ref[...], preferred_element_type=jnp.float32
    )


def _tc2_call(agg1, dsrc_p, ddst_p, b1t, W2p):
    return pl.pallas_call(
        _tc2_body,
        grid=(_GRID,),
        in_specs=[
            pl.BlockSpec((NC, _RB, D_HID), lambda i: (0, i, 0)),
            pl.BlockSpec((1, NW, _RB), lambda i: (i, 0, 0)),
            pl.BlockSpec((1, NW, _RB), lambda i: (i, 0, 0)),
            pl.BlockSpec((8, D_HID), lambda i: (0, 0)),
            pl.BlockSpec((D_HID, D_OUT_PAD), lambda i: (0, 0)),
        ],
        out_specs=pl.BlockSpec((_RB, D_OUT_PAD), lambda i: (i, 0)),
        out_shape=jax.ShapeDtypeStruct((N, D_OUT_PAD), jnp.float32),
    )(agg1, dsrc_p, ddst_p, b1t, W2p)


def _tc3_body(agg_ref, dpd_ref, b2_ref, out_ref):
    agg = agg_ref[0] + agg_ref[1]
    ni = _norm(jnp.sum(dpd_ref[0], axis=0))
    res = agg * ni[:, None] + b2_ref[0][None, :]
    out_ref[...] = res[:, :D_OUT]


def _tc3_call(agg2, ddst_p, b2t):
    return pl.pallas_call(
        _tc3_body,
        grid=(_GRID,),
        in_specs=[
            pl.BlockSpec((NC, _RB, D_OUT_PAD), lambda i: (0, i, 0)),
            pl.BlockSpec((1, NW, _RB), lambda i: (i, 0, 0)),
            pl.BlockSpec((8, D_OUT_PAD), lambda i: (0, 0)),
        ],
        out_specs=pl.BlockSpec((_RB, D_OUT), lambda i: (i, 0)),
        out_shape=jax.ShapeDtypeStruct((N, D_OUT), jnp.float32),
    )(agg2, ddst_p, b2t)


@jax.jit
def kernel(x, edge_index, W1, b1, W2, b2):
    ei = edge_index.astype(jnp.int32)

    dsrc_p, ddst_p, src, dst = _degree_kernel(ei)
    dsrc_p = dsrc_p.reshape(NW, _GRID, _RB).transpose(1, 0, 2)
    ddst_p = ddst_p.reshape(NW, _GRID, _RB).transpose(1, 0, 2)

    srcr = src.reshape(NW, NCHK, CHUNK)
    dstr = dst.reshape(NW, NCHK, CHUNK)

    h1 = _tc1_call(x, dsrc_p, W1)
    agg1 = _agg128(h1, srcr, dstr)

    W2p = jnp.pad(W2, ((0, 0), (0, D_OUT_PAD - D_OUT)))
    b1t = jnp.tile(b1[None, :], (8, 1))
    h2 = _tc2_call(agg1, dsrc_p, ddst_p, b1t, W2p)
    agg2 = _agg48(h2, srcr, dstr)

    b2t = jnp.tile(jnp.pad(b2, (0, D_OUT_PAD - D_OUT))[None, :], (8, 1))
    return _tc3_call(agg2, ddst_p, b2t)

# --- scband reference (transcript-rebuilt; emitter-appended) ---
"""Pipeline reference for scband-net-23630910062644 (READ-ONLY COPY).

The authoritative reference and input builder live on the scoring server;
editing this copy changes nothing except your own understanding.
"""

import jax, jax.numpy as jnp
import numpy as np

N_NODES = 10000
N_EDGES = 320000
D_IN = 128
D_HID = 128
D_OUT = 41


def setup_inputs(seed: int = 0) -> dict:
    key = jax.random.key(seed)
    k_x, k_e, k_w1, k_w2 = jax.random.split(key, 4)
    x = jax.random.normal(k_x, (N_NODES, D_IN), dtype=jnp.float32)
    edge_index = jax.random.randint(k_e, (2, N_EDGES), 0, N_NODES, dtype=jnp.int64)
    # Glorot-style init like DGL GraphConv
    W1 = jax.random.normal(k_w1, (D_IN, D_HID), dtype=jnp.float32) * (1.0 / np.sqrt(D_IN))
    b1 = jnp.zeros((D_HID,), dtype=jnp.float32)
    W2 = jax.random.normal(k_w2, (D_HID, D_OUT), dtype=jnp.float32) * (1.0 / np.sqrt(D_HID))
    b2 = jnp.zeros((D_OUT,), dtype=jnp.float32)
    return {"x": x, "edge_index": edge_index, "W1": W1, "b1": b1, "W2": W2, "b2": b2}


def _graph_conv_both(x, W, b, src, dst, n_nodes):
    # DGL GraphConv with norm='both':
    # h = D_in^{-1/2} * A * D_out^{-1/2} * X * W + b
    ones = jnp.ones((src.shape[0],), dtype=x.dtype)
    deg_out = jax.ops.segment_sum(ones, src, num_segments=n_nodes)
    deg_in = jax.ops.segment_sum(ones, dst, num_segments=n_nodes)
    norm_out = jnp.where(deg_out > 0, jax.lax.rsqrt(jnp.maximum(deg_out, 1.0)), 0.0)
    norm_in = jnp.where(deg_in > 0, jax.lax.rsqrt(jnp.maximum(deg_in, 1.0)), 0.0)
    h = x * norm_out[:, None]
    h = h @ W
    messages = jnp.take(h, src, axis=0)
    agg = jax.ops.segment_sum(messages, dst, num_segments=n_nodes)
    out = agg * norm_in[:, None] + b
    return out


def reference(x, edge_index, W1, b1, W2, b2):
    src = edge_index[0]
    dst = edge_index[1]
    h = _graph_conv_both(x, W1, b1, src, dst, N_NODES)
    h = jax.nn.relu(h)
    out = _graph_conv_both(h, W2, b2, src, dst, N_NODES)
    return out

if __name__ == "__main__":
    import jax
    _d = setup_inputs()
    print(jax.jit(kernel)(*tuple(_d.values())))

</pallas_src>

<mosaic_0001>
#map = affine_map<(d0, d1) -> (0, 0)>
#map1 = affine_map<(d0, d1) -> (0, 0, 0)>
module attributes {stable_mosaic.version = 14 : i64} {
  func.func @_agg_kernel(%arg0: i32, %arg1: i32, %arg2: memref<10000x128xf32, #tpu.memory_space<hbm>>, %arg3: memref<32x80x125xi32, #tpu.memory_space<hbm>>, %arg4: memref<32x80x125xi32, #tpu.memory_space<hbm>>, %arg5: memref<2x10000x128xf32, #tpu.memory_space<hbm>>, %arg6: memref<2x8x125xi32, #tpu.memory_space<vmem>>, %arg7: memref<2x8x125xi32, #tpu.memory_space<vmem>>, %arg8: memref<125x128xf32, #tpu.memory_space<vmem>>, %arg9: memref<125x128xf32, #tpu.memory_space<vmem>>, %arg10: memref<80x128xf32, #tpu.memory_space<vmem>>, %arg11: memref<10000x128xf32, #tpu.memory_space<vmem_shared>>, %arg12: memref<!tpu.dma_semaphore, #tpu.memory_space<semaphore_mem>>, %arg13: memref<!tpu.dma_semaphore, #tpu.memory_space<semaphore_mem>>, %arg14: memref<!tpu.dma_semaphore, #tpu.memory_space<semaphore_mem>>, %arg15: memref<!tpu.dma_semaphore, #tpu.memory_space<semaphore_mem>>, %arg16: memref<!tpu.dma_semaphore, #tpu.memory_space<semaphore_mem>>, %arg17: memref<!tpu.dma_semaphore, #tpu.memory_space<semaphore_mem>>) attributes {dimension_semantics = [#tpu.dimension_semantics<core_parallel>, #tpu.dimension_semantics<subcore_parallel>], iteration_bounds = array<i64: 2, 16>, scalar_prefetch = 0 : i64, scratch_operands = 12 : i64, tpu.core_type = #tpu.core_type<sc_vector_subcore>, window_params = [{transform_indices = #map}, {transform_indices = #map1}, {transform_indices = #map1}, {transform_indices = #map1}]} {
    %mul3A = arith.constant 2 : i32
    %mul3A_0 = arith.muli %arg1, %mul3A : i32
    %add3A = arith.addi %mul3A_0, %arg0 : i32
    %dma_start3A = arith.constant 0 : i32
    %dma_start3A_1 = arith.constant 0 : i32
    %dma_start3A_2 = arith.constant 0 : i32
    %dma_start3A_3 = tpu.memref_slice %arg6[%dma_start3A, %dma_start3A_1, %dma_start3A_2] : memref<2x8x125xi32, #tpu.memory_space<vmem>> -> memref<1x8x125xi32, #tpu.memory_space<vmem>>
    %dma_start3A_4 = tpu.memref_squeeze %dma_start3A_3 : memref<1x8x125xi32, #tpu.memory_space<vmem>> -> memref<8x125xi32, #tpu.memory_space<vmem>>
    %dma_start3A_5 = arith.constant 0 : i32
    %dma_start3A_6 = arith.constant 0 : i32
    %dma_start3A_7 = tpu.memref_slice %arg3[%add3A, %dma_start3A_5, %dma_start3A_6] : memref<32x80x125xi32, #tpu.memory_space<hbm>> -> memref<1x8x125xi32, #tpu.memory_space<hbm>>
    %dma_start3A_8 = tpu.memref_squeeze %dma_start3A_7 : memref<1x8x125xi32, #tpu.memory_space<hbm>> -> memref<8x125xi32, #tpu.memory_space<hbm>>
    %dma_start3A_9 = arith.constant 0 : i32
    %dma_start3A_10 = arith.constant 0 : i32
    %dma_start3A_11 = tpu.memref_slice %arg6[%dma_start3A, %dma_start3A_9, %dma_start3A_10] : memref<2x8x125xi32, #tpu.memory_space<vmem>> -> memref<1x8x125xi32, #tpu.memory_space<vmem>>
    %dma_start3A_12 = tpu.memref_squeeze %dma_start3A_11 : memref<1x8x125xi32, #tpu.memory_space<vmem>> -> memref<8x125xi32, #tpu.memory_space<vmem>>
    %dma_start3A_13 = arith.constant 0 : i32
    %dma_start3A_14 = arith.constant 0 : i32
    %dma_start3A_15 = tpu.memref_slice %arg3[%add3A, %dma_start3A_13, %dma_start3A_14] : memref<32x80x125xi32, #tpu.memory_space<hbm>> -> memref<1x8x125xi32, #tpu.memory_space<hbm>>
    %dma_start3A_16 = tpu.memref_squeeze %dma_start3A_15 : memref<1x8x125xi32, #tpu.memory_space<hbm>> -> memref<8x125xi32, #tpu.memory_space<hbm>>
    tpu.enqueue_dma source(%dma_start3A_16 : memref<8x125xi32, #tpu.memory_space<hbm>>) target(%dma_start3A_12 : memref<8x125xi32, #tpu.memory_space<vmem>>) target_semaphore(%arg16 : memref<!tpu.dma_semaphore, #tpu.memory_space<semaphore_mem>>)
    %dma_start3A_17 = arith.constant 0 : i32
    %dma_start3A_18 = arith.constant 0 : i32
    %dma_start3A_19 = arith.constant 0 : i32
    %dma_start3A_20 = tpu.memref_slice %arg7[%dma_start3A_17, %dma_start3A_18, %dma_start3A_19] : memref<2x8x125xi32, #tpu.memory_space<vmem>> -> memref<1x8x125xi32, #tpu.memory_space<vmem>>
    %dma_start3A_21 = tpu.memref_squeeze %dma_start3A_20 : memref<1x8x125xi32, #tpu.memory_space<vmem>> -> memref<8x125xi32, #tpu.memory_space<vmem>>
    %dma_start3A_22 = arith.constant 0 : i32
    %dma_start3A_23 = arith.constant 0 : i32
    %dma_start3A_24 = tpu.memref_slice %arg4[%add3A, %dma_start3A_22, %dma_start3A_23] : memref<32x80x125xi32, #tpu.memory_space<hbm>> -> memref<1x8x125xi32, #tpu.memory_space<hbm>>
    %dma_start3A_25 = tpu.memref_squeeze %dma_start3A_24 : memref<1x8x125xi32, #tpu.memory_space<hbm>> -> memref<8x125xi32, #tpu.memory_space<hbm>>
    %dma_start3A_26 = arith.constant 0 : i32
    %dma_start3A_27 = arith.constant 0 : i32
    %dma_start3A_28 = tpu.memref_slice %arg7[%dma_start3A_17, %dma_start3A_26, %dma_start3A_27] : memref<2x8x125xi32, #tpu.memory_space<vmem>> -> memref<1x8x125xi32, #tpu.memory_space<vmem>>
    %dma_start3A_29 = tpu.memref_squeeze %dma_start3A_28 : memref<1x8x125xi32, #tpu.memory_space<vmem>> -> memref<8x125xi32, #tpu.memory_space<vmem>>
    %dma_start3A_30 = arith.constant 0 : i32
    %dma_start3A_31 = arith.constant 0 : i32
    %dma_start3A_32 = tpu.memref_slice %arg4[%add3A, %dma_start3A_30, %dma_start3A_31] : memref<32x80x125xi32, #tpu.memory_space<hbm>> -> memref<1x8x125xi32, #tpu.memory_space<hbm>>
    %dma_start3A_33 = tpu.memref_squeeze %dma_start3A_32 : memref<1x8x125xi32, #tpu.memory_space<hbm>> -> memref<8x125xi32, #tpu.memory_space<hbm>>
    tpu.enqueue_dma source(%dma_start3A_33 : memref<8x125xi32, #tpu.memory_space<hbm>>) target(%dma_start3A_29 : memref<8x125xi32, #tpu.memory_space<vmem>>) target_semaphore(%arg17 : memref<!tpu.dma_semaphore, #tpu.memory_space<semaphore_mem>>)
    %broadcast_in_dim3A = arith.constant 0.000000e+00 : f32
    %broadcast_in_dim3A_34 = vector.broadcast %broadcast_in_dim3A : f32 to vector<16xf32>
    %scan3A = arith.constant 0 : i32
    %scan3A_35 = arith.constant 0 : i32
    %scan3A_36 = arith.constant 640 : i32
    %scan3A_37 = arith.addi %scan3A_35, %scan3A_36 : i32
    %scan3A_38 = arith.constant 1 : i32
    scf.for %scan3A_273 = %scan3A_35 to %scan3A_37 step %scan3A_38  : i32 {
      %jit3A = arith.constant 8 : i32
      %div3A = arith.divsi %scan3A_273, %jit3A : i32
      %sign3A = arith.constant 0 : i32
      %sign3A_274 = arith.cmpi sgt, %scan3A_273, %sign3A : i32
      %sign3A_275 = arith.extui %sign3A_274 : i1 to i32
      %sign3A_276 = arith.constant 0 : i32
      %sign3A_277 = arith.cmpi slt, %scan3A_273, %sign3A_276 : i32
      %sign3A_278 = arith.extui %sign3A_277 : i1 to i32
      %sign3A_279 = arith.subi %sign3A_275, %sign3A_278 : i32
      %sign3A_280 = arith.constant 0 : i32
      %sign3A_281 = arith.cmpi sgt, %jit3A, %sign3A_280 : i32
      %sign3A_282 = arith.extui %sign3A_281 : i1 to i32
      %sign3A_283 = arith.constant 0 : i32
      %sign3A_284 = arith.cmpi slt, %jit3A, %sign3A_283 : i32
      %sign3A_285 = arith.extui %sign3A_284 : i1 to i32
      %sign3A_286 = arith.subi %sign3A_282, %sign3A_285 : i32
      %ne3A = arith.cmpi ne, %sign3A_279, %sign3A_286 : i32
      %rem3A = arith.remsi %scan3A_273, %jit3A : i32
      %ne3A_287 = arith.constant 0 : i32
      %ne3A_288 = arith.cmpi ne, %rem3A, %ne3A_287 : i32
      %and3A = arith.andi %ne3A, %ne3A_288 : i1
      %sub3A = arith.constant 1 : i32
      %sub3A_289 = arith.subi %div3A, %sub3A : i32
      %select_n3A = arith.select %and3A, %sub3A_289, %div3A : i32
      %rem3A_290 = arith.constant 8 : i32
      %rem3A_291 = arith.remsi %scan3A_273, %rem3A_290 : i32
      %mul3A_292 = arith.constant 16 : i32
      %mul3A_293 = arith.muli %rem3A_291, %mul3A_292 : i32
      %swap3A = arith.index_cast %select_n3A : i32 to index
      %swap3A_294 = arith.index_cast %mul3A_293 : i32 to index
      %swap3A_295 = tpu.vector_load %arg10[%swap3A, %swap3A_294] {strides = array<i32>} : memref<80x128xf32, #tpu.memory_space<vmem>>, vector<16xf32>,
      tpu.vector_store %arg10[%swap3A, %swap3A_294], %broadcast_in_dim3A_34 {strides = array<i32>} : memref<80x128xf32, #tpu.memory_space<vmem>>, vector<16xf32>,
    }
    %scan3A_39 = arith.constant 640 : i32
    %scan3A_40 = arith.constant 0 : i32
    %scan3A_41 = arith.constant 0 : i32
    %scan3A_42 = arith.constant 8 : i32
    %scan3A_43 = arith.addi %scan3A_41, %scan3A_42 : i32
    %scan3A_44 = arith.constant 1 : i32
    scf.for %scan3A_273 = %scan3A_41 to %scan3A_43 step %scan3A_44  : i32 {
      %mul3A_274 = arith.constant 16 : i32
      %mul3A_275 = arith.muli %scan3A_273, %mul3A_274 : i32
      %add3A_276 = arith.addi %mul3A_275, %arg1 : i32
      %lt3A_277 = arith.constant 125 : i32
      %lt3A_278 = arith.cmpi slt, %add3A_276, %lt3A_277 : i32
      %convert_element_type3A_279 = arith.extui %lt3A_278 : i1 to i32
      %cond3A_280 = arith.constant 0 : i32
      %cond3A_281 = arith.cmpi ne, %convert_element_type3A_279, %cond3A_280 : i32
      scf.if %cond3A_281 {
        %mul3A_282 = arith.constant 80 : i32
        %mul3A_283 = arith.muli %add3A_276, %mul3A_282 : i32
        %dma_start3A_284 = arith.constant 0 : i32
        %dma_start3A_285 = tpu.memref_slice %arg11[%mul3A_283, %dma_start3A_284] : memref<10000x128xf32, #tpu.memory_space<vmem_shared>> -> memref<80x128xf32, #tpu.memory_space<vmem_shared>>
        %dma_start3A_286 = arith.constant 0 : i32
        %dma_start3A_287 = tpu.memref_slice %arg11[%mul3A_283, %dma_start3A_286] : memref<10000x128xf32, #tpu.memory_space<vmem_shared>> -> memref<80x128xf32, #tpu.memory_space<vmem_shared>>
        tpu.enqueue_dma source(%arg10 : memref<80x128xf32, #tpu.memory_space<vmem>>) target(%dma_start3A_287 : memref<80x128xf32, #tpu.memory_space<vmem_shared>>) target_semaphore(%arg14 : memref<!tpu.dma_semaphore, #tpu.memory_space<semaphore_mem>>)
      } else {
      }
    }
    %scan3A_45 = arith.constant 8 : i32
    %scan3A_46 = arith.constant 0 : i32
    %scan3A_47 = arith.constant 0 : i32
    %scan3A_48 = arith.constant 8 : i32
    %scan3A_49 = arith.addi %scan3A_47, %scan3A_48 : i32
    %scan3A_50 = arith.constant 1 : i32
    scf.for %scan3A_273 = %scan3A_47 to %scan3A_49 step %scan3A_50  : i32 {
      %mul3A_274 = arith.constant 16 : i32
      %mul3A_275 = arith.muli %scan3A_273, %mul3A_274 : i32
      %add3A_276 = arith.addi %mul3A_275, %arg1 : i32
      %lt3A_277 = arith.constant 125 : i32
      %lt3A_278 = arith.cmpi slt, %add3A_276, %lt3A_277 : i32
      %convert_element_type3A_279 = arith.extui %lt3A_278 : i1 to i32
      %cond3A_280 = arith.constant 0 : i32
      %cond3A_281 = arith.cmpi ne, %convert_element_type3A_279, %cond3A_280 : i32
      scf.if %cond3A_281 {
        %mul3A_282 = arith.constant 80 : i32
        %mul3A_283 = arith.muli %add3A_276, %mul3A_282 : i32
        %dma_wait3A_284 = arith.constant 0 : i32
        %dma_wait3A_285 = tpu.memref_slice %arg11[%mul3A_283, %dma_wait3A_284] : memref<10000x128xf32, #tpu.memory_space<vmem_shared>> -> memref<80x128xf32, #tpu.memory_space<vmem_shared>>
        %dma_wait3A_286 = arith.constant 0 : i32
        %dma_wait3A_287 = tpu.memref_slice %arg11[%mul3A_283, %dma_wait3A_286] : memref<10000x128xf32, #tpu.memory_space<vmem_shared>> -> memref<80x128xf32, #tpu.memory_space<vmem_shared>>
        tpu.wait_dma2 semaphore(%arg14 : memref<!tpu.dma_semaphore, #tpu.memory_space<semaphore_mem>>) src(%arg10 : memref<80x128xf32, #tpu.memory_space<vmem>>) dst(%dma_wait3A_287 : memref<80x128xf32, #tpu.memory_space<vmem_shared>>)
      } else {
      }
    }
    %scan3A_51 = arith.constant 8 : i32
    %barrier3A = arith.constant 0 : index
    tpu.barrier barrier_id(%barrier3A)
    %dma_wait3A = arith.constant 0 : i32
    %dma_wait3A_52 = arith.constant 0 : i32
    %dma_wait3A_53 = arith.constant 0 : i32
    %dma_wait3A_54 = tpu.memref_slice %arg6[%dma_wait3A, %dma_wait3A_52, %dma_wait3A_53] : memref<2x8x125xi32, #tpu.memory_space<vmem>> -> memref<1x8x125xi32, #tpu.memory_space<vmem>>
    %dma_wait3A_55 = tpu.memref_squeeze %dma_wait3A_54 : memref<1x8x125xi32, #tpu.memory_space<vmem>> -> memref<8x125xi32, #tpu.memory_space<vmem>>
    %dma_wait3A_56 = arith.constant 0 : i32
    %dma_wait3A_57 = arith.constant 0 : i32
    %dma_wait3A_58 = tpu.memref_slice %arg3[%add3A, %dma_wait3A_56, %dma_wait3A_57] : memref<32x80x125xi32, #tpu.memory_space<hbm>> -> memref<1x8x125xi32, #tpu.memory_space<hbm>>
    %dma_wait3A_59 = tpu.memref_squeeze %dma_wait3A_58 : memref<1x8x125xi32, #tpu.memory_space<hbm>> -> memref<8x125xi32, #tpu.memory_space<hbm>>
    %dma_wait3A_60 = arith.constant 0 : i32
    %dma_wait3A_61 = arith.constant 0 : i32
    %dma_wait3A_62 = tpu.memref_slice %arg6[%dma_wait3A, %dma_wait3A_60, %dma_wait3A_61] : memref<2x8x125xi32, #tpu.memory_space<vmem>> -> memref<1x8x125xi32, #tpu.memory_space<vmem>>
    %dma_wait3A_63 = tpu.memref_squeeze %dma_wait3A_62 : memref<1x8x125xi32, #tpu.memory_space<vmem>> -> memref<8x125xi32, #tpu.memory_space<vmem>>
    %dma_wait3A_64 = arith.constant 0 : i32
    %dma_wait3A_65 = arith.constant 0 : i32
    %dma_wait3A_66 = tpu.memref_slice %arg3[%add3A, %dma_wait3A_64, %dma_wait3A_65] : memref<32x80x125xi32, #tpu.memory_space<hbm>> -> memref<1x8x125xi32, #tpu.memory_space<hbm>>
    %dma_wait3A_67 = tpu.memref_squeeze %dma_wait3A_66 : memref<1x8x125xi32, #tpu.memory_space<hbm>> -> memref<8x125xi32, #tpu.memory_space<hbm>>
    tpu.wait_dma2 semaphore(%arg16 : memref<!tpu.dma_semaphore, #tpu.memory_space<semaphore_mem>>) src(%dma_wait3A_67 : memref<8x125xi32, #tpu.memory_space<hbm>>) dst(%dma_wait3A_63 : memref<8x125xi32, #tpu.memory_space<vmem>>)
    %dma_wait3A_68 = arith.constant 0 : i32
    %dma_wait3A_69 = arith.constant 0 : i32
    %dma_wait3A_70 = arith.constant 0 : i32
    %dma_wait3A_71 = tpu.memref_slice %arg7[%dma_wait3A_68, %dma_wait3A_69, %dma_wait3A_70] : memref<2x8x125xi32, #tpu.memory_space<vmem>> -> memref<1x8x125xi32, #tpu.memory_space<vmem>>
    %dma_wait3A_72 = tpu.memref_squeeze %dma_wait3A_71 : memref<1x8x125xi32, #tpu.memory_space<vmem>> -> memref<8x125xi32, #tpu.memory_space<vmem>>
    %dma_wait3A_73 = arith.constant 0 : i32
    %dma_wait3A_74 = arith.constant 0 : i32
    %dma_wait3A_75 = tpu.memref_slice %arg4[%add3A, %dma_wait3A_73, %dma_wait3A_74] : memref<32x80x125xi32, #tpu.memory_space<hbm>> -> memref<1x8x125xi32, #tpu.memory_space<hbm>>
    %dma_wait3A_76 = tpu.memref_squeeze %dma_wait3A_75 : memref<1x8x125xi32, #tpu.memory_space<hbm>> -> memref<8x125xi32, #tpu.memory_space<hbm>>
    %dma_wait3A_77 = arith.constant 0 : i32
    %dma_wait3A_78 = arith.constant 0 : i32
    %dma_wait3A_79 = tpu.memref_slice %arg7[%dma_wait3A_68, %dma_wait3A_77, %dma_wait3A_78] : memref<2x8x125xi32, #tpu.memory_space<vmem>> -> memref<1x8x125xi32, #tpu.memory_space<vmem>>
    %dma_wait3A_80 = tpu.memref_squeeze %dma_wait3A_79 : memref<1x8x125xi32, #tpu.memory_space<vmem>> -> memref<8x125xi32, #tpu.memory_space<vmem>>
    %dma_wait3A_81 = arith.constant 0 : i32
    %dma_wait3A_82 = arith.constant 0 : i32
    %dma_wait3A_83 = tpu.memref_slice %arg4[%add3A, %dma_wait3A_81, %dma_wait3A_82] : memref<32x80x125xi32, #tpu.memory_space<hbm>> -> memref<1x8x125xi32, #tpu.memory_space<hbm>>
    %dma_wait3A_84 = tpu.memref_squeeze %dma_wait3A_83 : memref<1x8x125xi32, #tpu.memory_space<hbm>> -> memref<8x125xi32, #tpu.memory_space<hbm>>
    tpu.wait_dma2 semaphore(%arg17 : memref<!tpu.dma_semaphore, #tpu.memory_space<semaphore_mem>>) src(%dma_wait3A_84 : memref<8x125xi32, #tpu.memory_space<hbm>>) dst(%dma_wait3A_80 : memref<8x125xi32, #tpu.memory_space<vmem>>)
    %dma_start3A_85 = arith.constant 0 : i32
    %dma_start3A_86 = arith.constant 0 : i32
    %dma_start3A_87 = arith.constant 0 : i32
    %dma_start3A_88 = tpu.memref_slice %arg6[%dma_start3A_85, %dma_start3A_86, %dma_start3A_87] : memref<2x8x125xi32, #tpu.memory_space<vmem>> -> memref<1x1x125xi32, #tpu.memory_space<vmem>>
    %dma_start3A_89 = tpu.memref_squeeze %dma_start3A_88 : memref<1x1x125xi32, #tpu.memory_space<vmem>> -> memref<125xi32, #tpu.memory_space<vmem>>
    %dma_start3A_90 = arith.constant 0 : i32
    %dma_start3A_91 = arith.constant 0 : i32
    %dma_start3A_92 = tpu.memref_slice %arg2[%dma_start3A_90, %dma_start3A_91] : memref<10000x128xf32, #tpu.memory_space<hbm>> -> memref<10000x128xf32, #tpu.memory_space<hbm>>
    tpu.enqueue_indirect_dma source(%dma_start3A_92 : memref<10000x128xf32, #tpu.memory_space<hbm>>) target(%arg8 : memref<125x128xf32, #tpu.memory_space<vmem>>) offsets(%dma_start3A_89 : memref<125xi32, #tpu.memory_space<vmem>>) semaphore(%arg12 : memref<!tpu.dma_semaphore, #tpu.memory_space<semaphore_mem>>)
    %scan3A_93 = arith.constant 0 : i32
    %scan3A_94 = arith.constant 0 : i32
    %scan3A_95 = arith.constant 10 : i32
    %scan3A_96 = arith.addi %scan3A_94, %scan3A_95 : i32
    %scan3A_97 = arith.constant 1 : i32
    scf.for %scan3A_273 = %scan3A_94 to %scan3A_96 step %scan3A_97  : i32 {
      %rem3A = arith.constant 2 : i32
      %rem3A_274 = arith.remsi %scan3A_273, %rem3A : i32
      %eq3A = arith.constant 0 : i32
      %eq3A_275 = arith.cmpi eq, %scan3A_273, %eq3A : i32
      %eq3A_276 = arith.constant 9 : i32
      %eq3A_277 = arith.cmpi eq, %scan3A_273, %eq3A_276 : i32
      %not3A = arith.constant true
      %not3A_278 = arith.xori %eq3A_275, %not3A : i1
      %convert_element_type3A_279 = arith.extui %not3A_278 : i1 to i32
      %cond3A_280 = arith.constant 0 : i32
      %cond3A_281 = arith.cmpi ne, %convert_element_type3A_279, %cond3A_280 : i32
      scf.if %cond3A_281 {
        %dma_wait3A_507 = arith.constant 7 : i32
        %dma_wait3A_508 = arith.constant 0 : i32
        %dma_wait3A_509 = tpu.memref_slice %arg7[%rem3A_274, %dma_wait3A_507, %dma_wait3A_508] : memref<2x8x125xi32, #tpu.memory_space<vmem>> -> memref<1x1x125xi32, #tpu.memory_space<vmem>>
        %dma_wait3A_510 = tpu.memref_squeeze %dma_wait3A_509 : memref<1x1x125xi32, #tpu.memory_space<vmem>> -> memref<125xi32, #tpu.memory_space<vmem>>
        %dma_wait3A_511 = arith.constant 0 : i32
        %dma_wait3A_512 = arith.constant 0 : i32
        %dma_wait3A_513 = tpu.memref_slice %arg11[%dma_wait3A_511, %dma_wait3A_512] : memref<10000x128xf32, #tpu.memory_space<vmem_shared>> -> memref<10000x128xf32, #tpu.memory_space<vmem_shared>>
        tpu.wait_indirect_dma semaphore(%arg15 : memref<!tpu.dma_semaphore, #tpu.memory_space<semaphore_mem>>) src(%arg9 : memref<125x128xf32, #tpu.memory_space<vmem>>) dst(%dma_wait3A_513 : memref<10000x128xf32, #tpu.memory_space<vmem_shared>>)
      } else {
      }
      %not3A_282 = arith.constant true
      %not3A_283 = arith.xori %eq3A_277, %not3A_282 : i1
      %convert_element_type3A_284 = arith.extui %not3A_283 : i1 to i32
      %cond3A_285 = arith.constant 0 : i32
      %cond3A_286 = arith.cmpi ne, %convert_element_type3A_284, %cond3A_285 : i32
      scf.if %cond3A_286 {
        %add3A_507 = arith.constant 1 : i32
        %add3A_508 = arith.addi %scan3A_273, %add3A_507 : i32
        %sub3A = arith.constant 1 : i32
        %sub3A_509 = arith.subi %sub3A, %rem3A_274 : i32
        %mul3A_510 = arith.constant 8 : i32
        %mul3A_511 = arith.muli %add3A_508, %mul3A_510 : i32
        %dma_start3A_512 = arith.constant 0 : i32
        %dma_start3A_513 = arith.constant 0 : i32
        %dma_start3A_514 = tpu.memref_slice %arg6[%sub3A_509, %dma_start3A_512, %dma_start3A_513] : memref<2x8x125xi32, #tpu.memory_space<vmem>> -> memref<1x8x125xi32, #tpu.memory_space<vmem>>
        %dma_start3A_515 = tpu.memref_squeeze %dma_start3A_514 : memref<1x8x125xi32, #tpu.memory_space<vmem>> -> memref<8x125xi32, #tpu.memory_space<vmem>>
        %dma_start3A_516 = arith.constant 0 : i32
        %dma_start3A_517 = tpu.memref_slice %arg3[%add3A, %mul3A_511, %dma_start3A_516] : memref<32x80x125xi32, #tpu.memory_space<hbm>> -> memref<1x8x125xi32, #tpu.memory_space<hbm>>
        %dma_start3A_518 = tpu.memref_squeeze %dma_start3A_517 : memref<1x8x125xi32, #tpu.memory_space<hbm>> -> memref<8x125xi32, #tpu.memory_space<hbm>>
        %dma_start3A_519 = arith.constant 0 : i32
        %dma_start3A_520 = arith.constant 0 : i32
        %dma_start3A_521 = tpu.memref_slice %arg6[%sub3A_509, %dma_start3A_519, %dma_start3A_520] : memref<2x8x125xi32, #tpu.memory_space<vmem>> -> memref<1x8x125xi32, #tpu.memory_space<vmem>>
        %dma_start3A_522 = tpu.memref_squeeze %dma_start3A_521 : memref<1x8x125xi32, #tpu.memory_space<vmem>> -> memref<8x125xi32, #tpu.memory_space<vmem>>
        %dma_start3A_523 = arith.constant 0 : i32
        %dma_start3A_524 = tpu.memref_slice %arg3[%add3A, %mul3A_511, %dma_start3A_523] : memref<32x80x125xi32, #tpu.memory_space<hbm>> -> memref<1x8x125xi32, #tpu.memory_space<hbm>>
        %dma_start3A_525 = tpu.memref_squeeze %dma_start3A_524 : memref<1x8x125xi32, #tpu.memory_space<hbm>> -> memref<8x125xi32, #tpu.memory_space<hbm>>
        tpu.enqueue_dma source(%dma_start3A_525 : memref<8x125xi32, #tpu.memory_space<hbm>>) target(%dma_start3A_522 : memref<8x125xi32, #tpu.memory_space<vmem>>) target_semaphore(%arg16 : memref<!tpu.dma_semaphore, #tpu.memory_space<semaphore_mem>>)
        %mul3A_526 = arith.constant 8 : i32
        %mul3A_527 = arith.muli %add3A_508, %mul3A_526 : i32
        %dma_start3A_528 = arith.constant 0 : i32
        %dma_start3A_529 = arith.constant 0 : i32
        %dma_start3A_530 = tpu.memref_slice %arg7[%sub3A_509, %dma_start3A_528, %dma_start3A_529] : memref<2x8x125xi32, #tpu.memory_space<vmem>> -> memref<1x8x125xi32, #tpu.memory_space<vmem>>
        %dma_start3A_531 = tpu.memref_squeeze %dma_start3A_530 : memref<1x8x125xi32, #tpu.memory_space<vmem>> -> memref<8x125xi32, #tpu.memory_space<vmem>>
        %dma_start3A_532 = arith.constant 0 : i32
        %dma_start3A_533 = tpu.memref_slice %arg4[%add3A, %mul3A_527, %dma_start3A_532] : memref<32x80x125xi32, #tpu.memory_space<hbm>> -> memref<1x8x125xi32, #tpu.memory_space<hbm>>
        %dma_start3A_534 = tpu.memref_squeeze %dma_start3A_533 : memref<1x8x125xi32, #tpu.memory_space<hbm>> -> memref<8x125xi32, #tpu.memory_space<hbm>>
        %dma_start3A_535 = arith.constant 0 : i32
        %dma_start3A_536 = arith.constant 0 : i32
        %dma_start3A_537 = tpu.memref_slice %arg7[%sub3A_509, %dma_start3A_535, %dma_start3A_536] : memref<2x8x125xi32, #tpu.memory_space<vmem>> -> memref<1x8x125xi32, #tpu.memory_space<vmem>>
        %dma_start3A_538 = tpu.memref_squeeze %dma_start3A_537 : memref<1x8x125xi32, #tpu.memory_space<vmem>> -> memref<8x125xi32, #tpu.memory_space<vmem>>
        %dma_start3A_539 = arith.constant 0 : i32
        %dma_start3A_540 = tpu.memref_slice %arg4[%add3A, %mul3A_527, %dma_start3A_539] : memref<32x80x125xi32, #tpu.memory_space<hbm>> -> memref<1x8x125xi32, #tpu.memory_space<hbm>>
        %dma_start3A_541 = tpu.memref_squeeze %dma_start3A_540 : memref<1x8x125xi32, #tpu.memory_space<hbm>> -> memref<8x125xi32, #tpu.memory_space<hbm>>
        tpu.enqueue_dma source(%dma_start3A_541 : memref<8x125xi32, #tpu.memory_space<hbm>>) target(%dma_start3A_538 : memref<8x125xi32, #tpu.memory_space<vmem>>) target_semaphore(%arg17 : memref<!tpu.dma_semaphore, #tpu.memory_space<semaphore_mem>>)
      } else {
      }
      %dma_start3A_287 = arith.constant 1 : i32
      %dma_start3A_288 = arith.constant 0 : i32
      %dma_start3A_289 = tpu.memref_slice %arg6[%rem3A_274, %dma_start3A_287, %dma_start3A_288] : memref<2x8x125xi32, #tpu.memory_space<vmem>> -> memref<1x1x125xi32, #tpu.memory_space<vmem>>
      %dma_start3A_290 = tpu.memref_squeeze %dma_start3A_289 : memref<1x1x125xi32, #tpu.memory_space<vmem>> -> memref<125xi32, #tpu.memory_space<vmem>>
      %dma_start3A_291 = arith.constant 0 : i32
      %dma_start3A_292 = arith.constant 0 : i32
      %dma_start3A_293 = tpu.memref_slice %arg2[%dma_start3A_291, %dma_start3A_292] : memref<10000x128xf32, #tpu.memory_space<hbm>> -> memref<10000x128xf32, #tpu.memory_space<hbm>>
      tpu.enqueue_indirect_dma source(%dma_start3A_293 : memref<10000x128xf32, #tpu.memory_space<hbm>>) target(%arg9 : memref<125x128xf32, #tpu.memory_space<vmem>>) offsets(%dma_start3A_290 : memref<125xi32, #tpu.memory_space<vmem>>) semaphore(%arg13 : memref<!tpu.dma_semaphore, #tpu.memory_space<semaphore_mem>>)
      %dma_wait3A_294 = arith.constant 0 : i32
      %dma_wait3A_295 = arith.constant 0 : i32
      %dma_wait3A_296 = tpu.memref_slice %arg6[%rem3A_274, %dma_wait3A_294, %dma_wait3A_295] : memref<2x8x125xi32, #tpu.memory_space<vmem>> -> memref<1x1x125xi32, #tpu.memory_space<vmem>>
      %dma_wait3A_297 = tpu.memref_squeeze %dma_wait3A_296 : memref<1x1x125xi32, #tpu.memory_space<vmem>> -> memref<125xi32, #tpu.memory_space<vmem>>
      %dma_wait3A_298 = arith.constant 0 : i32
      %dma_wait3A_299 = arith.constant 0 : i32
      %dma_wait3A_300 = tpu.memref_slice %arg2[%dma_wait3A_298, %dma_wait3A_299] : memref<10000x128xf32, #tpu.memory_space<hbm>> -> memref<10000x128xf32, #tpu.memory_space<hbm>>
      tpu.wait_indirect_dma semaphore(%arg12 : memref<!tpu.dma_semaphore, #tpu.memory_space<semaphore_mem>>) src(%dma_wait3A_300 : memref<10000x128xf32, #tpu.memory_space<hbm>>) dst(%arg8 : memref<125x128xf32, #tpu.memory_space<vmem>>)
      %dma_start3A_301 = arith.constant 0 : i32
      %dma_start3A_302 = arith.constant 0 : i32
      %dma_start3A_303 = tpu.memref_slice %arg7[%rem3A_274, %dma_start3A_301, %dma_start3A_302] : memref<2x8x125xi32, #tpu.memory_space<vmem>> -> memref<1x1x125xi32, #tpu.memory_space<vmem>>
      %dma_start3A_304 = tpu.memref_squeeze %dma_start3A_303 : memref<1x1x125xi32, #tpu.memory_space<vmem>> -> memref<125xi32, #tpu.memory_space<vmem>>
      %dma_start3A_305 = arith.constant 0 : i32
      %dma_start3A_306 = arith.constant 0 : i32
      %dma_start3A_307 = tpu.memref_slice %arg11[%dma_start3A_305, %dma_start3A_306] : memref<10000x128xf32, #tpu.memory_space<vmem_shared>> -> memref<10000x128xf32, #tpu.memory_space<vmem_shared>>
      tpu.enqueue_indirect_dma source(%arg8 : memref<125x128xf32, #tpu.memory_space<vmem>>) target(%dma_start3A_307 : memref<10000x128xf32, #tpu.memory_space<vmem_shared>>) offsets(%dma_start3A_304 : memref<125xi32, #tpu.memory_space<vmem>>) semaphore(%arg14 : memref<!tpu.dma_semaphore, #tpu.memory_space<semaphore_mem>>) {add = true}
      %dma_wait3A_308 = arith.constant 0 : i32
      %dma_wait3A_309 = arith.constant 0 : i32
      %dma_wait3A_310 = tpu.memref_slice %arg7[%rem3A_274, %dma_wait3A_308, %dma_wait3A_309] : memref<2x8x125xi32, #tpu.memory_space<vmem>> -> memref<1x1x125xi32, #tpu.memory_space<vmem>>
      %dma_wait3A_311 = tpu.memref_squeeze %dma_wait3A_310 : memref<1x1x125xi32, #tpu.memory_space<vmem>> -> memref<125xi32, #tpu.memory_space<vmem>>
      %dma_wait3A_312 = arith.constant 0 : i32
      %dma_wait3A_313 = arith.constant 0 : i32
      %dma_wait3A_314 = tpu.memref_slice %arg11[%dma_wait3A_312, %dma_wait3A_313] : memref<10000x128xf32, #tpu.memory_space<vmem_shared>> -> memref<10000x128xf32, #tpu.memory_space<vmem_shared>>
      tpu.wait_indirect_dma semaphore(%arg14 : memref<!tpu.dma_semaphore, #tpu.memory_space<semaphore_mem>>) src(%arg8 : memref<125x128xf32, #tpu.memory_space<vmem>>) dst(%dma_wait3A_314 : memref<10000x128xf32, #tpu.memory_space<vmem_shared>>)
      %dma_start3A_315 = arith.constant 2 : i32
      %dma_start3A_316 = arith.constant 0 : i32
      %dma_start3A_317 = tpu.memref_slice %arg6[%rem3A_274, %dma_start3A_315, %dma_start3A_316] : memref<2x8x125xi32, #tpu.memory_space<vmem>> -> memref<1x1x125xi32, #tpu.memory_space<vmem>>
      %dma_start3A_318 = tpu.memref_squeeze %dma_start3A_317 : memref<1x1x125xi32, #tpu.memory_space<vmem>> -> memref<125xi32, #tpu.memory_space<vmem>>
      %dma_start3A_319 = arith.constant 0 : i32
      %dma_start3A_320 = arith.constant 0 : i32
      %dma_start3A_321 = tpu.memref_slice %arg2[%dma_start3A_319, %dma_start3A_320] : memref<10000x128xf32, #tpu.memory_space<hbm>> -> memref<10000x128xf32, #tpu.memory_space<hbm>>
      tpu.enqueue_indirect_dma source(%dma_start3A_321 : memref<10000x128xf32, #tpu.memory_space<hbm>>) target(%arg8 : memref<125x128xf32, #tpu.memory_space<vmem>>) offsets(%dma_start3A_318 : memref<125xi32, #tpu.memory_space<vmem>>) semaphore(%arg12 : memref<!tpu.dma_semaphore, #tpu.memory_space<semaphore_mem>>)
      %dma_wait3A_322 = arith.constant 1 : i32
      %dma_wait3A_323 = arith.constant 0 : i32
      %dma_wait3A_324 = tpu.memref_slice %arg6[%rem3A_274, %dma_wait3A_322, %dma_wait3A_323] : memref<2x8x125xi32, #tpu.memory_space<vmem>> -> memref<1x1x125xi32, #tpu.memory_space<vmem>>
      %dma_wait3A_325 = tpu.memref_squeeze %dma_wait3A_324 : memref<1x1x125xi32, #tpu.memory_space<vmem>> -> memref<125xi32, #tpu.memory_space<vmem>>
      %dma_wait3A_326 = arith.constant 0 : i32
      %dma_wait3A_327 = arith.constant 0 : i32
      %dma_wait3A_328 = tpu.memref_slice %arg2[%dma_wait3A_326, %dma_wait3A_327] : memref<10000x128xf32, #tpu.memory_space<hbm>> -> memref<10000x128xf32, #tpu.memory_space<hbm>>
      tpu.wait_indirect_dma semaphore(%arg13 : memref<!tpu.dma_semaphore, #tpu.memory_space<semaphore_mem>>) src(%dma_wait3A_328 : memref<10000x128xf32, #tpu.memory_space<hbm>>) dst(%arg9 : memref<125x128xf32, #tpu.memory_space<vmem>>)
      %dma_start3A_329 = arith.constant 1 : i32
      %dma_start3A_330 = arith.constant 0 : i32
      %dma_start3A_331 = tpu.memref_slice %arg7[%rem3A_274, %dma_start3A_329, %dma_start3A_330] : memref<2x8x125xi32, #tpu.memory_space<vmem>> -> memref<1x1x125xi32, #tpu.memory_space<vmem>>
      %dma_start3A_332 = tpu.memref_squeeze %dma_start3A_331 : memref<1x1x125xi32, #tpu.memory_space<vmem>> -> memref<125xi32, #tpu.memory_space<vmem>>
      %dma_start3A_333 = arith.constant 0 : i32
      %dma_start3A_334 = arith.constant 0 : i32
      %dma_start3A_335 = tpu.memref_slice %arg11[%dma_start3A_333, %dma_start3A_334] : memref<10000x128xf32, #tpu.memory_space<vmem_shared>> -> memref<10000x128xf32, #tpu.memory_space<vmem_shared>>
      tpu.enqueue_indirect_dma source(%arg9 : memref<125x128xf32, #tpu.memory_space<vmem>>) target(%dma_start3A_335 : memref<10000x128xf32, #tpu.memory_space<vmem_shared>>) offsets(%dma_start3A_332 : memref<125xi32, #tpu.memory_space<vmem>>) semaphore(%arg15 : memref<!tpu.dma_semaphore, #tpu.memory_space<semaphore_mem>>) {add = true}
      %dma_wait3A_336 = arith.constant 1 : i32
      %dma_wait3A_337 = arith.constant 0 : i32
      %dma_wait3A_338 = tpu.memref_slice %arg7[%rem3A_274, %dma_wait3A_336, %dma_wait3A_337] : memref<2x8x125xi32, #tpu.memory_space<vmem>> -> memref<1x1x125xi32, #tpu.memory_space<vmem>>
      %dma_wait3A_339 = tpu.memref_squeeze %dma_wait3A_338 : memref<1x1x125xi32, #tpu.memory_space<vmem>> -> memref<125xi32, #tpu.memory_space<vmem>>
      %dma_wait3A_340 = arith.constant 0 : i32
      %dma_wait3A_341 = arith.constant 0 : i32
      %dma_wait3A_342 = tpu.memref_slice %arg11[%dma_wait3A_340, %dma_wait3A_341] : memref<10000x128xf32, #tpu.memory_space<vmem_shared>> -> memref<10000x128xf32, #tpu.memory_space<vmem_shared>>
      tpu.wait_indirect_dma semaphore(%arg15 : memref<!tpu.dma_semaphore, #tpu.memory_space<semaphore_mem>>) src(%arg9 : memref<125x128xf32, #tpu.memory_space<vmem>>) dst(%dma_wait3A_342 : memref<10000x128xf32, #tpu.memory_space<vmem_shared>>)
      %dma_start3A_343 = arith.constant 3 : i32
      %dma_start3A_344 = arith.constant 0 : i32
      %dma_start3A_345 = tpu.memref_slice %arg6[%rem3A_274, %dma_start3A_343, %dma_start3A_344] : memref<2x8x125xi32, #tpu.memory_space<vmem>> -> memref<1x1x125xi32, #tpu.memory_space<vmem>>
      %dma_start3A_346 = tpu.memref_squeeze %dma_start3A_345 : memref<1x1x125xi32, #tpu.memory_space<vmem>> -> memref<125xi32, #tpu.memory_space<vmem>>
      %dma_start3A_347 = arith.constant 0 : i32
      %dma_start3A_348 = arith.constant 0 : i32
      %dma_start3A_349 = tpu.memref_slice %arg2[%dma_start3A_347, %dma_start3A_348] : memref<10000x128xf32, #tpu.memory_space<hbm>> -> memref<10000x128xf32, #tpu.memory_space<hbm>>
      tpu.enqueue_indirect_dma source(%dma_start3A_349 : memref<10000x128xf32, #tpu.memory_space<hbm>>) target(%arg9 : memref<125x128xf32, #tpu.memory_space<vmem>>) offsets(%dma_start3A_346 : memref<125xi32, #tpu.memory_space<vmem>>) semaphore(%arg13 : memref<!tpu.dma_semaphore, #tpu.memory_space<semaphore_mem>>)
      %dma_wait3A_350 = arith.constant 2 : i32
      %dma_wait3A_351 = arith.constant 0 : i32
      %dma_wait3A_352 = tpu.memref_slice %arg6[%rem3A_274, %dma_wait3A_350, %dma_wait3A_351] : memref<2x8x125xi32, #tpu.memory_space<vmem>> -> memref<1x1x125xi32, #tpu.memory_space<vmem>>
      %dma_wait3A_353 = tpu.memref_squeeze %dma_wait3A_352 : memref<1x1x125xi32, #tpu.memory_space<vmem>> -> memref<125xi32, #tpu.memory_space<vmem>>
      %dma_wait3A_354 = arith.constant 0 : i32
      %dma_wait3A_355 = arith.constant 0 : i32
      %dma_wait3A_356 = tpu.memref_slice %arg2[%dma_wait3A_354, %dma_wait3A_355] : memref<10000x128xf32, #tpu.memory_space<hbm>> -> memref<10000x128xf32, #tpu.memory_space<hbm>>
      tpu.wait_indirect_dma semaphore(%arg12 : memref<!tpu.dma_semaphore, #tpu.memory_space<semaphore_mem>>) src(%dma_wait3A_356 : memref<10000x128xf32, #tpu.memory_space<hbm>>) dst(%arg8 : memref<125x128xf32, #tpu.memory_space<vmem>>)
      %dma_start3A_357 = arith.constant 2 : i32
      %dma_start3A_358 = arith.constant 0 : i32
      %dma_start3A_359 = tpu.memref_slice %arg7[%rem3A_274, %dma_start3A_357, %dma_start3A_358] : memref<2x8x125xi32, #tpu.memory_space<vmem>> -> memref<1x1x125xi32, #tpu.memory_space<vmem>>
      %dma_start3A_360 = tpu.memref_squeeze %dma_start3A_359 : memref<1x1x125xi32, #tpu.memory_space<vmem>> -> memref<125xi32, #tpu.memory_space<vmem>>
      %dma_start3A_361 = arith.constant 0 : i32
      %dma_start3A_362 = arith.constant 0 : i32
      %dma_start3A_363 = tpu.memref_slice %arg11[%dma_start3A_361, %dma_start3A_362] : memref<10000x128xf32, #tpu.memory_space<vmem_shared>> -> memref<10000x128xf32, #tpu.memory_space<vmem_shared>>
      tpu.enqueue_indirect_dma source(%arg8 : memref<125x128xf32, #tpu.memory_space<vmem>>) target(%dma_start3A_363 : memref<10000x128xf32, #tpu.memory_space<vmem_shared>>) offsets(%dma_start3A_360 : memref<125xi32, #tpu.memory_space<vmem>>) semaphore(%arg14 : memref<!tpu.dma_semaphore, #tpu.memory_space<semaphore_mem>>) {add = true}
      %dma_wait3A_364 = arith.constant 2 : i32
      %dma_wait3A_365 = arith.constant 0 : i32
      %dma_wait3A_366 = tpu.memref_slice %arg7[%rem3A_274, %dma_wait3A_364, %dma_wait3A_365] : memref<2x8x125xi32, #tpu.memory_space<vmem>> -> memref<1x1x125xi32, #tpu.memory_space<vmem>>
      %dma_wait3A_367 = tpu.memref_squeeze %dma_wait3A_366 : memref<1x1x125xi32, #tpu.memory_space<vmem>> -> memref<125xi32, #tpu.memory_space<vmem>>
      %dma_wait3A_368 = arith.constant 0 : i32
      %dma_wait3A_369 = arith.constant 0 : i32
      %dma_wait3A_370 = tpu.memref_slice %arg11[%dma_wait3A_368, %dma_wait3A_369] : memref<10000x128xf32, #tpu.memory_space<vmem_shared>> -> memref<10000x128xf32, #tpu.memory_space<vmem_shared>>
      tpu.wait_indirect_dma semaphore(%arg14 : memref<!tpu.dma_semaphore, #tpu.memory_space<semaphore_mem>>) src(%arg8 : memref<125x128xf32, #tpu.memory_space<vmem>>) dst(%dma_wait3A_370 : memref<10000x128xf32, #tpu.memory_space<vmem_shared>>)
      %dma_start3A_371 = arith.constant 4 : i32
      %dma_start3A_372 = arith.constant 0 : i32
      %dma_start3A_373 = tpu.memref_slice %arg6[%rem3A_274, %dma_start3A_371, %dma_start3A_372] : memref<2x8x125xi32, #tpu.memory_space<vmem>> -> memref<1x1x125xi32, #tpu.memory_space<vmem>>
      %dma_start3A_374 = tpu.memref_squeeze %dma_start3A_373 : memref<1x1x125xi32, #tpu.memory_space<vmem>> -> memref<125xi32, #tpu.memory_space<vmem>>
      %dma_start3A_375 = arith.constant 0 : i32
      %dma_start3A_376 = arith.constant 0 : i32
      %dma_start3A_377 = tpu.memref_slice %arg2[%dma_start3A_375, %dma_start3A_376] : memref<10000x128xf32, #tpu.memory_space<hbm>> -> memref<10000x128xf32, #tpu.memory_space<hbm>>
      tpu.enqueue_indirect_dma source(%dma_start3A_377 : memref<10000x128xf32, #tpu.memory_space<hbm>>) target(%arg8 : memref<125x128xf32, #tpu.memory_space<vmem>>) offsets(%dma_start3A_374 : memref<125xi32, #tpu.memory_space<vmem>>) semaphore(%arg12 : memref<!tpu.dma_semaphore, #tpu.memory_space<semaphore_mem>>)
      %dma_wait3A_378 = arith.constant 3 : i32
      %dma_wait3A_379 = arith.constant 0 : i32
      %dma_wait3A_380 = tpu.memref_slice %arg6[%rem3A_274, %dma_wait3A_378, %dma_wait3A_379] : memref<2x8x125xi32, #tpu.memory_space<vmem>> -> memref<1x1x125xi32, #tpu.memory_space<vmem>>
      %dma_wait3A_381 = tpu.memref_squeeze %dma_wait3A_380 : memref<1x1x125xi32, #tpu.memory_space<vmem>> -> memref<125xi32, #tpu.memory_space<vmem>>
      %dma_wait3A_382 = arith.constant 0 : i32
      %dma_wait3A_383 = arith.constant 0 : i32
      %dma_wait3A_384 = tpu.memref_slice %arg2[%dma_wait3A_382, %dma_wait3A_383] : memref<10000x128xf32, #tpu.memory_space<hbm>> -> memref<10000x128xf32, #tpu.memory_space<hbm>>
      tpu.wait_indirect_dma semaphore(%arg13 : memref<!tpu.dma_semaphore, #tpu.memory_space<semaphore_mem>>) src(%dma_wait3A_384 : memref<10000x128xf32, #tpu.memory_space<hbm>>) dst(%arg9 : memref<125x128xf32, #tpu.memory_space<vmem>>)
      %dma_start3A_385 = arith.constant 3 : i32
      %dma_start3A_386 = arith.constant 0 : i32
      %dma_start3A_387 = tpu.memref_slice %arg7[%rem3A_274, %dma_start3A_385, %dma_start3A_386] : memref<2x8x125xi32, #tpu.memory_space<vmem>> -> memref<1x1x125xi32, #tpu.memory_space<vmem>>
      %dma_start3A_388 = tpu.memref_squeeze %dma_start3A_387 : memref<1x1x125xi32, #tpu.memory_space<vmem>> -> memref<125xi32, #tpu.memory_space<vmem>>
      %dma_start3A_389 = arith.constant 0 : i32
      %dma_start3A_390 = arith.constant 0 : i32
      %dma_start3A_391 = tpu.memref_slice %arg11[%dma_start3A_389, %dma_start3A_390] : memref<10000x128xf32, #tpu.memory_space<vmem_shared>> -> memref<10000x128xf32, #tpu.memory_space<vmem_shared>>
      tpu.enqueue_indirect_dma source(%arg9 : memref<125x128xf32, #tpu.memory_space<vmem>>) target(%dma_start3A_391 : memref<10000x128xf32, #tpu.memory_space<vmem_shared>>) offsets(%dma_start3A_388 : memref<125xi32, #tpu.memory_space<vmem>>) semaphore(%arg15 : memref<!tpu.dma_semaphore, #tpu.memory_space<semaphore_mem>>) {add = true}
      %dma_wait3A_392 = arith.constant 3 : i32
      %dma_wait3A_393 = arith.constant 0 : i32
      %dma_wait3A_394 = tpu.memref_slice %arg7[%rem3A_274, %dma_wait3A_392, %dma_wait3A_393] : memref<2x8x125xi32, #tpu.memory_space<vmem>> -> memref<1x1x125xi32, #tpu.memory_space<vmem>>
      %dma_wait3A_395 = tpu.memref_squeeze %dma_wait3A_394 : memref<1x1x125xi32, #tpu.memory_space<vmem>> -> memref<125xi32, #tpu.memory_space<vmem>>
      %dma_wait3A_396 = arith.constant 0 : i32
      %dma_wait3A_397 = arith.constant 0 : i32
      %dma_wait3A_398 = tpu.memref_slice %arg11[%dma_wait3A_396, %dma_wait3A_397] : memref<10000x128xf32, #tpu.memory_space<vmem_shared>> -> memref<10000x128xf32, #tpu.memory_space<vmem_shared>>
      tpu.wait_indirect_dma semaphore(%arg15 : memref<!tpu.dma_semaphore, #tpu.memory_space<semaphore_mem>>) src(%arg9 : memref<125x128xf32, #tpu.memory_space<vmem>>) dst(%dma_wait3A_398 : memref<10000x128xf32, #tpu.memory_space<vmem_shared>>)
      %dma_start3A_399 = arith.constant 5 : i32
      %dma_start3A_400 = arith.constant 0 : i32
      %dma_start3A_401 = tpu.memref_slice %arg6[%rem3A_274, %dma_start3A_399, %dma_start3A_400] : memref<2x8x125xi32, #tpu.memory_space<vmem>> -> memref<1x1x125xi32, #tpu.memory_space<vmem>>
      %dma_start3A_402 = tpu.memref_squeeze %dma_start3A_401 : memref<1x1x125xi32, #tpu.memory_space<vmem>> -> memref<125xi32, #tpu.memory_space<vmem>>
      %dma_start3A_403 = arith.constant 0 : i32
      %dma_start3A_404 = arith.constant 0 : i32
      %dma_start3A_405 = tpu.memref_slice %arg2[%dma_start3A_403, %dma_start3A_404] : memref<10000x128xf32, #tpu.memory_space<hbm>> -> memref<10000x128xf32, #tpu.memory_space<hbm>>
      tpu.enqueue_indirect_dma source(%dma_start3A_405 : memref<10000x128xf32, #tpu.memory_space<hbm>>) target(%arg9 : memref<125x128xf32, #tpu.memory_space<vmem>>) offsets(%dma_start3A_402 : memref<125xi32, #tpu.memory_space<vmem>>) semaphore(%arg13 : memref<!tpu.dma_semaphore, #tpu.memory_space<semaphore_mem>>)
      %dma_wait3A_406 = arith.constant 4 : i32
      %dma_wait3A_407 = arith.constant 0 : i32
      %dma_wait3A_408 = tpu.memref_slice %arg6[%rem3A_274, %dma_wait3A_406, %dma_wait3A_407] : memref<2x8x125xi32, #tpu.memory_space<vmem>> -> memref<1x1x125xi32, #tpu.memory_space<vmem>>
      %dma_wait3A_409 = tpu.memref_squeeze %dma_wait3A_408 : memref<1x1x125xi32, #tpu.memory_space<vmem>> -> memref<125xi32, #tpu.memory_space<vmem>>
      %dma_wait3A_410 = arith.constant 0 : i32
      %dma_wait3A_411 = arith.constant 0 : i32
      %dma_wait3A_412 = tpu.memref_slice %arg2[%dma_wait3A_410, %dma_wait3A_411] : memref<10000x128xf32, #tpu.memory_space<hbm>> -> memref<10000x128xf32, #tpu.memory_space<hbm>>
      tpu.wait_indirect_dma semaphore(%arg12 : memref<!tpu.dma_semaphore, #tpu.memory_space<semaphore_mem>>) src(%dma_wait3A_412 : memref<10000x128xf32, #tpu.memory_space<hbm>>) dst(%arg8 : memref<125x128xf32, #tpu.memory_space<vmem>>)
      %dma_start3A_413 = arith.constant 4 : i32
      %dma_start3A_414 = arith.constant 0 : i32
      %dma_start3A_415 = tpu.memref_slice %arg7[%rem3A_274, %dma_start3A_413, %dma_start3A_414] : memref<2x8x125xi32, #tpu.memory_space<vmem>> -> memref<1x1x125xi32, #tpu.memory_space<vmem>>
      %dma_start3A_416 = tpu.memref_squeeze %dma_start3A_415 : memref<1x1x125xi32, #tpu.memory_space<vmem>> -> memref<125xi32, #tpu.memory_space<vmem>>
      %dma_start3A_417 = arith.constant 0 : i32
      %dma_start3A_418 = arith.constant 0 : i32
      %dma_start3A_419 = tpu.memref_slice %arg11[%dma_start3A_417, %dma_start3A_418] : memref<10000x128xf32, #tpu.memory_space<vmem_shared>> -> memref<10000x128xf32, #tpu.memory_space<vmem_shared>>
      tpu.enqueue_indirect_dma source(%arg8 : memref<125x128xf32, #tpu.memory_space<vmem>>) target(%dma_start3A_419 : memref<10000x128xf32, #tpu.memory_space<vmem_shared>>) offsets(%dma_start3A_416 : memref<125xi32, #tpu.memory_space<vmem>>) semaphore(%arg14 : memref<!tpu.dma_semaphore, #tpu.memory_space<semaphore_mem>>) {add = true}
      %dma_wait3A_420 = arith.constant 4 : i32
      %dma_wait3A_421 = arith.constant 0 : i32
      %dma_wait3A_422 = tpu.memref_slice %arg7[%rem3A_274, %dma_wait3A_420, %dma_wait3A_421] : memref<2x8x125xi32, #tpu.memory_space<vmem>> -> memref<1x1x125xi32, #tpu.memory_space<vmem>>
      %dma_wait3A_423 = tpu.memref_squeeze %dma_wait3A_422 : memref<1x1x125xi32, #tpu.memory_space<vmem>> -> memref<125xi32, #tpu.memory_space<vmem>>
      %dma_wait3A_424 = arith.constant 0 : i32
      %dma_wait3A_425 = arith.constant 0 : i32
      %dma_wait3A_426 = tpu.memref_slice %arg11[%dma_wait3A_424, %dma_wait3A_425] : memref<10000x128xf32, #tpu.memory_space<vmem_shared>> -> memref<10000x128xf32, #tpu.memory_space<vmem_shared>>
      tpu.wait_indirect_dma semaphore(%arg14 : memref<!tpu.dma_semaphore, #tpu.memory_space<semaphore_mem>>) src(%arg8 : memref<125x128xf32, #tpu.memory_space<vmem>>) dst(%dma_wait3A_426 : memref<10000x128xf32, #tpu.memory_space<vmem_shared>>)
      %dma_start3A_427 = arith.constant 6 : i32
      %dma_start3A_428 = arith.constant 0 : i32
      %dma_start3A_429 = tpu.memref_slice %arg6[%rem3A_274, %dma_start3A_427, %dma_start3A_428] : memref<2x8x125xi32, #tpu.memory_space<vmem>> -> memref<1x1x125xi32, #tpu.memory_space<vmem>>
      %dma_start3A_430 = tpu.memref_squeeze %dma_start3A_429 : memref<1x1x125xi32, #tpu.memory_space<vmem>> -> memref<125xi32, #tpu.memory_space<vmem>>
      %dma_start3A_431 = arith.constant 0 : i32
      %dma_start3A_432 = arith.constant 0 : i32
      %dma_start3A_433 = tpu.memref_slice %arg2[%dma_start3A_431, %dma_start3A_432] : memref<10000x128xf32, #tpu.memory_space<hbm>> -> memref<10000x128xf32, #tpu.memory_space<hbm>>
      tpu.enqueue_indirect_dma source(%dma_start3A_433 : memref<10000x128xf32, #tpu.memory_space<hbm>>) target(%arg8 : memref<125x128xf32, #tpu.memory_space<vmem>>) offsets(%dma_start3A_430 : memref<125xi32, #tpu.memory_space<vmem>>) semaphore(%arg12 : memref<!tpu.dma_semaphore, #tpu.memory_space<semaphore_mem>>)
      %dma_wait3A_434 = arith.constant 5 : i32
      %dma_wait3A_435 = arith.constant 0 : i32
      %dma_wait3A_436 = tpu.memref_slice %arg6[%rem3A_274, %dma_wait3A_434, %dma_wait3A_435] : memref<2x8x125xi32, #tpu.memory_space<vmem>> -> memref<1x1x125xi32, #tpu.memory_space<vmem>>
      %dma_wait3A_437 = tpu.memref_squeeze %dma_wait3A_436 : memref<1x1x125xi32, #tpu.memory_space<vmem>> -> memref<125xi32, #tpu.memory_space<vmem>>
      %dma_wait3A_438 = arith.constant 0 : i32
      %dma_wait3A_439 = arith.constant 0 : i32
      %dma_wait3A_440 = tpu.memref_slice %arg2[%dma_wait3A_438, %dma_wait3A_439] : memref<10000x128xf32, #tpu.memory_space<hbm>> -> memref<10000x128xf32, #tpu.memory_space<hbm>>
      tpu.wait_indirect_dma semaphore(%arg13 : memref<!tpu.dma_semaphore, #tpu.memory_space<semaphore_mem>>) src(%dma_wait3A_440 : memref<10000x128xf32, #tpu.memory_space<hbm>>) dst(%arg9 : memref<125x128xf32, #tpu.memory_space<vmem>>)
      %dma_start3A_441 = arith.constant 5 : i32
      %dma_start3A_442 = arith.constant 0 : i32
      %dma_start3A_443 = tpu.memref_slice %arg7[%rem3A_274, %dma_start3A_441, %dma_start3A_442] : memref<2x8x125xi32, #tpu.memory_space<vmem>> -> memref<1x1x125xi32, #tpu.memory_space<vmem>>
      %dma_start3A_444 = tpu.memref_squeeze %dma_start3A_443 : memref<1x1x125xi32, #tpu.memory_space<vmem>> -> memref<125xi32, #tpu.memory_space<vmem>>
      %dma_start3A_445 = arith.constant 0 : i32
      %dma_start3A_446 = arith.constant 0 : i32
      %dma_start3A_447 = tpu.memref_slice %arg11[%dma_start3A_445, %dma_start3A_446] : memref<10000x128xf32, #tpu.memory_space<vmem_shared>> -> memref<10000x128xf32, #tpu.memory_space<vmem_shared>>
      tpu.enqueue_indirect_dma source(%arg9 : memref<125x128xf32, #tpu.memory_space<vmem>>) target(%dma_start3A_447 : memref<10000x128xf32, #tpu.memory_space<vmem_shared>>) offsets(%dma_start3A_444 : memref<125xi32, #tpu.memory_space<vmem>>) semaphore(%arg15 : memref<!tpu.dma_semaphore, #tpu.memory_space<semaphore_mem>>) {add = true}
      %dma_wait3A_448 = arith.constant 5 : i32
      %dma_wait3A_449 = arith.constant 0 : i32
      %dma_wait3A_450 = tpu.memref_slice %arg7[%rem3A_274, %dma_wait3A_448, %dma_wait3A_449] : memref<2x8x125xi32, #tpu.memory_space<vmem>> -> memref<1x1x125xi32, #tpu.memory_space<vmem>>
      %dma_wait3A_451 = tpu.memref_squeeze %dma_wait3A_450 : memref<1x1x125xi32, #tpu.memory_space<vmem>> -> memref<125xi32, #tpu.memory_space<vmem>>
      %dma_wait3A_452 = arith.constant 0 : i32
      %dma_wait3A_453 = arith.constant 0 : i32
      %dma_wait3A_454 = tpu.memref_slice %arg11[%dma_wait3A_452, %dma_wait3A_453] : memref<10000x128xf32, #tpu.memory_space<vmem_shared>> -> memref<10000x128xf32, #tpu.memory_space<vmem_shared>>
      tpu.wait_indirect_dma semaphore(%arg15 : memref<!tpu.dma_semaphore, #tpu.memory_space<semaphore_mem>>) src(%arg9 : memref<125x128xf32, #tpu.memory_space<vmem>>) dst(%dma_wait3A_454 : memref<10000x128xf32, #tpu.memory_space<vmem_shared>>)
      %dma_start3A_455 = arith.constant 7 : i32
      %dma_start3A_456 = arith.constant 0 : i32
      %dma_start3A_457 = tpu.memref_slice %arg6[%rem3A_274, %dma_start3A_455, %dma_start3A_456] : memref<2x8x125xi32, #tpu.memory_space<vmem>> -> memref<1x1x125xi32, #tpu.memory_space<vmem>>
      %dma_start3A_458 = tpu.memref_squeeze %dma_start3A_457 : memref<1x1x125xi32, #tpu.memory_space<vmem>> -> memref<125xi32, #tpu.memory_space<vmem>>
      %dma_start3A_459 = arith.constant 0 : i32
      %dma_start3A_460 = arith.constant 0 : i32
      %dma_start3A_461 = tpu.memref_slice %arg2[%dma_start3A_459, %dma_start3A_460] : memref<10000x128xf32, #tpu.memory_space<hbm>> -> memref<10000x128xf32, #tpu.memory_space<hbm>>
      tpu.enqueue_indirect_dma source(%dma_start3A_461 : memref<10000x128xf32, #tpu.memory_space<hbm>>) target(%arg9 : memref<125x128xf32, #tpu.memory_space<vmem>>) offsets(%dma_start3A_458 : memref<125xi32, #tpu.memory_space<vmem>>) semaphore(%arg13 : memref<!tpu.dma_semaphore, #tpu.memory_space<semaphore_mem>>)
      %dma_wait3A_462 = arith.constant 6 : i32
      %dma_wait3A_463 = arith.constant 0 : i32
      %dma_wait3A_464 = tpu.memref_slice %arg6[%rem3A_274, %dma_wait3A_462, %dma_wait3A_463] : memref<2x8x125xi32, #tpu.memory_space<vmem>> -> memref<1x1x125xi32, #tpu.memory_space<vmem>>
      %dma_wait3A_465 = tpu.memref_squeeze %dma_wait3A_464 : memref<1x1x125xi32, #tpu.memory_space<vmem>> -> memref<125xi32, #tpu.memory_space<vmem>>
      %dma_wait3A_466 = arith.constant 0 : i32
      %dma_wait3A_467 = arith.constant 0 : i32
      %dma_wait3A_468 = tpu.memref_slice %arg2[%dma_wait3A_466, %dma_wait3A_467] : memref<10000x128xf32, #tpu.memory_space<hbm>> -> memref<10000x128xf32, #tpu.memory_space<hbm>>
      tpu.wait_indirect_dma semaphore(%arg12 : memref<!tpu.dma_semaphore, #tpu.memory_space<semaphore_mem>>) src(%dma_wait3A_468 : memref<10000x128xf32, #tpu.memory_space<hbm>>) dst(%arg8 : memref<125x128xf32, #tpu.memory_space<vmem>>)
      %dma_start3A_469 = arith.constant 6 : i32
      %dma_start3A_470 = arith.constant 0 : i32
      %dma_start3A_471 = tpu.memref_slice %arg7[%rem3A_274, %dma_start3A_469, %dma_start3A_470] : memref<2x8x125xi32, #tpu.memory_space<vmem>> -> memref<1x1x125xi32, #tpu.memory_space<vmem>>
      %dma_start3A_472 = tpu.memref_squeeze %dma_start3A_471 : memref<1x1x125xi32, #tpu.memory_space<vmem>> -> memref<125xi32, #tpu.memory_space<vmem>>
      %dma_start3A_473 = arith.constant 0 : i32
      %dma_start3A_474 = arith.constant 0 : i32
      %dma_start3A_475 = tpu.memref_slice %arg11[%dma_start3A_473, %dma_start3A_474] : memref<10000x128xf32, #tpu.memory_space<vmem_shared>> -> memref<10000x128xf32, #tpu.memory_space<vmem_shared>>
      tpu.enqueue_indirect_dma source(%arg8 : memref<125x128xf32, #tpu.memory_space<vmem>>) target(%dma_start3A_475 : memref<10000x128xf32, #tpu.memory_space<vmem_shared>>) offsets(%dma_start3A_472 : memref<125xi32, #tpu.memory_space<vmem>>) semaphore(%arg14 : memref<!tpu.dma_semaphore, #tpu.memory_space<semaphore_mem>>) {add = true}
      %dma_wait3A_476 = arith.constant 6 : i32
      %dma_wait3A_477 = arith.constant 0 : i32
      %dma_wait3A_478 = tpu.memref_slice %arg7[%rem3A_274, %dma_wait3A_476, %dma_wait3A_477] : memref<2x8x125xi32, #tpu.memory_space<vmem>> -> memref<1x1x125xi32, #tpu.memory_space<vmem>>
      %dma_wait3A_479 = tpu.memref_squeeze %dma_wait3A_478 : memref<1x1x125xi32, #tpu.memory_space<vmem>> -> memref<125xi32, #tpu.memory_space<vmem>>
      %dma_wait3A_480 = arith.constant 0 : i32
      %dma_wait3A_481 = arith.constant 0 : i32
      %dma_wait3A_482 = tpu.memref_slice %arg11[%dma_wait3A_480, %dma_wait3A_481] : memref<10000x128xf32, #tpu.memory_space<vmem_shared>> -> memref<10000x128xf32, #tpu.memory_space<vmem_shared>>
      tpu.wait_indirect_dma semaphore(%arg14 : memref<!tpu.dma_semaphore, #tpu.memory_space<semaphore_mem>>) src(%arg8 : memref<125x128xf32, #tpu.memory_space<vmem>>) dst(%dma_wait3A_482 : memref<10000x128xf32, #tpu.memory_space<vmem_shared>>)
      %not3A_483 = arith.constant true
      %not3A_484 = arith.xori %eq3A_277, %not3A_483 : i1
      %convert_element_type3A_485 = arith.extui %not3A_484 : i1 to i32
      %cond3A_486 = arith.constant 0 : i32
      %cond3A_487 = arith.cmpi ne, %convert_element_type3A_485, %cond3A_486 : i32
      scf.if %cond3A_487 {
        %add3A_507 = arith.constant 1 : i32
        %add3A_508 = arith.addi %scan3A_273, %add3A_507 : i32
        %sub3A = arith.constant 1 : i32
        %sub3A_509 = arith.subi %sub3A, %rem3A_274 : i32
        %mul3A_510 = arith.constant 8 : i32
        %mul3A_511 = arith.muli %add3A_508, %mul3A_510 : i32
        %dma_wait3A_512 = arith.constant 0 : i32
        %dma_wait3A_513 = arith.constant 0 : i32
        %dma_wait3A_514 = tpu.memref_slice %arg6[%sub3A_509, %dma_wait3A_512, %dma_wait3A_513] : memref<2x8x125xi32, #tpu.memory_space<vmem>> -> memref<1x8x125xi32, #tpu.memory_space<vmem>>
        %dma_wait3A_515 = tpu.memref_squeeze %dma_wait3A_514 : memref<1x8x125xi32, #tpu.memory_space<vmem>> -> memref<8x125xi32, #tpu.memory_space<vmem>>
        %dma_wait3A_516 = arith.constant 0 : i32
        %dma_wait3A_517 = tpu.memref_slice %arg3[%add3A, %mul3A_511, %dma_wait3A_516] : memref<32x80x125xi32, #tpu.memory_space<hbm>> -> memref<1x8x125xi32, #tpu.memory_space<hbm>>
        %dma_wait3A_518 = tpu.memref_squeeze %dma_wait3A_517 : memref<1x8x125xi32, #tpu.memory_space<hbm>> -> memref<8x125xi32, #tpu.memory_space<hbm>>
        %dma_wait3A_519 = arith.constant 0 : i32
        %dma_wait3A_520 = arith.constant 0 : i32
        %dma_wait3A_521 = tpu.memref_slice %arg6[%sub3A_509, %dma_wait3A_519, %dma_wait3A_520] : memref<2x8x125xi32, #tpu.memory_space<vmem>> -> memref<1x8x125xi32, #tpu.memory_space<vmem>>
        %dma_wait3A_522 = tpu.memref_squeeze %dma_wait3A_521 : memref<1x8x125xi32, #tpu.memory_space<vmem>> -> memref<8x125xi32, #tpu.memory_space<vmem>>
        %dma_wait3A_523 = arith.constant 0 : i32
        %dma_wait3A_524 = tpu.memref_slice %arg3[%add3A, %mul3A_511, %dma_wait3A_523] : memref<32x80x125xi32, #tpu.memory_space<hbm>> -> memref<1x8x125xi32, #tpu.memory_space<hbm>>
        %dma_wait3A_525 = tpu.memref_squeeze %dma_wait3A_524 : memref<1x8x125xi32, #tpu.memory_space<hbm>> -> memref<8x125xi32, #tpu.memory_space<hbm>>
        tpu.wait_dma2 semaphore(%arg16 : memref<!tpu.dma_semaphore, #tpu.memory_space<semaphore_mem>>) src(%dma_wait3A_525 : memref<8x125xi32, #tpu.memory_space<hbm>>) dst(%dma_wait3A_522 : memref<8x125xi32, #tpu.memory_space<vmem>>)
        %mul3A_526 = arith.constant 8 : i32
        %mul3A_527 = arith.muli %add3A_508, %mul3A_526 : i32
        %dma_wait3A_528 = arith.constant 0 : i32
        %dma_wait3A_529 = arith.constant 0 : i32
        %dma_wait3A_530 = tpu.memref_slice %arg7[%sub3A_509, %dma_wait3A_528, %dma_wait3A_529] : memref<2x8x125xi32, #tpu.memory_space<vmem>> -> memref<1x8x125xi32, #tpu.memory_space<vmem>>
        %dma_wait3A_531 = tpu.memref_squeeze %dma_wait3A_530 : memref<1x8x125xi32, #tpu.memory_space<vmem>> -> memref<8x125xi32, #tpu.memory_space<vmem>>
        %dma_wait3A_532 = arith.constant 0 : i32
        %dma_wait3A_533 = tpu.memref_slice %arg4[%add3A, %mul3A_527, %dma_wait3A_532] : memref<32x80x125xi32, #tpu.memory_space<hbm>> -> memref<1x8x125xi32, #tpu.memory_space<hbm>>
        %dma_wait3A_534 = tpu.memref_squeeze %dma_wait3A_533 : memref<1x8x125xi32, #tpu.memory_space<hbm>> -> memref<8x125xi32, #tpu.memory_space<hbm>>
        %dma_wait3A_535 = arith.constant 0 : i32
        %dma_wait3A_536 = arith.constant 0 : i32
        %dma_wait3A_537 = tpu.memref_slice %arg7[%sub3A_509, %dma_wait3A_535, %dma_wait3A_536] : memref<2x8x125xi32, #tpu.memory_space<vmem>> -> memref<1x8x125xi32, #tpu.memory_space<vmem>>
        %dma_wait3A_538 = tpu.memref_squeeze %dma_wait3A_537 : memref<1x8x125xi32, #tpu.memory_space<vmem>> -> memref<8x125xi32, #tpu.memory_space<vmem>>
        %dma_wait3A_539 = arith.constant 0 : i32
        %dma_wait3A_540 = tpu.memref_slice %arg4[%add3A, %mul3A_527, %dma_wait3A_539] : memref<32x80x125xi32, #tpu.memory_space<hbm>> -> memref<1x8x125xi32, #tpu.memory_space<hbm>>
        %dma_wait3A_541 = tpu.memref_squeeze %dma_wait3A_540 : memref<1x8x125xi32, #tpu.memory_space<hbm>> -> memref<8x125xi32, #tpu.memory_space<hbm>>
        tpu.wait_dma2 semaphore(%arg17 : memref<!tpu.dma_semaphore, #tpu.memory_space<semaphore_mem>>) src(%dma_wait3A_541 : memref<8x125xi32, #tpu.memory_space<hbm>>) dst(%dma_wait3A_538 : memref<8x125xi32, #tpu.memory_space<vmem>>)
      } else {
      }
      %not3A_488 = arith.constant true
      %not3A_489 = arith.xori %eq3A_277, %not3A_488 : i1
      %convert_element_type3A_490 = arith.extui %not3A_489 : i1 to i32
      %cond3A_491 = arith.constant 0 : i32
      %cond3A_492 = arith.cmpi ne, %convert_element_type3A_490, %cond3A_491 : i32
      scf.if %cond3A_492 {
        %sub3A = arith.constant 1 : i32
        %sub3A_507 = arith.subi %sub3A, %rem3A_274 : i32
        %dma_start3A_508 = arith.constant 0 : i32
        %dma_start3A_509 = arith.constant 0 : i32
        %dma_start3A_510 = tpu.memref_slice %arg6[%sub3A_507, %dma_start3A_508, %dma_start3A_509] : memref<2x8x125xi32, #tpu.memory_space<vmem>> -> memref<1x1x125xi32, #tpu.memory_space<vmem>>
        %dma_start3A_511 = tpu.memref_squeeze %dma_start3A_510 : memref<1x1x125xi32, #tpu.memory_space<vmem>> -> memref<125xi32, #tpu.memory_space<vmem>>
        %dma_start3A_512 = arith.constant 0 : i32
        %dma_start3A_513 = arith.constant 0 : i32
        %dma_start3A_514 = tpu.memref_slice %arg2[%dma_start3A_512, %dma_start3A_513] : memref<10000x128xf32, #tpu.memory_space<hbm>> -> memref<10000x128xf32, #tpu.memory_space<hbm>>
        tpu.enqueue_indirect_dma source(%dma_start3A_514 : memref<10000x128xf32, #tpu.memory_space<hbm>>) target(%arg8 : memref<125x128xf32, #tpu.memory_space<vmem>>) offsets(%dma_start3A_511 : memref<125xi32, #tpu.memory_space<vmem>>) semaphore(%arg12 : memref<!tpu.dma_semaphore, #tpu.memory_space<semaphore_mem>>)
      } else {
      }
      %dma_wait3A_493 = arith.constant 7 : i32
      %dma_wait3A_494 = arith.constant 0 : i32
      %dma_wait3A_495 = tpu.memref_slice %arg6[%rem3A_274, %dma_wait3A_493, %dma_wait3A_494] : memref<2x8x125xi32, #tpu.memory_space<vmem>> -> memref<1x1x125xi32, #tpu.memory_space<vmem>>
      %dma_wait3A_496 = tpu.memref_squeeze %dma_wait3A_495 : memref<1x1x125xi32, #tpu.memory_space<vmem>> -> memref<125xi32, #tpu.memory_space<vmem>>
      %dma_wait3A_497 = arith.constant 0 : i32
      %dma_wait3A_498 = arith.constant 0 : i32
      %dma_wait3A_499 = tpu.memref_slice %arg2[%dma_wait3A_497, %dma_wait3A_498] : memref<10000x128xf32, #tpu.memory_space<hbm>> -> memref<10000x128xf32, #tpu.memory_space<hbm>>
      tpu.wait_indirect_dma semaphore(%arg13 : memref<!tpu.dma_semaphore, #tpu.memory_space<semaphore_mem>>) src(%dma_wait3A_499 : memref<10000x128xf32, #tpu.memory_space<hbm>>) dst(%arg9 : memref<125x128xf32, #tpu.memory_space<vmem>>)
      %dma_start3A_500 = arith.constant 7 : i32
      %dma_start3A_501 = arith.constant 0 : i32
      %dma_start3A_502 = tpu.memref_slice %arg7[%rem3A_274, %dma_start3A_500, %dma_start3A_501] : memref<2x8x125xi32, #tpu.memory_space<vmem>> -> memref<1x1x125xi32, #tpu.memory_space<vmem>>
      %dma_start3A_503 = tpu.memref_squeeze %dma_start3A_502 : memref<1x1x125xi32, #tpu.memory_space<vmem>> -> memref<125xi32, #tpu.memory_space<vmem>>
      %dma_start3A_504 = arith.constant 0 : i32
      %dma_start3A_505 = arith.constant 0 : i32
      %dma_start3A_506 = tpu.memref_slice %arg11[%dma_start3A_504, %dma_start3A_505] : memref<10000x128xf32, #tpu.memory_space<vmem_shared>> -> memref<10000x128xf32, #tpu.memory_space<vmem_shared>>
      tpu.enqueue_indirect_dma source(%arg9 : memref<125x128xf32, #tpu.memory_space<vmem>>) target(%dma_start3A_506 : memref<10000x128xf32, #tpu.memory_space<vmem_shared>>) offsets(%dma_start3A_503 : memref<125xi32, #tpu.memory_space<vmem>>) semaphore(%arg15 : memref<!tpu.dma_semaphore, #tpu.memory_space<semaphore_mem>>) {add = true}
    }
    %scan3A_98 = arith.constant 10 : i32
    %dma_wait3A_99 = arith.constant 1 : i32
    %dma_wait3A_100 = arith.constant 7 : i32
    %dma_wait3A_101 = arith.constant 0 : i32
    %dma_wait3A_102 = tpu.memref_slice %arg7[%dma_wait3A_99, %dma_wait3A_100, %dma_wait3A_101] : memref<2x8x125xi32, #tpu.memory_space<vmem>> -> memref<1x1x125xi32, #tpu.memory_space<vmem>>
    %dma_wait3A_103 = tpu.memref_squeeze %dma_wait3A_102 : memref<1x1x125xi32, #tpu.memory_space<vmem>> -> memref<125xi32, #tpu.memory_space<vmem>>
    %dma_wait3A_104 = arith.constant 0 : i32
    %dma_wait3A_105 = arith.constant 0 : i32
    %dma_wait3A_106 = tpu.memref_slice %arg11[%dma_wait3A_104, %dma_wait3A_105] : memref<10000x128xf32, #tpu.memory_space<vmem_shared>> -> memref<10000x128xf32, #tpu.memory_space<vmem_shared>>
    tpu.wait_indirect_dma semaphore(%arg15 : memref<!tpu.dma_semaphore, #tpu.memory_space<semaphore_mem>>) src(%arg9 : memref<125x128xf32, #tpu.memory_space<vmem>>) dst(%dma_wait3A_106 : memref<10000x128xf32, #tpu.memory_space<vmem_shared>>)
    %barrier3A_107 = arith.constant 0 : index
    tpu.barrier barrier_id(%barrier3A_107)
    %add3A_108 = arith.constant 0 : i32
    %add3A_109 = arith.addi %add3A_108, %arg1 : i32
    %lt3A = arith.constant 125 : i32
    %lt3A_110 = arith.cmpi slt, %add3A_109, %lt3A : i32
    %convert_element_type3A = arith.extui %lt3A_110 : i1 to i32
    %cond3A = arith.constant 0 : i32
    %cond3A_111 = arith.cmpi ne, %convert_element_type3A, %cond3A : i32
    scf.if %cond3A_111 {
      %mul3A_273 = arith.constant 80 : i32
      %mul3A_274 = arith.muli %add3A_109, %mul3A_273 : i32
      %dma_start3A_275 = arith.constant 0 : i32
      %dma_start3A_276 = arith.constant 0 : i32
      %dma_start3A_277 = tpu.memref_slice %arg8[%dma_start3A_275, %dma_start3A_276] : memref<125x128xf32, #tpu.memory_space<vmem>> -> memref<80x128xf32, #tpu.memory_space<vmem>>
      %dma_start3A_278 = arith.constant 0 : i32
      %dma_start3A_279 = tpu.memref_slice %arg11[%mul3A_274, %dma_start3A_278] : memref<10000x128xf32, #tpu.memory_space<vmem_shared>> -> memref<80x128xf32, #tpu.memory_space<vmem_shared>>
      %dma_start3A_280 = arith.constant 0 : i32
      %dma_start3A_281 = arith.constant 0 : i32
      %dma_start3A_282 = tpu.memref_slice %arg8[%dma_start3A_280, %dma_start3A_281] : memref<125x128xf32, #tpu.memory_space<vmem>> -> memref<80x128xf32, #tpu.memory_space<vmem>>
      %dma_start3A_283 = arith.constant 0 : i32
      %dma_start3A_284 = tpu.memref_slice %arg11[%mul3A_274, %dma_start3A_283] : memref<10000x128xf32, #tpu.memory_space<vmem_shared>> -> memref<80x128xf32, #tpu.memory_space<vmem_shared>>
      tpu.enqueue_dma source(%dma_start3A_284 : memref<80x128xf32, #tpu.memory_space<vmem_shared>>) target(%dma_start3A_282 : memref<80x128xf32, #tpu.memory_space<vmem>>) target_semaphore(%arg12 : memref<!tpu.dma_semaphore, #tpu.memory_space<semaphore_mem>>)
    } else {
    }
    %add3A_112 = arith.constant 16 : i32
    %add3A_113 = arith.addi %add3A_112, %arg1 : i32
    %lt3A_114 = arith.constant 125 : i32
    %lt3A_115 = arith.cmpi slt, %add3A_113, %lt3A_114 : i32
    %convert_element_type3A_116 = arith.extui %lt3A_115 : i1 to i32
    %cond3A_117 = arith.constant 0 : i32
    %cond3A_118 = arith.cmpi ne, %convert_element_type3A_116, %cond3A_117 : i32
    scf.if %cond3A_118 {
      %mul3A_273 = arith.constant 80 : i32
      %mul3A_274 = arith.muli %add3A_113, %mul3A_273 : i32
      %dma_start3A_275 = arith.constant 0 : i32
      %dma_start3A_276 = arith.constant 0 : i32
      %dma_start3A_277 = tpu.memref_slice %arg9[%dma_start3A_275, %dma_start3A_276] : memref<125x128xf32, #tpu.memory_space<vmem>> -> memref<80x128xf32, #tpu.memory_space<vmem>>
      %dma_start3A_278 = arith.constant 0 : i32
      %dma_start3A_279 = tpu.memref_slice %arg11[%mul3A_274, %dma_start3A_278] : memref<10000x128xf32, #tpu.memory_space<vmem_shared>> -> memref<80x128xf32, #tpu.memory_space<vmem_shared>>
      %dma_start3A_280 = arith.constant 0 : i32
      %dma_start3A_281 = arith.constant 0 : i32
      %dma_start3A_282 = tpu.memref_slice %arg9[%dma_start3A_280, %dma_start3A_281] : memref<125x128xf32, #tpu.memory_space<vmem>> -> memref<80x128xf32, #tpu.memory_space<vmem>>
      %dma_start3A_283 = arith.constant 0 : i32
      %dma_start3A_284 = tpu.memref_slice %arg11[%mul3A_274, %dma_start3A_283] : memref<10000x128xf32, #tpu.memory_space<vmem_shared>> -> memref<80x128xf32, #tpu.memory_space<vmem_shared>>
      tpu.enqueue_dma source(%dma_start3A_284 : memref<80x128xf32, #tpu.memory_space<vmem_shared>>) target(%dma_start3A_282 : memref<80x128xf32, #tpu.memory_space<vmem>>) target_semaphore(%arg13 : memref<!tpu.dma_semaphore, #tpu.memory_space<semaphore_mem>>)
    } else {
    }
    %add3A_119 = arith.constant 0 : i32
    %add3A_120 = arith.addi %add3A_119, %arg1 : i32
    %lt3A_121 = arith.constant 125 : i32
    %lt3A_122 = arith.cmpi slt, %add3A_120, %lt3A_121 : i32
    %convert_element_type3A_123 = arith.extui %lt3A_122 : i1 to i32
    %cond3A_124 = arith.constant 0 : i32
    %cond3A_125 = arith.cmpi ne, %convert_element_type3A_123, %cond3A_124 : i32
    scf.if %cond3A_125 {
      %mul3A_273 = arith.constant 80 : i32
      %mul3A_274 = arith.muli %add3A_120, %mul3A_273 : i32
      %dma_wait3A_275 = arith.constant 0 : i32
      %dma_wait3A_276 = arith.constant 0 : i32
      %dma_wait3A_277 = tpu.memref_slice %arg8[%dma_wait3A_275, %dma_wait3A_276] : memref<125x128xf32, #tpu.memory_space<vmem>> -> memref<80x128xf32, #tpu.memory_space<vmem>>
      %dma_wait3A_278 = arith.constant 0 : i32
      %dma_wait3A_279 = tpu.memref_slice %arg11[%mul3A_274, %dma_wait3A_278] : memref<10000x128xf32, #tpu.memory_space<vmem_shared>> -> memref<80x128xf32, #tpu.memory_space<vmem_shared>>
      %dma_wait3A_280 = arith.constant 0 : i32
      %dma_wait3A_281 = arith.constant 0 : i32
      %dma_wait3A_282 = tpu.memref_slice %arg8[%dma_wait3A_280, %dma_wait3A_281] : memref<125x128xf32, #tpu.memory_space<vmem>> -> memref<80x128xf32, #tpu.memory_space<vmem>>
      %dma_wait3A_283 = arith.constant 0 : i32
      %dma_wait3A_284 = tpu.memref_slice %arg11[%mul3A_274, %dma_wait3A_283] : memref<10000x128xf32, #tpu.memory_space<vmem_shared>> -> memref<80x128xf32, #tpu.memory_space<vmem_shared>>
      tpu.wait_dma2 semaphore(%arg12 : memref<!tpu.dma_semaphore, #tpu.memory_space<semaphore_mem>>) src(%dma_wait3A_284 : memref<80x128xf32, #tpu.memory_space<vmem_shared>>) dst(%dma_wait3A_282 : memref<80x128xf32, #tpu.memory_space<vmem>>)
      %mul3A_285 = arith.constant 80 : i32
      %mul3A_286 = arith.muli %add3A_120, %mul3A_285 : i32
      %dma_start3A_287 = arith.constant 0 : i32
      %dma_start3A_288 = arith.constant 0 : i32
      %dma_start3A_289 = tpu.memref_slice %arg8[%dma_start3A_287, %dma_start3A_288] : memref<125x128xf32, #tpu.memory_space<vmem>> -> memref<80x128xf32, #tpu.memory_space<vmem>>
      %dma_start3A_290 = arith.constant 0 : i32
      %dma_start3A_291 = tpu.memref_slice %arg5[%arg0, %mul3A_286, %dma_start3A_290] : memref<2x10000x128xf32, #tpu.memory_space<hbm>> -> memref<1x80x128xf32, #tpu.memory_space<hbm>>
      %dma_start3A_292 = tpu.memref_squeeze %dma_start3A_291 : memref<1x80x128xf32, #tpu.memory_space<hbm>> -> memref<80x128xf32, #tpu.memory_space<hbm>>
      %dma_start3A_293 = arith.constant 0 : i32
      %dma_start3A_294 = tpu.memref_slice %arg5[%arg0, %mul3A_286, %dma_start3A_293] : memref<2x10000x128xf32, #tpu.memory_space<hbm>> -> memref<1x80x128xf32, #tpu.memory_space<hbm>>
      %dma_start3A_295 = tpu.memref_squeeze %dma_start3A_294 : memref<1x80x128xf32, #tpu.memory_space<hbm>> -> memref<80x128xf32, #tpu.memory_space<hbm>>
      %dma_start3A_296 = arith.constant 0 : i32
      %dma_start3A_297 = arith.constant 0 : i32
      %dma_start3A_298 = tpu.memref_slice %arg8[%dma_start3A_296, %dma_start3A_297] : memref<125x128xf32, #tpu.memory_space<vmem>> -> memref<80x128xf32, #tpu.memory_space<vmem>>
      tpu.enqueue_dma source(%dma_start3A_298 : memref<80x128xf32, #tpu.memory_space<vmem>>) target(%dma_start3A_295 : memref<80x128xf32, #tpu.memory_space<hbm>>) target_semaphore(%arg14 : memref<!tpu.dma_semaphore, #tpu.memory_space<semaphore_mem>>)
    } else {
    }
    %add3A_126 = arith.constant 0 : i32
    %add3A_127 = arith.addi %add3A_126, %arg1 : i32
    %lt3A_128 = arith.constant 125 : i32
    %lt3A_129 = arith.cmpi slt, %add3A_127, %lt3A_128 : i32
    %convert_element_type3A_130 = arith.extui %lt3A_129 : i1 to i32
    %cond3A_131 = arith.constant 0 : i32
    %cond3A_132 = arith.cmpi ne, %convert_element_type3A_130, %cond3A_131 : i32
    scf.if %cond3A_132 {
      %mul3A_273 = arith.constant 80 : i32
      %mul3A_274 = arith.muli %add3A_127, %mul3A_273 : i32
      %dma_wait3A_275 = arith.constant 0 : i32
      %dma_wait3A_276 = arith.constant 0 : i32
      %dma_wait3A_277 = tpu.memref_slice %arg8[%dma_wait3A_275, %dma_wait3A_276] : memref<125x128xf32, #tpu.memory_space<vmem>> -> memref<80x128xf32, #tpu.memory_space<vmem>>
      %dma_wait3A_278 = arith.constant 0 : i32
      %dma_wait3A_279 = tpu.memref_slice %arg5[%arg0, %mul3A_274, %dma_wait3A_278] : memref<2x10000x128xf32, #tpu.memory_space<hbm>> -> memref<1x80x128xf32, #tpu.memory_space<hbm>>
      %dma_wait3A_280 = tpu.memref_squeeze %dma_wait3A_279 : memref<1x80x128xf32, #tpu.memory_space<hbm>> -> memref<80x128xf32, #tpu.memory_space<hbm>>
      %dma_wait3A_281 = arith.constant 0 : i32
      %dma_wait3A_282 = tpu.memref_slice %arg5[%arg0, %mul3A_274, %dma_wait3A_281] : memref<2x10000x128xf32, #tpu.memory_space<hbm>> -> memref<1x80x128xf32, #tpu.memory_space<hbm>>
      %dma_wait3A_283 = tpu.memref_squeeze %dma_wait3A_282 : memref<1x80x128xf32, #tpu.memory_space<hbm>> -> memref<80x128xf32, #tpu.memory_space<hbm>>
      %dma_wait3A_284 = arith.constant 0 : i32
      %dma_wait3A_285 = arith.constant 0 : i32
      %dma_wait3A_286 = tpu.memref_slice %arg8[%dma_wait3A_284, %dma_wait3A_285] : memref<125x128xf32, #tpu.memory_space<vmem>> -> memref<80x128xf32, #tpu.memory_space<vmem>>
      tpu.wait_dma2 semaphore(%arg14 : memref<!tpu.dma_semaphore, #tpu.memory_space<semaphore_mem>>) src(%dma_wait3A_286 : memref<80x128xf32, #tpu.memory_space<vmem>>) dst(%dma_wait3A_283 : memref<80x128xf32, #tpu.memory_space<hbm>>)
    } else {
    }
    %add3A_133 = arith.constant 32 : i32
    %add3A_134 = arith.addi %add3A_133, %arg1 : i32
    %lt3A_135 = arith.constant 125 : i32
    %lt3A_136 = arith.cmpi slt, %add3A_134, %lt3A_135 : i32
    %convert_element_type3A_137 = arith.extui %lt3A_136 : i1 to i32
    %cond3A_138 = arith.constant 0 : i32
    %cond3A_139 = arith.cmpi ne, %convert_element_type3A_137, %cond3A_138 : i32
    scf.if %cond3A_139 {
      %mul3A_273 = arith.constant 80 : i32
      %mul3A_274 = arith.muli %add3A_134, %mul3A_273 : i32
      %dma_start3A_275 = arith.constant 0 : i32
      %dma_start3A_276 = arith.constant 0 : i32
      %dma_start3A_277 = tpu.memref_slice %arg8[%dma_start3A_275, %dma_start3A_276] : memref<125x128xf32, #tpu.memory_space<vmem>> -> memref<80x128xf32, #tpu.memory_space<vmem>>
      %dma_start3A_278 = arith.constant 0 : i32
      %dma_start3A_279 = tpu.memref_slice %arg11[%mul3A_274, %dma_start3A_278] : memref<10000x128xf32, #tpu.memory_space<vmem_shared>> -> memref<80x128xf32, #tpu.memory_space<vmem_shared>>
      %dma_start3A_280 = arith.constant 0 : i32
      %dma_start3A_281 = arith.constant 0 : i32
      %dma_start3A_282 = tpu.memref_slice %arg8[%dma_start3A_280, %dma_start3A_281] : memref<125x128xf32, #tpu.memory_space<vmem>> -> memref<80x128xf32, #tpu.memory_space<vmem>>
      %dma_start3A_283 = arith.constant 0 : i32
      %dma_start3A_284 = tpu.memref_slice %arg11[%mul3A_274, %dma_start3A_283] : memref<10000x128xf32, #tpu.memory_space<vmem_shared>> -> memref<80x128xf32, #tpu.memory_space<vmem_shared>>
      tpu.enqueue_dma source(%dma_start3A_284 : memref<80x128xf32, #tpu.memory_space<vmem_shared>>) target(%dma_start3A_282 : memref<80x128xf32, #tpu.memory_space<vmem>>) target_semaphore(%arg12 : memref<!tpu.dma_semaphore, #tpu.memory_space<semaphore_mem>>)
    } else {
    }
    %add3A_140 = arith.constant 16 : i32
    %add3A_141 = arith.addi %add3A_140, %arg1 : i32
    %lt3A_142 = arith.constant 125 : i32
    %lt3A_143 = arith.cmpi slt, %add3A_141, %lt3A_142 : i32
    %convert_element_type3A_144 = arith.extui %lt3A_143 : i1 to i32
    %cond3A_145 = arith.constant 0 : i32
    %cond3A_146 = arith.cmpi ne, %convert_element_type3A_144, %cond3A_145 : i32
    scf.if %cond3A_146 {
      %mul3A_273 = arith.constant 80 : i32
      %mul3A_274 = arith.muli %add3A_141, %mul3A_273 : i32
      %dma_wait3A_275 = arith.constant 0 : i32
      %dma_wait3A_276 = arith.constant 0 : i32
      %dma_wait3A_277 = tpu.memref_slice %arg9[%dma_wait3A_275, %dma_wait3A_276] : memref<125x128xf32, #tpu.memory_space<vmem>> -> memref<80x128xf32, #tpu.memory_space<vmem>>
      %dma_wait3A_278 = arith.constant 0 : i32
      %dma_wait3A_279 = tpu.memref_slice %arg11[%mul3A_274, %dma_wait3A_278] : memref<10000x128xf32, #tpu.memory_space<vmem_shared>> -> memref<80x128xf32, #tpu.memory_space<vmem_shared>>
      %dma_wait3A_280 = arith.constant 0 : i32
      %dma_wait3A_281 = arith.constant 0 : i32
      %dma_wait3A_282 = tpu.memref_slice %arg9[%dma_wait3A_280, %dma_wait3A_281] : memref<125x128xf32, #tpu.memory_space<vmem>> -> memref<80x128xf32, #tpu.memory_space<vmem>>
      %dma_wait3A_283 = arith.constant 0 : i32
      %dma_wait3A_284 = tpu.memref_slice %arg11[%mul3A_274, %dma_wait3A_283] : memref<10000x128xf32, #tpu.memory_space<vmem_shared>> -> memref<80x128xf32, #tpu.memory_space<vmem_shared>>
      tpu.wait_dma2 semaphore(%arg13 : memref<!tpu.dma_semaphore, #tpu.memory_space<semaphore_mem>>) src(%dma_wait3A_284 : memref<80x128xf32, #tpu.memory_space<vmem_shared>>) dst(%dma_wait3A_282 : memref<80x128xf32, #tpu.memory_space<vmem>>)
      %mul3A_285 = arith.constant 80 : i32
      %mul3A_286 = arith.muli %add3A_141, %mul3A_285 : i32
      %dma_start3A_287 = arith.constant 0 : i32
      %dma_start3A_288 = arith.constant 0 : i32
      %dma_start3A_289 = tpu.memref_slice %arg9[%dma_start3A_287, %dma_start3A_288] : memref<125x128xf32, #tpu.memory_space<vmem>> -> memref<80x128xf32, #tpu.memory_space<vmem>>
      %dma_start3A_290 = arith.constant 0 : i32
      %dma_start3A_291 = tpu.memref_slice %arg5[%arg0, %mul3A_286, %dma_start3A_290] : memref<2x10000x128xf32, #tpu.memory_space<hbm>> -> memref<1x80x128xf32, #tpu.memory_space<hbm>>
      %dma_start3A_292 = tpu.memref_squeeze %dma_start3A_291 : memref<1x80x128xf32, #tpu.memory_space<hbm>> -> memref<80x128xf32, #tpu.memory_space<hbm>>
      %dma_start3A_293 = arith.constant 0 : i32
      %dma_start3A_294 = tpu.memref_slice %arg5[%arg0, %mul3A_286, %dma_start3A_293] : memref<2x10000x128xf32, #tpu.memory_space<hbm>> -> memref<1x80x128xf32, #tpu.memory_space<hbm>>
      %dma_start3A_295 = tpu.memref_squeeze %dma_start3A_294 : memref<1x80x128xf32, #tpu.memory_space<hbm>> -> memref<80x128xf32, #tpu.memory_space<hbm>>
      %dma_start3A_296 = arith.constant 0 : i32
      %dma_start3A_297 = arith.constant 0 : i32
      %dma_start3A_298 = tpu.memref_slice %arg9[%dma_start3A_296, %dma_start3A_297] : memref<125x128xf32, #tpu.memory_space<vmem>> -> memref<80x128xf32, #tpu.memory_space<vmem>>
      tpu.enqueue_dma source(%dma_start3A_298 : memref<80x128xf32, #tpu.memory_space<vmem>>) target(%dma_start3A_295 : memref<80x128xf32, #tpu.memory_space<hbm>>) target_semaphore(%arg15 : memref<!tpu.dma_semaphore, #tpu.memory_space<semaphore_mem>>)
    } else {
    }
    %add3A_147 = arith.constant 16 : i32
    %add3A_148 = arith.addi %add3A_147, %arg1 : i32
    %lt3A_149 = arith.constant 125 : i32
    %lt3A_150 = arith.cmpi slt, %add3A_148, %lt3A_149 : i32
    %convert_element_type3A_151 = arith.extui %lt3A_150 : i1 to i32
    %cond3A_152 = arith.constant 0 : i32
    %cond3A_153 = arith.cmpi ne, %convert_element_type3A_151, %cond3A_152 : i32
    scf.if %cond3A_153 {
      %mul3A_273 = arith.constant 80 : i32
      %mul3A_274 = arith.muli %add3A_148, %mul3A_273 : i32
      %dma_wait3A_275 = arith.constant 0 : i32
      %dma_wait3A_276 = arith.constant 0 : i32
      %dma_wait3A_277 = tpu.memref_slice %arg9[%dma_wait3A_275, %dma_wait3A_276] : memref<125x128xf32, #tpu.memory_space<vmem>> -> memref<80x128xf32, #tpu.memory_space<vmem>>
      %dma_wait3A_278 = arith.constant 0 : i32
      %dma_wait3A_279 = tpu.memref_slice %arg5[%arg0, %mul3A_274, %dma_wait3A_278] : memref<2x10000x128xf32, #tpu.memory_space<hbm>> -> memref<1x80x128xf32, #tpu.memory_space<hbm>>
      %dma_wait3A_280 = tpu.memref_squeeze %dma_wait3A_279 : memref<1x80x128xf32, #tpu.memory_space<hbm>> -> memref<80x128xf32, #tpu.memory_space<hbm>>
      %dma_wait3A_281 = arith.constant 0 : i32
      %dma_wait3A_282 = tpu.memref_slice %arg5[%arg0, %mul3A_274, %dma_wait3A_281] : memref<2x10000x128xf32, #tpu.memory_space<hbm>> -> memref<1x80x128xf32, #tpu.memory_space<hbm>>
      %dma_wait3A_283 = tpu.memref_squeeze %dma_wait3A_282 : memref<1x80x128xf32, #tpu.memory_space<hbm>> -> memref<80x128xf32, #tpu.memory_space<hbm>>
      %dma_wait3A_284 = arith.constant 0 : i32
      %dma_wait3A_285 = arith.constant 0 : i32
      %dma_wait3A_286 = tpu.memref_slice %arg9[%dma_wait3A_284, %dma_wait3A_285] : memref<125x128xf32, #tpu.memory_space<vmem>> -> memref<80x128xf32, #tpu.memory_space<vmem>>
      tpu.wait_dma2 semaphore(%arg15 : memref<!tpu.dma_semaphore, #tpu.memory_space<semaphore_mem>>) src(%dma_wait3A_286 : memref<80x128xf32, #tpu.memory_space<vmem>>) dst(%dma_wait3A_283 : memref<80x128xf32, #tpu.memory_space<hbm>>)
    } else {
    }
    %add3A_154 = arith.constant 48 : i32
    %add3A_155 = arith.addi %add3A_154, %arg1 : i32
    %lt3A_156 = arith.constant 125 : i32
    %lt3A_157 = arith.cmpi slt, %add3A_155, %lt3A_156 : i32
    %convert_element_type3A_158 = arith.extui %lt3A_157 : i1 to i32
    %cond3A_159 = arith.constant 0 : i32
    %cond3A_160 = arith.cmpi ne, %convert_element_type3A_158, %cond3A_159 : i32
    scf.if %cond3A_160 {
      %mul3A_273 = arith.constant 80 : i32
      %mul3A_274 = arith.muli %add3A_155, %mul3A_273 : i32
      %dma_start3A_275 = arith.constant 0 : i32
      %dma_start3A_276 = arith.constant 0 : i32
      %dma_start3A_277 = tpu.memref_slice %arg9[%dma_start3A_275, %dma_start3A_276] : memref<125x128xf32, #tpu.memory_space<vmem>> -> memref<80x128xf32, #tpu.memory_space<vmem>>
      %dma_start3A_278 = arith.constant 0 : i32
      %dma_start3A_279 = tpu.memref_slice %arg11[%mul3A_274, %dma_start3A_278] : memref<10000x128xf32, #tpu.memory_space<vmem_shared>> -> memref<80x128xf32, #tpu.memory_space<vmem_shared>>
      %dma_start3A_280 = arith.constant 0 : i32
      %dma_start3A_281 = arith.constant 0 : i32
      %dma_start3A_282 = tpu.memref_slice %arg9[%dma_start3A_280, %dma_start3A_281] : memref<125x128xf32, #tpu.memory_space<vmem>> -> memref<80x128xf32, #tpu.memory_space<vmem>>
      %dma_start3A_283 = arith.constant 0 : i32
      %dma_start3A_284 = tpu.memref_slice %arg11[%mul3A_274, %dma_start3A_283] : memref<10000x128xf32, #tpu.memory_space<vmem_shared>> -> memref<80x128xf32, #tpu.memory_space<vmem_shared>>
      tpu.enqueue_dma source(%dma_start3A_284 : memref<80x128xf32, #tpu.memory_space<vmem_shared>>) target(%dma_start3A_282 : memref<80x128xf32, #tpu.memory_space<vmem>>) target_semaphore(%arg13 : memref<!tpu.dma_semaphore, #tpu.memory_space<semaphore_mem>>)
    } else {
    }
    %add3A_161 = arith.constant 32 : i32
    %add3A_162 = arith.addi %add3A_161, %arg1 : i32
    %lt3A_163 = arith.constant 125 : i32
    %lt3A_164 = arith.cmpi slt, %add3A_162, %lt3A_163 : i32
    %convert_element_type3A_165 = arith.extui %lt3A_164 : i1 to i32
    %cond3A_166 = arith.constant 0 : i32
    %cond3A_167 = arith.cmpi ne, %convert_element_type3A_165, %cond3A_166 : i32
    scf.if %cond3A_167 {
      %mul3A_273 = arith.constant 80 : i32
      %mul3A_274 = arith.muli %add3A_162, %mul3A_273 : i32
      %dma_wait3A_275 = arith.constant 0 : i32
      %dma_wait3A_276 = arith.constant 0 : i32
      %dma_wait3A_277 = tpu.memref_slice %arg8[%dma_wait3A_275, %dma_wait3A_276] : memref<125x128xf32, #tpu.memory_space<vmem>> -> memref<80x128xf32, #tpu.memory_space<vmem>>
      %dma_wait3A_278 = arith.constant 0 : i32
      %dma_wait3A_279 = tpu.memref_slice %arg11[%mul3A_274, %dma_wait3A_278] : memref<10000x128xf32, #tpu.memory_space<vmem_shared>> -> memref<80x128xf32, #tpu.memory_space<vmem_shared>>
      %dma_wait3A_280 = arith.constant 0 : i32
      %dma_wait3A_281 = arith.constant 0 : i32
      %dma_wait3A_282 = tpu.memref_slice %arg8[%dma_wait3A_280, %dma_wait3A_281] : memref<125x128xf32, #tpu.memory_space<vmem>> -> memref<80x128xf32, #tpu.memory_space<vmem>>
      %dma_wait3A_283 = arith.constant 0 : i32
      %dma_wait3A_284 = tpu.memref_slice %arg11[%mul3A_274, %dma_wait3A_283] : memref<10000x128xf32, #tpu.memory_space<vmem_shared>> -> memref<80x128xf32, #tpu.memory_space<vmem_shared>>
      tpu.wait_dma2 semaphore(%arg12 : memref<!tpu.dma_semaphore, #tpu.memory_space<semaphore_mem>>) src(%dma_wait3A_284 : memref<80x128xf32, #tpu.memory_space<vmem_shared>>) dst(%dma_wait3A_282 : memref<80x128xf32, #tpu.memory_space<vmem>>)
      %mul3A_285 = arith.constant 80 : i32
      %mul3A_286 = arith.muli %add3A_162, %mul3A_285 : i32
      %dma_start3A_287 = arith.constant 0 : i32
      %dma_start3A_288 = arith.constant 0 : i32
      %dma_start3A_289 = tpu.memref_slice %arg8[%dma_start3A_287, %dma_start3A_288] : memref<125x128xf32, #tpu.memory_space<vmem>> -> memref<80x128xf32, #tpu.memory_space<vmem>>
      %dma_start3A_290 = arith.constant 0 : i32
      %dma_start3A_291 = tpu.memref_slice %arg5[%arg0, %mul3A_286, %dma_start3A_290] : memref<2x10000x128xf32, #tpu.memory_space<hbm>> -> memref<1x80x128xf32, #tpu.memory_space<hbm>>
      %dma_start3A_292 = tpu.memref_squeeze %dma_start3A_291 : memref<1x80x128xf32, #tpu.memory_space<hbm>> -> memref<80x128xf32, #tpu.memory_space<hbm>>
      %dma_start3A_293 = arith.constant 0 : i32
      %dma_start3A_294 = tpu.memref_slice %arg5[%arg0, %mul3A_286, %dma_start3A_293] : memref<2x10000x128xf32, #tpu.memory_space<hbm>> -> memref<1x80x128xf32, #tpu.memory_space<hbm>>
      %dma_start3A_295 = tpu.memref_squeeze %dma_start3A_294 : memref<1x80x128xf32, #tpu.memory_space<hbm>> -> memref<80x128xf32, #tpu.memory_space<hbm>>
      %dma_start3A_296 = arith.constant 0 : i32
      %dma_start3A_297 = arith.constant 0 : i32
      %dma_start3A_298 = tpu.memref_slice %arg8[%dma_start3A_296, %dma_start3A_297] : memref<125x128xf32, #tpu.memory_space<vmem>> -> memref<80x128xf32, #tpu.memory_space<vmem>>
      tpu.enqueue_dma source(%dma_start3A_298 : memref<80x128xf32, #tpu.memory_space<vmem>>) target(%dma_start3A_295 : memref<80x128xf32, #tpu.memory_space<hbm>>) target_semaphore(%arg14 : memref<!tpu.dma_semaphore, #tpu.memory_space<semaphore_mem>>)
    } else {
    }
    %add3A_168 = arith.constant 32 : i32
    %add3A_169 = arith.addi %add3A_168, %arg1 : i32
    %lt3A_170 = arith.constant 125 : i32
    %lt3A_171 = arith.cmpi slt, %add3A_169, %lt3A_170 : i32
    %convert_element_type3A_172 = arith.extui %lt3A_171 : i1 to i32
    %cond3A_173 = arith.constant 0 : i32
    %cond3A_174 = arith.cmpi ne, %convert_element_type3A_172, %cond3A_173 : i32
    scf.if %cond3A_174 {
      %mul3A_273 = arith.constant 80 : i32
      %mul3A_274 = arith.muli %add3A_169, %mul3A_273 : i32
      %dma_wait3A_275 = arith.constant 0 : i32
      %dma_wait3A_276 = arith.constant 0 : i32
      %dma_wait3A_277 = tpu.memref_slice %arg8[%dma_wait3A_275, %dma_wait3A_276] : memref<125x128xf32, #tpu.memory_space<vmem>> -> memref<80x128xf32, #tpu.memory_space<vmem>>
      %dma_wait3A_278 = arith.constant 0 : i32
      %dma_wait3A_279 = tpu.memref_slice %arg5[%arg0, %mul3A_274, %dma_wait3A_278] : memref<2x10000x128xf32, #tpu.memory_space<hbm>> -> memref<1x80x128xf32, #tpu.memory_space<hbm>>
      %dma_wait3A_280 = tpu.memref_squeeze %dma_wait3A_279 : memref<1x80x128xf32, #tpu.memory_space<hbm>> -> memref<80x128xf32, #tpu.memory_space<hbm>>
      %dma_wait3A_281 = arith.constant 0 : i32
      %dma_wait3A_282 = tpu.memref_slice %arg5[%arg0, %mul3A_274, %dma_wait3A_281] : memref<2x10000x128xf32, #tpu.memory_space<hbm>> -> memref<1x80x128xf32, #tpu.memory_space<hbm>>
      %dma_wait3A_283 = tpu.memref_squeeze %dma_wait3A_282 : memref<1x80x128xf32, #tpu.memory_space<hbm>> -> memref<80x128xf32, #tpu.memory_space<hbm>>
      %dma_wait3A_284 = arith.constant 0 : i32
      %dma_wait3A_285 = arith.constant 0 : i32
      %dma_wait3A_286 = tpu.memref_slice %arg8[%dma_wait3A_284, %dma_wait3A_285] : memref<125x128xf32, #tpu.memory_space<vmem>> -> memref<80x128xf32, #tpu.memory_space<vmem>>
      tpu.wait_dma2 semaphore(%arg14 : memref<!tpu.dma_semaphore, #tpu.memory_space<semaphore_mem>>) src(%dma_wait3A_286 : memref<80x128xf32, #tpu.memory_space<vmem>>) dst(%dma_wait3A_283 : memref<80x128xf32, #tpu.memory_space<hbm>>)
    } else {
    }
    %add3A_175 = arith.constant 64 : i32
    %add3A_176 = arith.addi %add3A_175, %arg1 : i32
    %lt3A_177 = arith.constant 125 : i32
    %lt3A_178 = arith.cmpi slt, %add3A_176, %lt3A_177 : i32
    %convert_element_type3A_179 = arith.extui %lt3A_178 : i1 to i32
    %cond3A_180 = arith.constant 0 : i32
    %cond3A_181 = arith.cmpi ne, %convert_element_type3A_179, %cond3A_180 : i32
    scf.if %cond3A_181 {
      %mul3A_273 = arith.constant 80 : i32
      %mul3A_274 = arith.muli %add3A_176, %mul3A_273 : i32
      %dma_start3A_275 = arith.constant 0 : i32
      %dma_start3A_276 = arith.constant 0 : i32
      %dma_start3A_277 = tpu.memref_slice %arg8[%dma_start3A_275, %dma_start3A_276] : memref<125x128xf32, #tpu.memory_space<vmem>> -> memref<80x128xf32, #tpu.memory_space<vmem>>
      %dma_start3A_278 = arith.constant 0 : i32
      %dma_start3A_279 = tpu.memref_slice %arg11[%mul3A_274, %dma_start3A_278] : memref<10000x128xf32, #tpu.memory_space<vmem_shared>> -> memref<80x128xf32, #tpu.memory_space<vmem_shared>>
      %dma_start3A_280 = arith.constant 0 : i32
      %dma_start3A_281 = arith.constant 0 : i32
      %dma_start3A_282 = tpu.memref_slice %arg8[%dma_start3A_280, %dma_start3A_281] : memref<125x128xf32, #tpu.memory_space<vmem>> -> memref<80x128xf32, #tpu.memory_space<vmem>>
      %dma_start3A_283 = arith.constant 0 : i32
      %dma_start3A_284 = tpu.memref_slice %arg11[%mul3A_274, %dma_start3A_283] : memref<10000x128xf32, #tpu.memory_space<vmem_shared>> -> memref<80x128xf32, #tpu.memory_space<vmem_shared>>
      tpu.enqueue_dma source(%dma_start3A_284 : memref<80x128xf32, #tpu.memory_space<vmem_shared>>) target(%dma_start3A_282 : memref<80x128xf32, #tpu.memory_space<vmem>>) target_semaphore(%arg12 : memref<!tpu.dma_semaphore, #tpu.memory_space<semaphore_mem>>)
    } else {
    }
    %add3A_182 = arith.constant 48 : i32
    %add3A_183 = arith.addi %add3A_182, %arg1 : i32
    %lt3A_184 = arith.constant 125 : i32
    %lt3A_185 = arith.cmpi slt, %add3A_183, %lt3A_184 : i32
    %convert_element_type3A_186 = arith.extui %lt3A_185 : i1 to i32
    %cond3A_187 = arith.constant 0 : i32
    %cond3A_188 = arith.cmpi ne, %convert_element_type3A_186, %cond3A_187 : i32
    scf.if %cond3A_188 {
      %mul3A_273 = arith.constant 80 : i32
      %mul3A_274 = arith.muli %add3A_183, %mul3A_273 : i32
      %dma_wait3A_275 = arith.constant 0 : i32
      %dma_wait3A_276 = arith.constant 0 : i32
      %dma_wait3A_277 = tpu.memref_slice %arg9[%dma_wait3A_275, %dma_wait3A_276] : memref<125x128xf32, #tpu.memory_space<vmem>> -> memref<80x128xf32, #tpu.memory_space<vmem>>
      %dma_wait3A_278 = arith.constant 0 : i32
      %dma_wait3A_279 = tpu.memref_slice %arg11[%mul3A_274, %dma_wait3A_278] : memref<10000x128xf32, #tpu.memory_space<vmem_shared>> -> memref<80x128xf32, #tpu.memory_space<vmem_shared>>
      %dma_wait3A_280 = arith.constant 0 : i32
      %dma_wait3A_281 = arith.constant 0 : i32
      %dma_wait3A_282 = tpu.memref_slice %arg9[%dma_wait3A_280, %dma_wait3A_281] : memref<125x128xf32, #tpu.memory_space<vmem>> -> memref<80x128xf32, #tpu.memory_space<vmem>>
      %dma_wait3A_283 = arith.constant 0 : i32
      %dma_wait3A_284 = tpu.memref_slice %arg11[%mul3A_274, %dma_wait3A_283] : memref<10000x128xf32, #tpu.memory_space<vmem_shared>> -> memref<80x128xf32, #tpu.memory_space<vmem_shared>>
      tpu.wait_dma2 semaphore(%arg13 : memref<!tpu.dma_semaphore, #tpu.memory_space<semaphore_mem>>) src(%dma_wait3A_284 : memref<80x128xf32, #tpu.memory_space<vmem_shared>>) dst(%dma_wait3A_282 : memref<80x128xf32, #tpu.memory_space<vmem>>)
      %mul3A_285 = arith.constant 80 : i32
      %mul3A_286 = arith.muli %add3A_183, %mul3A_285 : i32
      %dma_start3A_287 = arith.constant 0 : i32
      %dma_start3A_288 = arith.constant 0 : i32
      %dma_start3A_289 = tpu.memref_slice %arg9[%dma_start3A_287, %dma_start3A_288] : memref<125x128xf32, #tpu.memory_space<vmem>> -> memref<80x128xf32, #tpu.memory_space<vmem>>
      %dma_start3A_290 = arith.constant 0 : i32
      %dma_start3A_291 = tpu.memref_slice %arg5[%arg0, %mul3A_286, %dma_start3A_290] : memref<2x10000x128xf32, #tpu.memory_space<hbm>> -> memref<1x80x128xf32, #tpu.memory_space<hbm>>
      %dma_start3A_292 = tpu.memref_squeeze %dma_start3A_291 : memref<1x80x128xf32, #tpu.memory_space<hbm>> -> memref<80x128xf32, #tpu.memory_space<hbm>>
      %dma_start3A_293 = arith.constant 0 : i32
      %dma_start3A_294 = tpu.memref_slice %arg5[%arg0, %mul3A_286, %dma_start3A_293] : memref<2x10000x128xf32, #tpu.memory_space<hbm>> -> memref<1x80x128xf32, #tpu.memory_space<hbm>>
      %dma_start3A_295 = tpu.memref_squeeze %dma_start3A_294 : memref<1x80x128xf32, #tpu.memory_space<hbm>> -> memref<80x128xf32, #tpu.memory_space<hbm>>
      %dma_start3A_296 = arith.constant 0 : i32
      %dma_start3A_297 = arith.constant 0 : i32
      %dma_start3A_298 = tpu.memref_slice %arg9[%dma_start3A_296, %dma_start3A_297] : memref<125x128xf32, #tpu.memory_space<vmem>> -> memref<80x128xf32, #tpu.memory_space<vmem>>
      tpu.enqueue_dma source(%dma_start3A_298 : memref<80x128xf32, #tpu.memory_space<vmem>>) target(%dma_start3A_295 : memref<80x128xf32, #tpu.memory_space<hbm>>) target_semaphore(%arg15 : memref<!tpu.dma_semaphore, #tpu.memory_space<semaphore_mem>>)
    } else {
    }
    %add3A_189 = arith.constant 48 : i32
    %add3A_190 = arith.addi %add3A_189, %arg1 : i32
    %lt3A_191 = arith.constant 125 : i32
    %lt3A_192 = arith.cmpi slt, %add3A_190, %lt3A_191 : i32
    %convert_element_type3A_193 = arith.extui %lt3A_192 : i1 to i32
    %cond3A_194 = arith.constant 0 : i32
    %cond3A_195 = arith.cmpi ne, %convert_element_type3A_193, %cond3A_194 : i32
    scf.if %cond3A_195 {
      %mul3A_273 = arith.constant 80 : i32
      %mul3A_274 = arith.muli %add3A_190, %mul3A_273 : i32
      %dma_wait3A_275 = arith.constant 0 : i32
      %dma_wait3A_276 = arith.constant 0 : i32
      %dma_wait3A_277 = tpu.memref_slice %arg9[%dma_wait3A_275, %dma_wait3A_276] : memref<125x128xf32, #tpu.memory_space<vmem>> -> memref<80x128xf32, #tpu.memory_space<vmem>>
      %dma_wait3A_278 = arith.constant 0 : i32
      %dma_wait3A_279 = tpu.memref_slice %arg5[%arg0, %mul3A_274, %dma_wait3A_278] : memref<2x10000x128xf32, #tpu.memory_space<hbm>> -> memref<1x80x128xf32, #tpu.memory_space<hbm>>
      %dma_wait3A_280 = tpu.memref_squeeze %dma_wait3A_279 : memref<1x80x128xf32, #tpu.memory_space<hbm>> -> memref<80x128xf32, #tpu.memory_space<hbm>>
      %dma_wait3A_281 = arith.constant 0 : i32
      %dma_wait3A_282 = tpu.memref_slice %arg5[%arg0, %mul3A_274, %dma_wait3A_281] : memref<2x10000x128xf32, #tpu.memory_space<hbm>> -> memref<1x80x128xf32, #tpu.memory_space<hbm>>
      %dma_wait3A_283 = tpu.memref_squeeze %dma_wait3A_282 : memref<1x80x128xf32, #tpu.memory_space<hbm>> -> memref<80x128xf32, #tpu.memory_space<hbm>>
      %dma_wait3A_284 = arith.constant 0 : i32
      %dma_wait3A_285 = arith.constant 0 : i32
      %dma_wait3A_286 = tpu.memref_slice %arg9[%dma_wait3A_284, %dma_wait3A_285] : memref<125x128xf32, #tpu.memory_space<vmem>> -> memref<80x128xf32, #tpu.memory_space<vmem>>
      tpu.wait_dma2 semaphore(%arg15 : memref<!tpu.dma_semaphore, #tpu.memory_space<semaphore_mem>>) src(%dma_wait3A_286 : memref<80x128xf32, #tpu.memory_space<vmem>>) dst(%dma_wait3A_283 : memref<80x128xf32, #tpu.memory_space<hbm>>)
    } else {
    }
    %add3A_196 = arith.constant 80 : i32
    %add3A_197 = arith.addi %add3A_196, %arg1 : i32
    %lt3A_198 = arith.constant 125 : i32
    %lt3A_199 = arith.cmpi slt, %add3A_197, %lt3A_198 : i32
    %convert_element_type3A_200 = arith.extui %lt3A_199 : i1 to i32
    %cond3A_201 = arith.constant 0 : i32
    %cond3A_202 = arith.cmpi ne, %convert_element_type3A_200, %cond3A_201 : i32
    scf.if %cond3A_202 {
      %mul3A_273 = arith.constant 80 : i32
      %mul3A_274 = arith.muli %add3A_197, %mul3A_273 : i32
      %dma_start3A_275 = arith.constant 0 : i32
      %dma_start3A_276 = arith.constant 0 : i32
      %dma_start3A_277 = tpu.memref_slice %arg9[%dma_start3A_275, %dma_start3A_276] : memref<125x128xf32, #tpu.memory_space<vmem>> -> memref<80x128xf32, #tpu.memory_space<vmem>>
      %dma_start3A_278 = arith.constant 0 : i32
      %dma_start3A_279 = tpu.memref_slice %arg11[%mul3A_274, %dma_start3A_278] : memref<10000x128xf32, #tpu.memory_space<vmem_shared>> -> memref<80x128xf32, #tpu.memory_space<vmem_shared>>
      %dma_start3A_280 = arith.constant 0 : i32
      %dma_start3A_281 = arith.constant 0 : i32
      %dma_start3A_282 = tpu.memref_slice %arg9[%dma_start3A_280, %dma_start3A_281] : memref<125x128xf32, #tpu.memory_space<vmem>> -> memref<80x128xf32, #tpu.memory_space<vmem>>
      %dma_start3A_283 = arith.constant 0 : i32
      %dma_start3A_284 = tpu.memref_slice %arg11[%mul3A_274, %dma_start3A_283] : memref<10000x128xf32, #tpu.memory_space<vmem_shared>> -> memref<80x128xf32, #tpu.memory_space<vmem_shared>>
      tpu.enqueue_dma source(%dma_start3A_284 : memref<80x128xf32, #tpu.memory_space<vmem_shared>>) target(%dma_start3A_282 : memref<80x128xf32, #tpu.memory_space<vmem>>) target_semaphore(%arg13 : memref<!tpu.dma_semaphore, #tpu.memory_space<semaphore_mem>>)
    } else {
    }
    %add3A_203 = arith.constant 64 : i32
    %add3A_204 = arith.addi %add3A_203, %arg1 : i32
    %lt3A_205 = arith.constant 125 : i32
    %lt3A_206 = arith.cmpi slt, %add3A_204, %lt3A_205 : i32
    %convert_element_type3A_207 = arith.extui %lt3A_206 : i1 to i32
    %cond3A_208 = arith.constant 0 : i32
    %cond3A_209 = arith.cmpi ne, %convert_element_type3A_207, %cond3A_208 : i32
    scf.if %cond3A_209 {
      %mul3A_273 = arith.constant 80 : i32
      %mul3A_274 = arith.muli %add3A_204, %mul3A_273 : i32
      %dma_wait3A_275 = arith.constant 0 : i32
      %dma_wait3A_276 = arith.constant 0 : i32
      %dma_wait3A_277 = tpu.memref_slice %arg8[%dma_wait3A_275, %dma_wait3A_276] : memref<125x128xf32, #tpu.memory_space<vmem>> -> memref<80x128xf32, #tpu.memory_space<vmem>>
      %dma_wait3A_278 = arith.constant 0 : i32
      %dma_wait3A_279 = tpu.memref_slice %arg11[%mul3A_274, %dma_wait3A_278] : memref<10000x128xf32, #tpu.memory_space<vmem_shared>> -> memref<80x128xf32, #tpu.memory_space<vmem_shared>>
      %dma_wait3A_280 = arith.constant 0 : i32
      %dma_wait3A_281 = arith.constant 0 : i32
      %dma_wait3A_282 = tpu.memref_slice %arg8[%dma_wait3A_280, %dma_wait3A_281] : memref<125x128xf32, #tpu.memory_space<vmem>> -> memref<80x128xf32, #tpu.memory_space<vmem>>
      %dma_wait3A_283 = arith.constant 0 : i32
      %dma_wait3A_284 = tpu.memref_slice %arg11[%mul3A_274, %dma_wait3A_283] : memref<10000x128xf32, #tpu.memory_space<vmem_shared>> -> memref<80x128xf32, #tpu.memory_space<vmem_shared>>
      tpu.wait_dma2 semaphore(%arg12 : memref<!tpu.dma_semaphore, #tpu.memory_space<semaphore_mem>>) src(%dma_wait3A_284 : memref<80x128xf32, #tpu.memory_space<vmem_shared>>) dst(%dma_wait3A_282 : memref<80x128xf32, #tpu.memory_space<vmem>>)
      %mul3A_285 = arith.constant 80 : i32
      %mul3A_286 = arith.muli %add3A_204, %mul3A_285 : i32
      %dma_start3A_287 = arith.constant 0 : i32
      %dma_start3A_288 = arith.constant 0 : i32
      %dma_start3A_289 = tpu.memref_slice %arg8[%dma_start3A_287, %dma_start3A_288] : memref<125x128xf32, #tpu.memory_space<vmem>> -> memref<80x128xf32, #tpu.memory_space<vmem>>
      %dma_start3A_290 = arith.constant 0 : i32
      %dma_start3A_291 = tpu.memref_slice %arg5[%arg0, %mul3A_286, %dma_start3A_290] : memref<2x10000x128xf32, #tpu.memory_space<hbm>> -> memref<1x80x128xf32, #tpu.memory_space<hbm>>
      %dma_start3A_292 = tpu.memref_squeeze %dma_start3A_291 : memref<1x80x128xf32, #tpu.memory_space<hbm>> -> memref<80x128xf32, #tpu.memory_space<hbm>>
      %dma_start3A_293 = arith.constant 0 : i32
      %dma_start3A_294 = tpu.memref_slice %arg5[%arg0, %mul3A_286, %dma_start3A_293] : memref<2x10000x128xf32, #tpu.memory_space<hbm>> -> memref<1x80x128xf32, #tpu.memory_space<hbm>>
      %dma_start3A_295 = tpu.memref_squeeze %dma_start3A_294 : memref<1x80x128xf32, #tpu.memory_space<hbm>> -> memref<80x128xf32, #tpu.memory_space<hbm>>
      %dma_start3A_296 = arith.constant 0 : i32
      %dma_start3A_297 = arith.constant 0 : i32
      %dma_start3A_298 = tpu.memref_slice %arg8[%dma_start3A_296, %dma_start3A_297] : memref<125x128xf32, #tpu.memory_space<vmem>> -> memref<80x128xf32, #tpu.memory_space<vmem>>
      tpu.enqueue_dma source(%dma_start3A_298 : memref<80x128xf32, #tpu.memory_space<vmem>>) target(%dma_start3A_295 : memref<80x128xf32, #tpu.memory_space<hbm>>) target_semaphore(%arg14 : memref<!tpu.dma_semaphore, #tpu.memory_space<semaphore_mem>>)
    } else {
    }
    %add3A_210 = arith.constant 64 : i32
    %add3A_211 = arith.addi %add3A_210, %arg1 : i32
    %lt3A_212 = arith.constant 125 : i32
    %lt3A_213 = arith.cmpi slt, %add3A_211, %lt3A_212 : i32
    %convert_element_type3A_214 = arith.extui %lt3A_213 : i1 to i32
    %cond3A_215 = arith.constant 0 : i32
    %cond3A_216 = arith.cmpi ne, %convert_element_type3A_214, %cond3A_215 : i32
    scf.if %cond3A_216 {
      %mul3A_273 = arith.constant 80 : i32
      %mul3A_274 = arith.muli %add3A_211, %mul3A_273 : i32
      %dma_wait3A_275 = arith.constant 0 : i32
      %dma_wait3A_276 = arith.constant 0 : i32
      %dma_wait3A_277 = tpu.memref_slice %arg8[%dma_wait3A_275, %dma_wait3A_276] : memref<125x128xf32, #tpu.memory_space<vmem>> -> memref<80x128xf32, #tpu.memory_space<vmem>>
      %dma_wait3A_278 = arith.constant 0 : i32
      %dma_wait3A_279 = tpu.memref_slice %arg5[%arg0, %mul3A_274, %dma_wait3A_278] : memref<2x10000x128xf32, #tpu.memory_space<hbm>> -> memref<1x80x128xf32, #tpu.memory_space<hbm>>
      %dma_wait3A_280 = tpu.memref_squeeze %dma_wait3A_279 : memref<1x80x128xf32, #tpu.memory_space<hbm>> -> memref<80x128xf32, #tpu.memory_space<hbm>>
      %dma_wait3A_281 = arith.constant 0 : i32
      %dma_wait3A_282 = tpu.memref_slice %arg5[%arg0, %mul3A_274, %dma_wait3A_281] : memref<2x10000x128xf32, #tpu.memory_space<hbm>> -> memref<1x80x128xf32, #tpu.memory_space<hbm>>
      %dma_wait3A_283 = tpu.memref_squeeze %dma_wait3A_282 : memref<1x80x128xf32, #tpu.memory_space<hbm>> -> memref<80x128xf32, #tpu.memory_space<hbm>>
      %dma_wait3A_284 = arith.constant 0 : i32
      %dma_wait3A_285 = arith.constant 0 : i32
      %dma_wait3A_286 = tpu.memref_slice %arg8[%dma_wait3A_284, %dma_wait3A_285] : memref<125x128xf32, #tpu.memory_space<vmem>> -> memref<80x128xf32, #tpu.memory_space<vmem>>
      tpu.wait_dma2 semaphore(%arg14 : memref<!tpu.dma_semaphore, #tpu.memory_space<semaphore_mem>>) src(%dma_wait3A_286 : memref<80x128xf32, #tpu.memory_space<vmem>>) dst(%dma_wait3A_283 : memref<80x128xf32, #tpu.memory_space<hbm>>)
    } else {
    }
    %add3A_217 = arith.constant 96 : i32
    %add3A_218 = arith.addi %add3A_217, %arg1 : i32
    %lt3A_219 = arith.constant 125 : i32
    %lt3A_220 = arith.cmpi slt, %add3A_218, %lt3A_219 : i32
    %convert_element_type3A_221 = arith.extui %lt3A_220 : i1 to i32
    %cond3A_222 = arith.constant 0 : i32
    %cond3A_223 = arith.cmpi ne, %convert_element_type3A_221, %cond3A_222 : i32
    scf.if %cond3A_223 {
      %mul3A_273 = arith.constant 80 : i32
      %mul3A_274 = arith.muli %add3A_218, %mul3A_273 : i32
      %dma_start3A_275 = arith.constant 0 : i32
      %dma_start3A_276 = arith.constant 0 : i32
      %dma_start3A_277 = tpu.memref_slice %arg8[%dma_start3A_275, %dma_start3A_276] : memref<125x128xf32, #tpu.memory_space<vmem>> -> memref<80x128xf32, #tpu.memory_space<vmem>>
      %dma_start3A_278 = arith.constant 0 : i32
      %dma_start3A_279 = tpu.memref_slice %arg11[%mul3A_274, %dma_start3A_278] : memref<10000x128xf32, #tpu.memory_space<vmem_shared>> -> memref<80x128xf32, #tpu.memory_space<vmem_shared>>
      %dma_start3A_280 = arith.constant 0 : i32
      %dma_start3A_281 = arith.constant 0 : i32
      %dma_start3A_282 = tpu.memref_slice %arg8[%dma_start3A_280, %dma_start3A_281] : memref<125x128xf32, #tpu.memory_space<vmem>> -> memref<80x128xf32, #tpu.memory_space<vmem>>
      %dma_start3A_283 = arith.constant 0 : i32
      %dma_start3A_284 = tpu.memref_slice %arg11[%mul3A_274, %dma_start3A_283] : memref<10000x128xf32, #tpu.memory_space<vmem_shared>> -> memref<80x128xf32, #tpu.memory_space<vmem_shared>>
      tpu.enqueue_dma source(%dma_start3A_284 : memref<80x128xf32, #tpu.memory_space<vmem_shared>>) target(%dma_start3A_282 : memref<80x128xf32, #tpu.memory_space<vmem>>) target_semaphore(%arg12 : memref<!tpu.dma_semaphore, #tpu.memory_space<semaphore_mem>>)
    } else {
    }
    %add3A_224 = arith.constant 80 : i32
    %add3A_225 = arith.addi %add3A_224, %arg1 : i32
    %lt3A_226 = arith.constant 125 : i32
    %lt3A_227 = arith.cmpi slt, %add3A_225, %lt3A_226 : i32
    %convert_element_type3A_228 = arith.extui %lt3A_227 : i1 to i32
    %cond3A_229 = arith.constant 0 : i32
    %cond3A_230 = arith.cmpi ne, %convert_element_type3A_228, %cond3A_229 : i32
    scf.if %cond3A_230 {
      %mul3A_273 = arith.constant 80 : i32
      %mul3A_274 = arith.muli %add3A_225, %mul3A_273 : i32
      %dma_wait3A_275 = arith.constant 0 : i32
      %dma_wait3A_276 = arith.constant 0 : i32
      %dma_wait3A_277 = tpu.memref_slice %arg9[%dma_wait3A_275, %dma_wait3A_276] : memref<125x128xf32, #tpu.memory_space<vmem>> -> memref<80x128xf32, #tpu.memory_space<vmem>>
      %dma_wait3A_278 = arith.constant 0 : i32
      %dma_wait3A_279 = tpu.memref_slice %arg11[%mul3A_274, %dma_wait3A_278] : memref<10000x128xf32, #tpu.memory_space<vmem_shared>> -> memref<80x128xf32, #tpu.memory_space<vmem_shared>>
      %dma_wait3A_280 = arith.constant 0 : i32
      %dma_wait3A_281 = arith.constant 0 : i32
      %dma_wait3A_282 = tpu.memref_slice %arg9[%dma_wait3A_280, %dma_wait3A_281] : memref<125x128xf32, #tpu.memory_space<vmem>> -> memref<80x128xf32, #tpu.memory_space<vmem>>
      %dma_wait3A_283 = arith.constant 0 : i32
      %dma_wait3A_284 = tpu.memref_slice %arg11[%mul3A_274, %dma_wait3A_283] : memref<10000x128xf32, #tpu.memory_space<vmem_shared>> -> memref<80x128xf32, #tpu.memory_space<vmem_shared>>
      tpu.wait_dma2 semaphore(%arg13 : memref<!tpu.dma_semaphore, #tpu.memory_space<semaphore_mem>>) src(%dma_wait3A_284 : memref<80x128xf32, #tpu.memory_space<vmem_shared>>) dst(%dma_wait3A_282 : memref<80x128xf32, #tpu.memory_space<vmem>>)
      %mul3A_285 = arith.constant 80 : i32
      %mul3A_286 = arith.muli %add3A_225, %mul3A_285 : i32
      %dma_start3A_287 = arith.constant 0 : i32
      %dma_start3A_288 = arith.constant 0 : i32
      %dma_start3A_289 = tpu.memref_slice %arg9[%dma_start3A_287, %dma_start3A_288] : memref<125x128xf32, #tpu.memory_space<vmem>> -> memref<80x128xf32, #tpu.memory_space<vmem>>
      %dma_start3A_290 = arith.constant 0 : i32
      %dma_start3A_291 = tpu.memref_slice %arg5[%arg0, %mul3A_286, %dma_start3A_290] : memref<2x10000x128xf32, #tpu.memory_space<hbm>> -> memref<1x80x128xf32, #tpu.memory_space<hbm>>
      %dma_start3A_292 = tpu.memref_squeeze %dma_start3A_291 : memref<1x80x128xf32, #tpu.memory_space<hbm>> -> memref<80x128xf32, #tpu.memory_space<hbm>>
      %dma_start3A_293 = arith.constant 0 : i32
      %dma_start3A_294 = tpu.memref_slice %arg5[%arg0, %mul3A_286, %dma_start3A_293] : memref<2x10000x128xf32, #tpu.memory_space<hbm>> -> memref<1x80x128xf32, #tpu.memory_space<hbm>>
      %dma_start3A_295 = tpu.memref_squeeze %dma_start3A_294 : memref<1x80x128xf32, #tpu.memory_space<hbm>> -> memref<80x128xf32, #tpu.memory_space<hbm>>
      %dma_start3A_296 = arith.constant 0 : i32
      %dma_start3A_297 = arith.constant 0 : i32
      %dma_start3A_298 = tpu.memref_slice %arg9[%dma_start3A_296, %dma_start3A_297] : memref<125x128xf32, #tpu.memory_space<vmem>> -> memref<80x128xf32, #tpu.memory_space<vmem>>
      tpu.enqueue_dma source(%dma_start3A_298 : memref<80x128xf32, #tpu.memory_space<vmem>>) target(%dma_start3A_295 : memref<80x128xf32, #tpu.memory_space<hbm>>) target_semaphore(%arg15 : memref<!tpu.dma_semaphore, #tpu.memory_space<semaphore_mem>>)
    } else {
    }
    %add3A_231 = arith.constant 80 : i32
    %add3A_232 = arith.addi %add3A_231, %arg1 : i32
    %lt3A_233 = arith.constant 125 : i32
    %lt3A_234 = arith.cmpi slt, %add3A_232, %lt3A_233 : i32
    %convert_element_type3A_235 = arith.extui %lt3A_234 : i1 to i32
    %cond3A_236 = arith.constant 0 : i32
    %cond3A_237 = arith.cmpi ne, %convert_element_type3A_235, %cond3A_236 : i32
    scf.if %cond3A_237 {
      %mul3A_273 = arith.constant 80 : i32
      %mul3A_274 = arith.muli %add3A_232, %mul3A_273 : i32
      %dma_wait3A_275 = arith.constant 0 : i32
      %dma_wait3A_276 = arith.constant 0 : i32
      %dma_wait3A_277 = tpu.memref_slice %arg9[%dma_wait3A_275, %dma_wait3A_276] : memref<125x128xf32, #tpu.memory_space<vmem>> -> memref<80x128xf32, #tpu.memory_space<vmem>>
      %dma_wait3A_278 = arith.constant 0 : i32
      %dma_wait3A_279 = tpu.memref_slice %arg5[%arg0, %mul3A_274, %dma_wait3A_278] : memref<2x10000x128xf32, #tpu.memory_space<hbm>> -> memref<1x80x128xf32, #tpu.memory_space<hbm>>
      %dma_wait3A_280 = tpu.memref_squeeze %dma_wait3A_279 : memref<1x80x128xf32, #tpu.memory_space<hbm>> -> memref<80x128xf32, #tpu.memory_space<hbm>>
      %dma_wait3A_281 = arith.constant 0 : i32
      %dma_wait3A_282 = tpu.memref_slice %arg5[%arg0, %mul3A_274, %dma_wait3A_281] : memref<2x10000x128xf32, #tpu.memory_space<hbm>> -> memref<1x80x128xf32, #tpu.memory_space<hbm>>
      %dma_wait3A_283 = tpu.memref_squeeze %dma_wait3A_282 : memref<1x80x128xf32, #tpu.memory_space<hbm>> -> memref<80x128xf32, #tpu.memory_space<hbm>>
      %dma_wait3A_284 = arith.constant 0 : i32
      %dma_wait3A_285 = arith.constant 0 : i32
      %dma_wait3A_286 = tpu.memref_slice %arg9[%dma_wait3A_284, %dma_wait3A_285] : memref<125x128xf32, #tpu.memory_space<vmem>> -> memref<80x128xf32, #tpu.memory_space<vmem>>
      tpu.wait_dma2 semaphore(%arg15 : memref<!tpu.dma_semaphore, #tpu.memory_space<semaphore_mem>>) src(%dma_wait3A_286 : memref<80x128xf32, #tpu.memory_space<vmem>>) dst(%dma_wait3A_283 : memref<80x128xf32, #tpu.memory_space<hbm>>)
    } else {
    }
    %add3A_238 = arith.constant 112 : i32
    %add3A_239 = arith.addi %add3A_238, %arg1 : i32
    %lt3A_240 = arith.constant 125 : i32
    %lt3A_241 = arith.cmpi slt, %add3A_239, %lt3A_240 : i32
    %convert_element_type3A_242 = arith.extui %lt3A_241 : i1 to i32
    %cond3A_243 = arith.constant 0 : i32
    %cond3A_244 = arith.cmpi ne, %convert_element_type3A_242, %cond3A_243 : i32
    scf.if %cond3A_244 {
      %mul3A_273 = arith.constant 80 : i32
      %mul3A_274 = arith.muli %add3A_239, %mul3A_273 : i32
      %dma_start3A_275 = arith.constant 0 : i32
      %dma_start3A_276 = arith.constant 0 : i32
      %dma_start3A_277 = tpu.memref_slice %arg9[%dma_start3A_275, %dma_start3A_276] : memref<125x128xf32, #tpu.memory_space<vmem>> -> memref<80x128xf32, #tpu.memory_space<vmem>>
      %dma_start3A_278 = arith.constant 0 : i32
      %dma_start3A_279 = tpu.memref_slice %arg11[%mul3A_274, %dma_start3A_278] : memref<10000x128xf32, #tpu.memory_space<vmem_shared>> -> memref<80x128xf32, #tpu.memory_space<vmem_shared>>
      %dma_start3A_280 = arith.constant 0 : i32
      %dma_start3A_281 = arith.constant 0 : i32
      %dma_start3A_282 = tpu.memref_slice %arg9[%dma_start3A_280, %dma_start3A_281] : memref<125x128xf32, #tpu.memory_space<vmem>> -> memref<80x128xf32, #tpu.memory_space<vmem>>
      %dma_start3A_283 = arith.constant 0 : i32
      %dma_start3A_284 = tpu.memref_slice %arg11[%mul3A_274, %dma_start3A_283] : memref<10000x128xf32, #tpu.memory_space<vmem_shared>> -> memref<80x128xf32, #tpu.memory_space<vmem_shared>>
      tpu.enqueue_dma source(%dma_start3A_284 : memref<80x128xf32, #tpu.memory_space<vmem_shared>>) target(%dma_start3A_282 : memref<80x128xf32, #tpu.memory_space<vmem>>) target_semaphore(%arg13 : memref<!tpu.dma_semaphore, #tpu.memory_space<semaphore_mem>>)
    } else {
    }
    %add3A_245 = arith.constant 96 : i32
    %add3A_246 = arith.addi %add3A_245, %arg1 : i32
    %lt3A_247 = arith.constant 125 : i32
    %lt3A_248 = arith.cmpi slt, %add3A_246, %lt3A_247 : i32
    %convert_element_type3A_249 = arith.extui %lt3A_248 : i1 to i32
    %cond3A_250 = arith.constant 0 : i32
    %cond3A_251 = arith.cmpi ne, %convert_element_type3A_249, %cond3A_250 : i32
    scf.if %cond3A_251 {
      %mul3A_273 = arith.constant 80 : i32
      %mul3A_274 = arith.muli %add3A_246, %mul3A_273 : i32
      %dma_wait3A_275 = arith.constant 0 : i32
      %dma_wait3A_276 = arith.constant 0 : i32
      %dma_wait3A_277 = tpu.memref_slice %arg8[%dma_wait3A_275, %dma_wait3A_276] : memref<125x128xf32, #tpu.memory_space<vmem>> -> memref<80x128xf32, #tpu.memory_space<vmem>>
      %dma_wait3A_278 = arith.constant 0 : i32
      %dma_wait3A_279 = tpu.memref_slice %arg11[%mul3A_274, %dma_wait3A_278] : memref<10000x128xf32, #tpu.memory_space<vmem_shared>> -> memref<80x128xf32, #tpu.memory_space<vmem_shared>>
      %dma_wait3A_280 = arith.constant 0 : i32
      %dma_wait3A_281 = arith.constant 0 : i32
      %dma_wait3A_282 = tpu.memref_slice %arg8[%dma_wait3A_280, %dma_wait3A_281] : memref<125x128xf32, #tpu.memory_space<vmem>> -> memref<80x128xf32, #tpu.memory_space<vmem>>
      %dma_wait3A_283 = arith.constant 0 : i32
      %dma_wait3A_284 = tpu.memref_slice %arg11[%mul3A_274, %dma_wait3A_283] : memref<10000x128xf32, #tpu.memory_space<vmem_shared>> -> memref<80x128xf32, #tpu.memory_space<vmem_shared>>
      tpu.wait_dma2 semaphore(%arg12 : memref<!tpu.dma_semaphore, #tpu.memory_space<semaphore_mem>>) src(%dma_wait3A_284 : memref<80x128xf32, #tpu.memory_space<vmem_shared>>) dst(%dma_wait3A_282 : memref<80x128xf32, #tpu.memory_space<vmem>>)
      %mul3A_285 = arith.constant 80 : i32
      %mul3A_286 = arith.muli %add3A_246, %mul3A_285 : i32
      %dma_start3A_287 = arith.constant 0 : i32
      %dma_start3A_288 = arith.constant 0 : i32
      %dma_start3A_289 = tpu.memref_slice %arg8[%dma_start3A_287, %dma_start3A_288] : memref<125x128xf32, #tpu.memory_space<vmem>> -> memref<80x128xf32, #tpu.memory_space<vmem>>
      %dma_start3A_290 = arith.constant 0 : i32
      %dma_start3A_291 = tpu.memref_slice %arg5[%arg0, %mul3A_286, %dma_start3A_290] : memref<2x10000x128xf32, #tpu.memory_space<hbm>> -> memref<1x80x128xf32, #tpu.memory_space<hbm>>
      %dma_start3A_292 = tpu.memref_squeeze %dma_start3A_291 : memref<1x80x128xf32, #tpu.memory_space<hbm>> -> memref<80x128xf32, #tpu.memory_space<hbm>>
      %dma_start3A_293 = arith.constant 0 : i32
      %dma_start3A_294 = tpu.memref_slice %arg5[%arg0, %mul3A_286, %dma_start3A_293] : memref<2x10000x128xf32, #tpu.memory_space<hbm>> -> memref<1x80x128xf32, #tpu.memory_space<hbm>>
      %dma_start3A_295 = tpu.memref_squeeze %dma_start3A_294 : memref<1x80x128xf32, #tpu.memory_space<hbm>> -> memref<80x128xf32, #tpu.memory_space<hbm>>
      %dma_start3A_296 = arith.constant 0 : i32
      %dma_start3A_297 = arith.constant 0 : i32
      %dma_start3A_298 = tpu.memref_slice %arg8[%dma_start3A_296, %dma_start3A_297] : memref<125x128xf32, #tpu.memory_space<vmem>> -> memref<80x128xf32, #tpu.memory_space<vmem>>
      tpu.enqueue_dma source(%dma_start3A_298 : memref<80x128xf32, #tpu.memory_space<vmem>>) target(%dma_start3A_295 : memref<80x128xf32, #tpu.memory_space<hbm>>) target_semaphore(%arg14 : memref<!tpu.dma_semaphore, #tpu.memory_space<semaphore_mem>>)
    } else {
    }
    %add3A_252 = arith.constant 112 : i32
    %add3A_253 = arith.addi %add3A_252, %arg1 : i32
    %lt3A_254 = arith.constant 125 : i32
    %lt3A_255 = arith.cmpi slt, %add3A_253, %lt3A_254 : i32
    %convert_element_type3A_256 = arith.extui %lt3A_255 : i1 to i32
    %cond3A_257 = arith.constant 0 : i32
    %cond3A_258 = arith.cmpi ne, %convert_element_type3A_256, %cond3A_257 : i32
    scf.if %cond3A_258 {
      %mul3A_273 = arith.constant 80 : i32
      %mul3A_274 = arith.muli %add3A_253, %mul3A_273 : i32
      %dma_wait3A_275 = arith.constant 0 : i32
      %dma_wait3A_276 = arith.constant 0 : i32
      %dma_wait3A_277 = tpu.memref_slice %arg9[%dma_wait3A_275, %dma_wait3A_276] : memref<125x128xf32, #tpu.memory_space<vmem>> -> memref<80x128xf32, #tpu.memory_space<vmem>>
      %dma_wait3A_278 = arith.constant 0 : i32
      %dma_wait3A_279 = tpu.memref_slice %arg11[%mul3A_274, %dma_wait3A_278] : memref<10000x128xf32, #tpu.memory_space<vmem_shared>> -> memref<80x128xf32, #tpu.memory_space<vmem_shared>>
      %dma_wait3A_280 = arith.constant 0 : i32
      %dma_wait3A_281 = arith.constant 0 : i32
      %dma_wait3A_282 = tpu.memref_slice %arg9[%dma_wait3A_280, %dma_wait3A_281] : memref<125x128xf32, #tpu.memory_space<vmem>> -> memref<80x128xf32, #tpu.memory_space<vmem>>
      %dma_wait3A_283 = arith.constant 0 : i32
      %dma_wait3A_284 = tpu.memref_slice %arg11[%mul3A_274, %dma_wait3A_283] : memref<10000x128xf32, #tpu.memory_space<vmem_shared>> -> memref<80x128xf32, #tpu.memory_space<vmem_shared>>
      tpu.wait_dma2 semaphore(%arg13 : memref<!tpu.dma_semaphore, #tpu.memory_space<semaphore_mem>>) src(%dma_wait3A_284 : memref<80x128xf32, #tpu.memory_space<vmem_shared>>) dst(%dma_wait3A_282 : memref<80x128xf32, #tpu.memory_space<vmem>>)
      %mul3A_285 = arith.constant 80 : i32
      %mul3A_286 = arith.muli %add3A_253, %mul3A_285 : i32
      %dma_start3A_287 = arith.constant 0 : i32
      %dma_start3A_288 = arith.constant 0 : i32
      %dma_start3A_289 = tpu.memref_slice %arg9[%dma_start3A_287, %dma_start3A_288] : memref<125x128xf32, #tpu.memory_space<vmem>> -> memref<80x128xf32, #tpu.memory_space<vmem>>
      %dma_start3A_290 = arith.constant 0 : i32
      %dma_start3A_291 = tpu.memref_slice %arg5[%arg0, %mul3A_286, %dma_start3A_290] : memref<2x10000x128xf32, #tpu.memory_space<hbm>> -> memref<1x80x128xf32, #tpu.memory_space<hbm>>
      %dma_start3A_292 = tpu.memref_squeeze %dma_start3A_291 : memref<1x80x128xf32, #tpu.memory_space<hbm>> -> memref<80x128xf32, #tpu.memory_space<hbm>>
      %dma_start3A_293 = arith.constant 0 : i32
      %dma_start3A_294 = tpu.memref_slice %arg5[%arg0, %mul3A_286, %dma_start3A_293] : memref<2x10000x128xf32, #tpu.memory_space<hbm>> -> memref<1x80x128xf32, #tpu.memory_space<hbm>>
      %dma_start3A_295 = tpu.memref_squeeze %dma_start3A_294 : memref<1x80x128xf32, #tpu.memory_space<hbm>> -> memref<80x128xf32, #tpu.memory_space<hbm>>
      %dma_start3A_296 = arith.constant 0 : i32
      %dma_start3A_297 = arith.constant 0 : i32
      %dma_start3A_298 = tpu.memref_slice %arg9[%dma_start3A_296, %dma_start3A_297] : memref<125x128xf32, #tpu.memory_space<vmem>> -> memref<80x128xf32, #tpu.memory_space<vmem>>
      tpu.enqueue_dma source(%dma_start3A_298 : memref<80x128xf32, #tpu.memory_space<vmem>>) target(%dma_start3A_295 : memref<80x128xf32, #tpu.memory_space<hbm>>) target_semaphore(%arg15 : memref<!tpu.dma_semaphore, #tpu.memory_space<semaphore_mem>>)
    } else {
    }
    %add3A_259 = arith.constant 96 : i32
    %add3A_260 = arith.addi %add3A_259, %arg1 : i32
    %lt3A_261 = arith.constant 125 : i32
    %lt3A_262 = arith.cmpi slt, %add3A_260, %lt3A_261 : i32
    %convert_element_type3A_263 = arith.extui %lt3A_262 : i1 to i32
    %cond3A_264 = arith.constant 0 : i32
    %cond3A_265 = arith.cmpi ne, %convert_element_type3A_263, %cond3A_264 : i32
    scf.if %cond3A_265 {
      %mul3A_273 = arith.constant 80 : i32
      %mul3A_274 = arith.muli %add3A_260, %mul3A_273 : i32
      %dma_wait3A_275 = arith.constant 0 : i32
      %dma_wait3A_276 = arith.constant 0 : i32
      %dma_wait3A_277 = tpu.memref_slice %arg8[%dma_wait3A_275, %dma_wait3A_276] : memref<125x128xf32, #tpu.memory_space<vmem>> -> memref<80x128xf32, #tpu.memory_space<vmem>>
      %dma_wait3A_278 = arith.constant 0 : i32
      %dma_wait3A_279 = tpu.memref_slice %arg5[%arg0, %mul3A_274, %dma_wait3A_278] : memref<2x10000x128xf32, #tpu.memory_space<hbm>> -> memref<1x80x128xf32, #tpu.memory_space<hbm>>
      %dma_wait3A_280 = tpu.memref_squeeze %dma_wait3A_279 : memref<1x80x128xf32, #tpu.memory_space<hbm>> -> memref<80x128xf32, #tpu.memory_space<hbm>>
      %dma_wait3A_281 = arith.constant 0 : i32
      %dma_wait3A_282 = tpu.memref_slice %arg5[%arg0, %mul3A_274, %dma_wait3A_281] : memref<2x10000x128xf32, #tpu.memory_space<hbm>> -> memref<1x80x128xf32, #tpu.memory_space<hbm>>
      %dma_wait3A_283 = tpu.memref_squeeze %dma_wait3A_282 : memref<1x80x128xf32, #tpu.memory_space<hbm>> -> memref<80x128xf32, #tpu.memory_space<hbm>>
      %dma_wait3A_284 = arith.constant 0 : i32
      %dma_wait3A_285 = arith.constant 0 : i32
      %dma_wait3A_286 = tpu.memref_slice %arg8[%dma_wait3A_284, %dma_wait3A_285] : memref<125x128xf32, #tpu.memory_space<vmem>> -> memref<80x128xf32, #tpu.memory_space<vmem>>
      tpu.wait_dma2 semaphore(%arg14 : memref<!tpu.dma_semaphore, #tpu.memory_space<semaphore_mem>>) src(%dma_wait3A_286 : memref<80x128xf32, #tpu.memory_space<vmem>>) dst(%dma_wait3A_283 : memref<80x128xf32, #tpu.memory_space<hbm>>)
    } else {
    }
    %add3A_266 = arith.constant 112 : i32
    %add3A_267 = arith.addi %add3A_266, %arg1 : i32
    %lt3A_268 = arith.constant 125 : i32
    %lt3A_269 = arith.cmpi slt, %add3A_267, %lt3A_268 : i32
    %convert_element_type3A_270 = arith.extui %lt3A_269 : i1 to i32
    %cond3A_271 = arith.constant 0 : i32
    %cond3A_272 = arith.cmpi ne, %convert_element_type3A_270, %cond3A_271 : i32
    scf.if %cond3A_272 {
      %mul3A_273 = arith.constant 80 : i32
      %mul3A_274 = arith.muli %add3A_267, %mul3A_273 : i32
      %dma_wait3A_275 = arith.constant 0 : i32
      %dma_wait3A_276 = arith.constant 0 : i32
      %dma_wait3A_277 = tpu.memref_slice %arg9[%dma_wait3A_275, %dma_wait3A_276] : memref<125x128xf32, #tpu.memory_space<vmem>> -> memref<80x128xf32, #tpu.memory_space<vmem>>
      %dma_wait3A_278 = arith.constant 0 : i32
      %dma_wait3A_279 = tpu.memref_slice %arg5[%arg0, %mul3A_274, %dma_wait3A_278] : memref<2x10000x128xf32, #tpu.memory_space<hbm>> -> memref<1x80x128xf32, #tpu.memory_space<hbm>>
      %dma_wait3A_280 = tpu.memref_squeeze %dma_wait3A_279 : memref<1x80x128xf32, #tpu.memory_space<hbm>> -> memref<80x128xf32, #tpu.memory_space<hbm>>
      %dma_wait3A_281 = arith.constant 0 : i32
      %dma_wait3A_282 = tpu.memref_slice %arg5[%arg0, %mul3A_274, %dma_wait3A_281] : memref<2x10000x128xf32, #tpu.memory_space<hbm>> -> memref<1x80x128xf32, #tpu.memory_space<hbm>>
      %dma_wait3A_283 = tpu.memref_squeeze %dma_wait3A_282 : memref<1x80x128xf32, #tpu.memory_space<hbm>> -> memref<80x128xf32, #tpu.memory_space<hbm>>
      %dma_wait3A_284 = arith.constant 0 : i32
      %dma_wait3A_285 = arith.constant 0 : i32
      %dma_wait3A_286 = tpu.memref_slice %arg9[%dma_wait3A_284, %dma_wait3A_285] : memref<125x128xf32, #tpu.memory_space<vmem>> -> memref<80x128xf32, #tpu.memory_space<vmem>>
      tpu.wait_dma2 semaphore(%arg15 : memref<!tpu.dma_semaphore, #tpu.memory_space<semaphore_mem>>) src(%dma_wait3A_286 : memref<80x128xf32, #tpu.memory_space<vmem>>) dst(%dma_wait3A_283 : memref<80x128xf32, #tpu.memory_space<hbm>>)
    } else {
    }
    return
  }
}

#map = affine_map<(d0, d1) -> (0, 0)>
#map1 = affine_map<(d0, d1) -> (0)>
module attributes {stable_mosaic.version = 14 : i64} {
  func.func @_degree_kernel(%arg0: i32, %arg1: i32, %arg2: memref<2x320000xi32, #tpu.memory_space<hbm>>, %arg3: memref<32x10000xf32, #tpu.memory_space<hbm>>, %arg4: memref<32x10000xf32, #tpu.memory_space<hbm>>, %arg5: memref<320000xi32, #tpu.memory_space<hbm>>, %arg6: memref<320000xi32, #tpu.memory_space<hbm>>, %arg7: memref<10112xi32, #tpu.memory_space<vmem>>, %arg8: memref<10112xi32, #tpu.memory_space<vmem>>, %arg9: memref<10000xf32, #tpu.memory_space<vmem>>, %arg10: memref<10000xf32, #tpu.memory_space<vmem>>, %arg11: memref<!tpu.dma_semaphore, #tpu.memory_space<semaphore_mem>>) attributes {dimension_semantics = [#tpu.dimension_semantics<core_parallel>, #tpu.dimension_semantics<subcore_parallel>], iteration_bounds = array<i64: 2, 16>, scalar_prefetch = 0 : i64, scratch_operands = 5 : i64, tpu.core_type = #tpu.core_type<sc_vector_subcore>, window_params = [{transform_indices = #map}, {transform_indices = #map}, {transform_indices = #map}, {transform_indices = #map1}, {transform_indices = #map1}]} {
    %mul3A = arith.constant 2 : i32
    %mul3A_0 = arith.muli %arg1, %mul3A : i32
    %add3A = arith.addi %mul3A_0, %arg0 : i32
    %mul3A_1 = arith.constant 10112 : i32
    %mul3A_2 = arith.muli %add3A, %mul3A_1 : i32
    %eq3A = arith.constant 31 : i32
    %eq3A_3 = arith.cmpi eq, %add3A, %eq3A : i32
    %not3A = arith.constant true
    %not3A_4 = arith.xori %eq3A_3, %not3A : i1
    %convert_element_type3A = arith.extui %not3A_4 : i1 to i32
    %cond3A = arith.constant 0 : i32
    %cond3A_5 = arith.cmpi ne, %convert_element_type3A, %cond3A : i32
    scf.if %cond3A_5 {
      %run_scoped3A = arith.constant 0 : i32
      "tpu.region"() ({
        %run_scoped3A_39 = tpu.sem_alloc : memref<!tpu.dma_semaphore, #tpu.memory_space<semaphore_mem>>
        %dma_start3A_40 = tpu.memref_slice %arg2[%run_scoped3A, %mul3A_2] : memref<2x320000xi32, #tpu.memory_space<hbm>> -> memref<1x10112xi32, #tpu.memory_space<hbm>>
        %dma_start3A_41 = tpu.memref_squeeze %dma_start3A_40 : memref<1x10112xi32, #tpu.memory_space<hbm>> -> memref<10112xi32, #tpu.memory_space<hbm>>
        %dma_start3A_42 = tpu.memref_slice %arg2[%run_scoped3A, %mul3A_2] : memref<2x320000xi32, #tpu.memory_space<hbm>> -> memref<1x10112xi32, #tpu.memory_space<hbm>>
        %dma_start3A_43 = tpu.memref_squeeze %dma_start3A_42 : memref<1x10112xi32, #tpu.memory_space<hbm>> -> memref<10112xi32, #tpu.memory_space<hbm>>
        tpu.enqueue_dma source(%dma_start3A_43 : memref<10112xi32, #tpu.memory_space<hbm>>) target(%arg7 : memref<10112xi32, #tpu.memory_space<vmem>>) target_semaphore(%run_scoped3A_39 : memref<!tpu.dma_semaphore, #tpu.memory_space<semaphore_mem>>)
        %dma_wait3A = tpu.memref_slice %arg2[%run_scoped3A, %mul3A_2] : memref<2x320000xi32, #tpu.memory_space<hbm>> -> memref<1x10112xi32, #tpu.memory_space<hbm>>
        %dma_wait3A_44 = tpu.memref_squeeze %dma_wait3A : memref<1x10112xi32, #tpu.memory_space<hbm>> -> memref<10112xi32, #tpu.memory_space<hbm>>
        %dma_wait3A_45 = tpu.memref_slice %arg2[%run_scoped3A, %mul3A_2] : memref<2x320000xi32, #tpu.memory_space<hbm>> -> memref<1x10112xi32, #tpu.memory_space<hbm>>
        %dma_wait3A_46 = tpu.memref_squeeze %dma_wait3A_45 : memref<1x10112xi32, #tpu.memory_space<hbm>> -> memref<10112xi32, #tpu.memory_space<hbm>>
        tpu.wait_dma2 semaphore(%run_scoped3A_39 : memref<!tpu.dma_semaphore, #tpu.memory_space<semaphore_mem>>) src(%dma_wait3A_46 : memref<10112xi32, #tpu.memory_space<hbm>>) dst(%arg7 : memref<10112xi32, #tpu.memory_space<vmem>>)
        tpu.yield
      }) : () -> ()
      %run_scoped3A_35 = arith.constant 1 : i32
      "tpu.region"() ({
        %run_scoped3A_39 = tpu.sem_alloc : memref<!tpu.dma_semaphore, #tpu.memory_space<semaphore_mem>>
        %dma_start3A_40 = tpu.memref_slice %arg2[%run_scoped3A_35, %mul3A_2] : memref<2x320000xi32, #tpu.memory_space<hbm>> -> memref<1x10112xi32, #tpu.memory_space<hbm>>
        %dma_start3A_41 = tpu.memref_squeeze %dma_start3A_40 : memref<1x10112xi32, #tpu.memory_space<hbm>> -> memref<10112xi32, #tpu.memory_space<hbm>>
        %dma_start3A_42 = tpu.memref_slice %arg2[%run_scoped3A_35, %mul3A_2] : memref<2x320000xi32, #tpu.memory_space<hbm>> -> memref<1x10112xi32, #tpu.memory_space<hbm>>
        %dma_start3A_43 = tpu.memref_squeeze %dma_start3A_42 : memref<1x10112xi32, #tpu.memory_space<hbm>> -> memref<10112xi32, #tpu.memory_space<hbm>>
        tpu.enqueue_dma source(%dma_start3A_43 : memref<10112xi32, #tpu.memory_space<hbm>>) target(%arg8 : memref<10112xi32, #tpu.memory_space<vmem>>) target_semaphore(%run_scoped3A_39 : memref<!tpu.dma_semaphore, #tpu.memory_space<semaphore_mem>>)
        %dma_wait3A = tpu.memref_slice %arg2[%run_scoped3A_35, %mul3A_2] : memref<2x320000xi32, #tpu.memory_space<hbm>> -> memref<1x10112xi32, #tpu.memory_space<hbm>>
        %dma_wait3A_44 = tpu.memref_squeeze %dma_wait3A : memref<1x10112xi32, #tpu.memory_space<hbm>> -> memref<10112xi32, #tpu.memory_space<hbm>>
        %dma_wait3A_45 = tpu.memref_slice %arg2[%run_scoped3A_35, %mul3A_2] : memref<2x320000xi32, #tpu.memory_space<hbm>> -> memref<1x10112xi32, #tpu.memory_space<hbm>>
        %dma_wait3A_46 = tpu.memref_squeeze %dma_wait3A_45 : memref<1x10112xi32, #tpu.memory_space<hbm>> -> memref<10112xi32, #tpu.memory_space<hbm>>
        tpu.wait_dma2 semaphore(%run_scoped3A_39 : memref<!tpu.dma_semaphore, #tpu.memory_space<semaphore_mem>>) src(%dma_wait3A_46 : memref<10112xi32, #tpu.memory_space<hbm>>) dst(%arg8 : memref<10112xi32, #tpu.memory_space<vmem>>)
        tpu.yield
      }) : () -> ()
      %dma_start3A = tpu.memref_slice %arg5[%mul3A_2] : memref<320000xi32, #tpu.memory_space<hbm>> -> memref<10112xi32, #tpu.memory_space<hbm>>
      %dma_start3A_36 = tpu.memref_slice %arg5[%mul3A_2] : memref<320000xi32, #tpu.memory_space<hbm>> -> memref<10112xi32, #tpu.memory_space<hbm>>
      tpu.enqueue_dma source(%arg7 : memref<10112xi32, #tpu.memory_space<vmem>>) target(%dma_start3A_36 : memref<10112xi32, #tpu.memory_space<hbm>>) target_semaphore(%arg11 : memref<!tpu.dma_semaphore, #tpu.memory_space<semaphore_mem>>)
      %dma_start3A_37 = tpu.memref_slice %arg6[%mul3A_2] : memref<320000xi32, #tpu.memory_space<hbm>> -> memref<10112xi32, #tpu.memory_space<hbm>>
      %dma_start3A_38 = tpu.memref_slice %arg6[%mul3A_2] : memref<320000xi32, #tpu.memory_space<hbm>> -> memref<10112xi32, #tpu.memory_space<hbm>>
      tpu.enqueue_dma source(%arg8 : memref<10112xi32, #tpu.memory_space<vmem>>) target(%dma_start3A_38 : memref<10112xi32, #tpu.memory_space<hbm>>) target_semaphore(%arg11 : memref<!tpu.dma_semaphore, #tpu.memory_space<semaphore_mem>>)
    } else {
    }
    %convert_element_type3A_6 = arith.extui %eq3A_3 : i1 to i32
    %cond3A_7 = arith.constant 0 : i32
    %cond3A_8 = arith.cmpi ne, %convert_element_type3A_6, %cond3A_7 : i32
    scf.if %cond3A_8 {
      %run_scoped3A = arith.constant 0 : i32
      "tpu.region"() ({
        %run_scoped3A_47 = tpu.sem_alloc : memref<!tpu.dma_semaphore, #tpu.memory_space<semaphore_mem>>
        %dma_start3A_48 = arith.constant 0 : i32
        %dma_start3A_49 = tpu.memref_slice %arg7[%dma_start3A_48] : memref<10112xi32, #tpu.memory_space<vmem>> -> memref<6528xi32, #tpu.memory_space<vmem>>
        %dma_start3A_50 = tpu.memref_slice %arg2[%run_scoped3A, %mul3A_2] : memref<2x320000xi32, #tpu.memory_space<hbm>> -> memref<1x6528xi32, #tpu.memory_space<hbm>>
        %dma_start3A_51 = tpu.memref_squeeze %dma_start3A_50 : memref<1x6528xi32, #tpu.memory_space<hbm>> -> memref<6528xi32, #tpu.memory_space<hbm>>
        %dma_start3A_52 = arith.constant 0 : i32
        %dma_start3A_53 = tpu.memref_slice %arg7[%dma_start3A_52] : memref<10112xi32, #tpu.memory_space<vmem>> -> memref<6528xi32, #tpu.memory_space<vmem>>
        %dma_start3A_54 = tpu.memref_slice %arg2[%run_scoped3A, %mul3A_2] : memref<2x320000xi32, #tpu.memory_space<hbm>> -> memref<1x6528xi32, #tpu.memory_space<hbm>>
        %dma_start3A_55 = tpu.memref_squeeze %dma_start3A_54 : memref<1x6528xi32, #tpu.memory_space<hbm>> -> memref<6528xi32, #tpu.memory_space<hbm>>
        tpu.enqueue_dma source(%dma_start3A_55 : memref<6528xi32, #tpu.memory_space<hbm>>) target(%dma_start3A_53 : memref<6528xi32, #tpu.memory_space<vmem>>) target_semaphore(%run_scoped3A_47 : memref<!tpu.dma_semaphore, #tpu.memory_space<semaphore_mem>>)
        %dma_wait3A = arith.constant 0 : i32
        %dma_wait3A_56 = tpu.memref_slice %arg7[%dma_wait3A] : memref<10112xi32, #tpu.memory_space<vmem>> -> memref<6528xi32, #tpu.memory_space<vmem>>
        %dma_wait3A_57 = tpu.memref_slice %arg2[%run_scoped3A, %mul3A_2] : memref<2x320000xi32, #tpu.memory_space<hbm>> -> memref<1x6528xi32, #tpu.memory_space<hbm>>
        %dma_wait3A_58 = tpu.memref_squeeze %dma_wait3A_57 : memref<1x6528xi32, #tpu.memory_space<hbm>> -> memref<6528xi32, #tpu.memory_space<hbm>>
        %dma_wait3A_59 = arith.constant 0 : i32
        %dma_wait3A_60 = tpu.memref_slice %arg7[%dma_wait3A_59] : memref<10112xi32, #tpu.memory_space<vmem>> -> memref<6528xi32, #tpu.memory_space<vmem>>
        %dma_wait3A_61 = tpu.memref_slice %arg2[%run_scoped3A, %mul3A_2] : memref<2x320000xi32, #tpu.memory_space<hbm>> -> memref<1x6528xi32, #tpu.memory_space<hbm>>
        %dma_wait3A_62 = tpu.memref_squeeze %dma_wait3A_61 : memref<1x6528xi32, #tpu.memory_space<hbm>> -> memref<6528xi32, #tpu.memory_space<hbm>>
        tpu.wait_dma2 semaphore(%run_scoped3A_47 : memref<!tpu.dma_semaphore, #tpu.memory_space<semaphore_mem>>) src(%dma_wait3A_62 : memref<6528xi32, #tpu.memory_space<hbm>>) dst(%dma_wait3A_60 : memref<6528xi32, #tpu.memory_space<vmem>>)
        tpu.yield
      }) : () -> ()
      %run_scoped3A_35 = arith.constant 1 : i32
      "tpu.region"() ({
        %run_scoped3A_47 = tpu.sem_alloc : memref<!tpu.dma_semaphore, #tpu.memory_space<semaphore_mem>>
        %dma_start3A_48 = arith.constant 0 : i32
        %dma_start3A_49 = tpu.memref_slice %arg8[%dma_start3A_48] : memref<10112xi32, #tpu.memory_space<vmem>> -> memref<6528xi32, #tpu.memory_space<vmem>>
        %dma_start3A_50 = tpu.memref_slice %arg2[%run_scoped3A_35, %mul3A_2] : memref<2x320000xi32, #tpu.memory_space<hbm>> -> memref<1x6528xi32, #tpu.memory_space<hbm>>
        %dma_start3A_51 = tpu.memref_squeeze %dma_start3A_50 : memref<1x6528xi32, #tpu.memory_space<hbm>> -> memref<6528xi32, #tpu.memory_space<hbm>>
        %dma_start3A_52 = arith.constant 0 : i32
        %dma_start3A_53 = tpu.memref_slice %arg8[%dma_start3A_52] : memref<10112xi32, #tpu.memory_space<vmem>> -> memref<6528xi32, #tpu.memory_space<vmem>>
        %dma_start3A_54 = tpu.memref_slice %arg2[%run_scoped3A_35, %mul3A_2] : memref<2x320000xi32, #tpu.memory_space<hbm>> -> memref<1x6528xi32, #tpu.memory_space<hbm>>
        %dma_start3A_55 = tpu.memref_squeeze %dma_start3A_54 : memref<1x6528xi32, #tpu.memory_space<hbm>> -> memref<6528xi32, #tpu.memory_space<hbm>>
        tpu.enqueue_dma source(%dma_start3A_55 : memref<6528xi32, #tpu.memory_space<hbm>>) target(%dma_start3A_53 : memref<6528xi32, #tpu.memory_space<vmem>>) target_semaphore(%run_scoped3A_47 : memref<!tpu.dma_semaphore, #tpu.memory_space<semaphore_mem>>)
        %dma_wait3A = arith.constant 0 : i32
        %dma_wait3A_56 = tpu.memref_slice %arg8[%dma_wait3A] : memref<10112xi32, #tpu.memory_space<vmem>> -> memref<6528xi32, #tpu.memory_space<vmem>>
        %dma_wait3A_57 = tpu.memref_slice %arg2[%run_scoped3A_35, %mul3A_2] : memref<2x320000xi32, #tpu.memory_space<hbm>> -> memref<1x6528xi32, #tpu.memory_space<hbm>>
        %dma_wait3A_58 = tpu.memref_squeeze %dma_wait3A_57 : memref<1x6528xi32, #tpu.memory_space<hbm>> -> memref<6528xi32, #tpu.memory_space<hbm>>
        %dma_wait3A_59 = arith.constant 0 : i32
        %dma_wait3A_60 = tpu.memref_slice %arg8[%dma_wait3A_59] : memref<10112xi32, #tpu.memory_space<vmem>> -> memref<6528xi32, #tpu.memory_space<vmem>>
        %dma_wait3A_61 = tpu.memref_slice %arg2[%run_scoped3A_35, %mul3A_2] : memref<2x320000xi32, #tpu.memory_space<hbm>> -> memref<1x6528xi32, #tpu.memory_space<hbm>>
        %dma_wait3A_62 = tpu.memref_squeeze %dma_wait3A_61 : memref<1x6528xi32, #tpu.memory_space<hbm>> -> memref<6528xi32, #tpu.memory_space<hbm>>
        tpu.wait_dma2 semaphore(%run_scoped3A_47 : memref<!tpu.dma_semaphore, #tpu.memory_space<semaphore_mem>>) src(%dma_wait3A_62 : memref<6528xi32, #tpu.memory_space<hbm>>) dst(%dma_wait3A_60 : memref<6528xi32, #tpu.memory_space<vmem>>)
        tpu.yield
      }) : () -> ()
      %dma_start3A = arith.constant 0 : i32
      %dma_start3A_36 = tpu.memref_slice %arg7[%dma_start3A] : memref<10112xi32, #tpu.memory_space<vmem>> -> memref<6528xi32, #tpu.memory_space<vmem>>
      %dma_start3A_37 = tpu.memref_slice %arg5[%mul3A_2] : memref<320000xi32, #tpu.memory_space<hbm>> -> memref<6528xi32, #tpu.memory_space<hbm>>
      %dma_start3A_38 = tpu.memref_slice %arg5[%mul3A_2] : memref<320000xi32, #tpu.memory_space<hbm>> -> memref<6528xi32, #tpu.memory_space<hbm>>
      %dma_start3A_39 = arith.constant 0 : i32
      %dma_start3A_40 = tpu.memref_slice %arg7[%dma_start3A_39] : memref<10112xi32, #tpu.memory_space<vmem>> -> memref<6528xi32, #tpu.memory_space<vmem>>
      tpu.enqueue_dma source(%dma_start3A_40 : memref<6528xi32, #tpu.memory_space<vmem>>) target(%dma_start3A_38 : memref<6528xi32, #tpu.memory_space<hbm>>) target_semaphore(%arg11 : memref<!tpu.dma_semaphore, #tpu.memory_space<semaphore_mem>>)
      %dma_start3A_41 = arith.constant 0 : i32
      %dma_start3A_42 = tpu.memref_slice %arg8[%dma_start3A_41] : memref<10112xi32, #tpu.memory_space<vmem>> -> memref<6528xi32, #tpu.memory_space<vmem>>
      %dma_start3A_43 = tpu.memref_slice %arg6[%mul3A_2] : memref<320000xi32, #tpu.memory_space<hbm>> -> memref<6528xi32, #tpu.memory_space<hbm>>
      %dma_start3A_44 = tpu.memref_slice %arg6[%mul3A_2] : memref<320000xi32, #tpu.memory_space<hbm>> -> memref<6528xi32, #tpu.memory_space<hbm>>
      %dma_start3A_45 = arith.constant 0 : i32
      %dma_start3A_46 = tpu.memref_slice %arg8[%dma_start3A_45] : memref<10112xi32, #tpu.memory_space<vmem>> -> memref<6528xi32, #tpu.memory_space<vmem>>
      tpu.enqueue_dma source(%dma_start3A_46 : memref<6528xi32, #tpu.memory_space<vmem>>) target(%dma_start3A_44 : memref<6528xi32, #tpu.memory_space<hbm>>) target_semaphore(%arg11 : memref<!tpu.dma_semaphore, #tpu.memory_space<semaphore_mem>>)
    } else {
    }
    %broadcast_in_dim3A = arith.constant 0.000000e+00 : f32
    %broadcast_in_dim3A_9 = vector.broadcast %broadcast_in_dim3A : f32 to vector<16xf32>
    %scan3A = arith.constant 0 : i32
    %scan3A_10 = arith.constant 0 : i32
    %scan3A_11 = arith.constant 625 : i32
    %scan3A_12 = arith.addi %scan3A_10, %scan3A_11 : i32
    %scan3A_13 = arith.constant 1 : i32
    scf.for %scan3A_35 = %scan3A_10 to %scan3A_12 step %scan3A_13  : i32 {
      %mul3A_36 = arith.constant 16 : i32
      %mul3A_37 = arith.muli %scan3A_35, %mul3A_36 : i32
      %swap3A = arith.index_cast %mul3A_37 : i32 to index
      %swap3A_38 = tpu.vector_load %arg9[%swap3A] {strides = array<i32>} : memref<10000xf32, #tpu.memory_space<vmem>>, vector<16xf32>,
      tpu.vector_store %arg9[%swap3A], %broadcast_in_dim3A_9 {strides = array<i32>} : memref<10000xf32, #tpu.memory_space<vmem>>, vector<16xf32>,
      %mul3A_39 = arith.constant 16 : i32
      %mul3A_40 = arith.muli %scan3A_35, %mul3A_39 : i32
      %swap3A_41 = arith.index_cast %mul3A_40 : i32 to index
      %swap3A_42 = tpu.vector_load %arg10[%swap3A_41] {strides = array<i32>} : memref<10000xf32, #tpu.memory_space<vmem>>, vector<16xf32>,
      tpu.vector_store %arg10[%swap3A_41], %broadcast_in_dim3A_9 {strides = array<i32>} : memref<10000xf32, #tpu.memory_space<vmem>>, vector<16xf32>,
    }
    %scan3A_14 = arith.constant 625 : i32
    %broadcast_in_dim3A_15 = arith.constant 1.000000e+00 : f32
    %broadcast_in_dim3A_16 = vector.broadcast %broadcast_in_dim3A_15 : f32 to vector<16xf32>
    %jit3A = arith.constant 408 : i32
    %jit3A_17 = arith.constant 632 : i32
    %select_n3A = arith.select %eq3A_3, %jit3A, %jit3A_17 : i32
    %while3A = arith.constant 0 : i32
    %while3A_18 = arith.constant 0 : i32
    %while3A_19 = arith.subi %select_n3A, %while3A_18 : i32
    %while3A_20 = arith.addi %while3A_18, %while3A_19 : i32
    %while3A_21 = arith.constant 1 : i32
    %while3A_22 = arith.divsi %while3A_19, %while3A_21 : i32
    %while3A_23 = arith.muli %while3A_22, %while3A_21 : i32
    %while3A_24 = arith.addi %while3A_18, %while3A_23 : i32
    %while3A_25 = arith.constant 1 : i32
    scf.for %while3A_35 = %while3A_18 to %while3A_24 step %while3A_25  : i32 {
      %mul3A_36 = arith.constant 16 : i32
      %mul3A_37 = arith.muli %while3A_35, %mul3A_36 : i32
      %get3A = arith.index_cast %mul3A_37 : i32 to index
      %get3A_38 = tpu.vector_load %arg7[%get3A] {strides = array<i32>} : memref<10112xi32, #tpu.memory_space<vmem>>, vector<16xi32>,
      %mul3A_39 = arith.constant 16 : i32
      %mul3A_40 = arith.muli %while3A_35, %mul3A_39 : i32
      %get3A_41 = arith.index_cast %mul3A_40 : i32 to index
      %get3A_42 = tpu.vector_load %arg8[%get3A_41] {strides = array<i32>} : memref<10112xi32, #tpu.memory_space<vmem>>, vector<16xi32>,
      tpu.vector_store_idx %arg9[%get3A_38], %broadcast_in_dim3A_16 {add = true} : memref<10000xf32, #tpu.memory_space<vmem>>[vector<16xi32>], vector<16xf32>,
      tpu.vector_store_idx %arg10[%get3A_42], %broadcast_in_dim3A_16 {add = true} : memref<10000xf32, #tpu.memory_space<vmem>>[vector<16xi32>], vector<16xf32>,
    }
    %while3A_26 = arith.constant 1 : i32
    scf.for %while3A_35 = %while3A_24 to %while3A_20 step %while3A_26  : i32 {
      %mul3A_36 = arith.constant 16 : i32
      %mul3A_37 = arith.muli %while3A_35, %mul3A_36 : i32
      %get3A = arith.index_cast %mul3A_37 : i32 to index
      %get3A_38 = tpu.vector_load %arg7[%get3A] {strides = array<i32>} : memref<10112xi32, #tpu.memory_space<vmem>>, vector<16xi32>,
      %mul3A_39 = arith.constant 16 : i32
      %mul3A_40 = arith.muli %while3A_35, %mul3A_39 : i32
      %get3A_41 = arith.index_cast %mul3A_40 : i32 to index
      %get3A_42 = tpu.vector_load %arg8[%get3A_41] {strides = array<i32>} : memref<10112xi32, #tpu.memory_space<vmem>>, vector<16xi32>,
      tpu.vector_store_idx %arg9[%get3A_38], %broadcast_in_dim3A_16 {add = true} : memref<10000xf32, #tpu.memory_space<vmem>>[vector<16xi32>], vector<16xf32>,
      tpu.vector_store_idx %arg10[%get3A_42], %broadcast_in_dim3A_16 {add = true} : memref<10000xf32, #tpu.memory_space<vmem>>[vector<16xi32>], vector<16xf32>,
    }
    "tpu.region"() ({
      %run_scoped3A = tpu.sem_alloc : memref<!tpu.dma_semaphore, #tpu.memory_space<semaphore_mem>>
      %dma_start3A = arith.constant 0 : i32
      %dma_start3A_35 = tpu.memref_slice %arg3[%add3A, %dma_start3A] : memref<32x10000xf32, #tpu.memory_space<hbm>> -> memref<1x10000xf32, #tpu.memory_space<hbm>>
      %dma_start3A_36 = tpu.memref_squeeze %dma_start3A_35 : memref<1x10000xf32, #tpu.memory_space<hbm>> -> memref<10000xf32, #tpu.memory_space<hbm>>
      %dma_start3A_37 = arith.constant 0 : i32
      %dma_start3A_38 = tpu.memref_slice %arg3[%add3A, %dma_start3A_37] : memref<32x10000xf32, #tpu.memory_space<hbm>> -> memref<1x10000xf32, #tpu.memory_space<hbm>>
      %dma_start3A_39 = tpu.memref_squeeze %dma_start3A_38 : memref<1x10000xf32, #tpu.memory_space<hbm>> -> memref<10000xf32, #tpu.memory_space<hbm>>
      tpu.enqueue_dma source(%arg9 : memref<10000xf32, #tpu.memory_space<vmem>>) target(%dma_start3A_39 : memref<10000xf32, #tpu.memory_space<hbm>>) target_semaphore(%run_scoped3A : memref<!tpu.dma_semaphore, #tpu.memory_space<semaphore_mem>>)
      %dma_wait3A = arith.constant 0 : i32
      %dma_wait3A_40 = tpu.memref_slice %arg3[%add3A, %dma_wait3A] : memref<32x10000xf32, #tpu.memory_space<hbm>> -> memref<1x10000xf32, #tpu.memory_space<hbm>>
      %dma_wait3A_41 = tpu.memref_squeeze %dma_wait3A_40 : memref<1x10000xf32, #tpu.memory_space<hbm>> -> memref<10000xf32, #tpu.memory_space<hbm>>
      %dma_wait3A_42 = arith.constant 0 : i32
      %dma_wait3A_43 = tpu.memref_slice %arg3[%add3A, %dma_wait3A_42] : memref<32x10000xf32, #tpu.memory_space<hbm>> -> memref<1x10000xf32, #tpu.memory_space<hbm>>
      %dma_wait3A_44 = tpu.memref_squeeze %dma_wait3A_43 : memref<1x10000xf32, #tpu.memory_space<hbm>> -> memref<10000xf32, #tpu.memory_space<hbm>>
      tpu.wait_dma2 semaphore(%run_scoped3A : memref<!tpu.dma_semaphore, #tpu.memory_space<semaphore_mem>>) src(%arg9 : memref<10000xf32, #tpu.memory_space<vmem>>) dst(%dma_wait3A_44 : memref<10000xf32, #tpu.memory_space<hbm>>)
      tpu.yield
    }) : () -> ()
    "tpu.region"() ({
      %run_scoped3A = tpu.sem_alloc : memref<!tpu.dma_semaphore, #tpu.memory_space<semaphore_mem>>
      %dma_start3A = arith.constant 0 : i32
      %dma_start3A_35 = tpu.memref_slice %arg4[%add3A, %dma_start3A] : memref<32x10000xf32, #tpu.memory_space<hbm>> -> memref<1x10000xf32, #tpu.memory_space<hbm>>
      %dma_start3A_36 = tpu.memref_squeeze %dma_start3A_35 : memref<1x10000xf32, #tpu.memory_space<hbm>> -> memref<10000xf32, #tpu.memory_space<hbm>>
      %dma_start3A_37 = arith.constant 0 : i32
      %dma_start3A_38 = tpu.memref_slice %arg4[%add3A, %dma_start3A_37] : memref<32x10000xf32, #tpu.memory_space<hbm>> -> memref<1x10000xf32, #tpu.memory_space<hbm>>
      %dma_start3A_39 = tpu.memref_squeeze %dma_start3A_38 : memref<1x10000xf32, #tpu.memory_space<hbm>> -> memref<10000xf32, #tpu.memory_space<hbm>>
      tpu.enqueue_dma source(%arg10 : memref<10000xf32, #tpu.memory_space<vmem>>) target(%dma_start3A_39 : memref<10000xf32, #tpu.memory_space<hbm>>) target_semaphore(%run_scoped3A : memref<!tpu.dma_semaphore, #tpu.memory_space<semaphore_mem>>)
      %dma_wait3A = arith.constant 0 : i32
      %dma_wait3A_40 = tpu.memref_slice %arg4[%add3A, %dma_wait3A] : memref<32x10000xf32, #tpu.memory_space<hbm>> -> memref<1x10000xf32, #tpu.memory_space<hbm>>
      %dma_wait3A_41 = tpu.memref_squeeze %dma_wait3A_40 : memref<1x10000xf32, #tpu.memory_space<hbm>> -> memref<10000xf32, #tpu.memory_space<hbm>>
      %dma_wait3A_42 = arith.constant 0 : i32
      %dma_wait3A_43 = tpu.memref_slice %arg4[%add3A, %dma_wait3A_42] : memref<32x10000xf32, #tpu.memory_space<hbm>> -> memref<1x10000xf32, #tpu.memory_space<hbm>>
      %dma_wait3A_44 = tpu.memref_squeeze %dma_wait3A_43 : memref<1x10000xf32, #tpu.memory_space<hbm>> -> memref<10000xf32, #tpu.memory_space<hbm>>
      tpu.wait_dma2 semaphore(%run_scoped3A : memref<!tpu.dma_semaphore, #tpu.memory_space<semaphore_mem>>) src(%arg10 : memref<10000xf32, #tpu.memory_space<vmem>>) dst(%dma_wait3A_44 : memref<10000xf32, #tpu.memory_space<hbm>>)
      tpu.yield
    }) : () -> ()
    %not3A_27 = arith.constant true
    %not3A_28 = arith.xori %eq3A_3, %not3A_27 : i1
    %convert_element_type3A_29 = arith.extui %not3A_28 : i1 to i32
    %cond3A_30 = arith.constant 0 : i32
    %cond3A_31 = arith.cmpi ne, %convert_element_type3A_29, %cond3A_30 : i32
    scf.if %cond3A_31 {
      %dma_wait3A = tpu.memref_slice %arg5[%mul3A_2] : memref<320000xi32, #tpu.memory_space<hbm>> -> memref<10112xi32, #tpu.memory_space<hbm>>
      %dma_wait3A_35 = tpu.memref_slice %arg5[%mul3A_2] : memref<320000xi32, #tpu.memory_space<hbm>> -> memref<10112xi32, #tpu.memory_space<hbm>>
      tpu.wait_dma2 semaphore(%arg11 : memref<!tpu.dma_semaphore, #tpu.memory_space<semaphore_mem>>) src(%arg7 : memref<10112xi32, #tpu.memory_space<vmem>>) dst(%dma_wait3A_35 : memref<10112xi32, #tpu.memory_space<hbm>>)
      %dma_wait3A_36 = tpu.memref_slice %arg6[%mul3A_2] : memref<320000xi32, #tpu.memory_space<hbm>> -> memref<10112xi32, #tpu.memory_space<hbm>>
      %dma_wait3A_37 = tpu.memref_slice %arg6[%mul3A_2] : memref<320000xi32, #tpu.memory_space<hbm>> -> memref<10112xi32, #tpu.memory_space<hbm>>
      tpu.wait_dma2 semaphore(%arg11 : memref<!tpu.dma_semaphore, #tpu.memory_space<semaphore_mem>>) src(%arg8 : memref<10112xi32, #tpu.memory_space<vmem>>) dst(%dma_wait3A_37 : memref<10112xi32, #tpu.memory_space<hbm>>)
    } else {
    }
    %convert_element_type3A_32 = arith.extui %eq3A_3 : i1 to i32
    %cond3A_33 = arith.constant 0 : i32
    %cond3A_34 = arith.cmpi ne, %convert_element_type3A_32, %cond3A_33 : i32
    scf.if %cond3A_34 {
      %dma_wait3A = arith.constant 0 : i32
      %dma_wait3A_35 = tpu.memref_slice %arg7[%dma_wait3A] : memref<10112xi32, #tpu.memory_space<vmem>> -> memref<6528xi32, #tpu.memory_space<vmem>>
      %dma_wait3A_36 = tpu.memref_slice %arg5[%mul3A_2] : memref<320000xi32, #tpu.memory_space<hbm>> -> memref<6528xi32, #tpu.memory_space<hbm>>
      %dma_wait3A_37 = tpu.memref_slice %arg5[%mul3A_2] : memref<320000xi32, #tpu.memory_space<hbm>> -> memref<6528xi32, #tpu.memory_space<hbm>>
      %dma_wait3A_38 = arith.constant 0 : i32
      %dma_wait3A_39 = tpu.memref_slice %arg7[%dma_wait3A_38] : memref<10112xi32, #tpu.memory_space<vmem>> -> memref<6528xi32, #tpu.memory_space<vmem>>
      tpu.wait_dma2 semaphore(%arg11 : memref<!tpu.dma_semaphore, #tpu.memory_space<semaphore_mem>>) src(%dma_wait3A_39 : memref<6528xi32, #tpu.memory_space<vmem>>) dst(%dma_wait3A_37 : memref<6528xi32, #tpu.memory_space<hbm>>)
      %dma_wait3A_40 = arith.constant 0 : i32
      %dma_wait3A_41 = tpu.memref_slice %arg8[%dma_wait3A_40] : memref<10112xi32, #tpu.memory_space<vmem>> -> memref<6528xi32, #tpu.memory_space<vmem>>
      %dma_wait3A_42 = tpu.memref_slice %arg6[%mul3A_2] : memref<320000xi32, #tpu.memory_space<hbm>> -> memref<6528xi32, #tpu.memory_space<hbm>>
      %dma_wait3A_43 = tpu.memref_slice %arg6[%mul3A_2] : memref<320000xi32, #tpu.memory_space<hbm>> -> memref<6528xi32, #tpu.memory_space<hbm>>
      %dma_wait3A_44 = arith.constant 0 : i32
      %dma_wait3A_45 = tpu.memref_slice %arg8[%dma_wait3A_44] : memref<10112xi32, #tpu.memory_space<vmem>> -> memref<6528xi32, #tpu.memory_space<vmem>>
      tpu.wait_dma2 semaphore(%arg11 : memref<!tpu.dma_semaphore, #tpu.memory_space<semaphore_mem>>) src(%dma_wait3A_45 : memref<6528xi32, #tpu.memory_space<vmem>>) dst(%dma_wait3A_43 : memref<6528xi32, #tpu.memory_space<hbm>>)
    } else {
    }
    return
  }
}

#map = affine_map<(d0, d1) -> (0, 0)>
#map1 = affine_map<(d0, d1) -> (0, 0, 0)>
module attributes {stable_mosaic.version = 14 : i64} {
  func.func @_agg_kernel(%arg0: i32, %arg1: i32, %arg2: memref<10000x48xf32, #tpu.memory_space<hbm>>, %arg3: memref<32x80x125xi32, #tpu.memory_space<hbm>>, %arg4: memref<32x80x125xi32, #tpu.memory_space<hbm>>, %arg5: memref<2x10000x48xf32, #tpu.memory_space<hbm>>, %arg6: memref<2x8x125xi32, #tpu.memory_space<vmem>>, %arg7: memref<2x8x125xi32, #tpu.memory_space<vmem>>, %arg8: memref<125x48xf32, #tpu.memory_space<vmem>>, %arg9: memref<125x48xf32, #tpu.memory_space<vmem>>, %arg10: memref<125x48xf32, #tpu.memory_space<vmem>>, %arg11: memref<125x48xf32, #tpu.memory_space<vmem>>, %arg12: memref<80x48xf32, #tpu.memory_space<vmem>>, %arg13: memref<10000x48xf32, #tpu.memory_space<vmem_shared>>, %arg14: memref<!tpu.dma_semaphore, #tpu.memory_space<semaphore_mem>>, %arg15: memref<!tpu.dma_semaphore, #tpu.memory_space<semaphore_mem>>, %arg16: memref<!tpu.dma_semaphore, #tpu.memory_space<semaphore_mem>>, %arg17: memref<!tpu.dma_semaphore, #tpu.memory_space<semaphore_mem>>, %arg18: memref<!tpu.dma_semaphore, #tpu.memory_space<semaphore_mem>>, %arg19: memref<!tpu.dma_semaphore, #tpu.memory_space<semaphore_mem>>, %arg20: memref<!tpu.dma_semaphore, #tpu.memory_space<semaphore_mem>>, %arg21: memref<!tpu.dma_semaphore, #tpu.memory_space<semaphore_mem>>, %arg22: memref<!tpu.dma_semaphore, #tpu.memory_space<semaphore_mem>>, %arg23: memref<!tpu.dma_semaphore, #tpu.memory_space<semaphore_mem>>) attributes {dimension_semantics = [#tpu.dimension_semantics<core_parallel>, #tpu.dimension_semantics<subcore_parallel>], iteration_bounds = array<i64: 2, 16>, scalar_prefetch = 0 : i64, scratch_operands = 18 : i64, tpu.core_type = #tpu.core_type<sc_vector_subcore>, window_params = [{transform_indices = #map}, {transform_indices = #map1}, {transform_indices = #map1}, {transform_indices = #map1}]} {
    %mul3A = arith.constant 2 : i32
    %mul3A_0 = arith.muli %arg1, %mul3A : i32
    %add3A = arith.addi %mul3A_0, %arg0 : i32
    %dma_start3A = arith.constant 0 : i32
    %dma_start3A_1 = arith.constant 0 : i32
    %dma_start3A_2 = arith.constant 0 : i32
    %dma_start3A_3 = tpu.memref_slice %arg6[%dma_start3A, %dma_start3A_1, %dma_start3A_2] : memref<2x8x125xi32, #tpu.memory_space<vmem>> -> memref<1x8x125xi32, #tpu.memory_space<vmem>>
    %dma_start3A_4 = tpu.memref_squeeze %dma_start3A_3 : memref<1x8x125xi32, #tpu.memory_space<vmem>> -> memref<8x125xi32, #tpu.memory_space<vmem>>
    %dma_start3A_5 = arith.constant 0 : i32
    %dma_start3A_6 = arith.constant 0 : i32
    %dma_start3A_7 = tpu.memref_slice %arg3[%add3A, %dma_start3A_5, %dma_start3A_6] : memref<32x80x125xi32, #tpu.memory_space<hbm>> -> memref<1x8x125xi32, #tpu.memory_space<hbm>>
    %dma_start3A_8 = tpu.memref_squeeze %dma_start3A_7 : memref<1x8x125xi32, #tpu.memory_space<hbm>> -> memref<8x125xi32, #tpu.memory_space<hbm>>
    %dma_start3A_9 = arith.constant 0 : i32
    %dma_start3A_10 = arith.constant 0 : i32
    %dma_start3A_11 = tpu.memref_slice %arg6[%dma_start3A, %dma_start3A_9, %dma_start3A_10] : memref<2x8x125xi32, #tpu.memory_space<vmem>> -> memref<1x8x125xi32, #tpu.memory_space<vmem>>
    %dma_start3A_12 = tpu.memref_squeeze %dma_start3A_11 : memref<1x8x125xi32, #tpu.memory_space<vmem>> -> memref<8x125xi32, #tpu.memory_space<vmem>>
    %dma_start3A_13 = arith.constant 0 : i32
    %dma_start3A_14 = arith.constant 0 : i32
    %dma_start3A_15 = tpu.memref_slice %arg3[%add3A, %dma_start3A_13, %dma_start3A_14] : memref<32x80x125xi32, #tpu.memory_space<hbm>> -> memref<1x8x125xi32, #tpu.memory_space<hbm>>
    %dma_start3A_16 = tpu.memref_squeeze %dma_start3A_15 : memref<1x8x125xi32, #tpu.memory_space<hbm>> -> memref<8x125xi32, #tpu.memory_space<hbm>>
    tpu.enqueue_dma source(%dma_start3A_16 : memref<8x125xi32, #tpu.memory_space<hbm>>) target(%dma_start3A_12 : memref<8x125xi32, #tpu.memory_space<vmem>>) target_semaphore(%arg22 : memref<!tpu.dma_semaphore, #tpu.memory_space<semaphore_mem>>)
    %dma_start3A_17 = arith.constant 0 : i32
    %dma_start3A_18 = arith.constant 0 : i32
    %dma_start3A_19 = arith.constant 0 : i32
    %dma_start3A_20 = tpu.memref_slice %arg7[%dma_start3A_17, %dma_start3A_18, %dma_start3A_19] : memref<2x8x125xi32, #tpu.memory_space<vmem>> -> memref<1x8x125xi32, #tpu.memory_space<vmem>>
    %dma_start3A_21 = tpu.memref_squeeze %dma_start3A_20 : memref<1x8x125xi32, #tpu.memory_space<vmem>> -> memref<8x125xi32, #tpu.memory_space<vmem>>
    %dma_start3A_22 = arith.constant 0 : i32
    %dma_start3A_23 = arith.constant 0 : i32
    %dma_start3A_24 = tpu.memref_slice %arg4[%add3A, %dma_start3A_22, %dma_start3A_23] : memref<32x80x125xi32, #tpu.memory_space<hbm>> -> memref<1x8x125xi32, #tpu.memory_space<hbm>>
    %dma_start3A_25 = tpu.memref_squeeze %dma_start3A_24 : memref<1x8x125xi32, #tpu.memory_space<hbm>> -> memref<8x125xi32, #tpu.memory_space<hbm>>
    %dma_start3A_26 = arith.constant 0 : i32
    %dma_start3A_27 = arith.constant 0 : i32
    %dma_start3A_28 = tpu.memref_slice %arg7[%dma_start3A_17, %dma_start3A_26, %dma_start3A_27] : memref<2x8x125xi32, #tpu.memory_space<vmem>> -> memref<1x8x125xi32, #tpu.memory_space<vmem>>
    %dma_start3A_29 = tpu.memref_squeeze %dma_start3A_28 : memref<1x8x125xi32, #tpu.memory_space<vmem>> -> memref<8x125xi32, #tpu.memory_space<vmem>>
    %dma_start3A_30 = arith.constant 0 : i32
    %dma_start3A_31 = arith.constant 0 : i32
    %dma_start3A_32 = tpu.memref_slice %arg4[%add3A, %dma_start3A_30, %dma_start3A_31] : memref<32x80x125xi32, #tpu.memory_space<hbm>> -> memref<1x8x125xi32, #tpu.memory_space<hbm>>
    %dma_start3A_33 = tpu.memref_squeeze %dma_start3A_32 : memref<1x8x125xi32, #tpu.memory_space<hbm>> -> memref<8x125xi32, #tpu.memory_space<hbm>>
    tpu.enqueue_dma source(%dma_start3A_33 : memref<8x125xi32, #tpu.memory_space<hbm>>) target(%dma_start3A_29 : memref<8x125xi32, #tpu.memory_space<vmem>>) target_semaphore(%arg23 : memref<!tpu.dma_semaphore, #tpu.memory_space<semaphore_mem>>)
    %broadcast_in_dim3A = arith.constant 0.000000e+00 : f32
    %broadcast_in_dim3A_34 = vector.broadcast %broadcast_in_dim3A : f32 to vector<16xf32>
    %scan3A = arith.constant 0 : i32
    %scan3A_35 = arith.constant 0 : i32
    %scan3A_36 = arith.constant 240 : i32
    %scan3A_37 = arith.addi %scan3A_35, %scan3A_36 : i32
    %scan3A_38 = arith.constant 1 : i32
    scf.for %scan3A_289 = %scan3A_35 to %scan3A_37 step %scan3A_38  : i32 {
      %jit3A = arith.constant 3 : i32
      %div3A = arith.divsi %scan3A_289, %jit3A : i32
      %sign3A = arith.constant 0 : i32
      %sign3A_290 = arith.cmpi sgt, %scan3A_289, %sign3A : i32
      %sign3A_291 = arith.extui %sign3A_290 : i1 to i32
      %sign3A_292 = arith.constant 0 : i32
      %sign3A_293 = arith.cmpi slt, %scan3A_289, %sign3A_292 : i32
      %sign3A_294 = arith.extui %sign3A_293 : i1 to i32
      %sign3A_295 = arith.subi %sign3A_291, %sign3A_294 : i32
      %sign3A_296 = arith.constant 0 : i32
      %sign3A_297 = arith.cmpi sgt, %jit3A, %sign3A_296 : i32
      %sign3A_298 = arith.extui %sign3A_297 : i1 to i32
      %sign3A_299 = arith.constant 0 : i32
      %sign3A_300 = arith.cmpi slt, %jit3A, %sign3A_299 : i32
      %sign3A_301 = arith.extui %sign3A_300 : i1 to i32
      %sign3A_302 = arith.subi %sign3A_298, %sign3A_301 : i32
      %ne3A = arith.cmpi ne, %sign3A_295, %sign3A_302 : i32
      %rem3A = arith.remsi %scan3A_289, %jit3A : i32
      %ne3A_303 = arith.constant 0 : i32
      %ne3A_304 = arith.cmpi ne, %rem3A, %ne3A_303 : i32
      %and3A = arith.andi %ne3A, %ne3A_304 : i1
      %sub3A = arith.constant 1 : i32
      %sub3A_305 = arith.subi %div3A, %sub3A : i32
      %select_n3A = arith.select %and3A, %sub3A_305, %div3A : i32
      %rem3A_306 = arith.constant 3 : i32
      %rem3A_307 = arith.remsi %scan3A_289, %rem3A_306 : i32
      %mul3A_308 = arith.constant 16 : i32
      %mul3A_309 = arith.muli %rem3A_307, %mul3A_308 : i32
      %swap3A = arith.index_cast %select_n3A : i32 to index
      %swap3A_310 = arith.index_cast %mul3A_309 : i32 to index
      %swap3A_311 = tpu.vector_load %arg12[%swap3A, %swap3A_310] {strides = array<i32>} : memref<80x48xf32, #tpu.memory_space<vmem>>, vector<16xf32>,
      tpu.vector_store %arg12[%swap3A, %swap3A_310], %broadcast_in_dim3A_34 {strides = array<i32>} : memref<80x48xf32, #tpu.memory_space<vmem>>, vector<16xf32>,
    }
    %scan3A_39 = arith.constant 240 : i32
    %scan3A_40 = arith.constant 0 : i32
    %scan3A_41 = arith.constant 0 : i32
    %scan3A_42 = arith.constant 8 : i32
    %scan3A_43 = arith.addi %scan3A_41, %scan3A_42 : i32
    %scan3A_44 = arith.constant 1 : i32
    scf.for %scan3A_289 = %scan3A_41 to %scan3A_43 step %scan3A_44  : i32 {
      %mul3A_290 = arith.constant 16 : i32
      %mul3A_291 = arith.muli %scan3A_289, %mul3A_290 : i32
      %add3A_292 = arith.addi %mul3A_291, %arg1 : i32
      %lt3A_293 = arith.constant 125 : i32
      %lt3A_294 = arith.cmpi slt, %add3A_292, %lt3A_293 : i32
      %convert_element_type3A_295 = arith.extui %lt3A_294 : i1 to i32
      %cond3A_296 = arith.constant 0 : i32
      %cond3A_297 = arith.cmpi ne, %convert_element_type3A_295, %cond3A_296 : i32
      scf.if %cond3A_297 {
        %mul3A_298 = arith.constant 80 : i32
        %mul3A_299 = arith.muli %add3A_292, %mul3A_298 : i32
        %dma_start3A_300 = arith.constant 0 : i32
        %dma_start3A_301 = tpu.memref_slice %arg13[%mul3A_299, %dma_start3A_300] : memref<10000x48xf32, #tpu.memory_space<vmem_shared>> -> memref<80x48xf32, #tpu.memory_space<vmem_shared>>
        %dma_start3A_302 = arith.constant 0 : i32
        %dma_start3A_303 = tpu.memref_slice %arg13[%mul3A_299, %dma_start3A_302] : memref<10000x48xf32, #tpu.memory_space<vmem_shared>> -> memref<80x48xf32, #tpu.memory_space<vmem_shared>>
        tpu.enqueue_dma source(%arg12 : memref<80x48xf32, #tpu.memory_space<vmem>>) target(%dma_start3A_303 : memref<80x48xf32, #tpu.memory_space<vmem_shared>>) target_semaphore(%arg18 : memref<!tpu.dma_semaphore, #tpu.memory_space<semaphore_mem>>)
      } else {
      }
    }
    %scan3A_45 = arith.constant 8 : i32
    %scan3A_46 = arith.constant 0 : i32
    %scan3A_47 = arith.constant 0 : i32
    %scan3A_48 = arith.constant 8 : i32
    %scan3A_49 = arith.addi %scan3A_47, %scan3A_48 : i32
    %scan3A_50 = arith.constant 1 : i32
    scf.for %scan3A_289 = %scan3A_47 to %scan3A_49 step %scan3A_50  : i32 {
      %mul3A_290 = arith.constant 16 : i32
      %mul3A_291 = arith.muli %scan3A_289, %mul3A_290 : i32
      %add3A_292 = arith.addi %mul3A_291, %arg1 : i32
      %lt3A_293 = arith.constant 125 : i32
      %lt3A_294 = arith.cmpi slt, %add3A_292, %lt3A_293 : i32
      %convert_element_type3A_295 = arith.extui %lt3A_294 : i1 to i32
      %cond3A_296 = arith.constant 0 : i32
      %cond3A_297 = arith.cmpi ne, %convert_element_type3A_295, %cond3A_296 : i32
      scf.if %cond3A_297 {
        %mul3A_298 = arith.constant 80 : i32
        %mul3A_299 = arith.muli %add3A_292, %mul3A_298 : i32
        %dma_wait3A_300 = arith.constant 0 : i32
        %dma_wait3A_301 = tpu.memref_slice %arg13[%mul3A_299, %dma_wait3A_300] : memref<10000x48xf32, #tpu.memory_space<vmem_shared>> -> memref<80x48xf32, #tpu.memory_space<vmem_shared>>
        %dma_wait3A_302 = arith.constant 0 : i32
        %dma_wait3A_303 = tpu.memref_slice %arg13[%mul3A_299, %dma_wait3A_302] : memref<10000x48xf32, #tpu.memory_space<vmem_shared>> -> memref<80x48xf32, #tpu.memory_space<vmem_shared>>
        tpu.wait_dma2 semaphore(%arg18 : memref<!tpu.dma_semaphore, #tpu.memory_space<semaphore_mem>>) src(%arg12 : memref<80x48xf32, #tpu.memory_space<vmem>>) dst(%dma_wait3A_303 : memref<80x48xf32, #tpu.memory_space<vmem_shared>>)
      } else {
      }
    }
    %scan3A_51 = arith.constant 8 : i32
    %barrier3A = arith.constant 0 : index
    tpu.barrier barrier_id(%barrier3A)
    %dma_wait3A = arith.constant 0 : i32
    %dma_wait3A_52 = arith.constant 0 : i32
    %dma_wait3A_53 = arith.constant 0 : i32
    %dma_wait3A_54 = tpu.memref_slice %arg6[%dma_wait3A, %dma_wait3A_52, %dma_wait3A_53] : memref<2x8x125xi32, #tpu.memory_space<vmem>> -> memref<1x8x125xi32, #tpu.memory_space<vmem>>
    %dma_wait3A_55 = tpu.memref_squeeze %dma_wait3A_54 : memref<1x8x125xi32, #tpu.memory_space<vmem>> -> memref<8x125xi32, #tpu.memory_space<vmem>>
    %dma_wait3A_56 = arith.constant 0 : i32
    %dma_wait3A_57 = arith.constant 0 : i32
    %dma_wait3A_58 = tpu.memref_slice %arg3[%add3A, %dma_wait3A_56, %dma_wait3A_57] : memref<32x80x125xi32, #tpu.memory_space<hbm>> -> memref<1x8x125xi32, #tpu.memory_space<hbm>>
    %dma_wait3A_59 = tpu.memref_squeeze %dma_wait3A_58 : memref<1x8x125xi32, #tpu.memory_space<hbm>> -> memref<8x125xi32, #tpu.memory_space<hbm>>
    %dma_wait3A_60 = arith.constant 0 : i32
    %dma_wait3A_61 = arith.constant 0 : i32
    %dma_wait3A_62 = tpu.memref_slice %arg6[%dma_wait3A, %dma_wait3A_60, %dma_wait3A_61] : memref<2x8x125xi32, #tpu.memory_space<vmem>> -> memref<1x8x125xi32, #tpu.memory_space<vmem>>
    %dma_wait3A_63 = tpu.memref_squeeze %dma_wait3A_62 : memref<1x8x125xi32, #tpu.memory_space<vmem>> -> memref<8x125xi32, #tpu.memory_space<vmem>>
    %dma_wait3A_64 = arith.constant 0 : i32
    %dma_wait3A_65 = arith.constant 0 : i32
    %dma_wait3A_66 = tpu.memref_slice %arg3[%add3A, %dma_wait3A_64, %dma_wait3A_65] : memref<32x80x125xi32, #tpu.memory_space<hbm>> -> memref<1x8x125xi32, #tpu.memory_space<hbm>>
    %dma_wait3A_67 = tpu.memref_squeeze %dma_wait3A_66 : memref<1x8x125xi32, #tpu.memory_space<hbm>> -> memref<8x125xi32, #tpu.memory_space<hbm>>
    tpu.wait_dma2 semaphore(%arg22 : memref<!tpu.dma_semaphore, #tpu.memory_space<semaphore_mem>>) src(%dma_wait3A_67 : memref<8x125xi32, #tpu.memory_space<hbm>>) dst(%dma_wait3A_63 : memref<8x125xi32, #tpu.memory_space<vmem>>)
    %dma_wait3A_68 = arith.constant 0 : i32
    %dma_wait3A_69 = arith.constant 0 : i32
    %dma_wait3A_70 = arith.constant 0 : i32
    %dma_wait3A_71 = tpu.memref_slice %arg7[%dma_wait3A_68, %dma_wait3A_69, %dma_wait3A_70] : memref<2x8x125xi32, #tpu.memory_space<vmem>> -> memref<1x8x125xi32, #tpu.memory_space<vmem>>
    %dma_wait3A_72 = tpu.memref_squeeze %dma_wait3A_71 : memref<1x8x125xi32, #tpu.memory_space<vmem>> -> memref<8x125xi32, #tpu.memory_space<vmem>>
    %dma_wait3A_73 = arith.constant 0 : i32
    %dma_wait3A_74 = arith.constant 0 : i32
    %dma_wait3A_75 = tpu.memref_slice %arg4[%add3A, %dma_wait3A_73, %dma_wait3A_74] : memref<32x80x125xi32, #tpu.memory_space<hbm>> -> memref<1x8x125xi32, #tpu.memory_space<hbm>>
    %dma_wait3A_76 = tpu.memref_squeeze %dma_wait3A_75 : memref<1x8x125xi32, #tpu.memory_space<hbm>> -> memref<8x125xi32, #tpu.memory_space<hbm>>
    %dma_wait3A_77 = arith.constant 0 : i32
    %dma_wait3A_78 = arith.constant 0 : i32
    %dma_wait3A_79 = tpu.memref_slice %arg7[%dma_wait3A_68, %dma_wait3A_77, %dma_wait3A_78] : memref<2x8x125xi32, #tpu.memory_space<vmem>> -> memref<1x8x125xi32, #tpu.memory_space<vmem>>
    %dma_wait3A_80 = tpu.memref_squeeze %dma_wait3A_79 : memref<1x8x125xi32, #tpu.memory_space<vmem>> -> memref<8x125xi32, #tpu.memory_space<vmem>>
    %dma_wait3A_81 = arith.constant 0 : i32
    %dma_wait3A_82 = arith.constant 0 : i32
    %dma_wait3A_83 = tpu.memref_slice %arg4[%add3A, %dma_wait3A_81, %dma_wait3A_82] : memref<32x80x125xi32, #tpu.memory_space<hbm>> -> memref<1x8x125xi32, #tpu.memory_space<hbm>>
    %dma_wait3A_84 = tpu.memref_squeeze %dma_wait3A_83 : memref<1x8x125xi32, #tpu.memory_space<hbm>> -> memref<8x125xi32, #tpu.memory_space<hbm>>
    tpu.wait_dma2 semaphore(%arg23 : memref<!tpu.dma_semaphore, #tpu.memory_space<semaphore_mem>>) src(%dma_wait3A_84 : memref<8x125xi32, #tpu.memory_space<hbm>>) dst(%dma_wait3A_80 : memref<8x125xi32, #tpu.memory_space<vmem>>)
    %dma_start3A_85 = arith.constant 0 : i32
    %dma_start3A_86 = arith.constant 0 : i32
    %dma_start3A_87 = arith.constant 0 : i32
    %dma_start3A_88 = tpu.memref_slice %arg6[%dma_start3A_85, %dma_start3A_86, %dma_start3A_87] : memref<2x8x125xi32, #tpu.memory_space<vmem>> -> memref<1x1x125xi32, #tpu.memory_space<vmem>>
    %dma_start3A_89 = tpu.memref_squeeze %dma_start3A_88 : memref<1x1x125xi32, #tpu.memory_space<vmem>> -> memref<125xi32, #tpu.memory_space<vmem>>
    %dma_start3A_90 = arith.constant 0 : i32
    %dma_start3A_91 = arith.constant 0 : i32
    %dma_start3A_92 = tpu.memref_slice %arg2[%dma_start3A_90, %dma_start3A_91] : memref<10000x48xf32, #tpu.memory_space<hbm>> -> memref<10000x48xf32, #tpu.memory_space<hbm>>
    tpu.enqueue_indirect_dma source(%dma_start3A_92 : memref<10000x48xf32, #tpu.memory_space<hbm>>) target(%arg8 : memref<125x48xf32, #tpu.memory_space<vmem>>) offsets(%dma_start3A_89 : memref<125xi32, #tpu.memory_space<vmem>>) semaphore(%arg14 : memref<!tpu.dma_semaphore, #tpu.memory_space<semaphore_mem>>)
    %dma_start3A_93 = arith.constant 0 : i32
    %dma_start3A_94 = arith.constant 1 : i32
    %dma_start3A_95 = arith.constant 0 : i32
    %dma_start3A_96 = tpu.memref_slice %arg6[%dma_start3A_93, %dma_start3A_94, %dma_start3A_95] : memref<2x8x125xi32, #tpu.memory_space<vmem>> -> memref<1x1x125xi32, #tpu.memory_space<vmem>>
    %dma_start3A_97 = tpu.memref_squeeze %dma_start3A_96 : memref<1x1x125xi32, #tpu.memory_space<vmem>> -> memref<125xi32, #tpu.memory_space<vmem>>
    %dma_start3A_98 = arith.constant 0 : i32
    %dma_start3A_99 = arith.constant 0 : i32
    %dma_start3A_100 = tpu.memref_slice %arg2[%dma_start3A_98, %dma_start3A_99] : memref<10000x48xf32, #tpu.memory_space<hbm>> -> memref<10000x48xf32, #tpu.memory_space<hbm>>
    tpu.enqueue_indirect_dma source(%dma_start3A_100 : memref<10000x48xf32, #tpu.memory_space<hbm>>) target(%arg9 : memref<125x48xf32, #tpu.memory_space<vmem>>) offsets(%dma_start3A_97 : memref<125xi32, #tpu.memory_space<vmem>>) semaphore(%arg15 : memref<!tpu.dma_semaphore, #tpu.memory_space<semaphore_mem>>)
    %dma_start3A_101 = arith.constant 0 : i32
    %dma_start3A_102 = arith.constant 2 : i32
    %dma_start3A_103 = arith.constant 0 : i32
    %dma_start3A_104 = tpu.memref_slice %arg6[%dma_start3A_101, %dma_start3A_102, %dma_start3A_103] : memref<2x8x125xi32, #tpu.memory_space<vmem>> -> memref<1x1x125xi32, #tpu.memory_space<vmem>>
    %dma_start3A_105 = tpu.memref_squeeze %dma_start3A_104 : memref<1x1x125xi32, #tpu.memory_space<vmem>> -> memref<125xi32, #tpu.memory_space<vmem>>
    %dma_start3A_106 = arith.constant 0 : i32
    %dma_start3A_107 = arith.constant 0 : i32
    %dma_start3A_108 = tpu.memref_slice %arg2[%dma_start3A_106, %dma_start3A_107] : memref<10000x48xf32, #tpu.memory_space<hbm>> -> memref<10000x48xf32, #tpu.memory_space<hbm>>
    tpu.enqueue_indirect_dma source(%dma_start3A_108 : memref<10000x48xf32, #tpu.memory_space<hbm>>) target(%arg10 : memref<125x48xf32, #tpu.memory_space<vmem>>) offsets(%dma_start3A_105 : memref<125xi32, #tpu.memory_space<vmem>>) semaphore(%arg16 : memref<!tpu.dma_semaphore, #tpu.memory_space<semaphore_mem>>)
    %scan3A_109 = arith.constant 0 : i32
    %scan3A_110 = arith.constant 0 : i32
    %scan3A_111 = arith.constant 10 : i32
    %scan3A_112 = arith.addi %scan3A_110, %scan3A_111 : i32
    %scan3A_113 = arith.constant 1 : i32
    scf.for %scan3A_289 = %scan3A_110 to %scan3A_112 step %scan3A_113  : i32 {
      %rem3A = arith.constant 2 : i32
      %rem3A_290 = arith.remsi %scan3A_289, %rem3A : i32
      %eq3A = arith.constant 0 : i32
      %eq3A_291 = arith.cmpi eq, %scan3A_289, %eq3A : i32
      %eq3A_292 = arith.constant 9 : i32
      %eq3A_293 = arith.cmpi eq, %scan3A_289, %eq3A_292 : i32
      %not3A = arith.constant true
      %not3A_294 = arith.xori %eq3A_291, %not3A : i1
      %convert_element_type3A_295 = arith.extui %not3A_294 : i1 to i32
      %cond3A_296 = arith.constant 0 : i32
      %cond3A_297 = arith.cmpi ne, %convert_element_type3A_295, %cond3A_296 : i32
      scf.if %cond3A_297 {
        %dma_wait3A_519 = arith.constant 7 : i32
        %dma_wait3A_520 = arith.constant 0 : i32
        %dma_wait3A_521 = tpu.memref_slice %arg7[%rem3A_290, %dma_wait3A_519, %dma_wait3A_520] : memref<2x8x125xi32, #tpu.memory_space<vmem>> -> memref<1x1x125xi32, #tpu.memory_space<vmem>>
        %dma_wait3A_522 = tpu.memref_squeeze %dma_wait3A_521 : memref<1x1x125xi32, #tpu.memory_space<vmem>> -> memref<125xi32, #tpu.memory_space<vmem>>
        %dma_wait3A_523 = arith.constant 0 : i32
        %dma_wait3A_524 = arith.constant 0 : i32
        %dma_wait3A_525 = tpu.memref_slice %arg13[%dma_wait3A_523, %dma_wait3A_524] : memref<10000x48xf32, #tpu.memory_space<vmem_shared>> -> memref<10000x48xf32, #tpu.memory_space<vmem_shared>>
        tpu.wait_indirect_dma semaphore(%arg21 : memref<!tpu.dma_semaphore, #tpu.memory_space<semaphore_mem>>) src(%arg11 : memref<125x48xf32, #tpu.memory_space<vmem>>) dst(%dma_wait3A_525 : memref<10000x48xf32, #tpu.memory_space<vmem_shared>>)
      } else {
      }
      %not3A_298 = arith.constant true
      %not3A_299 = arith.xori %eq3A_293, %not3A_298 : i1
      %convert_element_type3A_300 = arith.extui %not3A_299 : i1 to i32
      %cond3A_301 = arith.constant 0 : i32
      %cond3A_302 = arith.cmpi ne, %convert_element_type3A_300, %cond3A_301 : i32
      scf.if %cond3A_302 {
        %add3A_519 = arith.constant 1 : i32
        %add3A_520 = arith.addi %scan3A_289, %add3A_519 : i32
        %sub3A = arith.constant 1 : i32
        %sub3A_521 = arith.subi %sub3A, %rem3A_290 : i32
        %mul3A_522 = arith.constant 8 : i32
        %mul3A_523 = arith.muli %add3A_520, %mul3A_522 : i32
        %dma_start3A_524 = arith.constant 0 : i32
        %dma_start3A_525 = arith.constant 0 : i32
        %dma_start3A_526 = tpu.memref_slice %arg6[%sub3A_521, %dma_start3A_524, %dma_start3A_525] : memref<2x8x125xi32, #tpu.memory_space<vmem>> -> memref<1x8x125xi32, #tpu.memory_space<vmem>>
        %dma_start3A_527 = tpu.memref_squeeze %dma_start3A_526 : memref<1x8x125xi32, #tpu.memory_space<vmem>> -> memref<8x125xi32, #tpu.memory_space<vmem>>
        %dma_start3A_528 = arith.constant 0 : i32
        %dma_start3A_529 = tpu.memref_slice %arg3[%add3A, %mul3A_523, %dma_start3A_528] : memref<32x80x125xi32, #tpu.memory_space<hbm>> -> memref<1x8x125xi32, #tpu.memory_space<hbm>>
        %dma_start3A_530 = tpu.memref_squeeze %dma_start3A_529 : memref<1x8x125xi32, #tpu.memory_space<hbm>> -> memref<8x125xi32, #tpu.memory_space<hbm>>
        %dma_start3A_531 = arith.constant 0 : i32
        %dma_start3A_532 = arith.constant 0 : i32
        %dma_start3A_533 = tpu.memref_slice %arg6[%sub3A_521, %dma_start3A_531, %dma_start3A_532] : memref<2x8x125xi32, #tpu.memory_space<vmem>> -> memref<1x8x125xi32, #tpu.memory_space<vmem>>
        %dma_start3A_534 = tpu.memref_squeeze %dma_start3A_533 : memref<1x8x125xi32, #tpu.memory_space<vmem>> -> memref<8x125xi32, #tpu.memory_space<vmem>>
        %dma_start3A_535 = arith.constant 0 : i32
        %dma_start3A_536 = tpu.memref_slice %arg3[%add3A, %mul3A_523, %dma_start3A_535] : memref<32x80x125xi32, #tpu.memory_space<hbm>> -> memref<1x8x125xi32, #tpu.memory_space<hbm>>
        %dma_start3A_537 = tpu.memref_squeeze %dma_start3A_536 : memref<1x8x125xi32, #tpu.memory_space<hbm>> -> memref<8x125xi32, #tpu.memory_space<hbm>>
        tpu.enqueue_dma source(%dma_start3A_537 : memref<8x125xi32, #tpu.memory_space<hbm>>) target(%dma_start3A_534 : memref<8x125xi32, #tpu.memory_space<vmem>>) target_semaphore(%arg22 : memref<!tpu.dma_semaphore, #tpu.memory_space<semaphore_mem>>)
        %mul3A_538 = arith.constant 8 : i32
        %mul3A_539 = arith.muli %add3A_520, %mul3A_538 : i32
        %dma_start3A_540 = arith.constant 0 : i32
        %dma_start3A_541 = arith.constant 0 : i32
        %dma_start3A_542 = tpu.memref_slice %arg7[%sub3A_521, %dma_start3A_540, %dma_start3A_541] : memref<2x8x125xi32, #tpu.memory_space<vmem>> -> memref<1x8x125xi32, #tpu.memory_space<vmem>>
        %dma_start3A_543 = tpu.memref_squeeze %dma_start3A_542 : memref<1x8x125xi32, #tpu.memory_space<vmem>> -> memref<8x125xi32, #tpu.memory_space<vmem>>
        %dma_start3A_544 = arith.constant 0 : i32
        %dma_start3A_545 = tpu.memref_slice %arg4[%add3A, %mul3A_539, %dma_start3A_544] : memref<32x80x125xi32, #tpu.memory_space<hbm>> -> memref<1x8x125xi32, #tpu.memory_space<hbm>>
        %dma_start3A_546 = tpu.memref_squeeze %dma_start3A_545 : memref<1x8x125xi32, #tpu.memory_space<hbm>> -> memref<8x125xi32, #tpu.memory_space<hbm>>
        %dma_start3A_547 = arith.constant 0 : i32
        %dma_start3A_548 = arith.constant 0 : i32
        %dma_start3A_549 = tpu.memref_slice %arg7[%sub3A_521, %dma_start3A_547, %dma_start3A_548] : memref<2x8x125xi32, #tpu.memory_space<vmem>> -> memref<1x8x125xi32, #tpu.memory_space<vmem>>
        %dma_start3A_550 = tpu.memref_squeeze %dma_start3A_549 : memref<1x8x125xi32, #tpu.memory_space<vmem>> -> memref<8x125xi32, #tpu.memory_space<vmem>>
        %dma_start3A_551 = arith.constant 0 : i32
        %dma_start3A_552 = tpu.memref_slice %arg4[%add3A, %mul3A_539, %dma_start3A_551] : memref<32x80x125xi32, #tpu.memory_space<hbm>> -> memref<1x8x125xi32, #tpu.memory_space<hbm>>
        %dma_start3A_553 = tpu.memref_squeeze %dma_start3A_552 : memref<1x8x125xi32, #tpu.memory_space<hbm>> -> memref<8x125xi32, #tpu.memory_space<hbm>>
        tpu.enqueue_dma source(%dma_start3A_553 : memref<8x125xi32, #tpu.memory_space<hbm>>) target(%dma_start3A_550 : memref<8x125xi32, #tpu.memory_space<vmem>>) target_semaphore(%arg23 : memref<!tpu.dma_semaphore, #tpu.memory_space<semaphore_mem>>)
      } else {
      }
      %dma_start3A_303 = arith.constant 3 : i32
      %dma_start3A_304 = arith.constant 0 : i32
      %dma_start3A_305 = tpu.memref_slice %arg6[%rem3A_290, %dma_start3A_303, %dma_start3A_304] : memref<2x8x125xi32, #tpu.memory_space<vmem>> -> memref<1x1x125xi32, #tpu.memory_space<vmem>>
      %dma_start3A_306 = tpu.memref_squeeze %dma_start3A_305 : memref<1x1x125xi32, #tpu.memory_space<vmem>> -> memref<125xi32, #tpu.memory_space<vmem>>
      %dma_start3A_307 = arith.constant 0 : i32
      %dma_start3A_308 = arith.constant 0 : i32
      %dma_start3A_309 = tpu.memref_slice %arg2[%dma_start3A_307, %dma_start3A_308] : memref<10000x48xf32, #tpu.memory_space<hbm>> -> memref<10000x48xf32, #tpu.memory_space<hbm>>
      tpu.enqueue_indirect_dma source(%dma_start3A_309 : memref<10000x48xf32, #tpu.memory_space<hbm>>) target(%arg11 : memref<125x48xf32, #tpu.memory_space<vmem>>) offsets(%dma_start3A_306 : memref<125xi32, #tpu.memory_space<vmem>>) semaphore(%arg17 : memref<!tpu.dma_semaphore, #tpu.memory_space<semaphore_mem>>)
      %dma_wait3A_310 = arith.constant 0 : i32
      %dma_wait3A_311 = arith.constant 0 : i32
      %dma_wait3A_312 = tpu.memref_slice %arg6[%rem3A_290, %dma_wait3A_310, %dma_wait3A_311] : memref<2x8x125xi32, #tpu.memory_space<vmem>> -> memref<1x1x125xi32, #tpu.memory_space<vmem>>
      %dma_wait3A_313 = tpu.memref_squeeze %dma_wait3A_312 : memref<1x1x125xi32, #tpu.memory_space<vmem>> -> memref<125xi32, #tpu.memory_space<vmem>>
      %dma_wait3A_314 = arith.constant 0 : i32
      %dma_wait3A_315 = arith.constant 0 : i32
      %dma_wait3A_316 = tpu.memref_slice %arg2[%dma_wait3A_314, %dma_wait3A_315] : memref<10000x48xf32, #tpu.memory_space<hbm>> -> memref<10000x48xf32, #tpu.memory_space<hbm>>
      tpu.wait_indirect_dma semaphore(%arg14 : memref<!tpu.dma_semaphore, #tpu.memory_space<semaphore_mem>>) src(%dma_wait3A_316 : memref<10000x48xf32, #tpu.memory_space<hbm>>) dst(%arg8 : memref<125x48xf32, #tpu.memory_space<vmem>>)
      %dma_start3A_317 = arith.constant 0 : i32
      %dma_start3A_318 = arith.constant 0 : i32
      %dma_start3A_319 = tpu.memref_slice %arg7[%rem3A_290, %dma_start3A_317, %dma_start3A_318] : memref<2x8x125xi32, #tpu.memory_space<vmem>> -> memref<1x1x125xi32, #tpu.memory_space<vmem>>
      %dma_start3A_320 = tpu.memref_squeeze %dma_start3A_319 : memref<1x1x125xi32, #tpu.memory_space<vmem>> -> memref<125xi32, #tpu.memory_space<vmem>>
      %dma_start3A_321 = arith.constant 0 : i32
      %dma_start3A_322 = arith.constant 0 : i32
      %dma_start3A_323 = tpu.memref_slice %arg13[%dma_start3A_321, %dma_start3A_322] : memref<10000x48xf32, #tpu.memory_space<vmem_shared>> -> memref<10000x48xf32, #tpu.memory_space<vmem_shared>>
      tpu.enqueue_indirect_dma source(%arg8 : memref<125x48xf32, #tpu.memory_space<vmem>>) target(%dma_start3A_323 : memref<10000x48xf32, #tpu.memory_space<vmem_shared>>) offsets(%dma_start3A_320 : memref<125xi32, #tpu.memory_space<vmem>>) semaphore(%arg18 : memref<!tpu.dma_semaphore, #tpu.memory_space<semaphore_mem>>) {add = true}
      %dma_wait3A_324 = arith.constant 0 : i32
      %dma_wait3A_325 = arith.constant 0 : i32
      %dma_wait3A_326 = tpu.memref_slice %arg7[%rem3A_290, %dma_wait3A_324, %dma_wait3A_325] : memref<2x8x125xi32, #tpu.memory_space<vmem>> -> memref<1x1x125xi32, #tpu.memory_space<vmem>>
      %dma_wait3A_327 = tpu.memref_squeeze %dma_wait3A_326 : memref<1x1x125xi32, #tpu.memory_space<vmem>> -> memref<125xi32, #tpu.memory_space<vmem>>
      %dma_wait3A_328 = arith.constant 0 : i32
      %dma_wait3A_329 = arith.constant 0 : i32
      %dma_wait3A_330 = tpu.memref_slice %arg13[%dma_wait3A_328, %dma_wait3A_329] : memref<10000x48xf32, #tpu.memory_space<vmem_shared>> -> memref<10000x48xf32, #tpu.memory_space<vmem_shared>>
      tpu.wait_indirect_dma semaphore(%arg18 : memref<!tpu.dma_semaphore, #tpu.memory_space<semaphore_mem>>) src(%arg8 : memref<125x48xf32, #tpu.memory_space<vmem>>) dst(%dma_wait3A_330 : memref<10000x48xf32, #tpu.memory_space<vmem_shared>>)
      %dma_start3A_331 = arith.constant 4 : i32
      %dma_start3A_332 = arith.constant 0 : i32
      %dma_start3A_333 = tpu.memref_slice %arg6[%rem3A_290, %dma_start3A_331, %dma_start3A_332] : memref<2x8x125xi32, #tpu.memory_space<vmem>> -> memref<1x1x125xi32, #tpu.memory_space<vmem>>
      %dma_start3A_334 = tpu.memref_squeeze %dma_start3A_333 : memref<1x1x125xi32, #tpu.memory_space<vmem>> -> memref<125xi32, #tpu.memory_space<vmem>>
      %dma_start3A_335 = arith.constant 0 : i32
      %dma_start3A_336 = arith.constant 0 : i32
      %dma_start3A_337 = tpu.memref_slice %arg2[%dma_start3A_335, %dma_start3A_336] : memref<10000x48xf32, #tpu.memory_space<hbm>> -> memref<10000x48xf32, #tpu.memory_space<hbm>>
      tpu.enqueue_indirect_dma source(%dma_start3A_337 : memref<10000x48xf32, #tpu.memory_space<hbm>>) target(%arg8 : memref<125x48xf32, #tpu.memory_space<vmem>>) offsets(%dma_start3A_334 : memref<125xi32, #tpu.memory_space<vmem>>) semaphore(%arg14 : memref<!tpu.dma_semaphore, #tpu.memory_space<semaphore_mem>>)
      %dma_wait3A_338 = arith.constant 1 : i32
      %dma_wait3A_339 = arith.constant 0 : i32
      %dma_wait3A_340 = tpu.memref_slice %arg6[%rem3A_290, %dma_wait3A_338, %dma_wait3A_339] : memref<2x8x125xi32, #tpu.memory_space<vmem>> -> memref<1x1x125xi32, #tpu.memory_space<vmem>>
      %dma_wait3A_341 = tpu.memref_squeeze %dma_wait3A_340 : memref<1x1x125xi32, #tpu.memory_space<vmem>> -> memref<125xi32, #tpu.memory_space<vmem>>
      %dma_wait3A_342 = arith.constant 0 : i32
      %dma_wait3A_343 = arith.constant 0 : i32
      %dma_wait3A_344 = tpu.memref_slice %arg2[%dma_wait3A_342, %dma_wait3A_343] : memref<10000x48xf32, #tpu.memory_space<hbm>> -> memref<10000x48xf32, #tpu.memory_space<hbm>>
      tpu.wait_indirect_dma semaphore(%arg15 : memref<!tpu.dma_semaphore, #tpu.memory_space<semaphore_mem>>) src(%dma_wait3A_344 : memref<10000x48xf32, #tpu.memory_space<hbm>>) dst(%arg9 : memref<125x48xf32, #tpu.memory_space<vmem>>)
      %dma_start3A_345 = arith.constant 1 : i32
      %dma_start3A_346 = arith.constant 0 : i32
      %dma_start3A_347 = tpu.memref_slice %arg7[%rem3A_290, %dma_start3A_345, %dma_start3A_346] : memref<2x8x125xi32, #tpu.memory_space<vmem>> -> memref<1x1x125xi32, #tpu.memory_space<vmem>>
      %dma_start3A_348 = tpu.memref_squeeze %dma_start3A_347 : memref<1x1x125xi32, #tpu.memory_space<vmem>> -> memref<125xi32, #tpu.memory_space<vmem>>
      %dma_start3A_349 = arith.constant 0 : i32
      %dma_start3A_350 = arith.constant 0 : i32
      %dma_start3A_351 = tpu.memref_slice %arg13[%dma_start3A_349, %dma_start3A_350] : memref<10000x48xf32, #tpu.memory_space<vmem_shared>> -> memref<10000x48xf32, #tpu.memory_space<vmem_shared>>
      tpu.enqueue_indirect_dma source(%arg9 : memref<125x48xf32, #tpu.memory_space<vmem>>) target(%dma_start3A_351 : memref<10000x48xf32, #tpu.memory_space<vmem_shared>>) offsets(%dma_start3A_348 : memref<125xi32, #tpu.memory_space<vmem>>) semaphore(%arg19 : memref<!tpu.dma_semaphore, #tpu.memory_space<semaphore_mem>>) {add = true}
      %dma_wait3A_352 = arith.constant 1 : i32
      %dma_wait3A_353 = arith.constant 0 : i32
      %dma_wait3A_354 = tpu.memref_slice %arg7[%rem3A_290, %dma_wait3A_352, %dma_wait3A_353] : memref<2x8x125xi32, #tpu.memory_space<vmem>> -> memref<1x1x125xi32, #tpu.memory_space<vmem>>
      %dma_wait3A_355 = tpu.memref_squeeze %dma_wait3A_354 : memref<1x1x125xi32, #tpu.memory_space<vmem>> -> memref<125xi32, #tpu.memory_space<vmem>>
      %dma_wait3A_356 = arith.constant 0 : i32
      %dma_wait3A_357 = arith.constant 0 : i32
      %dma_wait3A_358 = tpu.memref_slice %arg13[%dma_wait3A_356, %dma_wait3A_357] : memref<10000x48xf32, #tpu.memory_space<vmem_shared>> -> memref<10000x48xf32, #tpu.memory_space<vmem_shared>>
      tpu.wait_indirect_dma semaphore(%arg19 : memref<!tpu.dma_semaphore, #tpu.memory_space<semaphore_mem>>) src(%arg9 : memref<125x48xf32, #tpu.memory_space<vmem>>) dst(%dma_wait3A_358 : memref<10000x48xf32, #tpu.memory_space<vmem_shared>>)
      %dma_start3A_359 = arith.constant 5 : i32
      %dma_start3A_360 = arith.constant 0 : i32
      %dma_start3A_361 = tpu.memref_slice %arg6[%rem3A_290, %dma_start3A_359, %dma_start3A_360] : memref<2x8x125xi32, #tpu.memory_space<vmem>> -> memref<1x1x125xi32, #tpu.memory_space<vmem>>
      %dma_start3A_362 = tpu.memref_squeeze %dma_start3A_361 : memref<1x1x125xi32, #tpu.memory_space<vmem>> -> memref<125xi32, #tpu.memory_space<vmem>>
      %dma_start3A_363 = arith.constant 0 : i32
      %dma_start3A_364 = arith.constant 0 : i32
      %dma_start3A_365 = tpu.memref_slice %arg2[%dma_start3A_363, %dma_start3A_364] : memref<10000x48xf32, #tpu.memory_space<hbm>> -> memref<10000x48xf32, #tpu.memory_space<hbm>>
      tpu.enqueue_indirect_dma source(%dma_start3A_365 : memref<10000x48xf32, #tpu.memory_space<hbm>>) target(%arg9 : memref<125x48xf32, #tpu.memory_space<vmem>>) offsets(%dma_start3A_362 : memref<125xi32, #tpu.memory_space<vmem>>) semaphore(%arg15 : memref<!tpu.dma_semaphore, #tpu.memory_space<semaphore_mem>>)
      %dma_wait3A_366 = arith.constant 2 : i32
      %dma_wait3A_367 = arith.constant 0 : i32
      %dma_wait3A_368 = tpu.memref_slice %arg6[%rem3A_290, %dma_wait3A_366, %dma_wait3A_367] : memref<2x8x125xi32, #tpu.memory_space<vmem>> -> memref<1x1x125xi32, #tpu.memory_space<vmem>>
      %dma_wait3A_369 = tpu.memref_squeeze %dma_wait3A_368 : memref<1x1x125xi32, #tpu.memory_space<vmem>> -> memref<125xi32, #tpu.memory_space<vmem>>
      %dma_wait3A_370 = arith.constant 0 : i32
      %dma_wait3A_371 = arith.constant 0 : i32
      %dma_wait3A_372 = tpu.memref_slice %arg2[%dma_wait3A_370, %dma_wait3A_371] : memref<10000x48xf32, #tpu.memory_space<hbm>> -> memref<10000x48xf32, #tpu.memory_space<hbm>>
      tpu.wait_indirect_dma semaphore(%arg16 : memref<!tpu.dma_semaphore, #tpu.memory_space<semaphore_mem>>) src(%dma_wait3A_372 : memref<10000x48xf32, #tpu.memory_space<hbm>>) dst(%arg10 : memref<125x48xf32, #tpu.memory_space<vmem>>)
      %dma_start3A_373 = arith.constant 2 : i32
      %dma_start3A_374 = arith.constant 0 : i32
      %dma_start3A_375 = tpu.memref_slice %arg7[%rem3A_290, %dma_start3A_373, %dma_start3A_374] : memref<2x8x125xi32, #tpu.memory_space<vmem>> -> memref<1x1x125xi32, #tpu.memory_space<vmem>>
      %dma_start3A_376 = tpu.memref_squeeze %dma_start3A_375 : memref<1x1x125xi32, #tpu.memory_space<vmem>> -> memref<125xi32, #tpu.memory_space<vmem>>
      %dma_start3A_377 = arith.constant 0 : i32
      %dma_start3A_378 = arith.constant 0 : i32
      %dma_start3A_379 = tpu.memref_slice %arg13[%dma_start3A_377, %dma_start3A_378] : memref<10000x48xf32, #tpu.memory_space<vmem_shared>> -> memref<10000x48xf32, #tpu.memory_space<vmem_shared>>
      tpu.enqueue_indirect_dma source(%arg10 : memref<125x48xf32, #tpu.memory_space<vmem>>) target(%dma_start3A_379 : memref<10000x48xf32, #tpu.memory_space<vmem_shared>>) offsets(%dma_start3A_376 : memref<125xi32, #tpu.memory_space<vmem>>) semaphore(%arg20 : memref<!tpu.dma_semaphore, #tpu.memory_space<semaphore_mem>>) {add = true}
      %dma_wait3A_380 = arith.constant 2 : i32
      %dma_wait3A_381 = arith.constant 0 : i32
      %dma_wait3A_382 = tpu.memref_slice %arg7[%rem3A_290, %dma_wait3A_380, %dma_wait3A_381] : memref<2x8x125xi32, #tpu.memory_space<vmem>> -> memref<1x1x125xi32, #tpu.memory_space<vmem>>
      %dma_wait3A_383 = tpu.memref_squeeze %dma_wait3A_382 : memref<1x1x125xi32, #tpu.memory_space<vmem>> -> memref<125xi32, #tpu.memory_space<vmem>>
      %dma_wait3A_384 = arith.constant 0 : i32
      %dma_wait3A_385 = arith.constant 0 : i32
      %dma_wait3A_386 = tpu.memref_slice %arg13[%dma_wait3A_384, %dma_wait3A_385] : memref<10000x48xf32, #tpu.memory_space<vmem_shared>> -> memref<10000x48xf32, #tpu.memory_space<vmem_shared>>
      tpu.wait_indirect_dma semaphore(%arg20 : memref<!tpu.dma_semaphore, #tpu.memory_space<semaphore_mem>>) src(%arg10 : memref<125x48xf32, #tpu.memory_space<vmem>>) dst(%dma_wait3A_386 : memref<10000x48xf32, #tpu.memory_space<vmem_shared>>)
      %dma_start3A_387 = arith.constant 6 : i32
      %dma_start3A_388 = arith.constant 0 : i32
      %dma_start3A_389 = tpu.memref_slice %arg6[%rem3A_290, %dma_start3A_387, %dma_start3A_388] : memref<2x8x125xi32, #tpu.memory_space<vmem>> -> memref<1x1x125xi32, #tpu.memory_space<vmem>>
      %dma_start3A_390 = tpu.memref_squeeze %dma_start3A_389 : memref<1x1x125xi32, #tpu.memory_space<vmem>> -> memref<125xi32, #tpu.memory_space<vmem>>
      %dma_start3A_391 = arith.constant 0 : i32
      %dma_start3A_392 = arith.constant 0 : i32
      %dma_start3A_393 = tpu.memref_slice %arg2[%dma_start3A_391, %dma_start3A_392] : memref<10000x48xf32, #tpu.memory_space<hbm>> -> memref<10000x48xf32, #tpu.memory_space<hbm>>
      tpu.enqueue_indirect_dma source(%dma_start3A_393 : memref<10000x48xf32, #tpu.memory_space<hbm>>) target(%arg10 : memref<125x48xf32, #tpu.memory_space<vmem>>) offsets(%dma_start3A_390 : memref<125xi32, #tpu.memory_space<vmem>>) semaphore(%arg16 : memref<!tpu.dma_semaphore, #tpu.memory_space<semaphore_mem>>)
      %dma_wait3A_394 = arith.constant 3 : i32
      %dma_wait3A_395 = arith.constant 0 : i32
      %dma_wait3A_396 = tpu.memref_slice %arg6[%rem3A_290, %dma_wait3A_394, %dma_wait3A_395] : memref<2x8x125xi32, #tpu.memory_space<vmem>> -> memref<1x1x125xi32, #tpu.memory_space<vmem>>
      %dma_wait3A_397 = tpu.memref_squeeze %dma_wait3A_396 : memref<1x1x125xi32, #tpu.memory_space<vmem>> -> memref<125xi32, #tpu.memory_space<vmem>>
      %dma_wait3A_398 = arith.constant 0 : i32
      %dma_wait3A_399 = arith.constant 0 : i32
      %dma_wait3A_400 = tpu.memref_slice %arg2[%dma_wait3A_398, %dma_wait3A_399] : memref<10000x48xf32, #tpu.memory_space<hbm>> -> memref<10000x48xf32, #tpu.memory_space<hbm>>
      tpu.wait_indirect_dma semaphore(%arg17 : memref<!tpu.dma_semaphore, #tpu.memory_space<semaphore_mem>>) src(%dma_wait3A_400 : memref<10000x48xf32, #tpu.memory_space<hbm>>) dst(%arg11 : memref<125x48xf32, #tpu.memory_space<vmem>>)
      %dma_start3A_401 = arith.constant 3 : i32
      %dma_start3A_402 = arith.constant 0 : i32
      %dma_start3A_403 = tpu.memref_slice %arg7[%rem3A_290, %dma_start3A_401, %dma_start3A_402] : memref<2x8x125xi32, #tpu.memory_space<vmem>> -> memref<1x1x125xi32, #tpu.memory_space<vmem>>
      %dma_start3A_404 = tpu.memref_squeeze %dma_start3A_403 : memref<1x1x125xi32, #tpu.memory_space<vmem>> -> memref<125xi32, #tpu.memory_space<vmem>>
      %dma_start3A_405 = arith.constant 0 : i32
      %dma_start3A_406 = arith.constant 0 : i32
      %dma_start3A_407 = tpu.memref_slice %arg13[%dma_start3A_405, %dma_start3A_406] : memref<10000x48xf32, #tpu.memory_space<vmem_shared>> -> memref<10000x48xf32, #tpu.memory_space<vmem_shared>>
      tpu.enqueue_indirect_dma source(%arg11 : memref<125x48xf32, #tpu.memory_space<vmem>>) target(%dma_start3A_407 : memref<10000x48xf32, #tpu.memory_space<vmem_shared>>) offsets(%dma_start3A_404 : memref<125xi32, #tpu.memory_space<vmem>>) semaphore(%arg21 : memref<!tpu.dma_semaphore, #tpu.memory_space<semaphore_mem>>) {add = true}
      %dma_wait3A_408 = arith.constant 3 : i32
      %dma_wait3A_409 = arith.constant 0 : i32
      %dma_wait3A_410 = tpu.memref_slice %arg7[%rem3A_290, %dma_wait3A_408, %dma_wait3A_409] : memref<2x8x125xi32, #tpu.memory_space<vmem>> -> memref<1x1x125xi32, #tpu.memory_space<vmem>>
      %dma_wait3A_411 = tpu.memref_squeeze %dma_wait3A_410 : memref<1x1x125xi32, #tpu.memory_space<vmem>> -> memref<125xi32, #tpu.memory_space<vmem>>
      %dma_wait3A_412 = arith.constant 0 : i32
      %dma_wait3A_413 = arith.constant 0 : i32
      %dma_wait3A_414 = tpu.memref_slice %arg13[%dma_wait3A_412, %dma_wait3A_413] : memref<10000x48xf32, #tpu.memory_space<vmem_shared>> -> memref<10000x48xf32, #tpu.memory_space<vmem_shared>>
      tpu.wait_indirect_dma semaphore(%arg21 : memref<!tpu.dma_semaphore, #tpu.memory_space<semaphore_mem>>) src(%arg11 : memref<125x48xf32, #tpu.memory_space<vmem>>) dst(%dma_wait3A_414 : memref<10000x48xf32, #tpu.memory_space<vmem_shared>>)
      %dma_start3A_415 = arith.constant 7 : i32
      %dma_start3A_416 = arith.constant 0 : i32
      %dma_start3A_417 = tpu.memref_slice %arg6[%rem3A_290, %dma_start3A_415, %dma_start3A_416] : memref<2x8x125xi32, #tpu.memory_space<vmem>> -> memref<1x1x125xi32, #tpu.memory_space<vmem>>
      %dma_start3A_418 = tpu.memref_squeeze %dma_start3A_417 : memref<1x1x125xi32, #tpu.memory_space<vmem>> -> memref<125xi32, #tpu.memory_space<vmem>>
      %dma_start3A_419 = arith.constant 0 : i32
      %dma_start3A_420 = arith.constant 0 : i32
      %dma_start3A_421 = tpu.memref_slice %arg2[%dma_start3A_419, %dma_start3A_420] : memref<10000x48xf32, #tpu.memory_space<hbm>> -> memref<10000x48xf32, #tpu.memory_space<hbm>>
      tpu.enqueue_indirect_dma source(%dma_start3A_421 : memref<10000x48xf32, #tpu.memory_space<hbm>>) target(%arg11 : memref<125x48xf32, #tpu.memory_space<vmem>>) offsets(%dma_start3A_418 : memref<125xi32, #tpu.memory_space<vmem>>) semaphore(%arg17 : memref<!tpu.dma_semaphore, #tpu.memory_space<semaphore_mem>>)
      %dma_wait3A_422 = arith.constant 4 : i32
      %dma_wait3A_423 = arith.constant 0 : i32
      %dma_wait3A_424 = tpu.memref_slice %arg6[%rem3A_290, %dma_wait3A_422, %dma_wait3A_423] : memref<2x8x125xi32, #tpu.memory_space<vmem>> -> memref<1x1x125xi32, #tpu.memory_space<vmem>>
      %dma_wait3A_425 = tpu.memref_squeeze %dma_wait3A_424 : memref<1x1x125xi32, #tpu.memory_space<vmem>> -> memref<125xi32, #tpu.memory_space<vmem>>
      %dma_wait3A_426 = arith.constant 0 : i32
      %dma_wait3A_427 = arith.constant 0 : i32
      %dma_wait3A_428 = tpu.memref_slice %arg2[%dma_wait3A_426, %dma_wait3A_427] : memref<10000x48xf32, #tpu.memory_space<hbm>> -> memref<10000x48xf32, #tpu.memory_space<hbm>>
      tpu.wait_indirect_dma semaphore(%arg14 : memref<!tpu.dma_semaphore, #tpu.memory_space<semaphore_mem>>) src(%dma_wait3A_428 : memref<10000x48xf32, #tpu.memory_space<hbm>>) dst(%arg8 : memref<125x48xf32, #tpu.memory_space<vmem>>)
      %dma_start3A_429 = arith.constant 4 : i32
      %dma_start3A_430 = arith.constant 0 : i32
      %dma_start3A_431 = tpu.memref_slice %arg7[%rem3A_290, %dma_start3A_429, %dma_start3A_430] : memref<2x8x125xi32, #tpu.memory_space<vmem>> -> memref<1x1x125xi32, #tpu.memory_space<vmem>>
      %dma_start3A_432 = tpu.memref_squeeze %dma_start3A_431 : memref<1x1x125xi32, #tpu.memory_space<vmem>> -> memref<125xi32, #tpu.memory_space<vmem>>
      %dma_start3A_433 = arith.constant 0 : i32
      %dma_start3A_434 = arith.constant 0 : i32
      %dma_start3A_435 = tpu.memref_slice %arg13[%dma_start3A_433, %dma_start3A_434] : memref<10000x48xf32, #tpu.memory_space<vmem_shared>> -> memref<10000x48xf32, #tpu.memory_space<vmem_shared>>
      tpu.enqueue_indirect_dma source(%arg8 : memref<125x48xf32, #tpu.memory_space<vmem>>) target(%dma_start3A_435 : memref<10000x48xf32, #tpu.memory_space<vmem_shared>>) offsets(%dma_start3A_432 : memref<125xi32, #tpu.memory_space<vmem>>) semaphore(%arg18 : memref<!tpu.dma_semaphore, #tpu.memory_space<semaphore_mem>>) {add = true}
      %dma_wait3A_436 = arith.constant 4 : i32
      %dma_wait3A_437 = arith.constant 0 : i32
      %dma_wait3A_438 = tpu.memref_slice %arg7[%rem3A_290, %dma_wait3A_436, %dma_wait3A_437] : memref<2x8x125xi32, #tpu.memory_space<vmem>> -> memref<1x1x125xi32, #tpu.memory_space<vmem>>
      %dma_wait3A_439 = tpu.memref_squeeze %dma_wait3A_438 : memref<1x1x125xi32, #tpu.memory_space<vmem>> -> memref<125xi32, #tpu.memory_space<vmem>>
      %dma_wait3A_440 = arith.constant 0 : i32
      %dma_wait3A_441 = arith.constant 0 : i32
      %dma_wait3A_442 = tpu.memref_slice %arg13[%dma_wait3A_440, %dma_wait3A_441] : memref<10000x48xf32, #tpu.memory_space<vmem_shared>> -> memref<10000x48xf32, #tpu.memory_space<vmem_shared>>
      tpu.wait_indirect_dma semaphore(%arg18 : memref<!tpu.dma_semaphore, #tpu.memory_space<semaphore_mem>>) src(%arg8 : memref<125x48xf32, #tpu.memory_space<vmem>>) dst(%dma_wait3A_442 : memref<10000x48xf32, #tpu.memory_space<vmem_shared>>)
      %not3A_443 = arith.constant true
      %not3A_444 = arith.xori %eq3A_293, %not3A_443 : i1
      %convert_element_type3A_445 = arith.extui %not3A_444 : i1 to i32
      %cond3A_446 = arith.constant 0 : i32
      %cond3A_447 = arith.cmpi ne, %convert_element_type3A_445, %cond3A_446 : i32
      scf.if %cond3A_447 {
        %add3A_519 = arith.constant 1 : i32
        %add3A_520 = arith.addi %scan3A_289, %add3A_519 : i32
        %sub3A = arith.constant 1 : i32
        %sub3A_521 = arith.subi %sub3A, %rem3A_290 : i32
        %mul3A_522 = arith.constant 8 : i32
        %mul3A_523 = arith.muli %add3A_520, %mul3A_522 : i32
        %dma_wait3A_524 = arith.constant 0 : i32
        %dma_wait3A_525 = arith.constant 0 : i32
        %dma_wait3A_526 = tpu.memref_slice %arg6[%sub3A_521, %dma_wait3A_524, %dma_wait3A_525] : memref<2x8x125xi32, #tpu.memory_space<vmem>> -> memref<1x8x125xi32, #tpu.memory_space<vmem>>
        %dma_wait3A_527 = tpu.memref_squeeze %dma_wait3A_526 : memref<1x8x125xi32, #tpu.memory_space<vmem>> -> memref<8x125xi32, #tpu.memory_space<vmem>>
        %dma_wait3A_528 = arith.constant 0 : i32
        %dma_wait3A_529 = tpu.memref_slice %arg3[%add3A, %mul3A_523, %dma_wait3A_528] : memref<32x80x125xi32, #tpu.memory_space<hbm>> -> memref<1x8x125xi32, #tpu.memory_space<hbm>>
        %dma_wait3A_530 = tpu.memref_squeeze %dma_wait3A_529 : memref<1x8x125xi32, #tpu.memory_space<hbm>> -> memref<8x125xi32, #tpu.memory_space<hbm>>
        %dma_wait3A_531 = arith.constant 0 : i32
        %dma_wait3A_532 = arith.constant 0 : i32
        %dma_wait3A_533 = tpu.memref_slice %arg6[%sub3A_521, %dma_wait3A_531, %dma_wait3A_532] : memref<2x8x125xi32, #tpu.memory_space<vmem>> -> memref<1x8x125xi32, #tpu.memory_space<vmem>>
        %dma_wait3A_534 = tpu.memref_squeeze %dma_wait3A_533 : memref<1x8x125xi32, #tpu.memory_space<vmem>> -> memref<8x125xi32, #tpu.memory_space<vmem>>
        %dma_wait3A_535 = arith.constant 0 : i32
        %dma_wait3A_536 = tpu.memref_slice %arg3[%add3A, %mul3A_523, %dma_wait3A_535] : memref<32x80x125xi32, #tpu.memory_space<hbm>> -> memref<1x8x125xi32, #tpu.memory_space<hbm>>
        %dma_wait3A_537 = tpu.memref_squeeze %dma_wait3A_536 : memref<1x8x125xi32, #tpu.memory_space<hbm>> -> memref<8x125xi32, #tpu.memory_space<hbm>>
        tpu.wait_dma2 semaphore(%arg22 : memref<!tpu.dma_semaphore, #tpu.memory_space<semaphore_mem>>) src(%dma_wait3A_537 : memref<8x125xi32, #tpu.memory_space<hbm>>) dst(%dma_wait3A_534 : memref<8x125xi32, #tpu.memory_space<vmem>>)
        %mul3A_538 = arith.constant 8 : i32
        %mul3A_539 = arith.muli %add3A_520, %mul3A_538 : i32
        %dma_wait3A_540 = arith.constant 0 : i32
        %dma_wait3A_541 = arith.constant 0 : i32
        %dma_wait3A_542 = tpu.memref_slice %arg7[%sub3A_521, %dma_wait3A_540, %dma_wait3A_541] : memref<2x8x125xi32, #tpu.memory_space<vmem>> -> memref<1x8x125xi32, #tpu.memory_space<vmem>>
        %dma_wait3A_543 = tpu.memref_squeeze %dma_wait3A_542 : memref<1x8x125xi32, #tpu.memory_space<vmem>> -> memref<8x125xi32, #tpu.memory_space<vmem>>
        %dma_wait3A_544 = arith.constant 0 : i32
        %dma_wait3A_545 = tpu.memref_slice %arg4[%add3A, %mul3A_539, %dma_wait3A_544] : memref<32x80x125xi32, #tpu.memory_space<hbm>> -> memref<1x8x125xi32, #tpu.memory_space<hbm>>
        %dma_wait3A_546 = tpu.memref_squeeze %dma_wait3A_545 : memref<1x8x125xi32, #tpu.memory_space<hbm>> -> memref<8x125xi32, #tpu.memory_space<hbm>>
        %dma_wait3A_547 = arith.constant 0 : i32
        %dma_wait3A_548 = arith.constant 0 : i32
        %dma_wait3A_549 = tpu.memref_slice %arg7[%sub3A_521, %dma_wait3A_547, %dma_wait3A_548] : memref<2x8x125xi32, #tpu.memory_space<vmem>> -> memref<1x8x125xi32, #tpu.memory_space<vmem>>
        %dma_wait3A_550 = tpu.memref_squeeze %dma_wait3A_549 : memref<1x8x125xi32, #tpu.memory_space<vmem>> -> memref<8x125xi32, #tpu.memory_space<vmem>>
        %dma_wait3A_551 = arith.constant 0 : i32
        %dma_wait3A_552 = tpu.memref_slice %arg4[%add3A, %mul3A_539, %dma_wait3A_551] : memref<32x80x125xi32, #tpu.memory_space<hbm>> -> memref<1x8x125xi32, #tpu.memory_space<hbm>>
        %dma_wait3A_553 = tpu.memref_squeeze %dma_wait3A_552 : memref<1x8x125xi32, #tpu.memory_space<hbm>> -> memref<8x125xi32, #tpu.memory_space<hbm>>
        tpu.wait_dma2 semaphore(%arg23 : memref<!tpu.dma_semaphore, #tpu.memory_space<semaphore_mem>>) src(%dma_wait3A_553 : memref<8x125xi32, #tpu.memory_space<hbm>>) dst(%dma_wait3A_550 : memref<8x125xi32, #tpu.memory_space<vmem>>)
      } else {
      }
      %not3A_448 = arith.constant true
      %not3A_449 = arith.xori %eq3A_293, %not3A_448 : i1
      %convert_element_type3A_450 = arith.extui %not3A_449 : i1 to i32
      %cond3A_451 = arith.constant 0 : i32
      %cond3A_452 = arith.cmpi ne, %convert_element_type3A_450, %cond3A_451 : i32
      scf.if %cond3A_452 {
        %sub3A = arith.constant 1 : i32
        %sub3A_519 = arith.subi %sub3A, %rem3A_290 : i32
        %dma_start3A_520 = arith.constant 0 : i32
        %dma_start3A_521 = arith.constant 0 : i32
        %dma_start3A_522 = tpu.memref_slice %arg6[%sub3A_519, %dma_start3A_520, %dma_start3A_521] : memref<2x8x125xi32, #tpu.memory_space<vmem>> -> memref<1x1x125xi32, #tpu.memory_space<vmem>>
        %dma_start3A_523 = tpu.memref_squeeze %dma_start3A_522 : memref<1x1x125xi32, #tpu.memory_space<vmem>> -> memref<125xi32, #tpu.memory_space<vmem>>
        %dma_start3A_524 = arith.constant 0 : i32
        %dma_start3A_525 = arith.constant 0 : i32
        %dma_start3A_526 = tpu.memref_slice %arg2[%dma_start3A_524, %dma_start3A_525] : memref<10000x48xf32, #tpu.memory_space<hbm>> -> memref<10000x48xf32, #tpu.memory_space<hbm>>
        tpu.enqueue_indirect_dma source(%dma_start3A_526 : memref<10000x48xf32, #tpu.memory_space<hbm>>) target(%arg8 : memref<125x48xf32, #tpu.memory_space<vmem>>) offsets(%dma_start3A_523 : memref<125xi32, #tpu.memory_space<vmem>>) semaphore(%arg14 : memref<!tpu.dma_semaphore, #tpu.memory_space<semaphore_mem>>)
      } else {
      }
      %dma_wait3A_453 = arith.constant 5 : i32
      %dma_wait3A_454 = arith.constant 0 : i32
      %dma_wait3A_455 = tpu.memref_slice %arg6[%rem3A_290, %dma_wait3A_453, %dma_wait3A_454] : memref<2x8x125xi32, #tpu.memory_space<vmem>> -> memref<1x1x125xi32, #tpu.memory_space<vmem>>
      %dma_wait3A_456 = tpu.memref_squeeze %dma_wait3A_455 : memref<1x1x125xi32, #tpu.memory_space<vmem>> -> memref<125xi32, #tpu.memory_space<vmem>>
      %dma_wait3A_457 = arith.constant 0 : i32
      %dma_wait3A_458 = arith.constant 0 : i32
      %dma_wait3A_459 = tpu.memref_slice %arg2[%dma_wait3A_457, %dma_wait3A_458] : memref<10000x48xf32, #tpu.memory_space<hbm>> -> memref<10000x48xf32, #tpu.memory_space<hbm>>
      tpu.wait_indirect_dma semaphore(%arg15 : memref<!tpu.dma_semaphore, #tpu.memory_space<semaphore_mem>>) src(%dma_wait3A_459 : memref<10000x48xf32, #tpu.memory_space<hbm>>) dst(%arg9 : memref<125x48xf32, #tpu.memory_space<vmem>>)
      %dma_start3A_460 = arith.constant 5 : i32
      %dma_start3A_461 = arith.constant 0 : i32
      %dma_start3A_462 = tpu.memref_slice %arg7[%rem3A_290, %dma_start3A_460, %dma_start3A_461] : memref<2x8x125xi32, #tpu.memory_space<vmem>> -> memref<1x1x125xi32, #tpu.memory_space<vmem>>
      %dma_start3A_463 = tpu.memref_squeeze %dma_start3A_462 : memref<1x1x125xi32, #tpu.memory_space<vmem>> -> memref<125xi32, #tpu.memory_space<vmem>>
      %dma_start3A_464 = arith.constant 0 : i32
      %dma_start3A_465 = arith.constant 0 : i32
      %dma_start3A_466 = tpu.memref_slice %arg13[%dma_start3A_464, %dma_start3A_465] : memref<10000x48xf32, #tpu.memory_space<vmem_shared>> -> memref<10000x48xf32, #tpu.memory_space<vmem_shared>>
      tpu.enqueue_indirect_dma source(%arg9 : memref<125x48xf32, #tpu.memory_space<vmem>>) target(%dma_start3A_466 : memref<10000x48xf32, #tpu.memory_space<vmem_shared>>) offsets(%dma_start3A_463 : memref<125xi32, #tpu.memory_space<vmem>>) semaphore(%arg19 : memref<!tpu.dma_semaphore, #tpu.memory_space<semaphore_mem>>) {add = true}
      %dma_wait3A_467 = arith.constant 5 : i32
      %dma_wait3A_468 = arith.constant 0 : i32
      %dma_wait3A_469 = tpu.memref_slice %arg7[%rem3A_290, %dma_wait3A_467, %dma_wait3A_468] : memref<2x8x125xi32, #tpu.memory_space<vmem>> -> memref<1x1x125xi32, #tpu.memory_space<vmem>>
      %dma_wait3A_470 = tpu.memref_squeeze %dma_wait3A_469 : memref<1x1x125xi32, #tpu.memory_space<vmem>> -> memref<125xi32, #tpu.memory_space<vmem>>
      %dma_wait3A_471 = arith.constant 0 : i32
      %dma_wait3A_472 = arith.constant 0 : i32
      %dma_wait3A_473 = tpu.memref_slice %arg13[%dma_wait3A_471, %dma_wait3A_472] : memref<10000x48xf32, #tpu.memory_space<vmem_shared>> -> memref<10000x48xf32, #tpu.memory_space<vmem_shared>>
      tpu.wait_indirect_dma semaphore(%arg19 : memref<!tpu.dma_semaphore, #tpu.memory_space<semaphore_mem>>) src(%arg9 : memref<125x48xf32, #tpu.memory_space<vmem>>) dst(%dma_wait3A_473 : memref<10000x48xf32, #tpu.memory_space<vmem_shared>>)
      %not3A_474 = arith.constant true
      %not3A_475 = arith.xori %eq3A_293, %not3A_474 : i1
      %convert_element_type3A_476 = arith.extui %not3A_475 : i1 to i32
      %cond3A_477 = arith.constant 0 : i32
      %cond3A_478 = arith.cmpi ne, %convert_element_type3A_476, %cond3A_477 : i32
      scf.if %cond3A_478 {
        %sub3A = arith.constant 1 : i32
        %sub3A_519 = arith.subi %sub3A, %rem3A_290 : i32
        %dma_start3A_520 = arith.constant 1 : i32
        %dma_start3A_521 = arith.constant 0 : i32
        %dma_start3A_522 = tpu.memref_slice %arg6[%sub3A_519, %dma_start3A_520, %dma_start3A_521] : memref<2x8x125xi32, #tpu.memory_space<vmem>> -> memref<1x1x125xi32, #tpu.memory_space<vmem>>
        %dma_start3A_523 = tpu.memref_squeeze %dma_start3A_522 : memref<1x1x125xi32, #tpu.memory_space<vmem>> -> memref<125xi32, #tpu.memory_space<vmem>>
        %dma_start3A_524 = arith.constant 0 : i32
        %dma_start3A_525 = arith.constant 0 : i32
        %dma_start3A_526 = tpu.memref_slice %arg2[%dma_start3A_524, %dma_start3A_525] : memref<10000x48xf32, #tpu.memory_space<hbm>> -> memref<10000x48xf32, #tpu.memory_space<hbm>>
        tpu.enqueue_indirect_dma source(%dma_start3A_526 : memref<10000x48xf32, #tpu.memory_space<hbm>>) target(%arg9 : memref<125x48xf32, #tpu.memory_space<vmem>>) offsets(%dma_start3A_523 : memref<125xi32, #tpu.memory_space<vmem>>) semaphore(%arg15 : memref<!tpu.dma_semaphore, #tpu.memory_space<semaphore_mem>>)
      } else {
      }
      %dma_wait3A_479 = arith.constant 6 : i32
      %dma_wait3A_480 = arith.constant 0 : i32
      %dma_wait3A_481 = tpu.memref_slice %arg6[%rem3A_290, %dma_wait3A_479, %dma_wait3A_480] : memref<2x8x125xi32, #tpu.memory_space<vmem>> -> memref<1x1x125xi32, #tpu.memory_space<vmem>>
      %dma_wait3A_482 = tpu.memref_squeeze %dma_wait3A_481 : memref<1x1x125xi32, #tpu.memory_space<vmem>> -> memref<125xi32, #tpu.memory_space<vmem>>
      %dma_wait3A_483 = arith.constant 0 : i32
      %dma_wait3A_484 = arith.constant 0 : i32
      %dma_wait3A_485 = tpu.memref_slice %arg2[%dma_wait3A_483, %dma_wait3A_484] : memref<10000x48xf32, #tpu.memory_space<hbm>> -> memref<10000x48xf32, #tpu.memory_space<hbm>>
      tpu.wait_indirect_dma semaphore(%arg16 : memref<!tpu.dma_semaphore, #tpu.memory_space<semaphore_mem>>) src(%dma_wait3A_485 : memref<10000x48xf32, #tpu.memory_space<hbm>>) dst(%arg10 : memref<125x48xf32, #tpu.memory_space<vmem>>)
      %dma_start3A_486 = arith.constant 6 : i32
      %dma_start3A_487 = arith.constant 0 : i32
      %dma_start3A_488 = tpu.memref_slice %arg7[%rem3A_290, %dma_start3A_486, %dma_start3A_487] : memref<2x8x125xi32, #tpu.memory_space<vmem>> -> memref<1x1x125xi32, #tpu.memory_space<vmem>>
      %dma_start3A_489 = tpu.memref_squeeze %dma_start3A_488 : memref<1x1x125xi32, #tpu.memory_space<vmem>> -> memref<125xi32, #tpu.memory_space<vmem>>
      %dma_start3A_490 = arith.constant 0 : i32
      %dma_start3A_491 = arith.constant 0 : i32
      %dma_start3A_492 = tpu.memref_slice %arg13[%dma_start3A_490, %dma_start3A_491] : memref<10000x48xf32, #tpu.memory_space<vmem_shared>> -> memref<10000x48xf32, #tpu.memory_space<vmem_shared>>
      tpu.enqueue_indirect_dma source(%arg10 : memref<125x48xf32, #tpu.memory_space<vmem>>) target(%dma_start3A_492 : memref<10000x48xf32, #tpu.memory_space<vmem_shared>>) offsets(%dma_start3A_489 : memref<125xi32, #tpu.memory_space<vmem>>) semaphore(%arg20 : memref<!tpu.dma_semaphore, #tpu.memory_space<semaphore_mem>>) {add = true}
      %dma_wait3A_493 = arith.constant 6 : i32
      %dma_wait3A_494 = arith.constant 0 : i32
      %dma_wait3A_495 = tpu.memref_slice %arg7[%rem3A_290, %dma_wait3A_493, %dma_wait3A_494] : memref<2x8x125xi32, #tpu.memory_space<vmem>> -> memref<1x1x125xi32, #tpu.memory_space<vmem>>
      %dma_wait3A_496 = tpu.memref_squeeze %dma_wait3A_495 : memref<1x1x125xi32, #tpu.memory_space<vmem>> -> memref<125xi32, #tpu.memory_space<vmem>>
      %dma_wait3A_497 = arith.constant 0 : i32
      %dma_wait3A_498 = arith.constant 0 : i32
      %dma_wait3A_499 = tpu.memref_slice %arg13[%dma_wait3A_497, %dma_wait3A_498] : memref<10000x48xf32, #tpu.memory_space<vmem_shared>> -> memref<10000x48xf32, #tpu.memory_space<vmem_shared>>
      tpu.wait_indirect_dma semaphore(%arg20 : memref<!tpu.dma_semaphore, #tpu.memory_space<semaphore_mem>>) src(%arg10 : memref<125x48xf32, #tpu.memory_space<vmem>>) dst(%dma_wait3A_499 : memref<10000x48xf32, #tpu.memory_space<vmem_shared>>)
      %not3A_500 = arith.constant true
      %not3A_501 = arith.xori %eq3A_293, %not3A_500 : i1
      %convert_element_type3A_502 = arith.extui %not3A_501 : i1 to i32
      %cond3A_503 = arith.constant 0 : i32
      %cond3A_504 = arith.cmpi ne, %convert_element_type3A_502, %cond3A_503 : i32
      scf.if %cond3A_504 {
        %sub3A = arith.constant 1 : i32
        %sub3A_519 = arith.subi %sub3A, %rem3A_290 : i32
        %dma_start3A_520 = arith.constant 2 : i32
        %dma_start3A_521 = arith.constant 0 : i32
        %dma_start3A_522 = tpu.memref_slice %arg6[%sub3A_519, %dma_start3A_520, %dma_start3A_521] : memref<2x8x125xi32, #tpu.memory_space<vmem>> -> memref<1x1x125xi32, #tpu.memory_space<vmem>>
        %dma_start3A_523 = tpu.memref_squeeze %dma_start3A_522 : memref<1x1x125xi32, #tpu.memory_space<vmem>> -> memref<125xi32, #tpu.memory_space<vmem>>
        %dma_start3A_524 = arith.constant 0 : i32
        %dma_start3A_525 = arith.constant 0 : i32
        %dma_start3A_526 = tpu.memref_slice %arg2[%dma_start3A_524, %dma_start3A_525] : memref<10000x48xf32, #tpu.memory_space<hbm>> -> memref<10000x48xf32, #tpu.memory_space<hbm>>
        tpu.enqueue_indirect_dma source(%dma_start3A_526 : memref<10000x48xf32, #tpu.memory_space<hbm>>) target(%arg10 : memref<125x48xf32, #tpu.memory_space<vmem>>) offsets(%dma_start3A_523 : memref<125xi32, #tpu.memory_space<vmem>>) semaphore(%arg16 : memref<!tpu.dma_semaphore, #tpu.memory_space<semaphore_mem>>)
      } else {
      }
      %dma_wait3A_505 = arith.constant 7 : i32
      %dma_wait3A_506 = arith.constant 0 : i32
      %dma_wait3A_507 = tpu.memref_slice %arg6[%rem3A_290, %dma_wait3A_505, %dma_wait3A_506] : memref<2x8x125xi32, #tpu.memory_space<vmem>> -> memref<1x1x125xi32, #tpu.memory_space<vmem>>
      %dma_wait3A_508 = tpu.memref_squeeze %dma_wait3A_507 : memref<1x1x125xi32, #tpu.memory_space<vmem>> -> memref<125xi32, #tpu.memory_space<vmem>>
      %dma_wait3A_509 = arith.constant 0 : i32
      %dma_wait3A_510 = arith.constant 0 : i32
      %dma_wait3A_511 = tpu.memref_slice %arg2[%dma_wait3A_509, %dma_wait3A_510] : memref<10000x48xf32, #tpu.memory_space<hbm>> -> memref<10000x48xf32, #tpu.memory_space<hbm>>
      tpu.wait_indirect_dma semaphore(%arg17 : memref<!tpu.dma_semaphore, #tpu.memory_space<semaphore_mem>>) src(%dma_wait3A_511 : memref<10000x48xf32, #tpu.memory_space<hbm>>) dst(%arg11 : memref<125x48xf32, #tpu.memory_space<vmem>>)
      %dma_start3A_512 = arith.constant 7 : i32
      %dma_start3A_513 = arith.constant 0 : i32
      %dma_start3A_514 = tpu.memref_slice %arg7[%rem3A_290, %dma_start3A_512, %dma_start3A_513] : memref<2x8x125xi32, #tpu.memory_space<vmem>> -> memref<1x1x125xi32, #tpu.memory_space<vmem>>
      %dma_start3A_515 = tpu.memref_squeeze %dma_start3A_514 : memref<1x1x125xi32, #tpu.memory_space<vmem>> -> memref<125xi32, #tpu.memory_space<vmem>>
      %dma_start3A_516 = arith.constant 0 : i32
      %dma_start3A_517 = arith.constant 0 : i32
      %dma_start3A_518 = tpu.memref_slice %arg13[%dma_start3A_516, %dma_start3A_517] : memref<10000x48xf32, #tpu.memory_space<vmem_shared>> -> memref<10000x48xf32, #tpu.memory_space<vmem_shared>>
      tpu.enqueue_indirect_dma source(%arg11 : memref<125x48xf32, #tpu.memory_space<vmem>>) target(%dma_start3A_518 : memref<10000x48xf32, #tpu.memory_space<vmem_shared>>) offsets(%dma_start3A_515 : memref<125xi32, #tpu.memory_space<vmem>>) semaphore(%arg21 : memref<!tpu.dma_semaphore, #tpu.memory_space<semaphore_mem>>) {add = true}
    }
    %scan3A_114 = arith.constant 10 : i32
    %dma_wait3A_115 = arith.constant 1 : i32
    %dma_wait3A_116 = arith.constant 7 : i32
    %dma_wait3A_117 = arith.constant 0 : i32
    %dma_wait3A_118 = tpu.memref_slice %arg7[%dma_wait3A_115, %dma_wait3A_116, %dma_wait3A_117] : memref<2x8x125xi32, #tpu.memory_space<vmem>> -> memref<1x1x125xi32, #tpu.memory_space<vmem>>
    %dma_wait3A_119 = tpu.memref_squeeze %dma_wait3A_118 : memref<1x1x125xi32, #tpu.memory_space<vmem>> -> memref<125xi32, #tpu.memory_space<vmem>>
    %dma_wait3A_120 = arith.constant 0 : i32
    %dma_wait3A_121 = arith.constant 0 : i32
    %dma_wait3A_122 = tpu.memref_slice %arg13[%dma_wait3A_120, %dma_wait3A_121] : memref<10000x48xf32, #tpu.memory_space<vmem_shared>> -> memref<10000x48xf32, #tpu.memory_space<vmem_shared>>
    tpu.wait_indirect_dma semaphore(%arg21 : memref<!tpu.dma_semaphore, #tpu.memory_space<semaphore_mem>>) src(%arg11 : memref<125x48xf32, #tpu.memory_space<vmem>>) dst(%dma_wait3A_122 : memref<10000x48xf32, #tpu.memory_space<vmem_shared>>)
    %barrier3A_123 = arith.constant 0 : index
    tpu.barrier barrier_id(%barrier3A_123)
    %add3A_124 = arith.constant 0 : i32
    %add3A_125 = arith.addi %add3A_124, %arg1 : i32
    %lt3A = arith.constant 125 : i32
    %lt3A_126 = arith.cmpi slt, %add3A_125, %lt3A : i32
    %convert_element_type3A = arith.extui %lt3A_126 : i1 to i32
    %cond3A = arith.constant 0 : i32
    %cond3A_127 = arith.cmpi ne, %convert_element_type3A, %cond3A : i32
    scf.if %cond3A_127 {
      %mul3A_289 = arith.constant 80 : i32
      %mul3A_290 = arith.muli %add3A_125, %mul3A_289 : i32
      %dma_start3A_291 = arith.constant 0 : i32
      %dma_start3A_292 = arith.constant 0 : i32
      %dma_start3A_293 = tpu.memref_slice %arg8[%dma_start3A_291, %dma_start3A_292] : memref<125x48xf32, #tpu.memory_space<vmem>> -> memref<80x48xf32, #tpu.memory_space<vmem>>
      %dma_start3A_294 = arith.constant 0 : i32
      %dma_start3A_295 = tpu.memref_slice %arg13[%mul3A_290, %dma_start3A_294] : memref<10000x48xf32, #tpu.memory_space<vmem_shared>> -> memref<80x48xf32, #tpu.memory_space<vmem_shared>>
      %dma_start3A_296 = arith.constant 0 : i32
      %dma_start3A_297 = arith.constant 0 : i32
      %dma_start3A_298 = tpu.memref_slice %arg8[%dma_start3A_296, %dma_start3A_297] : memref<125x48xf32, #tpu.memory_space<vmem>> -> memref<80x48xf32, #tpu.memory_space<vmem>>
      %dma_start3A_299 = arith.constant 0 : i32
      %dma_start3A_300 = tpu.memref_slice %arg13[%mul3A_290, %dma_start3A_299] : memref<10000x48xf32, #tpu.memory_space<vmem_shared>> -> memref<80x48xf32, #tpu.memory_space<vmem_shared>>
      tpu.enqueue_dma source(%dma_start3A_300 : memref<80x48xf32, #tpu.memory_space<vmem_shared>>) target(%dma_start3A_298 : memref<80x48xf32, #tpu.memory_space<vmem>>) target_semaphore(%arg14 : memref<!tpu.dma_semaphore, #tpu.memory_space<semaphore_mem>>)
    } else {
    }
    %add3A_128 = arith.constant 16 : i32
    %add3A_129 = arith.addi %add3A_128, %arg1 : i32
    %lt3A_130 = arith.constant 125 : i32
    %lt3A_131 = arith.cmpi slt, %add3A_129, %lt3A_130 : i32
    %convert_element_type3A_132 = arith.extui %lt3A_131 : i1 to i32
    %cond3A_133 = arith.constant 0 : i32
    %cond3A_134 = arith.cmpi ne, %convert_element_type3A_132, %cond3A_133 : i32
    scf.if %cond3A_134 {
      %mul3A_289 = arith.constant 80 : i32
      %mul3A_290 = arith.muli %add3A_129, %mul3A_289 : i32
      %dma_start3A_291 = arith.constant 0 : i32
      %dma_start3A_292 = arith.constant 0 : i32
      %dma_start3A_293 = tpu.memref_slice %arg9[%dma_start3A_291, %dma_start3A_292] : memref<125x48xf32, #tpu.memory_space<vmem>> -> memref<80x48xf32, #tpu.memory_space<vmem>>
      %dma_start3A_294 = arith.constant 0 : i32
      %dma_start3A_295 = tpu.memref_slice %arg13[%mul3A_290, %dma_start3A_294] : memref<10000x48xf32, #tpu.memory_space<vmem_shared>> -> memref<80x48xf32, #tpu.memory_space<vmem_shared>>
      %dma_start3A_296 = arith.constant 0 : i32
      %dma_start3A_297 = arith.constant 0 : i32
      %dma_start3A_298 = tpu.memref_slice %arg9[%dma_start3A_296, %dma_start3A_297] : memref<125x48xf32, #tpu.memory_space<vmem>> -> memref<80x48xf32, #tpu.memory_space<vmem>>
      %dma_start3A_299 = arith.constant 0 : i32
      %dma_start3A_300 = tpu.memref_slice %arg13[%mul3A_290, %dma_start3A_299] : memref<10000x48xf32, #tpu.memory_space<vmem_shared>> -> memref<80x48xf32, #tpu.memory_space<vmem_shared>>
      tpu.enqueue_dma source(%dma_start3A_300 : memref<80x48xf32, #tpu.memory_space<vmem_shared>>) target(%dma_start3A_298 : memref<80x48xf32, #tpu.memory_space<vmem>>) target_semaphore(%arg15 : memref<!tpu.dma_semaphore, #tpu.memory_space<semaphore_mem>>)
    } else {
    }
    %add3A_135 = arith.constant 0 : i32
    %add3A_136 = arith.addi %add3A_135, %arg1 : i32
    %lt3A_137 = arith.constant 125 : i32
    %lt3A_138 = arith.cmpi slt, %add3A_136, %lt3A_137 : i32
    %convert_element_type3A_139 = arith.extui %lt3A_138 : i1 to i32
    %cond3A_140 = arith.constant 0 : i32
    %cond3A_141 = arith.cmpi ne, %convert_element_type3A_139, %cond3A_140 : i32
    scf.if %cond3A_141 {
      %mul3A_289 = arith.constant 80 : i32
      %mul3A_290 = arith.muli %add3A_136, %mul3A_289 : i32
      %dma_wait3A_291 = arith.constant 0 : i32
      %dma_wait3A_292 = arith.constant 0 : i32
      %dma_wait3A_293 = tpu.memref_slice %arg8[%dma_wait3A_291, %dma_wait3A_292] : memref<125x48xf32, #tpu.memory_space<vmem>> -> memref<80x48xf32, #tpu.memory_space<vmem>>
      %dma_wait3A_294 = arith.constant 0 : i32
      %dma_wait3A_295 = tpu.memref_slice %arg13[%mul3A_290, %dma_wait3A_294] : memref<10000x48xf32, #tpu.memory_space<vmem_shared>> -> memref<80x48xf32, #tpu.memory_space<vmem_shared>>
      %dma_wait3A_296 = arith.constant 0 : i32
      %dma_wait3A_297 = arith.constant 0 : i32
      %dma_wait3A_298 = tpu.memref_slice %arg8[%dma_wait3A_296, %dma_wait3A_297] : memref<125x48xf32, #tpu.memory_space<vmem>> -> memref<80x48xf32, #tpu.memory_space<vmem>>
      %dma_wait3A_299 = arith.constant 0 : i32
      %dma_wait3A_300 = tpu.memref_slice %arg13[%mul3A_290, %dma_wait3A_299] : memref<10000x48xf32, #tpu.memory_space<vmem_shared>> -> memref<80x48xf32, #tpu.memory_space<vmem_shared>>
      tpu.wait_dma2 semaphore(%arg14 : memref<!tpu.dma_semaphore, #tpu.memory_space<semaphore_mem>>) src(%dma_wait3A_300 : memref<80x48xf32, #tpu.memory_space<vmem_shared>>) dst(%dma_wait3A_298 : memref<80x48xf32, #tpu.memory_space<vmem>>)
      %mul3A_301 = arith.constant 80 : i32
      %mul3A_302 = arith.muli %add3A_136, %mul3A_301 : i32
      %dma_start3A_303 = arith.constant 0 : i32
      %dma_start3A_304 = arith.constant 0 : i32
      %dma_start3A_305 = tpu.memref_slice %arg8[%dma_start3A_303, %dma_start3A_304] : memref<125x48xf32, #tpu.memory_space<vmem>> -> memref<80x48xf32, #tpu.memory_space<vmem>>
      %dma_start3A_306 = arith.constant 0 : i32
      %dma_start3A_307 = tpu.memref_slice %arg5[%arg0, %mul3A_302, %dma_start3A_306] : memref<2x10000x48xf32, #tpu.memory_space<hbm>> -> memref<1x80x48xf32, #tpu.memory_space<hbm>>
      %dma_start3A_308 = tpu.memref_squeeze %dma_start3A_307 : memref<1x80x48xf32, #tpu.memory_space<hbm>> -> memref<80x48xf32, #tpu.memory_space<hbm>>
      %dma_start3A_309 = arith.constant 0 : i32
      %dma_start3A_310 = tpu.memref_slice %arg5[%arg0, %mul3A_302, %dma_start3A_309] : memref<2x10000x48xf32, #tpu.memory_space<hbm>> -> memref<1x80x48xf32, #tpu.memory_space<hbm>>
      %dma_start3A_311 = tpu.memref_squeeze %dma_start3A_310 : memref<1x80x48xf32, #tpu.memory_space<hbm>> -> memref<80x48xf32, #tpu.memory_space<hbm>>
      %dma_start3A_312 = arith.constant 0 : i32
      %dma_start3A_313 = arith.constant 0 : i32
      %dma_start3A_314 = tpu.memref_slice %arg8[%dma_start3A_312, %dma_start3A_313] : memref<125x48xf32, #tpu.memory_space<vmem>> -> memref<80x48xf32, #tpu.memory_space<vmem>>
      tpu.enqueue_dma source(%dma_start3A_314 : memref<80x48xf32, #tpu.memory_space<vmem>>) target(%dma_start3A_311 : memref<80x48xf32, #tpu.memory_space<hbm>>) target_semaphore(%arg18 : memref<!tpu.dma_semaphore, #tpu.memory_space<semaphore_mem>>)
    } else {
    }
    %add3A_142 = arith.constant 0 : i32
    %add3A_143 = arith.addi %add3A_142, %arg1 : i32
    %lt3A_144 = arith.constant 125 : i32
    %lt3A_145 = arith.cmpi slt, %add3A_143, %lt3A_144 : i32
    %convert_element_type3A_146 = arith.extui %lt3A_145 : i1 to i32
    %cond3A_147 = arith.constant 0 : i32
    %cond3A_148 = arith.cmpi ne, %convert_element_type3A_146, %cond3A_147 : i32
    scf.if %cond3A_148 {
      %mul3A_289 = arith.constant 80 : i32
      %mul3A_290 = arith.muli %add3A_143, %mul3A_289 : i32
      %dma_wait3A_291 = arith.constant 0 : i32
      %dma_wait3A_292 = arith.constant 0 : i32
      %dma_wait3A_293 = tpu.memref_slice %arg8[%dma_wait3A_291, %dma_wait3A_292] : memref<125x48xf32, #tpu.memory_space<vmem>> -> memref<80x48xf32, #tpu.memory_space<vmem>>
      %dma_wait3A_294 = arith.constant 0 : i32
      %dma_wait3A_295 = tpu.memref_slice %arg5[%arg0, %mul3A_290, %dma_wait3A_294] : memref<2x10000x48xf32, #tpu.memory_space<hbm>> -> memref<1x80x48xf32, #tpu.memory_space<hbm>>
      %dma_wait3A_296 = tpu.memref_squeeze %dma_wait3A_295 : memref<1x80x48xf32, #tpu.memory_space<hbm>> -> memref<80x48xf32, #tpu.memory_space<hbm>>
      %dma_wait3A_297 = arith.constant 0 : i32
      %dma_wait3A_298 = tpu.memref_slice %arg5[%arg0, %mul3A_290, %dma_wait3A_297] : memref<2x10000x48xf32, #tpu.memory_space<hbm>> -> memref<1x80x48xf32, #tpu.memory_space<hbm>>
      %dma_wait3A_299 = tpu.memref_squeeze %dma_wait3A_298 : memref<1x80x48xf32, #tpu.memory_space<hbm>> -> memref<80x48xf32, #tpu.memory_space<hbm>>
      %dma_wait3A_300 = arith.constant 0 : i32
      %dma_wait3A_301 = arith.constant 0 : i32
      %dma_wait3A_302 = tpu.memref_slice %arg8[%dma_wait3A_300, %dma_wait3A_301] : memref<125x48xf32, #tpu.memory_space<vmem>> -> memref<80x48xf32, #tpu.memory_space<vmem>>
      tpu.wait_dma2 semaphore(%arg18 : memref<!tpu.dma_semaphore, #tpu.memory_space<semaphore_mem>>) src(%dma_wait3A_302 : memref<80x48xf32, #tpu.memory_space<vmem>>) dst(%dma_wait3A_299 : memref<80x48xf32, #tpu.memory_space<hbm>>)
    } else {
    }
    %add3A_149 = arith.constant 32 : i32
    %add3A_150 = arith.addi %add3A_149, %arg1 : i32
    %lt3A_151 = arith.constant 125 : i32
    %lt3A_152 = arith.cmpi slt, %add3A_150, %lt3A_151 : i32
    %convert_element_type3A_153 = arith.extui %lt3A_152 : i1 to i32
    %cond3A_154 = arith.constant 0 : i32
    %cond3A_155 = arith.cmpi ne, %convert_element_type3A_153, %cond3A_154 : i32
    scf.if %cond3A_155 {
      %mul3A_289 = arith.constant 80 : i32
      %mul3A_290 = arith.muli %add3A_150, %mul3A_289 : i32
      %dma_start3A_291 = arith.constant 0 : i32
      %dma_start3A_292 = arith.constant 0 : i32
      %dma_start3A_293 = tpu.memref_slice %arg8[%dma_start3A_291, %dma_start3A_292] : memref<125x48xf32, #tpu.memory_space<vmem>> -> memref<80x48xf32, #tpu.memory_space<vmem>>
      %dma_start3A_294 = arith.constant 0 : i32
      %dma_start3A_295 = tpu.memref_slice %arg13[%mul3A_290, %dma_start3A_294] : memref<10000x48xf32, #tpu.memory_space<vmem_shared>> -> memref<80x48xf32, #tpu.memory_space<vmem_shared>>
      %dma_start3A_296 = arith.constant 0 : i32
      %dma_start3A_297 = arith.constant 0 : i32
      %dma_start3A_298 = tpu.memref_slice %arg8[%dma_start3A_296, %dma_start3A_297] : memref<125x48xf32, #tpu.memory_space<vmem>> -> memref<80x48xf32, #tpu.memory_space<vmem>>
      %dma_start3A_299 = arith.constant 0 : i32
      %dma_start3A_300 = tpu.memref_slice %arg13[%mul3A_290, %dma_start3A_299] : memref<10000x48xf32, #tpu.memory_space<vmem_shared>> -> memref<80x48xf32, #tpu.memory_space<vmem_shared>>
      tpu.enqueue_dma source(%dma_start3A_300 : memref<80x48xf32, #tpu.memory_space<vmem_shared>>) target(%dma_start3A_298 : memref<80x48xf32, #tpu.memory_space<vmem>>) target_semaphore(%arg14 : memref<!tpu.dma_semaphore, #tpu.memory_space<semaphore_mem>>)
    } else {
    }
    %add3A_156 = arith.constant 16 : i32
    %add3A_157 = arith.addi %add3A_156, %arg1 : i32
    %lt3A_158 = arith.constant 125 : i32
    %lt3A_159 = arith.cmpi slt, %add3A_157, %lt3A_158 : i32
    %convert_element_type3A_160 = arith.extui %lt3A_159 : i1 to i32
    %cond3A_161 = arith.constant 0 : i32
    %cond3A_162 = arith.cmpi ne, %convert_element_type3A_160, %cond3A_161 : i32
    scf.if %cond3A_162 {
      %mul3A_289 = arith.constant 80 : i32
      %mul3A_290 = arith.muli %add3A_157, %mul3A_289 : i32
      %dma_wait3A_291 = arith.constant 0 : i32
      %dma_wait3A_292 = arith.constant 0 : i32
      %dma_wait3A_293 = tpu.memref_slice %arg9[%dma_wait3A_291, %dma_wait3A_292] : memref<125x48xf32, #tpu.memory_space<vmem>> -> memref<80x48xf32, #tpu.memory_space<vmem>>
      %dma_wait3A_294 = arith.constant 0 : i32
      %dma_wait3A_295 = tpu.memref_slice %arg13[%mul3A_290, %dma_wait3A_294] : memref<10000x48xf32, #tpu.memory_space<vmem_shared>> -> memref<80x48xf32, #tpu.memory_space<vmem_shared>>
      %dma_wait3A_296 = arith.constant 0 : i32
      %dma_wait3A_297 = arith.constant 0 : i32
      %dma_wait3A_298 = tpu.memref_slice %arg9[%dma_wait3A_296, %dma_wait3A_297] : memref<125x48xf32, #tpu.memory_space<vmem>> -> memref<80x48xf32, #tpu.memory_space<vmem>>
      %dma_wait3A_299 = arith.constant 0 : i32
      %dma_wait3A_300 = tpu.memref_slice %arg13[%mul3A_290, %dma_wait3A_299] : memref<10000x48xf32, #tpu.memory_space<vmem_shared>> -> memref<80x48xf32, #tpu.memory_space<vmem_shared>>
      tpu.wait_dma2 semaphore(%arg15 : memref<!tpu.dma_semaphore, #tpu.memory_space<semaphore_mem>>) src(%dma_wait3A_300 : memref<80x48xf32, #tpu.memory_space<vmem_shared>>) dst(%dma_wait3A_298 : memref<80x48xf32, #tpu.memory_space<vmem>>)
      %mul3A_301 = arith.constant 80 : i32
      %mul3A_302 = arith.muli %add3A_157, %mul3A_301 : i32
      %dma_start3A_303 = arith.constant 0 : i32
      %dma_start3A_304 = arith.constant 0 : i32
      %dma_start3A_305 = tpu.memref_slice %arg9[%dma_start3A_303, %dma_start3A_304] : memref<125x48xf32, #tpu.memory_space<vmem>> -> memref<80x48xf32, #tpu.memory_space<vmem>>
      %dma_start3A_306 = arith.constant 0 : i32
      %dma_start3A_307 = tpu.memref_slice %arg5[%arg0, %mul3A_302, %dma_start3A_306] : memref<2x10000x48xf32, #tpu.memory_space<hbm>> -> memref<1x80x48xf32, #tpu.memory_space<hbm>>
      %dma_start3A_308 = tpu.memref_squeeze %dma_start3A_307 : memref<1x80x48xf32, #tpu.memory_space<hbm>> -> memref<80x48xf32, #tpu.memory_space<hbm>>
      %dma_start3A_309 = arith.constant 0 : i32
      %dma_start3A_310 = tpu.memref_slice %arg5[%arg0, %mul3A_302, %dma_start3A_309] : memref<2x10000x48xf32, #tpu.memory_space<hbm>> -> memref<1x80x48xf32, #tpu.memory_space<hbm>>
      %dma_start3A_311 = tpu.memref_squeeze %dma_start3A_310 : memref<1x80x48xf32, #tpu.memory_space<hbm>> -> memref<80x48xf32, #tpu.memory_space<hbm>>
      %dma_start3A_312 = arith.constant 0 : i32
      %dma_start3A_313 = arith.constant 0 : i32
      %dma_start3A_314 = tpu.memref_slice %arg9[%dma_start3A_312, %dma_start3A_313] : memref<125x48xf32, #tpu.memory_space<vmem>> -> memref<80x48xf32, #tpu.memory_space<vmem>>
      tpu.enqueue_dma source(%dma_start3A_314 : memref<80x48xf32, #tpu.memory_space<vmem>>) target(%dma_start3A_311 : memref<80x48xf32, #tpu.memory_space<hbm>>) target_semaphore(%arg19 : memref<!tpu.dma_semaphore, #tpu.memory_space<semaphore_mem>>)
    } else {
    }
    %add3A_163 = arith.constant 16 : i32
    %add3A_164 = arith.addi %add3A_163, %arg1 : i32
    %lt3A_165 = arith.constant 125 : i32
    %lt3A_166 = arith.cmpi slt, %add3A_164, %lt3A_165 : i32
    %convert_element_type3A_167 = arith.extui %lt3A_166 : i1 to i32
    %cond3A_168 = arith.constant 0 : i32
    %cond3A_169 = arith.cmpi ne, %convert_element_type3A_167, %cond3A_168 : i32
    scf.if %cond3A_169 {
      %mul3A_289 = arith.constant 80 : i32
      %mul3A_290 = arith.muli %add3A_164, %mul3A_289 : i32
      %dma_wait3A_291 = arith.constant 0 : i32
      %dma_wait3A_292 = arith.constant 0 : i32
      %dma_wait3A_293 = tpu.memref_slice %arg9[%dma_wait3A_291, %dma_wait3A_292] : memref<125x48xf32, #tpu.memory_space<vmem>> -> memref<80x48xf32, #tpu.memory_space<vmem>>
      %dma_wait3A_294 = arith.constant 0 : i32
      %dma_wait3A_295 = tpu.memref_slice %arg5[%arg0, %mul3A_290, %dma_wait3A_294] : memref<2x10000x48xf32, #tpu.memory_space<hbm>> -> memref<1x80x48xf32, #tpu.memory_space<hbm>>
      %dma_wait3A_296 = tpu.memref_squeeze %dma_wait3A_295 : memref<1x80x48xf32, #tpu.memory_space<hbm>> -> memref<80x48xf32, #tpu.memory_space<hbm>>
      %dma_wait3A_297 = arith.constant 0 : i32
      %dma_wait3A_298 = tpu.memref_slice %arg5[%arg0, %mul3A_290, %dma_wait3A_297] : memref<2x10000x48xf32, #tpu.memory_space<hbm>> -> memref<1x80x48xf32, #tpu.memory_space<hbm>>
      %dma_wait3A_299 = tpu.memref_squeeze %dma_wait3A_298 : memref<1x80x48xf32, #tpu.memory_space<hbm>> -> memref<80x48xf32, #tpu.memory_space<hbm>>
      %dma_wait3A_300 = arith.constant 0 : i32
      %dma_wait3A_301 = arith.constant 0 : i32
      %dma_wait3A_302 = tpu.memref_slice %arg9[%dma_wait3A_300, %dma_wait3A_301] : memref<125x48xf32, #tpu.memory_space<vmem>> -> memref<80x48xf32, #tpu.memory_space<vmem>>
      tpu.wait_dma2 semaphore(%arg19 : memref<!tpu.dma_semaphore, #tpu.memory_space<semaphore_mem>>) src(%dma_wait3A_302 : memref<80x48xf32, #tpu.memory_space<vmem>>) dst(%dma_wait3A_299 : memref<80x48xf32, #tpu.memory_space<hbm>>)
    } else {
    }
    %add3A_170 = arith.constant 48 : i32
    %add3A_171 = arith.addi %add3A_170, %arg1 : i32
    %lt3A_172 = arith.constant 125 : i32
    %lt3A_173 = arith.cmpi slt, %add3A_171, %lt3A_172 : i32
    %convert_element_type3A_174 = arith.extui %lt3A_173 : i1 to i32
    %cond3A_175 = arith.constant 0 : i32
    %cond3A_176 = arith.cmpi ne, %convert_element_type3A_174, %cond3A_175 : i32
    scf.if %cond3A_176 {
      %mul3A_289 = arith.constant 80 : i32
      %mul3A_290 = arith.muli %add3A_171, %mul3A_289 : i32
      %dma_start3A_291 = arith.constant 0 : i32
      %dma_start3A_292 = arith.constant 0 : i32
      %dma_start3A_293 = tpu.memref_slice %arg9[%dma_start3A_291, %dma_start3A_292] : memref<125x48xf32, #tpu.memory_space<vmem>> -> memref<80x48xf32, #tpu.memory_space<vmem>>
      %dma_start3A_294 = arith.constant 0 : i32
      %dma_start3A_295 = tpu.memref_slice %arg13[%mul3A_290, %dma_start3A_294] : memref<10000x48xf32, #tpu.memory_space<vmem_shared>> -> memref<80x48xf32, #tpu.memory_space<vmem_shared>>
      %dma_start3A_296 = arith.constant 0 : i32
      %dma_start3A_297 = arith.constant 0 : i32
      %dma_start3A_298 = tpu.memref_slice %arg9[%dma_start3A_296, %dma_start3A_297] : memref<125x48xf32, #tpu.memory_space<vmem>> -> memref<80x48xf32, #tpu.memory_space<vmem>>
      %dma_start3A_299 = arith.constant 0 : i32
      %dma_start3A_300 = tpu.memref_slice %arg13[%mul3A_290, %dma_start3A_299] : memref<10000x48xf32, #tpu.memory_space<vmem_shared>> -> memref<80x48xf32, #tpu.memory_space<vmem_shared>>
      tpu.enqueue_dma source(%dma_start3A_300 : memref<80x48xf32, #tpu.memory_space<vmem_shared>>) target(%dma_start3A_298 : memref<80x48xf32, #tpu.memory_space<vmem>>) target_semaphore(%arg15 : memref<!tpu.dma_semaphore, #tpu.memory_space<semaphore_mem>>)
    } else {
    }
    %add3A_177 = arith.constant 32 : i32
    %add3A_178 = arith.addi %add3A_177, %arg1 : i32
    %lt3A_179 = arith.constant 125 : i32
    %lt3A_180 = arith.cmpi slt, %add3A_178, %lt3A_179 : i32
    %convert_element_type3A_181 = arith.extui %lt3A_180 : i1 to i32
    %cond3A_182 = arith.constant 0 : i32
    %cond3A_183 = arith.cmpi ne, %convert_element_type3A_181, %cond3A_182 : i32
    scf.if %cond3A_183 {
      %mul3A_289 = arith.constant 80 : i32
      %mul3A_290 = arith.muli %add3A_178, %mul3A_289 : i32
      %dma_wait3A_291 = arith.constant 0 : i32
      %dma_wait3A_292 = arith.constant 0 : i32
      %dma_wait3A_293 = tpu.memref_slice %arg8[%dma_wait3A_291, %dma_wait3A_292] : memref<125x48xf32, #tpu.memory_space<vmem>> -> memref<80x48xf32, #tpu.memory_space<vmem>>
      %dma_wait3A_294 = arith.constant 0 : i32
      %dma_wait3A_295 = tpu.memref_slice %arg13[%mul3A_290, %dma_wait3A_294] : memref<10000x48xf32, #tpu.memory_space<vmem_shared>> -> memref<80x48xf32, #tpu.memory_space<vmem_shared>>
      %dma_wait3A_296 = arith.constant 0 : i32
      %dma_wait3A_297 = arith.constant 0 : i32
      %dma_wait3A_298 = tpu.memref_slice %arg8[%dma_wait3A_296, %dma_wait3A_297] : memref<125x48xf32, #tpu.memory_space<vmem>> -> memref<80x48xf32, #tpu.memory_space<vmem>>
      %dma_wait3A_299 = arith.constant 0 : i32
      %dma_wait3A_300 = tpu.memref_slice %arg13[%mul3A_290, %dma_wait3A_299] : memref<10000x48xf32, #tpu.memory_space<vmem_shared>> -> memref<80x48xf32, #tpu.memory_space<vmem_shared>>
      tpu.wait_dma2 semaphore(%arg14 : memref<!tpu.dma_semaphore, #tpu.memory_space<semaphore_mem>>) src(%dma_wait3A_300 : memref<80x48xf32, #tpu.memory_space<vmem_shared>>) dst(%dma_wait3A_298 : memref<80x48xf32, #tpu.memory_space<vmem>>)
      %mul3A_301 = arith.constant 80 : i32
      %mul3A_302 = arith.muli %add3A_178, %mul3A_301 : i32
      %dma_start3A_303 = arith.constant 0 : i32
      %dma_start3A_304 = arith.constant 0 : i32
      %dma_start3A_305 = tpu.memref_slice %arg8[%dma_start3A_303, %dma_start3A_304] : memref<125x48xf32, #tpu.memory_space<vmem>> -> memref<80x48xf32, #tpu.memory_space<vmem>>
      %dma_start3A_306 = arith.constant 0 : i32
      %dma_start3A_307 = tpu.memref_slice %arg5[%arg0, %mul3A_302, %dma_start3A_306] : memref<2x10000x48xf32, #tpu.memory_space<hbm>> -> memref<1x80x48xf32, #tpu.memory_space<hbm>>
      %dma_start3A_308 = tpu.memref_squeeze %dma_start3A_307 : memref<1x80x48xf32, #tpu.memory_space<hbm>> -> memref<80x48xf32, #tpu.memory_space<hbm>>
      %dma_start3A_309 = arith.constant 0 : i32
      %dma_start3A_310 = tpu.memref_slice %arg5[%arg0, %mul3A_302, %dma_start3A_309] : memref<2x10000x48xf32, #tpu.memory_space<hbm>> -> memref<1x80x48xf32, #tpu.memory_space<hbm>>
      %dma_start3A_311 = tpu.memref_squeeze %dma_start3A_310 : memref<1x80x48xf32, #tpu.memory_space<hbm>> -> memref<80x48xf32, #tpu.memory_space<hbm>>
      %dma_start3A_312 = arith.constant 0 : i32
      %dma_start3A_313 = arith.constant 0 : i32
      %dma_start3A_314 = tpu.memref_slice %arg8[%dma_start3A_312, %dma_start3A_313] : memref<125x48xf32, #tpu.memory_space<vmem>> -> memref<80x48xf32, #tpu.memory_space<vmem>>
      tpu.enqueue_dma source(%dma_start3A_314 : memref<80x48xf32, #tpu.memory_space<vmem>>) target(%dma_start3A_311 : memref<80x48xf32, #tpu.memory_space<hbm>>) target_semaphore(%arg18 : memref<!tpu.dma_semaphore, #tpu.memory_space<semaphore_mem>>)
    } else {
    }
    %add3A_184 = arith.constant 32 : i32
    %add3A_185 = arith.addi %add3A_184, %arg1 : i32
    %lt3A_186 = arith.constant 125 : i32
    %lt3A_187 = arith.cmpi slt, %add3A_185, %lt3A_186 : i32
    %convert_element_type3A_188 = arith.extui %lt3A_187 : i1 to i32
    %cond3A_189 = arith.constant 0 : i32
    %cond3A_190 = arith.cmpi ne, %convert_element_type3A_188, %cond3A_189 : i32
    scf.if %cond3A_190 {
      %mul3A_289 = arith.constant 80 : i32
      %mul3A_290 = arith.muli %add3A_185, %mul3A_289 : i32
      %dma_wait3A_291 = arith.constant 0 : i32
      %dma_wait3A_292 = arith.constant 0 : i32
      %dma_wait3A_293 = tpu.memref_slice %arg8[%dma_wait3A_291, %dma_wait3A_292] : memref<125x48xf32, #tpu.memory_space<vmem>> -> memref<80x48xf32, #tpu.memory_space<vmem>>
      %dma_wait3A_294 = arith.constant 0 : i32
      %dma_wait3A_295 = tpu.memref_slice %arg5[%arg0, %mul3A_290, %dma_wait3A_294] : memref<2x10000x48xf32, #tpu.memory_space<hbm>> -> memref<1x80x48xf32, #tpu.memory_space<hbm>>
      %dma_wait3A_296 = tpu.memref_squeeze %dma_wait3A_295 : memref<1x80x48xf32, #tpu.memory_space<hbm>> -> memref<80x48xf32, #tpu.memory_space<hbm>>
      %dma_wait3A_297 = arith.constant 0 : i32
      %dma_wait3A_298 = tpu.memref_slice %arg5[%arg0, %mul3A_290, %dma_wait3A_297] : memref<2x10000x48xf32, #tpu.memory_space<hbm>> -> memref<1x80x48xf32, #tpu.memory_space<hbm>>
      %dma_wait3A_299 = tpu.memref_squeeze %dma_wait3A_298 : memref<1x80x48xf32, #tpu.memory_space<hbm>> -> memref<80x48xf32, #tpu.memory_space<hbm>>
      %dma_wait3A_300 = arith.constant 0 : i32
      %dma_wait3A_301 = arith.constant 0 : i32
      %dma_wait3A_302 = tpu.memref_slice %arg8[%dma_wait3A_300, %dma_wait3A_301] : memref<125x48xf32, #tpu.memory_space<vmem>> -> memref<80x48xf32, #tpu.memory_space<vmem>>
      tpu.wait_dma2 semaphore(%arg18 : memref<!tpu.dma_semaphore, #tpu.memory_space<semaphore_mem>>) src(%dma_wait3A_302 : memref<80x48xf32, #tpu.memory_space<vmem>>) dst(%dma_wait3A_299 : memref<80x48xf32, #tpu.memory_space<hbm>>)
    } else {
    }
    %add3A_191 = arith.constant 64 : i32
    %add3A_192 = arith.addi %add3A_191, %arg1 : i32
    %lt3A_193 = arith.constant 125 : i32
    %lt3A_194 = arith.cmpi slt, %add3A_192, %lt3A_193 : i32
    %convert_element_type3A_195 = arith.extui %lt3A_194 : i1 to i32
    %cond3A_196 = arith.constant 0 : i32
    %cond3A_197 = arith.cmpi ne, %convert_element_type3A_195, %cond3A_196 : i32
    scf.if %cond3A_197 {
      %mul3A_289 = arith.constant 80 : i32
      %mul3A_290 = arith.muli %add3A_192, %mul3A_289 : i32
      %dma_start3A_291 = arith.constant 0 : i32
      %dma_start3A_292 = arith.constant 0 : i32
      %dma_start3A_293 = tpu.memref_slice %arg8[%dma_start3A_291, %dma_start3A_292] : memref<125x48xf32, #tpu.memory_space<vmem>> -> memref<80x48xf32, #tpu.memory_space<vmem>>
      %dma_start3A_294 = arith.constant 0 : i32
      %dma_start3A_295 = tpu.memref_slice %arg13[%mul3A_290, %dma_start3A_294] : memref<10000x48xf32, #tpu.memory_space<vmem_shared>> -> memref<80x48xf32, #tpu.memory_space<vmem_shared>>
      %dma_start3A_296 = arith.constant 0 : i32
      %dma_start3A_297 = arith.constant 0 : i32
      %dma_start3A_298 = tpu.memref_slice %arg8[%dma_start3A_296, %dma_start3A_297] : memref<125x48xf32, #tpu.memory_space<vmem>> -> memref<80x48xf32, #tpu.memory_space<vmem>>
      %dma_start3A_299 = arith.constant 0 : i32
      %dma_start3A_300 = tpu.memref_slice %arg13[%mul3A_290, %dma_start3A_299] : memref<10000x48xf32, #tpu.memory_space<vmem_shared>> -> memref<80x48xf32, #tpu.memory_space<vmem_shared>>
      tpu.enqueue_dma source(%dma_start3A_300 : memref<80x48xf32, #tpu.memory_space<vmem_shared>>) target(%dma_start3A_298 : memref<80x48xf32, #tpu.memory_space<vmem>>) target_semaphore(%arg14 : memref<!tpu.dma_semaphore, #tpu.memory_space<semaphore_mem>>)
    } else {
    }
    %add3A_198 = arith.constant 48 : i32
    %add3A_199 = arith.addi %add3A_198, %arg1 : i32
    %lt3A_200 = arith.constant 125 : i32
    %lt3A_201 = arith.cmpi slt, %add3A_199, %lt3A_200 : i32
    %convert_element_type3A_202 = arith.extui %lt3A_201 : i1 to i32
    %cond3A_203 = arith.constant 0 : i32
    %cond3A_204 = arith.cmpi ne, %convert_element_type3A_202, %cond3A_203 : i32
    scf.if %cond3A_204 {
      %mul3A_289 = arith.constant 80 : i32
      %mul3A_290 = arith.muli %add3A_199, %mul3A_289 : i32
      %dma_wait3A_291 = arith.constant 0 : i32
      %dma_wait3A_292 = arith.constant 0 : i32
      %dma_wait3A_293 = tpu.memref_slice %arg9[%dma_wait3A_291, %dma_wait3A_292] : memref<125x48xf32, #tpu.memory_space<vmem>> -> memref<80x48xf32, #tpu.memory_space<vmem>>
      %dma_wait3A_294 = arith.constant 0 : i32
      %dma_wait3A_295 = tpu.memref_slice %arg13[%mul3A_290, %dma_wait3A_294] : memref<10000x48xf32, #tpu.memory_space<vmem_shared>> -> memref<80x48xf32, #tpu.memory_space<vmem_shared>>
      %dma_wait3A_296 = arith.constant 0 : i32
      %dma_wait3A_297 = arith.constant 0 : i32
      %dma_wait3A_298 = tpu.memref_slice %arg9[%dma_wait3A_296, %dma_wait3A_297] : memref<125x48xf32, #tpu.memory_space<vmem>> -> memref<80x48xf32, #tpu.memory_space<vmem>>
      %dma_wait3A_299 = arith.constant 0 : i32
      %dma_wait3A_300 = tpu.memref_slice %arg13[%mul3A_290, %dma_wait3A_299] : memref<10000x48xf32, #tpu.memory_space<vmem_shared>> -> memref<80x48xf32, #tpu.memory_space<vmem_shared>>
      tpu.wait_dma2 semaphore(%arg15 : memref<!tpu.dma_semaphore, #tpu.memory_space<semaphore_mem>>) src(%dma_wait3A_300 : memref<80x48xf32, #tpu.memory_space<vmem_shared>>) dst(%dma_wait3A_298 : memref<80x48xf32, #tpu.memory_space<vmem>>)
      %mul3A_301 = arith.constant 80 : i32
      %mul3A_302 = arith.muli %add3A_199, %mul3A_301 : i32
      %dma_start3A_303 = arith.constant 0 : i32
      %dma_start3A_304 = arith.constant 0 : i32
      %dma_start3A_305 = tpu.memref_slice %arg9[%dma_start3A_303, %dma_start3A_304] : memref<125x48xf32, #tpu.memory_space<vmem>> -> memref<80x48xf32, #tpu.memory_space<vmem>>
      %dma_start3A_306 = arith.constant 0 : i32
      %dma_start3A_307 = tpu.memref_slice %arg5[%arg0, %mul3A_302, %dma_start3A_306] : memref<2x10000x48xf32, #tpu.memory_space<hbm>> -> memref<1x80x48xf32, #tpu.memory_space<hbm>>
      %dma_start3A_308 = tpu.memref_squeeze %dma_start3A_307 : memref<1x80x48xf32, #tpu.memory_space<hbm>> -> memref<80x48xf32, #tpu.memory_space<hbm>>
      %dma_start3A_309 = arith.constant 0 : i32
      %dma_start3A_310 = tpu.memref_slice %arg5[%arg0, %mul3A_302, %dma_start3A_309] : memref<2x10000x48xf32, #tpu.memory_space<hbm>> -> memref<1x80x48xf32, #tpu.memory_space<hbm>>
      %dma_start3A_311 = tpu.memref_squeeze %dma_start3A_310 : memref<1x80x48xf32, #tpu.memory_space<hbm>> -> memref<80x48xf32, #tpu.memory_space<hbm>>
      %dma_start3A_312 = arith.constant 0 : i32
      %dma_start3A_313 = arith.constant 0 : i32
      %dma_start3A_314 = tpu.memref_slice %arg9[%dma_start3A_312, %dma_start3A_313] : memref<125x48xf32, #tpu.memory_space<vmem>> -> memref<80x48xf32, #tpu.memory_space<vmem>>
      tpu.enqueue_dma source(%dma_start3A_314 : memref<80x48xf32, #tpu.memory_space<vmem>>) target(%dma_start3A_311 : memref<80x48xf32, #tpu.memory_space<hbm>>) target_semaphore(%arg19 : memref<!tpu.dma_semaphore, #tpu.memory_space<semaphore_mem>>)
    } else {
    }
    %add3A_205 = arith.constant 48 : i32
    %add3A_206 = arith.addi %add3A_205, %arg1 : i32
    %lt3A_207 = arith.constant 125 : i32
    %lt3A_208 = arith.cmpi slt, %add3A_206, %lt3A_207 : i32
    %convert_element_type3A_209 = arith.extui %lt3A_208 : i1 to i32
    %cond3A_210 = arith.constant 0 : i32
    %cond3A_211 = arith.cmpi ne, %convert_element_type3A_209, %cond3A_210 : i32
    scf.if %cond3A_211 {
      %mul3A_289 = arith.constant 80 : i32
      %mul3A_290 = arith.muli %add3A_206, %mul3A_289 : i32
      %dma_wait3A_291 = arith.constant 0 : i32
      %dma_wait3A_292 = arith.constant 0 : i32
      %dma_wait3A_293 = tpu.memref_slice %arg9[%dma_wait3A_291, %dma_wait3A_292] : memref<125x48xf32, #tpu.memory_space<vmem>> -> memref<80x48xf32, #tpu.memory_space<vmem>>
      %dma_wait3A_294 = arith.constant 0 : i32
      %dma_wait3A_295 = tpu.memref_slice %arg5[%arg0, %mul3A_290, %dma_wait3A_294] : memref<2x10000x48xf32, #tpu.memory_space<hbm>> -> memref<1x80x48xf32, #tpu.memory_space<hbm>>
      %dma_wait3A_296 = tpu.memref_squeeze %dma_wait3A_295 : memref<1x80x48xf32, #tpu.memory_space<hbm>> -> memref<80x48xf32, #tpu.memory_space<hbm>>
      %dma_wait3A_297 = arith.constant 0 : i32
      %dma_wait3A_298 = tpu.memref_slice %arg5[%arg0, %mul3A_290, %dma_wait3A_297] : memref<2x10000x48xf32, #tpu.memory_space<hbm>> -> memref<1x80x48xf32, #tpu.memory_space<hbm>>
      %dma_wait3A_299 = tpu.memref_squeeze %dma_wait3A_298 : memref<1x80x48xf32, #tpu.memory_space<hbm>> -> memref<80x48xf32, #tpu.memory_space<hbm>>
      %dma_wait3A_300 = arith.constant 0 : i32
      %dma_wait3A_301 = arith.constant 0 : i32
      %dma_wait3A_302 = tpu.memref_slice %arg9[%dma_wait3A_300, %dma_wait3A_301] : memref<125x48xf32, #tpu.memory_space<vmem>> -> memref<80x48xf32, #tpu.memory_space<vmem>>
      tpu.wait_dma2 semaphore(%arg19 : memref<!tpu.dma_semaphore, #tpu.memory_space<semaphore_mem>>) src(%dma_wait3A_302 : memref<80x48xf32, #tpu.memory_space<vmem>>) dst(%dma_wait3A_299 : memref<80x48xf32, #tpu.memory_space<hbm>>)
    } else {
    }
    %add3A_212 = arith.constant 80 : i32
    %add3A_213 = arith.addi %add3A_212, %arg1 : i32
    %lt3A_214 = arith.constant 125 : i32
    %lt3A_215 = arith.cmpi slt, %add3A_213, %lt3A_214 : i32
    %convert_element_type3A_216 = arith.extui %lt3A_215 : i1 to i32
    %cond3A_217 = arith.constant 0 : i32
    %cond3A_218 = arith.cmpi ne, %convert_element_type3A_216, %cond3A_217 : i32
    scf.if %cond3A_218 {
      %mul3A_289 = arith.constant 80 : i32
      %mul3A_290 = arith.muli %add3A_213, %mul3A_289 : i32
      %dma_start3A_291 = arith.constant 0 : i32
      %dma_start3A_292 = arith.constant 0 : i32
      %dma_start3A_293 = tpu.memref_slice %arg9[%dma_start3A_291, %dma_start3A_292] : memref<125x48xf32, #tpu.memory_space<vmem>> -> memref<80x48xf32, #tpu.memory_space<vmem>>
      %dma_start3A_294 = arith.constant 0 : i32
      %dma_start3A_295 = tpu.memref_slice %arg13[%mul3A_290, %dma_start3A_294] : memref<10000x48xf32, #tpu.memory_space<vmem_shared>> -> memref<80x48xf32, #tpu.memory_space<vmem_shared>>
      %dma_start3A_296 = arith.constant 0 : i32
      %dma_start3A_297 = arith.constant 0 : i32
      %dma_start3A_298 = tpu.memref_slice %arg9[%dma_start3A_296, %dma_start3A_297] : memref<125x48xf32, #tpu.memory_space<vmem>> -> memref<80x48xf32, #tpu.memory_space<vmem>>
      %dma_start3A_299 = arith.constant 0 : i32
      %dma_start3A_300 = tpu.memref_slice %arg13[%mul3A_290, %dma_start3A_299] : memref<10000x48xf32, #tpu.memory_space<vmem_shared>> -> memref<80x48xf32, #tpu.memory_space<vmem_shared>>
      tpu.enqueue_dma source(%dma_start3A_300 : memref<80x48xf32, #tpu.memory_space<vmem_shared>>) target(%dma_start3A_298 : memref<80x48xf32, #tpu.memory_space<vmem>>) target_semaphore(%arg15 : memref<!tpu.dma_semaphore, #tpu.memory_space<semaphore_mem>>)
    } else {
    }
    %add3A_219 = arith.constant 64 : i32
    %add3A_220 = arith.addi %add3A_219, %arg1 : i32
    %lt3A_221 = arith.constant 125 : i32
    %lt3A_222 = arith.cmpi slt, %add3A_220, %lt3A_221 : i32
    %convert_element_type3A_223 = arith.extui %lt3A_222 : i1 to i32
    %cond3A_224 = arith.constant 0 : i32
    %cond3A_225 = arith.cmpi ne, %convert_element_type3A_223, %cond3A_224 : i32
    scf.if %cond3A_225 {
      %mul3A_289 = arith.constant 80 : i32
      %mul3A_290 = arith.muli %add3A_220, %mul3A_289 : i32
      %dma_wait3A_291 = arith.constant 0 : i32
      %dma_wait3A_292 = arith.constant 0 : i32
      %dma_wait3A_293 = tpu.memref_slice %arg8[%dma_wait3A_291, %dma_wait3A_292] : memref<125x48xf32, #tpu.memory_space<vmem>> -> memref<80x48xf32, #tpu.memory_space<vmem>>
      %dma_wait3A_294 = arith.constant 0 : i32
      %dma_wait3A_295 = tpu.memref_slice %arg13[%mul3A_290, %dma_wait3A_294] : memref<10000x48xf32, #tpu.memory_space<vmem_shared>> -> memref<80x48xf32, #tpu.memory_space<vmem_shared>>
      %dma_wait3A_296 = arith.constant 0 : i32
      %dma_wait3A_297 = arith.constant 0 : i32
      %dma_wait3A_298 = tpu.memref_slice %arg8[%dma_wait3A_296, %dma_wait3A_297] : memref<125x48xf32, #tpu.memory_space<vmem>> -> memref<80x48xf32, #tpu.memory_space<vmem>>
      %dma_wait3A_299 = arith.constant 0 : i32
      %dma_wait3A_300 = tpu.memref_slice %arg13[%mul3A_290, %dma_wait3A_299] : memref<10000x48xf32, #tpu.memory_space<vmem_shared>> -> memref<80x48xf32, #tpu.memory_space<vmem_shared>>
      tpu.wait_dma2 semaphore(%arg14 : memref<!tpu.dma_semaphore, #tpu.memory_space<semaphore_mem>>) src(%dma_wait3A_300 : memref<80x48xf32, #tpu.memory_space<vmem_shared>>) dst(%dma_wait3A_298 : memref<80x48xf32, #tpu.memory_space<vmem>>)
      %mul3A_301 = arith.constant 80 : i32
      %mul3A_302 = arith.muli %add3A_220, %mul3A_301 : i32
      %dma_start3A_303 = arith.constant 0 : i32
      %dma_start3A_304 = arith.constant 0 : i32
      %dma_start3A_305 = tpu.memref_slice %arg8[%dma_start3A_303, %dma_start3A_304] : memref<125x48xf32, #tpu.memory_space<vmem>> -> memref<80x48xf32, #tpu.memory_space<vmem>>
      %dma_start3A_306 = arith.constant 0 : i32
      %dma_start3A_307 = tpu.memref_slice %arg5[%arg0, %mul3A_302, %dma_start3A_306] : memref<2x10000x48xf32, #tpu.memory_space<hbm>> -> memref<1x80x48xf32, #tpu.memory_space<hbm>>
      %dma_start3A_308 = tpu.memref_squeeze %dma_start3A_307 : memref<1x80x48xf32, #tpu.memory_space<hbm>> -> memref<80x48xf32, #tpu.memory_space<hbm>>
      %dma_start3A_309 = arith.constant 0 : i32
      %dma_start3A_310 = tpu.memref_slice %arg5[%arg0, %mul3A_302, %dma_start3A_309] : memref<2x10000x48xf32, #tpu.memory_space<hbm>> -> memref<1x80x48xf32, #tpu.memory_space<hbm>>
      %dma_start3A_311 = tpu.memref_squeeze %dma_start3A_310 : memref<1x80x48xf32, #tpu.memory_space<hbm>> -> memref<80x48xf32, #tpu.memory_space<hbm>>
      %dma_start3A_312 = arith.constant 0 : i32
      %dma_start3A_313 = arith.constant 0 : i32
      %dma_start3A_314 = tpu.memref_slice %arg8[%dma_start3A_312, %dma_start3A_313] : memref<125x48xf32, #tpu.memory_space<vmem>> -> memref<80x48xf32, #tpu.memory_space<vmem>>
      tpu.enqueue_dma source(%dma_start3A_314 : memref<80x48xf32, #tpu.memory_space<vmem>>) target(%dma_start3A_311 : memref<80x48xf32, #tpu.memory_space<hbm>>) target_semaphore(%arg18 : memref<!tpu.dma_semaphore, #tpu.memory_space<semaphore_mem>>)
    } else {
    }
    %add3A_226 = arith.constant 64 : i32
    %add3A_227 = arith.addi %add3A_226, %arg1 : i32
    %lt3A_228 = arith.constant 125 : i32
    %lt3A_229 = arith.cmpi slt, %add3A_227, %lt3A_228 : i32
    %convert_element_type3A_230 = arith.extui %lt3A_229 : i1 to i32
    %cond3A_231 = arith.constant 0 : i32
    %cond3A_232 = arith.cmpi ne, %convert_element_type3A_230, %cond3A_231 : i32
    scf.if %cond3A_232 {
      %mul3A_289 = arith.constant 80 : i32
      %mul3A_290 = arith.muli %add3A_227, %mul3A_289 : i32
      %dma_wait3A_291 = arith.constant 0 : i32
      %dma_wait3A_292 = arith.constant 0 : i32
      %dma_wait3A_293 = tpu.memref_slice %arg8[%dma_wait3A_291, %dma_wait3A_292] : memref<125x48xf32, #tpu.memory_space<vmem>> -> memref<80x48xf32, #tpu.memory_space<vmem>>
      %dma_wait3A_294 = arith.constant 0 : i32
      %dma_wait3A_295 = tpu.memref_slice %arg5[%arg0, %mul3A_290, %dma_wait3A_294] : memref<2x10000x48xf32, #tpu.memory_space<hbm>> -> memref<1x80x48xf32, #tpu.memory_space<hbm>>
      %dma_wait3A_296 = tpu.memref_squeeze %dma_wait3A_295 : memref<1x80x48xf32, #tpu.memory_space<hbm>> -> memref<80x48xf32, #tpu.memory_space<hbm>>
      %dma_wait3A_297 = arith.constant 0 : i32
      %dma_wait3A_298 = tpu.memref_slice %arg5[%arg0, %mul3A_290, %dma_wait3A_297] : memref<2x10000x48xf32, #tpu.memory_space<hbm>> -> memref<1x80x48xf32, #tpu.memory_space<hbm>>
      %dma_wait3A_299 = tpu.memref_squeeze %dma_wait3A_298 : memref<1x80x48xf32, #tpu.memory_space<hbm>> -> memref<80x48xf32, #tpu.memory_space<hbm>>
      %dma_wait3A_300 = arith.constant 0 : i32
      %dma_wait3A_301 = arith.constant 0 : i32
      %dma_wait3A_302 = tpu.memref_slice %arg8[%dma_wait3A_300, %dma_wait3A_301] : memref<125x48xf32, #tpu.memory_space<vmem>> -> memref<80x48xf32, #tpu.memory_space<vmem>>
      tpu.wait_dma2 semaphore(%arg18 : memref<!tpu.dma_semaphore, #tpu.memory_space<semaphore_mem>>) src(%dma_wait3A_302 : memref<80x48xf32, #tpu.memory_space<vmem>>) dst(%dma_wait3A_299 : memref<80x48xf32, #tpu.memory_space<hbm>>)
    } else {
    }
    %add3A_233 = arith.constant 96 : i32
    %add3A_234 = arith.addi %add3A_233, %arg1 : i32
    %lt3A_235 = arith.constant 125 : i32
    %lt3A_236 = arith.cmpi slt, %add3A_234, %lt3A_235 : i32
    %convert_element_type3A_237 = arith.extui %lt3A_236 : i1 to i32
    %cond3A_238 = arith.constant 0 : i32
    %cond3A_239 = arith.cmpi ne, %convert_element_type3A_237, %cond3A_238 : i32
    scf.if %cond3A_239 {
      %mul3A_289 = arith.constant 80 : i32
      %mul3A_290 = arith.muli %add3A_234, %mul3A_289 : i32
      %dma_start3A_291 = arith.constant 0 : i32
      %dma_start3A_292 = arith.constant 0 : i32
      %dma_start3A_293 = tpu.memref_slice %arg8[%dma_start3A_291, %dma_start3A_292] : memref<125x48xf32, #tpu.memory_space<vmem>> -> memref<80x48xf32, #tpu.memory_space<vmem>>
      %dma_start3A_294 = arith.constant 0 : i32
      %dma_start3A_295 = tpu.memref_slice %arg13[%mul3A_290, %dma_start3A_294] : memref<10000x48xf32, #tpu.memory_space<vmem_shared>> -> memref<80x48xf32, #tpu.memory_space<vmem_shared>>
      %dma_start3A_296 = arith.constant 0 : i32
      %dma_start3A_297 = arith.constant 0 : i32
      %dma_start3A_298 = tpu.memref_slice %arg8[%dma_start3A_296, %dma_start3A_297] : memref<125x48xf32, #tpu.memory_space<vmem>> -> memref<80x48xf32, #tpu.memory_space<vmem>>
      %dma_start3A_299 = arith.constant 0 : i32
      %dma_start3A_300 = tpu.memref_slice %arg13[%mul3A_290, %dma_start3A_299] : memref<10000x48xf32, #tpu.memory_space<vmem_shared>> -> memref<80x48xf32, #tpu.memory_space<vmem_shared>>
      tpu.enqueue_dma source(%dma_start3A_300 : memref<80x48xf32, #tpu.memory_space<vmem_shared>>) target(%dma_start3A_298 : memref<80x48xf32, #tpu.memory_space<vmem>>) target_semaphore(%arg14 : memref<!tpu.dma_semaphore, #tpu.memory_space<semaphore_mem>>)
    } else {
    }
    %add3A_240 = arith.constant 80 : i32
    %add3A_241 = arith.addi %add3A_240, %arg1 : i32
    %lt3A_242 = arith.constant 125 : i32
    %lt3A_243 = arith.cmpi slt, %add3A_241, %lt3A_242 : i32
    %convert_element_type3A_244 = arith.extui %lt3A_243 : i1 to i32
    %cond3A_245 = arith.constant 0 : i32
    %cond3A_246 = arith.cmpi ne, %convert_element_type3A_244, %cond3A_245 : i32
    scf.if %cond3A_246 {
      %mul3A_289 = arith.constant 80 : i32
      %mul3A_290 = arith.muli %add3A_241, %mul3A_289 : i32
      %dma_wait3A_291 = arith.constant 0 : i32
      %dma_wait3A_292 = arith.constant 0 : i32
      %dma_wait3A_293 = tpu.memref_slice %arg9[%dma_wait3A_291, %dma_wait3A_292] : memref<125x48xf32, #tpu.memory_space<vmem>> -> memref<80x48xf32, #tpu.memory_space<vmem>>
      %dma_wait3A_294 = arith.constant 0 : i32
      %dma_wait3A_295 = tpu.memref_slice %arg13[%mul3A_290, %dma_wait3A_294] : memref<10000x48xf32, #tpu.memory_space<vmem_shared>> -> memref<80x48xf32, #tpu.memory_space<vmem_shared>>
      %dma_wait3A_296 = arith.constant 0 : i32
      %dma_wait3A_297 = arith.constant 0 : i32
      %dma_wait3A_298 = tpu.memref_slice %arg9[%dma_wait3A_296, %dma_wait3A_297] : memref<125x48xf32, #tpu.memory_space<vmem>> -> memref<80x48xf32, #tpu.memory_space<vmem>>
      %dma_wait3A_299 = arith.constant 0 : i32
      %dma_wait3A_300 = tpu.memref_slice %arg13[%mul3A_290, %dma_wait3A_299] : memref<10000x48xf32, #tpu.memory_space<vmem_shared>> -> memref<80x48xf32, #tpu.memory_space<vmem_shared>>
      tpu.wait_dma2 semaphore(%arg15 : memref<!tpu.dma_semaphore, #tpu.memory_space<semaphore_mem>>) src(%dma_wait3A_300 : memref<80x48xf32, #tpu.memory_space<vmem_shared>>) dst(%dma_wait3A_298 : memref<80x48xf32, #tpu.memory_space<vmem>>)
      %mul3A_301 = arith.constant 80 : i32
      %mul3A_302 = arith.muli %add3A_241, %mul3A_301 : i32
      %dma_start3A_303 = arith.constant 0 : i32
      %dma_start3A_304 = arith.constant 0 : i32
      %dma_start3A_305 = tpu.memref_slice %arg9[%dma_start3A_303, %dma_start3A_304] : memref<125x48xf32, #tpu.memory_space<vmem>> -> memref<80x48xf32, #tpu.memory_space<vmem>>
      %dma_start3A_306 = arith.constant 0 : i32
      %dma_start3A_307 = tpu.memref_slice %arg5[%arg0, %mul3A_302, %dma_start3A_306] : memref<2x10000x48xf32, #tpu.memory_space<hbm>> -> memref<1x80x48xf32, #tpu.memory_space<hbm>>
      %dma_start3A_308 = tpu.memref_squeeze %dma_start3A_307 : memref<1x80x48xf32, #tpu.memory_space<hbm>> -> memref<80x48xf32, #tpu.memory_space<hbm>>
      %dma_start3A_309 = arith.constant 0 : i32
      %dma_start3A_310 = tpu.memref_slice %arg5[%arg0, %mul3A_302, %dma_start3A_309] : memref<2x10000x48xf32, #tpu.memory_space<hbm>> -> memref<1x80x48xf32, #tpu.memory_space<hbm>>
      %dma_start3A_311 = tpu.memref_squeeze %dma_start3A_310 : memref<1x80x48xf32, #tpu.memory_space<hbm>> -> memref<80x48xf32, #tpu.memory_space<hbm>>
      %dma_start3A_312 = arith.constant 0 : i32
      %dma_start3A_313 = arith.constant 0 : i32
      %dma_start3A_314 = tpu.memref_slice %arg9[%dma_start3A_312, %dma_start3A_313] : memref<125x48xf32, #tpu.memory_space<vmem>> -> memref<80x48xf32, #tpu.memory_space<vmem>>
      tpu.enqueue_dma source(%dma_start3A_314 : memref<80x48xf32, #tpu.memory_space<vmem>>) target(%dma_start3A_311 : memref<80x48xf32, #tpu.memory_space<hbm>>) target_semaphore(%arg19 : memref<!tpu.dma_semaphore, #tpu.memory_space<semaphore_mem>>)
    } else {
    }
    %add3A_247 = arith.constant 80 : i32
    %add3A_248 = arith.addi %add3A_247, %arg1 : i32
    %lt3A_249 = arith.constant 125 : i32
    %lt3A_250 = arith.cmpi slt, %add3A_248, %lt3A_249 : i32
    %convert_element_type3A_251 = arith.extui %lt3A_250 : i1 to i32
    %cond3A_252 = arith.constant 0 : i32
    %cond3A_253 = arith.cmpi ne, %convert_element_type3A_251, %cond3A_252 : i32
    scf.if %cond3A_253 {
      %mul3A_289 = arith.constant 80 : i32
      %mul3A_290 = arith.muli %add3A_248, %mul3A_289 : i32
      %dma_wait3A_291 = arith.constant 0 : i32
      %dma_wait3A_292 = arith.constant 0 : i32
      %dma_wait3A_293 = tpu.memref_slice %arg9[%dma_wait3A_291, %dma_wait3A_292] : memref<125x48xf32, #tpu.memory_space<vmem>> -> memref<80x48xf32, #tpu.memory_space<vmem>>
      %dma_wait3A_294 = arith.constant 0 : i32
      %dma_wait3A_295 = tpu.memref_slice %arg5[%arg0, %mul3A_290, %dma_wait3A_294] : memref<2x10000x48xf32, #tpu.memory_space<hbm>> -> memref<1x80x48xf32, #tpu.memory_space<hbm>>
      %dma_wait3A_296 = tpu.memref_squeeze %dma_wait3A_295 : memref<1x80x48xf32, #tpu.memory_space<hbm>> -> memref<80x48xf32, #tpu.memory_space<hbm>>
      %dma_wait3A_297 = arith.constant 0 : i32
      %dma_wait3A_298 = tpu.memref_slice %arg5[%arg0, %mul3A_290, %dma_wait3A_297] : memref<2x10000x48xf32, #tpu.memory_space<hbm>> -> memref<1x80x48xf32, #tpu.memory_space<hbm>>
      %dma_wait3A_299 = tpu.memref_squeeze %dma_wait3A_298 : memref<1x80x48xf32, #tpu.memory_space<hbm>> -> memref<80x48xf32, #tpu.memory_space<hbm>>
      %dma_wait3A_300 = arith.constant 0 : i32
      %dma_wait3A_301 = arith.constant 0 : i32
      %dma_wait3A_302 = tpu.memref_slice %arg9[%dma_wait3A_300, %dma_wait3A_301] : memref<125x48xf32, #tpu.memory_space<vmem>> -> memref<80x48xf32, #tpu.memory_space<vmem>>
      tpu.wait_dma2 semaphore(%arg19 : memref<!tpu.dma_semaphore, #tpu.memory_space<semaphore_mem>>) src(%dma_wait3A_302 : memref<80x48xf32, #tpu.memory_space<vmem>>) dst(%dma_wait3A_299 : memref<80x48xf32, #tpu.memory_space<hbm>>)
    } else {
    }
    %add3A_254 = arith.constant 112 : i32
    %add3A_255 = arith.addi %add3A_254, %arg1 : i32
    %lt3A_256 = arith.constant 125 : i32
    %lt3A_257 = arith.cmpi slt, %add3A_255, %lt3A_256 : i32
    %convert_element_type3A_258 = arith.extui %lt3A_257 : i1 to i32
    %cond3A_259 = arith.constant 0 : i32
    %cond3A_260 = arith.cmpi ne, %convert_element_type3A_258, %cond3A_259 : i32
    scf.if %cond3A_260 {
      %mul3A_289 = arith.constant 80 : i32
      %mul3A_290 = arith.muli %add3A_255, %mul3A_289 : i32
      %dma_start3A_291 = arith.constant 0 : i32
      %dma_start3A_292 = arith.constant 0 : i32
      %dma_start3A_293 = tpu.memref_slice %arg9[%dma_start3A_291, %dma_start3A_292] : memref<125x48xf32, #tpu.memory_space<vmem>> -> memref<80x48xf32, #tpu.memory_space<vmem>>
      %dma_start3A_294 = arith.constant 0 : i32
      %dma_start3A_295 = tpu.memref_slice %arg13[%mul3A_290, %dma_start3A_294] : memref<10000x48xf32, #tpu.memory_space<vmem_shared>> -> memref<80x48xf32, #tpu.memory_space<vmem_shared>>
      %dma_start3A_296 = arith.constant 0 : i32
      %dma_start3A_297 = arith.constant 0 : i32
      %dma_start3A_298 = tpu.memref_slice %arg9[%dma_start3A_296, %dma_start3A_297] : memref<125x48xf32, #tpu.memory_space<vmem>> -> memref<80x48xf32, #tpu.memory_space<vmem>>
      %dma_start3A_299 = arith.constant 0 : i32
      %dma_start3A_300 = tpu.memref_slice %arg13[%mul3A_290, %dma_start3A_299] : memref<10000x48xf32, #tpu.memory_space<vmem_shared>> -> memref<80x48xf32, #tpu.memory_space<vmem_shared>>
      tpu.enqueue_dma source(%dma_start3A_300 : memref<80x48xf32, #tpu.memory_space<vmem_shared>>) target(%dma_start3A_298 : memref<80x48xf32, #tpu.memory_space<vmem>>) target_semaphore(%arg15 : memref<!tpu.dma_semaphore, #tpu.memory_space<semaphore_mem>>)
    } else {
    }
    %add3A_261 = arith.constant 96 : i32
    %add3A_262 = arith.addi %add3A_261, %arg1 : i32
    %lt3A_263 = arith.constant 125 : i32
    %lt3A_264 = arith.cmpi slt, %add3A_262, %lt3A_263 : i32
    %convert_element_type3A_265 = arith.extui %lt3A_264 : i1 to i32
    %cond3A_266 = arith.constant 0 : i32
    %cond3A_267 = arith.cmpi ne, %convert_element_type3A_265, %cond3A_266 : i32
    scf.if %cond3A_267 {
      %mul3A_289 = arith.constant 80 : i32
      %mul3A_290 = arith.muli %add3A_262, %mul3A_289 : i32
      %dma_wait3A_291 = arith.constant 0 : i32
      %dma_wait3A_292 = arith.constant 0 : i32
      %dma_wait3A_293 = tpu.memref_slice %arg8[%dma_wait3A_291, %dma_wait3A_292] : memref<125x48xf32, #tpu.memory_space<vmem>> -> memref<80x48xf32, #tpu.memory_space<vmem>>
      %dma_wait3A_294 = arith.constant 0 : i32
      %dma_wait3A_295 = tpu.memref_slice %arg13[%mul3A_290, %dma_wait3A_294] : memref<10000x48xf32, #tpu.memory_space<vmem_shared>> -> memref<80x48xf32, #tpu.memory_space<vmem_shared>>
      %dma_wait3A_296 = arith.constant 0 : i32
      %dma_wait3A_297 = arith.constant 0 : i32
      %dma_wait3A_298 = tpu.memref_slice %arg8[%dma_wait3A_296, %dma_wait3A_297] : memref<125x48xf32, #tpu.memory_space<vmem>> -> memref<80x48xf32, #tpu.memory_space<vmem>>
      %dma_wait3A_299 = arith.constant 0 : i32
      %dma_wait3A_300 = tpu.memref_slice %arg13[%mul3A_290, %dma_wait3A_299] : memref<10000x48xf32, #tpu.memory_space<vmem_shared>> -> memref<80x48xf32, #tpu.memory_space<vmem_shared>>
      tpu.wait_dma2 semaphore(%arg14 : memref<!tpu.dma_semaphore, #tpu.memory_space<semaphore_mem>>) src(%dma_wait3A_300 : memref<80x48xf32, #tpu.memory_space<vmem_shared>>) dst(%dma_wait3A_298 : memref<80x48xf32, #tpu.memory_space<vmem>>)
      %mul3A_301 = arith.constant 80 : i32
      %mul3A_302 = arith.muli %add3A_262, %mul3A_301 : i32
      %dma_start3A_303 = arith.constant 0 : i32
      %dma_start3A_304 = arith.constant 0 : i32
      %dma_start3A_305 = tpu.memref_slice %arg8[%dma_start3A_303, %dma_start3A_304] : memref<125x48xf32, #tpu.memory_space<vmem>> -> memref<80x48xf32, #tpu.memory_space<vmem>>
      %dma_start3A_306 = arith.constant 0 : i32
      %dma_start3A_307 = tpu.memref_slice %arg5[%arg0, %mul3A_302, %dma_start3A_306] : memref<2x10000x48xf32, #tpu.memory_space<hbm>> -> memref<1x80x48xf32, #tpu.memory_space<hbm>>
      %dma_start3A_308 = tpu.memref_squeeze %dma_start3A_307 : memref<1x80x48xf32, #tpu.memory_space<hbm>> -> memref<80x48xf32, #tpu.memory_space<hbm>>
      %dma_start3A_309 = arith.constant 0 : i32
      %dma_start3A_310 = tpu.memref_slice %arg5[%arg0, %mul3A_302, %dma_start3A_309] : memref<2x10000x48xf32, #tpu.memory_space<hbm>> -> memref<1x80x48xf32, #tpu.memory_space<hbm>>
      %dma_start3A_311 = tpu.memref_squeeze %dma_start3A_310 : memref<1x80x48xf32, #tpu.memory_space<hbm>> -> memref<80x48xf32, #tpu.memory_space<hbm>>
      %dma_start3A_312 = arith.constant 0 : i32
      %dma_start3A_313 = arith.constant 0 : i32
      %dma_start3A_314 = tpu.memref_slice %arg8[%dma_start3A_312, %dma_start3A_313] : memref<125x48xf32, #tpu.memory_space<vmem>> -> memref<80x48xf32, #tpu.memory_space<vmem>>
      tpu.enqueue_dma source(%dma_start3A_314 : memref<80x48xf32, #tpu.memory_space<vmem>>) target(%dma_start3A_311 : memref<80x48xf32, #tpu.memory_space<hbm>>) target_semaphore(%arg18 : memref<!tpu.dma_semaphore, #tpu.memory_space<semaphore_mem>>)
    } else {
    }
    %add3A_268 = arith.constant 112 : i32
    %add3A_269 = arith.addi %add3A_268, %arg1 : i32
    %lt3A_270 = arith.constant 125 : i32
    %lt3A_271 = arith.cmpi slt, %add3A_269, %lt3A_270 : i32
    %convert_element_type3A_272 = arith.extui %lt3A_271 : i1 to i32
    %cond3A_273 = arith.constant 0 : i32
    %cond3A_274 = arith.cmpi ne, %convert_element_type3A_272, %cond3A_273 : i32
    scf.if %cond3A_274 {
      %mul3A_289 = arith.constant 80 : i32
      %mul3A_290 = arith.muli %add3A_269, %mul3A_289 : i32
      %dma_wait3A_291 = arith.constant 0 : i32
      %dma_wait3A_292 = arith.constant 0 : i32
      %dma_wait3A_293 = tpu.memref_slice %arg9[%dma_wait3A_291, %dma_wait3A_292] : memref<125x48xf32, #tpu.memory_space<vmem>> -> memref<80x48xf32, #tpu.memory_space<vmem>>
      %dma_wait3A_294 = arith.constant 0 : i32
      %dma_wait3A_295 = tpu.memref_slice %arg13[%mul3A_290, %dma_wait3A_294] : memref<10000x48xf32, #tpu.memory_space<vmem_shared>> -> memref<80x48xf32, #tpu.memory_space<vmem_shared>>
      %dma_wait3A_296 = arith.constant 0 : i32
      %dma_wait3A_297 = arith.constant 0 : i32
      %dma_wait3A_298 = tpu.memref_slice %arg9[%dma_wait3A_296, %dma_wait3A_297] : memref<125x48xf32, #tpu.memory_space<vmem>> -> memref<80x48xf32, #tpu.memory_space<vmem>>
      %dma_wait3A_299 = arith.constant 0 : i32
      %dma_wait3A_300 = tpu.memref_slice %arg13[%mul3A_290, %dma_wait3A_299] : memref<10000x48xf32, #tpu.memory_space<vmem_shared>> -> memref<80x48xf32, #tpu.memory_space<vmem_shared>>
      tpu.wait_dma2 semaphore(%arg15 : memref<!tpu.dma_semaphore, #tpu.memory_space<semaphore_mem>>) src(%dma_wait3A_300 : memref<80x48xf32, #tpu.memory_space<vmem_shared>>) dst(%dma_wait3A_298 : memref<80x48xf32, #tpu.memory_space<vmem>>)
      %mul3A_301 = arith.constant 80 : i32
      %mul3A_302 = arith.muli %add3A_269, %mul3A_301 : i32
      %dma_start3A_303 = arith.constant 0 : i32
      %dma_start3A_304 = arith.constant 0 : i32
      %dma_start3A_305 = tpu.memref_slice %arg9[%dma_start3A_303, %dma_start3A_304] : memref<125x48xf32, #tpu.memory_space<vmem>> -> memref<80x48xf32, #tpu.memory_space<vmem>>
      %dma_start3A_306 = arith.constant 0 : i32
      %dma_start3A_307 = tpu.memref_slice %arg5[%arg0, %mul3A_302, %dma_start3A_306] : memref<2x10000x48xf32, #tpu.memory_space<hbm>> -> memref<1x80x48xf32, #tpu.memory_space<hbm>>
      %dma_start3A_308 = tpu.memref_squeeze %dma_start3A_307 : memref<1x80x48xf32, #tpu.memory_space<hbm>> -> memref<80x48xf32, #tpu.memory_space<hbm>>
      %dma_start3A_309 = arith.constant 0 : i32
      %dma_start3A_310 = tpu.memref_slice %arg5[%arg0, %mul3A_302, %dma_start3A_309] : memref<2x10000x48xf32, #tpu.memory_space<hbm>> -> memref<1x80x48xf32, #tpu.memory_space<hbm>>
      %dma_start3A_311 = tpu.memref_squeeze %dma_start3A_310 : memref<1x80x48xf32, #tpu.memory_space<hbm>> -> memref<80x48xf32, #tpu.memory_space<hbm>>
      %dma_start3A_312 = arith.constant 0 : i32
      %dma_start3A_313 = arith.constant 0 : i32
      %dma_start3A_314 = tpu.memref_slice %arg9[%dma_start3A_312, %dma_start3A_313] : memref<125x48xf32, #tpu.memory_space<vmem>> -> memref<80x48xf32, #tpu.memory_space<vmem>>
      tpu.enqueue_dma source(%dma_start3A_314 : memref<80x48xf32, #tpu.memory_space<vmem>>) target(%dma_start3A_311 : memref<80x48xf32, #tpu.memory_space<hbm>>) target_semaphore(%arg19 : memref<!tpu.dma_semaphore, #tpu.memory_space<semaphore_mem>>)
    } else {
    }
    %add3A_275 = arith.constant 96 : i32
    %add3A_276 = arith.addi %add3A_275, %arg1 : i32
    %lt3A_277 = arith.constant 125 : i32
    %lt3A_278 = arith.cmpi slt, %add3A_276, %lt3A_277 : i32
    %convert_element_type3A_279 = arith.extui %lt3A_278 : i1 to i32
    %cond3A_280 = arith.constant 0 : i32
    %cond3A_281 = arith.cmpi ne, %convert_element_type3A_279, %cond3A_280 : i32
    scf.if %cond3A_281 {
      %mul3A_289 = arith.constant 80 : i32
      %mul3A_290 = arith.muli %add3A_276, %mul3A_289 : i32
      %dma_wait3A_291 = arith.constant 0 : i32
      %dma_wait3A_292 = arith.constant 0 : i32
      %dma_wait3A_293 = tpu.memref_slice %arg8[%dma_wait3A_291, %dma_wait3A_292] : memref<125x48xf32, #tpu.memory_space<vmem>> -> memref<80x48xf32, #tpu.memory_space<vmem>>
      %dma_wait3A_294 = arith.constant 0 : i32
      %dma_wait3A_295 = tpu.memref_slice %arg5[%arg0, %mul3A_290, %dma_wait3A_294] : memref<2x10000x48xf32, #tpu.memory_space<hbm>> -> memref<1x80x48xf32, #tpu.memory_space<hbm>>
      %dma_wait3A_296 = tpu.memref_squeeze %dma_wait3A_295 : memref<1x80x48xf32, #tpu.memory_space<hbm>> -> memref<80x48xf32, #tpu.memory_space<hbm>>
      %dma_wait3A_297 = arith.constant 0 : i32
      %dma_wait3A_298 = tpu.memref_slice %arg5[%arg0, %mul3A_290, %dma_wait3A_297] : memref<2x10000x48xf32, #tpu.memory_space<hbm>> -> memref<1x80x48xf32, #tpu.memory_space<hbm>>
      %dma_wait3A_299 = tpu.memref_squeeze %dma_wait3A_298 : memref<1x80x48xf32, #tpu.memory_space<hbm>> -> memref<80x48xf32, #tpu.memory_space<hbm>>
      %dma_wait3A_300 = arith.constant 0 : i32
      %dma_wait3A_301 = arith.constant 0 : i32
      %dma_wait3A_302 = tpu.memref_slice %arg8[%dma_wait3A_300, %dma_wait3A_301] : memref<125x48xf32, #tpu.memory_space<vmem>> -> memref<80x48xf32, #tpu.memory_space<vmem>>
      tpu.wait_dma2 semaphore(%arg18 : memref<!tpu.dma_semaphore, #tpu.memory_space<semaphore_mem>>) src(%dma_wait3A_302 : memref<80x48xf32, #tpu.memory_space<vmem>>) dst(%dma_wait3A_299 : memref<80x48xf32, #tpu.memory_space<hbm>>)
    } else {
    }
    %add3A_282 = arith.constant 112 : i32
    %add3A_283 = arith.addi %add3A_282, %arg1 : i32
    %lt3A_284 = arith.constant 125 : i32
    %lt3A_285 = arith.cmpi slt, %add3A_283, %lt3A_284 : i32
    %convert_element_type3A_286 = arith.extui %lt3A_285 : i1 to i32
    %cond3A_287 = arith.constant 0 : i32
    %cond3A_288 = arith.cmpi ne, %convert_element_type3A_286, %cond3A_287 : i32
    scf.if %cond3A_288 {
      %mul3A_289 = arith.constant 80 : i32
      %mul3A_290 = arith.muli %add3A_283, %mul3A_289 : i32
      %dma_wait3A_291 = arith.constant 0 : i32
      %dma_wait3A_292 = arith.constant 0 : i32
      %dma_wait3A_293 = tpu.memref_slice %arg9[%dma_wait3A_291, %dma_wait3A_292] : memref<125x48xf32, #tpu.memory_space<vmem>> -> memref<80x48xf32, #tpu.memory_space<vmem>>
      %dma_wait3A_294 = arith.constant 0 : i32
      %dma_wait3A_295 = tpu.memref_slice %arg5[%arg0, %mul3A_290, %dma_wait3A_294] : memref<2x10000x48xf32, #tpu.memory_space<hbm>> -> memref<1x80x48xf32, #tpu.memory_space<hbm>>
      %dma_wait3A_296 = tpu.memref_squeeze %dma_wait3A_295 : memref<1x80x48xf32, #tpu.memory_space<hbm>> -> memref<80x48xf32, #tpu.memory_space<hbm>>
      %dma_wait3A_297 = arith.constant 0 : i32
      %dma_wait3A_298 = tpu.memref_slice %arg5[%arg0, %mul3A_290, %dma_wait3A_297] : memref<2x10000x48xf32, #tpu.memory_space<hbm>> -> memref<1x80x48xf32, #tpu.memory_space<hbm>>
      %dma_wait3A_299 = tpu.memref_squeeze %dma_wait3A_298 : memref<1x80x48xf32, #tpu.memory_space<hbm>> -> memref<80x48xf32, #tpu.memory_space<hbm>>
      %dma_wait3A_300 = arith.constant 0 : i32
      %dma_wait3A_301 = arith.constant 0 : i32
      %dma_wait3A_302 = tpu.memref_slice %arg9[%dma_wait3A_300, %dma_wait3A_301] : memref<125x48xf32, #tpu.memory_space<vmem>> -> memref<80x48xf32, #tpu.memory_space<vmem>>
      tpu.wait_dma2 semaphore(%arg19 : memref<!tpu.dma_semaphore, #tpu.memory_space<semaphore_mem>>) src(%dma_wait3A_302 : memref<80x48xf32, #tpu.memory_space<vmem>>) dst(%dma_wait3A_299 : memref<80x48xf32, #tpu.memory_space<hbm>>)
    } else {
    }
    return
  }
}

module attributes {stable_mosaic.version = 14 : i64} {
  func.func @_tc1_body(%arg0: i32, %arg1: memref<2000x128xf32, #tpu.memory_space<vmem>>, %arg2: memref<1x32x2000xf32, #tpu.memory_space<vmem>>, %arg3: memref<128x128xf32, #tpu.memory_space<vmem>>, %arg4: memref<2000x128xf32, #tpu.memory_space<vmem>>) attributes {dimension_semantics = [#tpu.dimension_semantics<arbitrary>], iteration_bounds = array<i64: 5>, scalar_prefetch = 0 : i64, scratch_operands = 0 : i64, tpu.core_type = #tpu.core_type<tc>, window_params = [{transform_indices = @transform_0, window_bounds = array<i64: 2000, 128>}, {transform_indices = @transform_1, window_bounds = array<i64: 1, 32, 2000>}, {pipeline_mode = #tpu.pipeline_mode<synchronous>, transform_indices = @transform_2, window_bounds = array<i64: 128, 128>}, {transform_indices = @transform_3, window_bounds = array<i64: 2000, 128>}]} {
    %get3A = arith.constant 0 : index
    %get3A_0 = arith.constant 0 : index
    %get3A_1 = arith.constant 0 : index
    %get3A_2 = vector.load %arg2[%get3A, %get3A_0, %get3A_1] : memref<1x32x2000xf32, #tpu.memory_space<vmem>>, vector<1x32x2000xf32>
    %get3A_3 = vector.shape_cast %get3A_2 : vector<1x32x2000xf32> to vector<32x2000xf32>
    %reduce_sum3A = arith.constant dense<0.000000e+00> : vector<2000xf32>
    %reduce_sum3A_4 = vector.multi_reduction <add>, %get3A_3, %reduce_sum3A [0] : vector<32x2000xf32> to vector<2000xf32>
    %gt3A = arith.constant 0.000000e+00 : f32
    %gt3A_5 = vector.broadcast %gt3A : f32 to vector<2000xf32>
    %gt3A_6 = arith.cmpf ogt, %reduce_sum3A_4, %gt3A_5 : vector<2000xf32>
    %max3A = arith.constant 1.000000e+00 : f32
    %max3A_7 = vector.broadcast %max3A : f32 to vector<2000xf32>
    %max3A_8 = arith.maximumf %reduce_sum3A_4, %max3A_7 : vector<2000xf32>
    %rsqrt3A = math.rsqrt %max3A_8 : vector<2000xf32>
    %jit3A = arith.constant 0.000000e+00 : f32
    %broadcast_in_dim3A = vector.broadcast %jit3A : f32 to vector<2000xf32>
    %select_n3A = arith.select %gt3A_6, %rsqrt3A, %broadcast_in_dim3A : vector<2000xi1>, vector<2000xf32>
    %get3A_9 = arith.constant 0 : index
    %get3A_10 = arith.constant 0 : index
    %get3A_11 = vector.load %arg1[%get3A_9, %get3A_10] : memref<2000x128xf32, #tpu.memory_space<vmem>>, vector<2000x128xf32>
    %broadcast_in_dim3A_12 = vector.shape_cast %select_n3A : vector<2000xf32> to vector<2000x1xf32>
    %mul3A = vector.broadcast %broadcast_in_dim3A_12 : vector<2000x1xf32> to vector<2000x128xf32>
    %mul3A_13 = arith.mulf %get3A_11, %mul3A : vector<2000x128xf32>
    %get3A_14 = arith.constant 0 : index
    %get3A_15 = arith.constant 0 : index
    %get3A_16 = vector.load %arg3[%get3A_14, %get3A_15] : memref<128x128xf32, #tpu.memory_space<vmem>>, vector<128x128xf32>
    %dot_general3A = arith.constant dense<0.000000e+00> : vector<2000x128xf32>
    %dot_general3A_17 = tpu.matmul %mul3A_13, %get3A_16, %dot_general3A {dimension_numbers = #tpu.dot_dimension_numbers<[1], [0], [0], [1], [0, 0, 1, 1], [], []>, transpose_lhs_hint = false} : vector<2000x128xf32>, vector<128x128xf32>, vector<2000x128xf32> -> vector<2000x128xf32>
    %swap3A = arith.constant 0 : index
    %swap3A_18 = arith.constant 0 : index
    %swap3A_19 = vector.load %arg4[%swap3A, %swap3A_18] : memref<2000x128xf32, #tpu.memory_space<vmem>>, vector<2000x128xf32>
    tpu.vector_store %arg4[%swap3A, %swap3A_18], %dot_general3A_17 {strides = array<i32>} : memref<2000x128xf32, #tpu.memory_space<vmem>>, vector<2000x128xf32>,
    return
  }
  func.func @transform_0(%arg0: i32) -> (i32, i32) {
    %c0_i32 = arith.constant 0 : i32
    %c0_i32_0 = arith.constant 0 : i32
    return %arg0, %c0_i32 : i32, i32
  }
  func.func @transform_1(%arg0: i32) -> (i32, i32, i32) {
    %c0_i32 = arith.constant 0 : i32
    %c0_i32_0 = arith.constant 0 : i32
    %c0_i32_1 = arith.constant 0 : i32
    return %arg0, %c0_i32, %c0_i32_0 : i32, i32, i32
  }
  func.func @transform_2(%arg0: i32) -> (i32, i32) {
    %c0_i32 = arith.constant 0 : i32
    %c0_i32_0 = arith.constant 0 : i32
    %c0_i32_1 = arith.constant 0 : i32
    return %c0_i32, %c0_i32_0 : i32, i32
  }
  func.func @transform_3(%arg0: i32) -> (i32, i32) {
    %c0_i32 = arith.constant 0 : i32
    %c0_i32_0 = arith.constant 0 : i32
    return %arg0, %c0_i32 : i32, i32
  }
}

module attributes {stable_mosaic.version = 14 : i64} {
  func.func @_tc2_body(%arg0: i32, %arg1: memref<2x2000x128xf32, #tpu.memory_space<vmem>>, %arg2: memref<1x32x2000xf32, #tpu.memory_space<vmem>>, %arg3: memref<1x32x2000xf32, #tpu.memory_space<vmem>>, %arg4: memref<8x128xf32, #tpu.memory_space<vmem>>, %arg5: memref<128x48xf32, #tpu.memory_space<vmem>>, %arg6: memref<2000x48xf32, #tpu.memory_space<vmem>>) attributes {dimension_semantics = [#tpu.dimension_semantics<arbitrary>], iteration_bounds = array<i64: 5>, scalar_prefetch = 0 : i64, scratch_operands = 0 : i64, tpu.core_type = #tpu.core_type<tc>, window_params = [{transform_indices = @transform_0, window_bounds = array<i64: 2, 2000, 128>}, {transform_indices = @transform_1, window_bounds = array<i64: 1, 32, 2000>}, {transform_indices = @transform_2, window_bounds = array<i64: 1, 32, 2000>}, {pipeline_mode = #tpu.pipeline_mode<synchronous>, transform_indices = @transform_3, window_bounds = array<i64: 8, 128>}, {pipeline_mode = #tpu.pipeline_mode<synchronous>, transform_indices = @transform_4, window_bounds = array<i64: 128, 48>}, {transform_indices = @transform_5, window_bounds = array<i64: 2000, 48>}]} {
    %get3A = arith.constant 0 : index
    %get3A_0 = arith.constant 0 : index
    %get3A_1 = arith.constant 0 : index
    %get3A_2 = vector.load %arg1[%get3A, %get3A_0, %get3A_1] : memref<2x2000x128xf32, #tpu.memory_space<vmem>>, vector<1x2000x128xf32>
    %get3A_3 = vector.shape_cast %get3A_2 : vector<1x2000x128xf32> to vector<2000x128xf32>
    %get3A_4 = arith.constant 1 : index
    %get3A_5 = arith.constant 0 : index
    %get3A_6 = arith.constant 0 : index
    %get3A_7 = vector.load %arg1[%get3A_4, %get3A_5, %get3A_6] : memref<2x2000x128xf32, #tpu.memory_space<vmem>>, vector<1x2000x128xf32>
    %get3A_8 = vector.shape_cast %get3A_7 : vector<1x2000x128xf32> to vector<2000x128xf32>
    %add3A = arith.addf %get3A_3, %get3A_8 : vector<2000x128xf32>
    %get3A_9 = arith.constant 0 : index
    %get3A_10 = arith.constant 0 : index
    %get3A_11 = arith.constant 0 : index
    %get3A_12 = vector.load %arg3[%get3A_9, %get3A_10, %get3A_11] : memref<1x32x2000xf32, #tpu.memory_space<vmem>>, vector<1x32x2000xf32>
    %get3A_13 = vector.shape_cast %get3A_12 : vector<1x32x2000xf32> to vector<32x2000xf32>
    %reduce_sum3A = arith.constant dense<0.000000e+00> : vector<2000xf32>
    %reduce_sum3A_14 = vector.multi_reduction <add>, %get3A_13, %reduce_sum3A [0] : vector<32x2000xf32> to vector<2000xf32>
    %gt3A = arith.constant 0.000000e+00 : f32
    %gt3A_15 = vector.broadcast %gt3A : f32 to vector<2000xf32>
    %gt3A_16 = arith.cmpf ogt, %reduce_sum3A_14, %gt3A_15 : vector<2000xf32>
    %max3A = arith.constant 1.000000e+00 : f32
    %max3A_17 = vector.broadcast %max3A : f32 to vector<2000xf32>
    %max3A_18 = arith.maximumf %reduce_sum3A_14, %max3A_17 : vector<2000xf32>
    %rsqrt3A = math.rsqrt %max3A_18 : vector<2000xf32>
    %jit3A = arith.constant 0.000000e+00 : f32
    %broadcast_in_dim3A = vector.broadcast %jit3A : f32 to vector<2000xf32>
    %select_n3A = arith.select %gt3A_16, %rsqrt3A, %broadcast_in_dim3A : vector<2000xi1>, vector<2000xf32>
    %get3A_19 = arith.constant 0 : index
    %get3A_20 = arith.constant 0 : index
    %get3A_21 = arith.constant 0 : index
    %get3A_22 = vector.load %arg2[%get3A_19, %get3A_20, %get3A_21] : memref<1x32x2000xf32, #tpu.memory_space<vmem>>, vector<1x32x2000xf32>
    %get3A_23 = vector.shape_cast %get3A_22 : vector<1x32x2000xf32> to vector<32x2000xf32>
    %reduce_sum3A_24 = arith.constant dense<0.000000e+00> : vector<2000xf32>
    %reduce_sum3A_25 = vector.multi_reduction <add>, %get3A_23, %reduce_sum3A_24 [0] : vector<32x2000xf32> to vector<2000xf32>
    %gt3A_26 = arith.constant 0.000000e+00 : f32
    %gt3A_27 = vector.broadcast %gt3A_26 : f32 to vector<2000xf32>
    %gt3A_28 = arith.cmpf ogt, %reduce_sum3A_25, %gt3A_27 : vector<2000xf32>
    %max3A_29 = arith.constant 1.000000e+00 : f32
    %max3A_30 = vector.broadcast %max3A_29 : f32 to vector<2000xf32>
    %max3A_31 = arith.maximumf %reduce_sum3A_25, %max3A_30 : vector<2000xf32>
    %rsqrt3A_32 = math.rsqrt %max3A_31 : vector<2000xf32>
    %jit3A_33 = arith.constant 0.000000e+00 : f32
    %broadcast_in_dim3A_34 = vector.broadcast %jit3A_33 : f32 to vector<2000xf32>
    %select_n3A_35 = arith.select %gt3A_28, %rsqrt3A_32, %broadcast_in_dim3A_34 : vector<2000xi1>, vector<2000xf32>
    %broadcast_in_dim3A_36 = vector.shape_cast %select_n3A : vector<2000xf32> to vector<2000x1xf32>
    %mul3A = vector.broadcast %broadcast_in_dim3A_36 : vector<2000x1xf32> to vector<2000x128xf32>
    %mul3A_37 = arith.mulf %add3A, %mul3A : vector<2000x128xf32>
    %get3A_38 = arith.constant 0 : index
    %get3A_39 = arith.constant 0 : index
    %get3A_40 = vector.load %arg4[%get3A_38, %get3A_39] : memref<8x128xf32, #tpu.memory_space<vmem>>, vector<1x128xf32>
    %get3A_41 = vector.shape_cast %get3A_40 : vector<1x128xf32> to vector<128xf32>
    %broadcast_in_dim3A_42 = vector.shape_cast %get3A_41 : vector<128xf32> to vector<1x128xf32>
    %add3A_43 = vector.broadcast %broadcast_in_dim3A_42 : vector<1x128xf32> to vector<2000x128xf32>
    %add3A_44 = arith.addf %mul3A_37, %add3A_43 : vector<2000x128xf32>
    %max3A_45 = arith.constant 0.000000e+00 : f32
    %max3A_46 = vector.broadcast %max3A_45 : f32 to vector<2000x128xf32>
    %max3A_47 = arith.maximumf %add3A_44, %max3A_46 : vector<2000x128xf32>
    %broadcast_in_dim3A_48 = vector.shape_cast %select_n3A_35 : vector<2000xf32> to vector<2000x1xf32>
    %mul3A_49 = vector.broadcast %broadcast_in_dim3A_48 : vector<2000x1xf32> to vector<2000x128xf32>
    %mul3A_50 = arith.mulf %max3A_47, %mul3A_49 : vector<2000x128xf32>
    %get3A_51 = arith.constant 0 : index
    %get3A_52 = arith.constant 0 : index
    %get3A_53 = vector.load %arg5[%get3A_51, %get3A_52] : memref<128x48xf32, #tpu.memory_space<vmem>>, vector<128x48xf32>
    %dot_general3A = arith.constant dense<0.000000e+00> : vector<2000x48xf32>
    %dot_general3A_54 = tpu.matmul %mul3A_50, %get3A_53, %dot_general3A {dimension_numbers = #tpu.dot_dimension_numbers<[1], [0], [0], [1], [0, 0, 1, 1], [], []>, transpose_lhs_hint = false} : vector<2000x128xf32>, vector<128x48xf32>, vector<2000x48xf32> -> vector<2000x48xf32>
    %swap3A = arith.constant 0 : index
    %swap3A_55 = arith.constant 0 : index
    %swap3A_56 = vector.load %arg6[%swap3A, %swap3A_55] : memref<2000x48xf32, #tpu.memory_space<vmem>>, vector<2000x48xf32>
    tpu.vector_store %arg6[%swap3A, %swap3A_55], %dot_general3A_54 {strides = array<i32>} : memref<2000x48xf32, #tpu.memory_space<vmem>>, vector<2000x48xf32>,
    return
  }
  func.func @transform_0(%arg0: i32) -> (i32, i32, i32) {
    %c0_i32 = arith.constant 0 : i32
    %c0_i32_0 = arith.constant 0 : i32
    %c0_i32_1 = arith.constant 0 : i32
    return %c0_i32, %arg0, %c0_i32_0 : i32, i32, i32
  }
  func.func @transform_1(%arg0: i32) -> (i32, i32, i32) {
    %c0_i32 = arith.constant 0 : i32
    %c0_i32_0 = arith.constant 0 : i32
    %c0_i32_1 = arith.constant 0 : i32
    return %arg0, %c0_i32, %c0_i32_0 : i32, i32, i32
  }
  func.func @transform_2(%arg0: i32) -> (i32, i32, i32) {
    %c0_i32 = arith.constant 0 : i32
    %c0_i32_0 = arith.constant 0 : i32
    %c0_i32_1 = arith.constant 0 : i32
    return %arg0, %c0_i32, %c0_i32_0 : i32, i32, i32
  }
  func.func @transform_3(%arg0: i32) -> (i32, i32) {
    %c0_i32 = arith.constant 0 : i32
    %c0_i32_0 = arith.constant 0 : i32
    %c0_i32_1 = arith.constant 0 : i32
    return %c0_i32, %c0_i32_0 : i32, i32
  }
  func.func @transform_4(%arg0: i32) -> (i32, i32) {
    %c0_i32 = arith.constant 0 : i32
    %c0_i32_0 = arith.constant 0 : i32
    %c0_i32_1 = arith.constant 0 : i32
    return %c0_i32, %c0_i32_0 : i32, i32
  }
  func.func @transform_5(%arg0: i32) -> (i32, i32) {
    %c0_i32 = arith.constant 0 : i32
    %c0_i32_0 = arith.constant 0 : i32
    return %arg0, %c0_i32 : i32, i32
  }
}

module attributes {stable_mosaic.version = 14 : i64} {
  func.func @_tc3_body(%arg0: i32, %arg1: memref<2x2000x48xf32, #tpu.memory_space<vmem>>, %arg2: memref<1x32x2000xf32, #tpu.memory_space<vmem>>, %arg3: memref<8x48xf32, #tpu.memory_space<vmem>>, %arg4: memref<2000x41xf32, #tpu.memory_space<vmem>>) attributes {dimension_semantics = [#tpu.dimension_semantics<arbitrary>], iteration_bounds = array<i64: 5>, scalar_prefetch = 0 : i64, scratch_operands = 0 : i64, tpu.core_type = #tpu.core_type<tc>, window_params = [{transform_indices = @transform_0, window_bounds = array<i64: 2, 2000, 48>}, {transform_indices = @transform_1, window_bounds = array<i64: 1, 32, 2000>}, {pipeline_mode = #tpu.pipeline_mode<synchronous>, transform_indices = @transform_2, window_bounds = array<i64: 8, 48>}, {transform_indices = @transform_3, window_bounds = array<i64: 2000, 41>}]} {
    %get3A = arith.constant 0 : index
    %get3A_0 = arith.constant 0 : index
    %get3A_1 = arith.constant 0 : index
    %get3A_2 = vector.load %arg1[%get3A, %get3A_0, %get3A_1] : memref<2x2000x48xf32, #tpu.memory_space<vmem>>, vector<1x2000x48xf32>
    %get3A_3 = vector.shape_cast %get3A_2 : vector<1x2000x48xf32> to vector<2000x48xf32>
    %get3A_4 = arith.constant 1 : index
    %get3A_5 = arith.constant 0 : index
    %get3A_6 = arith.constant 0 : index
    %get3A_7 = vector.load %arg1[%get3A_4, %get3A_5, %get3A_6] : memref<2x2000x48xf32, #tpu.memory_space<vmem>>, vector<1x2000x48xf32>
    %get3A_8 = vector.shape_cast %get3A_7 : vector<1x2000x48xf32> to vector<2000x48xf32>
    %add3A = arith.addf %get3A_3, %get3A_8 : vector<2000x48xf32>
    %get3A_9 = arith.constant 0 : index
    %get3A_10 = arith.constant 0 : index
    %get3A_11 = arith.constant 0 : index
    %get3A_12 = vector.load %arg2[%get3A_9, %get3A_10, %get3A_11] : memref<1x32x2000xf32, #tpu.memory_space<vmem>>, vector<1x32x2000xf32>
    %get3A_13 = vector.shape_cast %get3A_12 : vector<1x32x2000xf32> to vector<32x2000xf32>
    %reduce_sum3A = arith.constant dense<0.000000e+00> : vector<2000xf32>
    %reduce_sum3A_14 = vector.multi_reduction <add>, %get3A_13, %reduce_sum3A [0] : vector<32x2000xf32> to vector<2000xf32>
    %gt3A = arith.constant 0.000000e+00 : f32
    %gt3A_15 = vector.broadcast %gt3A : f32 to vector<2000xf32>
    %gt3A_16 = arith.cmpf ogt, %reduce_sum3A_14, %gt3A_15 : vector<2000xf32>
    %max3A = arith.constant 1.000000e+00 : f32
    %max3A_17 = vector.broadcast %max3A : f32 to vector<2000xf32>
    %max3A_18 = arith.maximumf %reduce_sum3A_14, %max3A_17 : vector<2000xf32>
    %rsqrt3A = math.rsqrt %max3A_18 : vector<2000xf32>
    %jit3A = arith.constant 0.000000e+00 : f32
    %broadcast_in_dim3A = vector.broadcast %jit3A : f32 to vector<2000xf32>
    %select_n3A = arith.select %gt3A_16, %rsqrt3A, %broadcast_in_dim3A : vector<2000xi1>, vector<2000xf32>
    %broadcast_in_dim3A_19 = vector.shape_cast %select_n3A : vector<2000xf32> to vector<2000x1xf32>
    %mul3A = vector.broadcast %broadcast_in_dim3A_19 : vector<2000x1xf32> to vector<2000x48xf32>
    %mul3A_20 = arith.mulf %add3A, %mul3A : vector<2000x48xf32>
    %get3A_21 = arith.constant 0 : index
    %get3A_22 = arith.constant 0 : index
    %get3A_23 = vector.load %arg3[%get3A_21, %get3A_22] : memref<8x48xf32, #tpu.memory_space<vmem>>, vector<1x48xf32>
    %get3A_24 = vector.shape_cast %get3A_23 : vector<1x48xf32> to vector<48xf32>
    %broadcast_in_dim3A_25 = vector.shape_cast %get3A_24 : vector<48xf32> to vector<1x48xf32>
    %add3A_26 = vector.broadcast %broadcast_in_dim3A_25 : vector<1x48xf32> to vector<2000x48xf32>
    %add3A_27 = arith.addf %mul3A_20, %add3A_26 : vector<2000x48xf32>
    %slice3A = vector.extract_strided_slice %add3A_27 {offsets = [0, 0], sizes = [2000, 41], strides = [1, 1]} : vector<2000x48xf32> to vector<2000x41xf32>
    %swap3A = arith.constant 0 : index
    %swap3A_28 = arith.constant 0 : index
    %swap3A_29 = vector.load %arg4[%swap3A, %swap3A_28] : memref<2000x41xf32, #tpu.memory_space<vmem>>, vector<2000x41xf32>
    tpu.vector_store %arg4[%swap3A, %swap3A_28], %slice3A {strides = array<i32>} : memref<2000x41xf32, #tpu.memory_space<vmem>>, vector<2000x41xf32>,
    return
  }
  func.func @transform_0(%arg0: i32) -> (i32, i32, i32) {
    %c0_i32 = arith.constant 0 : i32
    %c0_i32_0 = arith.constant 0 : i32
    %c0_i32_1 = arith.constant 0 : i32
    return %c0_i32, %arg0, %c0_i32_0 : i32, i32, i32
  }
  func.func @transform_1(%arg0: i32) -> (i32, i32, i32) {
    %c0_i32 = arith.constant 0 : i32
    %c0_i32_0 = arith.constant 0 : i32
    %c0_i32_1 = arith.constant 0 : i32
    return %arg0, %c0_i32, %c0_i32_0 : i32, i32, i32
  }
  func.func @transform_2(%arg0: i32) -> (i32, i32) {
    %c0_i32 = arith.constant 0 : i32
    %c0_i32_0 = arith.constant 0 : i32
    %c0_i32_1 = arith.constant 0 : i32
    return %c0_i32, %c0_i32_0 : i32, i32
  }
  func.func @transform_3(%arg0: i32) -> (i32, i32) {
    %c0_i32 = arith.constant 0 : i32
    %c0_i32_0 = arith.constant 0 : i32
    return %arg0, %c0_i32 : i32, i32
  }
}

</mosaic_0001>

<sc_bundles>
// kernel: kernel.11.cloned.1.call-start
scs
__scs_entry_jumppad:
0x0: {  	(pc) =	sbr.rel $0x88, $3  }
0x1: {  	(tag) =	ssettag $0x0;
	lr =	simm.s32 $0x1  }
0x2: {  	[smem:$0x3F9B] =	sst lr;
	_ =	strace $0xD0000000  }
0x3: {  	_ = 	snop  }
0x4: {  	_ = 	snop  }
0x5: {  	_ = 	snop  }
0x6: {  	_ = 	snop  }
0x7: {  	_ = 	snop  }
__scs_overlays_trampoline_lowered:
0x8: {  	[smem:$0x3FAA] =	sst s0  }
0x9: {  	[smem:$0x3FAB] =	sst s1  }
0xa: {  	[smem:$0x3FAC] =	sst s2  }
0xb: {  	[smem:$0x3FAD] =	sst s3  }
0xc: {  	[smem:$0x3FAE] =	sst s4  }
0xd: {  	[smem:$0x3FAF] =	sst s5  }
0xe: {  	[smem:$0x3FB0] =	sst s6  }
0xf: {  	[smem:$0x3FB1] =	sst s7  }
0x10: {  	[smem:$0x3FB2] =	sst s8  }
0x11: {  	[smem:$0x3FB3] =	sst s9;
	s0 =	simm.s32 @!p0 $0x0  }
0x12: {  	s1 =	sld [smem:$0x3F99];
	s0 =	simm.s32 @p0 $0x1  }
0x13: {  	[smem:$0x3FB4] =	sst s0;
	s0 =	simm.s32 @!p1 $0x0  }
0x14: {  	s2 =	sld [smem:$0x3F98];
	s0 =	simm.s32 @p1 $0x1  }
0x15: {  	[smem:$0x3FB5] =	sst s0;
	s0 =	simm.s32 @!p2 $0x0  }
0x16: {  	s3 =	sld [smem:$0x3FDB];
	s0 =	simm.s32 @p2 $0x1  }
0x17: {  	s4 =	simm.s32 $0x1BF5;
	[smem:$0x3FB7] =	sst s0  }
0x18: {  	s0 =	sld [smem:$0x3F9A];
	_ =	swait.ge [sflag:s4], $0x0  }
0x19: {  	s7 =	sld [smem:$0x3F9B]  }
0x1a: {  	s8 =	sadd.s32 $0xFFFFE003, lr  }
0x1b: {  	s9 =	sadd.s32 $0xFFFFFEF7, lr;
	s5 =	simm.s32 $0xFFFFFFFF;
	p2 =	slt.u32 s8, $0xFFFFF086  }
0x1c: {  	p1 =	slt.u32 s9, $0xF7A;
	s5 =	simm.s32 @!p2 $0x0  }
0x1d: {  	s5 =	simm.s32 @p1 $0x1;
	p0 =	seq.s32 s7, s2  }
0x1e: {  	s7 =	smul.u32 @!p0 $0xF7A, s2;
	p2 =	seq.s32 @!p0 s5, $0x0  }
0x1f: {  	s9 =	smul.u32 $0xF7A, s1;
	s8 =	simm.s32 @!p0 $0x1BF5;
	p2 =	por !p2, p0  }
0x20: {  	[sflag:s8] =	ssyncset.s32 @!p0 $0xFFFFF086;
	s6 =	sadd.s32 @!p0 s3, s7;
	s7 =	simm.s32 @!p0 $0x108  }
0x21: {  	s3 =	sadd.s32 s3, s9;
	s6 =	sadd.s32 @!p0 $0x88, s6;
	s7 =	simm.s32 @p2 $0x1082  }
0x22: {  	[simem:s7], [sflag:s8] =	dma.local @!p0 [hbm:s6], $0xF7A  }
0x23: {  	s9 =	sor.u32 $0xD0000000, s2;
	s6 =	simm.s32 $0x108;
	_ =	swait.ge @!p0 [sflag:s8], $0x0  }
0x24: {  	s3 =	sadd.s32 $0x88, s3;
	s6 =	simm.s32 @!p1 $0x1082;
	[sflag:s4] =	ssyncset.s32 $0xFFFFF086  }
0x25: {  	[simem:s6], [sflag:s4] =	dma.local [hbm:s3], $0xF7A  }
0x26: {  	[smem:$0x3F9B] =	sst s1;
	(tag) =	ssettag s2;
	_ =	strace s9  }
0x27: {  	s1 =	sld [smem:$0x3FAB]  }
0x28: {  	s2 =	sld [smem:$0x3FAC]  }
0x29: {  	s4 =	sld [smem:$0x3FAE]  }
0x2a: {  	p0 =	seq.s32 s5, $0x0;
	s5 =	sld [smem:$0x3FAF]  }
0x2b: {  	s6 =	sld [smem:$0x3FB0]  }
0x2c: {  	s7 =	sld [smem:$0x3FB1]  }
0x2d: {  	s3 =	simm.s32 $0x108;
	s8 =	sld [smem:$0x3FB2]  }
0x2e: {  	s3 =	simm.s32 @!p0 $0x1082;
	s9 =	sld [smem:$0x3FB3]  }
0x2f: {  	lr =	sadd.s32 s0, s3;
	s0 =	sld [smem:$0x3FAA]  }
0x30: {  	s3 =	sld [smem:$0x3FAD]  }
0x31: {  	[smem:$0x3FB6] =	sst s10  }
0x32: {  	s10 =	sld [smem:$0x3FB4];
	_ =	sdelay $0x3  }
0x33: {  	p0 =	seq.s32 s10, $0x1;
	s10 =	sld [smem:$0x3FB6];
	_ =	sdelay $0x3  }
0x34: {  	[smem:$0x3FB6] =	sst s10  }
0x35: {  	s10 =	sld [smem:$0x3FB5];
	_ =	sdelay $0x3  }
0x36: {  	p1 =	seq.s32 s10, $0x1;
	s10 =	sld [smem:$0x3FB6];
	_ =	sdelay $0x3  }
0x37: {  	[smem:$0x3FB6] =	sst s10  }
0x38: {  	s10 =	sld [smem:$0x3FB7]  }
0x39: {  	_ = 	snop;
	(pc) =	sbr.ind lr, $3  }
0x3a: {  	_ = 	snop  }
0x3b: {  	_ = 	snop  }
0x3c: {  	p2 =	seq.s32 s10, $0x1;
	s10 =	sld [smem:$0x3FB6]  }
0x3d: {  	_ =	shalt  }
0x3e: {  	_ =	shalt  }
0x3f: {  	_ =	shalt  }
0x40: {  	_ =	shalt  }
0x41: {  	_ =	shalt  }
0x42: {  	_ =	shalt  }
0x43: {  	_ =	shalt  }
0x44: {  	_ =	shalt  }
0x45: {  	_ =	shalt  }
0x46: {  	_ =	shalt  }
0x47: {  	_ =	shalt  }
0x48: {  	_ =	shalt  }
0x49: {  	_ =	shalt  }
0x4a: {  	_ =	shalt  }
0x4b: {  	_ =	shalt  }
0x4c: {  	_ =	shalt  }
0x4d: {  	_ =	shalt  }
0x4e: {  	_ =	shalt  }
0x4f: {  	_ =	shalt  }
0x50: {  	_ =	shalt  }
0x51: {  	_ =	shalt  }
0x52: {  	_ =	shalt  }
0x53: {  	_ =	shalt  }
0x54: {  	_ =	shalt  }
0x55: {  	_ =	shalt  }
0x56: {  	_ =	shalt  }
0x57: {  	_ =	shalt  }
0x58: {  	_ =	shalt  }
0x59: {  	_ =	shalt  }
0x5a: {  	_ =	shalt  }
0x5b: {  	_ =	shalt  }
0x5c: {  	_ =	shalt  }
0x5d: {  	_ =	shalt  }
0x5e: {  	_ =	shalt  }
0x5f: {  	_ =	shalt  }
0x60: {  	_ =	shalt  }
0x61: {  	_ =	shalt  }
0x62: {  	_ =	shalt  }
0x63: {  	_ =	shalt  }
0x64: {  	_ =	shalt  }
0x65: {  	_ =	shalt  }
0x66: {  	_ =	shalt  }
0x67: {  	_ =	shalt  }
0x68: {  	_ =	shalt  }
0x69: {  	_ =	shalt  }
0x6a: {  	_ =	shalt  }
0x6b: {  	_ =	shalt  }
0x6c: {  	_ =	shalt  }
0x6d: {  	_ =	shalt  }
0x6e: {  	_ =	shalt  }
0x6f: {  	_ =	shalt  }
0x70: {  	_ =	shalt  }
0x71: {  	_ =	shalt  }
0x72: {  	_ =	shalt  }
0x73: {  	_ =	shalt  }
0x74: {  	_ =	shalt  }
0x75: {  	_ =	shalt  }
0x76: {  	_ =	shalt  }
0x77: {  	_ =	shalt  }
0x78: {  	_ =	shalt  }
0x79: {  	_ =	shalt  }
0x7a: {  	_ =	shalt  }
0x7b: {  	_ =	shalt  }
0x7c: {  	_ =	shalt  }
0x7d: {  	_ =	shalt  }
0x7e: {  	_ =	shalt  }
0x7f: {  	_ =	shalt  }
0x80: {  	_ =	shalt  }
0x81: {  	_ =	shalt  }
0x82: {  	_ =	shalt  }
0x83: {  	_ =	shalt  }
0x84: {  	_ =	shalt  }
0x85: {  	_ =	shalt  }
0x86: {  	_ =	shalt  }
0x87: {  	_ =	shalt  }
.Lfunc_end0:
.L_simem_size_0:
called_computation.1_lowered:
.L_overlay_start_0:
0x88: {  	s2 =	sld [smem:$0x3FD9]  }
0x89: {  	s3 =	sld [smem:$0x3FFE];
	_ =	sdelay $0x1  }
0x8a: {  	s1 =	srdreg.scid  }
0x8b: {  	s0 =	sand.u32 $0x1, s1  }
0x8c: {  	s16 =	sshll.u32 s0, $0xA;
	s2 =	sadd.s32 s3, s2  }
0x8d: {  	s2 =	sadd.s32 s2, s16  }
0x8e: {  	[smem:$0x3FC2] =	sst s2  }
0x8f: {  	_ = 	snop  }
0x90: {  	(tm) =	ssettm $0x1  }
0x91: {  	s17 =	sld [smem:$0x3FFB];
	_ =	sdelay $0x3  }
0x92: {  	_ =	strace s17  }
0x93: {  	s2 =	sld [smem:$0x3FFC];
	_ =	sdelay $0x3  }
0x94: {  	_ =	strace s2  }
0x95: {  	s2 =	sld [smem:$0x3FFD];
	_ =	sdelay $0x3  }
0x96: {  	_ =	strace s2  }
0x97: {  	_ =	strace $0x8FFFFFFF  }
0x98: {  	s18 =	sld [smem:$0x3FDB];
	_ =	sdelay $0x1  }
0x99: {  	s19 =	simm.s32 $_scs_section_size  }
0x9a: {  	s4 =	simm.s32 $_size__tile_overlayer_lowered;
	s5 =	simm.s32 $_tile_overlayer_lowered  }
0x9b: {  	s22 =	simm.s32 $0x1BFF;
	s21 =	sshll.u32 s5, $0x1;
	s2 =	sadd.s32 s19, s18  }
0x9c: {  	s6 =	simm.s32 $0x0;
	s20 =	sshll.u32 s4, $0x1;
	s4 =	sadd.s32 s21, s2  }
0x9d: {  	[timem:s6], [sflag:s22] =	dma.local [hbm:s4], s20  }
0x9e: {  	_ =	swait.ge [sflag:s22], s20  }
0x9f: {  	s3 =	ssub.s32 $0x0, s20;
	[sflag:s22] =	ssyncset.done $0x0  }
0xa0: {  	[sflag:s22] =	ssyncadd.s32 s3;
	_ =	sdelay $0x1  }
0xa1: {  	s23 =	simm.s32 $0x1B8B  }
0xa2: {  	_ =	swait.ge [sflag:s23], $0x1  }
0xa3: {  	[sflag:s23] =	ssyncset.done $0x0  }
0xa4: {  	s25 =	simm.s32 $0x1B8E;
	s24 =	sld [smem:$0x3FFE];
	[sflag:s23] =	ssyncadd.s32 $0xFFFFFFFF  }
0xa5: {  	s26 =	simm.s32 $execute0_lowered;
	[smem:$0x3FD2] =	sst s25  }
0xa6: {  	s4 =	sshll.u32 s26, $0x1;
	_ =	strace $0x80000049;
	[dreg:$0x1] =	wrdreg $0xFFFFFFFF  }
0xa7: {  	s28 =	simm.s32 $_size_execute0_lowered;
	s2 =	sadd.s32 s2, s4;
	[dreg:$0x0] =	wrdreg $0x0  }
0xa8: {  	s4 =	sshll.u32 s28, $0x1;
	[dreg:$0x2] =	wrdreg s2  }
0xa9: {  	[dreg:$0x3] =	wrdreg s4  }
0xaa: {  	[dreg:$0x4] =	wrdreg $0xC0  }
0xab: {  	_ =	task [dreg:s6], $0x5FFFF  }
0xac: {  	[dreg:$0x1] =	wrdreg $0xFFFFFFFF  }
0xad: {  	[dreg:$0x0] =	wrdreg $0x60  }
0xae: {  	[dreg:$0x2] =	wrdreg s24  }
0xaf: {  	[dreg:$0x3] =	wrdreg $0xB5000  }
0xb0: {  	[dreg:$0x4] =	wrdreg $0x9  }
0xb1: {  	_ =	task.clear_ibuf [dreg:s6], $0x5FFFF;
	_ =	strace $0x90000049  }
0xb2: {  	s29 =	simm.s32 $0x9;
	_ =	strace $0x8000004B  }
0xb3: {  	_ =	swait.ge [sflag:s29], $0x1  }
0xb4: {  	[sflag:s29] =	ssyncadd.s32 $0xFFFFFFFF  }
0xb5: {  	_ =	strace $0x9000004B  }
0xb6: {  	_ =	sfence  }
0xb7: {  	s30 =	sld [smem:$0x0];
	_ =	sdelay $0x2  }
0xb8: {  	s31 =	sshll.u32 s1, $0xD;
	s1 =	sshrl.u32 s1, $0x2  }
0xb9: {  	s3 =	sand.u32 $0x4000, s31;
	s1 =	sadd.s32 s1, s30  }
0xba: {  	s0 =	sor.u32 s3, s0;
	s1 =	sshll.u32 s1, $0x11  }
0xbb: {  	s0 =	sor.u32 s1, s0  }
0xbc: {  	s0 =	sadd.s32 $0x8F2B, s0  }
0xbd: {  	[sflag:s0] =	ssyncadd.remote.s32 $0x1  }
0xbe: {  	_ =	sfence.sel $0xFFFF  }
0xbf: {  	[dreg:$0x0] =	wrdreg $0xFFFFFFFF;
	(pc) =	sbr.abs _section_cstart, $3  }
0xc0: {  	[dreg:$0x1] =	wrdreg $0xFFFFFFFF  }
0xc1: {  	_ =	task.clear_ibuf [dreg:s6], $0x2FFFF;
	_ =	strace $0x9FFFFFFF  }
0xc2: {  	(tm) =	ssettm $0x7FFFFFFF  }
0xc3: {  	_ =	shalt  }
tec
execute0_lowered:
.L_overlay_start_1:
0x0: {  	(tag) =	ssettag $0x1  }
0x1: {  	s0 =	srdreg.scid  }
0x2: {  	s25 =	stileid.u32;
	s8 =	rddreg [dreg:$0x0]  }
0x3: {  	s2 =	rddreg [dreg:$0x1];
	s1 =	sand.u32 $0x1, s0;
	s7 =	smul.u32 $0x2800, s25  }
0x4: {  	s3 =	simm.s32 $0x0;
	s6 =	sor.u32 $0x10, s25;
	s5 =	smul.u32 $0x138800, s1  }
0x5: {  	s28 =	simm.s32 $0x8D00;
	s9 =	sor.u32 $0x20, s25;
	s10 =	smul.u32 $0x2800, s6  }
0x6: {  	s29 =	simm.s32 $0x3;
	s11 =	sor.u32 $0x30, s25;
	s12 =	smul.u32 $0x2800, s9  }
0x7: {  	s30 =	simm.s32 $0x5;
	s19 =	sor.u32 $0x40, s25;
	s13 =	smul.u32 $0x2800, s11  }
0x8: {  	s31 =	simm.s32 $0x6;
	s20 =	sor.u32 $0x50, s25;
	s14 =	smul.u32 $0x2800, s19  }
0x9: {  	s23 =	sshll.u32 s25, $0x1;
	s21 =	sor.u32 $0x60, s25;
	s15 =	smul.u32 $0x2800, s20  }
0xa: {  	s22 =	sor.u32 $0x70, s25;
	s18 =	sadd.s32 $0xCC00, s8;
	s17 =	smul.u32 $0x2800, s21  }
0xb: {  	[smem:$0x7FF] =	sst s3;
	p1 =	sgt.u32 s25, $0xC;
	s26 =	smul.u32 $0x2800, s22  }
0xc: {  	s0 =	sor.u32 s1, s23;
	s24 =	ssub.s32 $0x2, s1;
	s23 =	smul.u32 $0x5000, s25  }
0xd: {  	s1 =	smul.u32 $0x2800, s1;
	p0 =	sgt.u32 s22, $0x7C;
	s16 =	sshrl.u32 s24, $0x1  }
0xe: {  	s4 =	smul.u32 $0x2800, s0;
	s0 =	ssub.s32 s24, s16;
	s7 =	sadd.s32 s7, s5  }
0xf: {  	s10 =	sadd.s32 s5, s10;
	s12 =	sadd.s32 s5, s12;
	s13 =	sadd.s32 s5, s13  }
0x10: {  	s14 =	sadd.s32 s5, s14;
	s15 =	sadd.s32 s5, s15;
	s17 =	sadd.s32 s5, s17  }
0x11: {  	s5 =	sadd.s32 s5, s26;
	s16 =	sadd.s32 $0x2C00, s8;
	s1 =	sadd.s32 s1, s23  }
0x12: {  	s23 =	sadd.s32 $0x3DE00, s8;
	s4 =	sshrl.u32 s4, $0x3;
	s7 =	sshrl.u32 s7, $0x3  }
0x13: {  	s10 =	sshrl.u32 s10, $0x3;
	s12 =	sshrl.u32 s12, $0x3;
	s26 =	sshrl.u32 s13, $0x3  }
0x14: {  	s5 =	sshrl.u32 s5, $0x3;
	s1 =	sor.u32 $0x400, s1;
	s0 =	smax.u32 s0, $0x1  }
0x15: {  	s7 =	sadd.s32 s23, s7;
	s24 =	sadd.s32 s23, s12;
	s12 =	sshrl.u32 s15, $0x3  }
0x16: {  	s5 =	sadd.s32 s23, s5;
	s15 =	sadd.s32 s18, s4;
	[dreg:$0x3] =	wrdreg s7  }
0x17: {  	s1 =	sshrl.u32 s1, $0x3;
	s7 =	sadd.s32 s23, s10;
	[dreg:$0x5] =	wrdreg s24  }
0x18: {  	s10 =	sshrl.u32 s14, $0x3;
	s14 =	sshrl.u32 s17, $0x3;
	s17 =	smul.u32 $0xA000, s25  }
0x19: {  	s4 =	sadd.s32 s16, s4;
	[dreg:$0x9] =	wrdreg s5;
	s24 =	smul.u32 $0xA000, s9  }
0x1a: {  	s13 =	sadd.s32 s23, s12;
	[dreg:$0xa] =	wrdreg s15;
	s12 =	smul.u32 $0xA000, s21  }
0x1b: {  	[dreg:$0x4] =	wrdreg s7;
	s7 =	sadd.s32 s23, s26;
	s26 =	smul.u32 $0xA000, s11  }
0x1c: {  	[dreg:$0xb] =	wrdreg s4;
	s15 =	sadd.s32 s1, s18;
	s11 =	smul.u32 $0xA000, s20  }
0x1d: {  	s5 =	simm.s32 $0x2;
	[dreg:$0x8] =	wrdreg s13;
	s13 =	smul.u32 $0xA000, s22  }
0x1e: {  	[dreg:$0x6] =	wrdreg s7;
	s7 =	sadd.s32 s23, s10;
	s10 =	sadd.s32 s23, s14  }
0x1f: {  	s14 =	sadd.s32 s1, s16;
	s23 =	smul.u32 $0xA000, s6;
	s16 =	sadd.s32 $0x16C00, s8  }
0x20: {  	s4 =	sshrl.u32 s17, $0x2;
	s8 =	sshrl.u32 s24, $0x2;
	s6 =	simm.s32 $0x4  }
0x21: {  	[dreg:$0x7] =	wrdreg s7;
	s17 =	sadd.s32 s4, s2;
	s7 =	smul.u32 $0xA000, s19  }
0x22: {  	s9 =	sshrl.u32 s26, $0x2;
	s19 =	sadd.s32 s8, s2;
	s24 =	sshrl.u32 s11, $0x2  }
0x23: {  	s4 =	sshrl.u32 s12, $0x2;
	s26 =	sshrl.u32 s13, $0x2;
	_ =	strace $0x8000004A  }
.Ltmp0:
0x24: {  	s1 =	sshrl.u32 s23, $0x2;
	s20 =	sadd.s32 s9, s2;
	(pc) =	sbr.rel .LBB2_1-.Ltmp0, $4  }
0x25: {  	s22 =	sadd.s32 s24, s2;
	s23 =	sadd.s32 s4, s2;
	s24 =	sadd.s32 s26, s2  }
0x26: {  	[dreg:$0xc] =	wrdreg s0;
	s0 =	simm.s32 $0x1000;
	s26 =	simm.s32 $0x4E80  }
0x27: {  	s4 =	simm.s32 $0x1;
	s18 =	sadd.s32 s1, s2;
	s1 =	sshrl.u32 s7, $0x2  }
0x28: {  	v0 =	vimm.f32 $0.0e+00;
	s7 =	simm.s32 $0x0;
	s21 =	sadd.s32 s1, s2;
	s1 =	simm.s32 $0x7D  }
.LBB2_8:
0x29: {  	_ =	swait.ge [sflag:s6], $0x3E80  }
0x2a: {  	[sflag:s6] =	ssyncset.done $0x0  }
0x2b: {  	[sflag:s6] =	ssyncadd.s32 $0xFFFFC180  }
0x2c: {  	[bflag:$0x0] =	sbarrier.arrive $0xFFFF  }
0x2d: {  	[tilespmem:s0], [sflag:$0x1] =	stream.linear.gather [spmem:s17], $0x2800, $0x38;
	[tilespmem:$0x1ED80] =	vst v63  }
0x2e: {  	_ = 	snop  }
0x2f: {  	[tilespmem:s26], [sflag:$0x2] =	stream.linear.gather [spmem:s18], $0x2800, $0x38;
	[tilespmem:$0x1ED80] =	vst v63  }
0x30: {  	_ =	swait.ge [sflag:s4], $0x2800  }
0x31: {  	[sflag:s4] =	ssyncset.done $0x0  }
0x32: {  	s8 =	rddreg [dreg:$0x3];
	[sflag:s4] =	ssyncadd.s32 $0xFFFFD800  }
0x33: {  	[hbm4b:s8+s3] =	stream.linear.scatter [tilespmem:s0], [sflag:$0x3], $0x2800, $0x38;
	[tilespmem:$0x1ED80] =	vst v63  }
0x34: {  	_ =	swait.ge [sflag:s29], $0x2800  }
0x35: {  	[sflag:s29] =	ssyncset.done $0x0  }
0x36: {  	[sflag:s29] =	ssyncadd.s32 $0xFFFFD800  }
0x37: {  	[tilespmem:s0], [sflag:$0x1] =	stream.linear.gather [spmem:s19], $0x2800, $0x38;
	[tilespmem:$0x1ED80] =	vst v63  }
0x38: {  	_ =	swait.ge [sflag:s5], $0x2800  }
0x39: {  	[sflag:s5] =	ssyncset.done $0x0  }
0x3a: {  	s25 =	rddreg [dreg:$0x4];
	[sflag:s5] =	ssyncadd.s32 $0xFFFFD800  }
0x3b: {  	[hbm4b:s25+s3] =	stream.linear.scatter [tilespmem:s26], [sflag:$0x4], $0x2800, $0x38;
	[tilespmem:$0x1ED80] =	vst v63  }
0x3c: {  	_ =	swait.ge [sflag:s6], $0x2800  }
0x3d: {  	[sflag:s6] =	ssyncset.done $0x0  }
0x3e: {  	[sflag:s6] =	ssyncadd.s32 $0xFFFFD800  }
0x3f: {  	[tilespmem:s26], [sflag:$0x2] =	stream.linear.gather [spmem:s20], $0x2800, $0x38;
	[tilespmem:$0x1ED80] =	vst v63  }
0x40: {  	_ =	swait.ge [sflag:s4], $0x2800  }
0x41: {  	[sflag:s4] =	ssyncset.done $0x0  }
0x42: {  	s9 =	rddreg [dreg:$0x5];
	[sflag:s4] =	ssyncadd.s32 $0xFFFFD800  }
0x43: {  	[hbm4b:s9+s3] =	stream.linear.scatter [tilespmem:s0], [sflag:$0x3], $0x2800, $0x38;
	[tilespmem:$0x1ED80] =	vst v63  }
0x44: {  	_ =	swait.ge [sflag:s29], $0x2800  }
0x45: {  	[sflag:s29] =	ssyncset.done $0x0  }
0x46: {  	[sflag:s29] =	ssyncadd.s32 $0xFFFFD800  }
0x47: {  	[tilespmem:s0], [sflag:$0x1] =	stream.linear.gather [spmem:s21], $0x2800, $0x38;
	[tilespmem:$0x1ED80] =	vst v63  }
0x48: {  	_ =	swait.ge [sflag:s5], $0x2800  }
0x49: {  	[sflag:s5] =	ssyncset.done $0x0  }
0x4a: {  	s11 =	rddreg [dreg:$0x6];
	[sflag:s5] =	ssyncadd.s32 $0xFFFFD800  }
0x4b: {  	[hbm4b:s11+s3] =	stream.linear.scatter [tilespmem:s26], [sflag:$0x4], $0x2800, $0x38;
	[tilespmem:$0x1ED80] =	vst v63  }
0x4c: {  	_ =	swait.ge [sflag:s6], $0x2800  }
0x4d: {  	[sflag:s6] =	ssyncset.done $0x0  }
0x4e: {  	[sflag:s6] =	ssyncadd.s32 $0xFFFFD800  }
0x4f: {  	[tilespmem:s26], [sflag:$0x2] =	stream.linear.gather [spmem:s22], $0x2800, $0x38;
	[tilespmem:$0x1ED80] =	vst v63  }
0x50: {  	_ =	swait.ge [sflag:s4], $0x2800  }
0x51: {  	[sflag:s4] =	ssyncset.done $0x0  }
0x52: {  	s12 =	rddreg [dreg:$0x7];
	[sflag:s4] =	ssyncadd.s32 $0xFFFFD800  }
0x53: {  	[hbm4b:s12+s3] =	stream.linear.scatter [tilespmem:s0], [sflag:$0x3], $0x2800, $0x38;
	[tilespmem:$0x1ED80] =	vst v63  }
0x54: {  	_ =	swait.ge [sflag:s29], $0x2800  }
0x55: {  	[sflag:s29] =	ssyncset.done $0x0  }
0x56: {  	[sflag:s29] =	ssyncadd.s32 $0xFFFFD800  }
0x57: {  	[tilespmem:s0], [sflag:$0x1] =	stream.linear.gather [spmem:s23], $0x2800, $0x38;
	[tilespmem:$0x1ED80] =	vst v63  }
0x58: {  	_ =	swait.ge [sflag:s5], $0x2800  }
0x59: {  	[sflag:s5] =	ssyncset.done $0x0  }
0x5a: {  	s13 =	rddreg [dreg:$0x8];
	[sflag:s5] =	ssyncadd.s32 $0xFFFFD800  }
0x5b: {  	[hbm4b:s13+s3] =	stream.linear.scatter [tilespmem:s26], [sflag:$0x4], $0x2800, $0x38;
	[tilespmem:$0x1ED80] =	vst v63  }
0x5c: {  	_ =	swait.ge [sflag:s6], $0x2800  }
0x5d: {  	[sflag:s6] =	ssyncset.done $0x0  }
0x5e: {  	s8 =	simm.s32 @p1 $0x1;
	[sflag:s6] =	ssyncadd.s32 $0xFFFFD800  }
0x5f: {  	_ =	swait.ge @p1 [sflag:s8], $0x2800  }
0x60: {  	[sflag:s8] =	ssyncset.done @p1 $0x0  }
0x61: {  	s9 =	simm.s32 @p1 $0x1000;
	[sflag:s8] =	ssyncadd.s32 @p1 $0xFFFFD800;
	s8 =	simm.s32 @p1 $0x0  }
0x62: {  	[hbm4b:s10+s8] =	stream.linear.scatter @p1 [tilespmem:s9], [sflag:$0x3], $0x2800, $0x38;
	[tilespmem:$0x1ED80] =	vst v63  }
0x63: {  	s8 =	simm.s32 @!p1 $0x4E80;
	s9 =	simm.s32 @!p1 $0x1  }
0x64: {  	[tilespmem:s8], [sflag:$0x2] =	stream.linear.gather @!p1 [spmem:s24], $0x2800, $0x38;
	[tilespmem:$0x1ED80] =	vst v63  }
0x65: {  	_ =	swait.ge @!p1 [sflag:s9], $0x2800  }
0x66: {  	[sflag:s9] =	ssyncset.done @!p1 $0x0  }
0x67: {  	s11 =	simm.s32 @!p1 $0x1000;
	[sflag:s9] =	ssyncadd.s32 @!p1 $0xFFFFD800;
	s9 =	simm.s32 @!p1 $0x0  }
0x68: {  	[hbm4b:s10+s9] =	stream.linear.scatter @!p1 [tilespmem:s11], [sflag:$0x3], $0x2800, $0x38;
	[tilespmem:$0x1ED80] =	vst v63  }
0x69: {  	s11 =	simm.s32 @!p1 $0x2  }
0x6a: {  	_ =	swait.ge @!p1 [sflag:s11], $0x2800  }
0x6b: {  	[sflag:s11] =	ssyncset.done @!p1 $0x0  }
0x6c: {  	[sflag:s11] =	ssyncadd.s32 @!p1 $0xFFFFD800;
	s11 =	rddreg [dreg:$0x9]  }
0x6d: {  	[hbm4b:s11+s9] =	stream.linear.scatter @!p1 [tilespmem:s8], [sflag:$0x4], $0x2800, $0x38;
	[tilespmem:$0x1ED80] =	vst v63  }
0x6e: {  	s8 =	simm.s32 @!p1 $0x3  }
0x6f: {  	_ =	swait.ge @!p1 [sflag:s8], $0x2800  }
0x70: {  	s9 =	simm.s32 @!p1 $0x4;
	[sflag:s8] =	ssyncset.done @!p1 $0x0  }
0x71: {  	s9 =	simm.s32 @p1 $0x3;
	[sflag:s8] =	ssyncadd.s32 @!p1 $0xFFFFD800  }
0x72: {  	_ =	swait.ge [sflag:s9], $0x2800  }
0x73: {  	s7 =	sadd.s32 $0x1, s7;
	s25 =	rddreg [dreg:$0xc]  }
0x74: {  	p2 =	sne.s32 s7, s25  }
.Ltmp1:
0x75: {  	_ = 	snop;
	(pc) =	sbr.rel @!p2 .LBB2_9-.Ltmp1, $3  }
0x76: {  	_ =	sdelay $0x1  }
0x77: {  	[sflag:s9] =	ssyncset.done $0x0  }
0x78: {  	[sflag:s9] =	ssyncadd.s32 $0xFFFFD800  }
.LBB2_1:
0x79: {  	s8 =	rddreg [dreg:$0xa]  }
0x7a: {  	[tilespmem:s3], [sflag:$0x5] =	stream.linear.gather [hbm4b:s8+s3], $0x400, $0x38;
	[tilespmem:$0x1ED80] =	vst v63  }
0x7b: {  	s13 =	rddreg [dreg:$0xb];
	s9 =	simm.s32 $0x800;
	s25 =	sand.u32 $0xFFC0, s3  }
0x7c: {  	[tilespmem:s9], [sflag:$0x6] =	stream.linear.gather [hbm4b:s13+s3], $0x400, $0x38;
	[tilespmem:$0x1ED80] =	vst v63  }
0x7d: {  	s8 =	simm.s32 $0x40;
	s9 =	sshrl.u32 s25, $0x2  }
.LBB2_2:
0x7e: {  	p2 =	sne.s32 s8, $0x9FC0;
	[tilespmem:s9+$0x8D00] =	vst v0;
	s9 =	smov.u32 s8;
	s8 =	sadd.s32 $0x40, s8  }
.Ltmp2:
0x7f: {  	(pc) =	sbr.rel @p2 .LBB2_2-.Ltmp2, $3  }
0x80: {  	_ =	sdelay $0x1  }
0x81: {  	s9 =	sand.u32 $0xFFC0, s9  }
0x82: {  	s9 =	sshrl.u32 s9, $0x2  }
0x83: {  	[tilespmem:s9+$0x8D00] =	vst v0  }
0x84: {  	[spmem:s17] =	stream.linear.scatter [tilespmem:s28], [sflag:$0x3], $0x2800, $0x38;
	[tilespmem:$0x1ED80] =	vst v63  }
0x85: {  	_ = 	snop  }
0x86: {  	[spmem:s18] =	stream.linear.scatter [tilespmem:s28], [sflag:$0x3], $0x2800, $0x38;
	[tilespmem:$0x1ED80] =	vst v63  }
0x87: {  	_ = 	snop  }
0x88: {  	[spmem:s19] =	stream.linear.scatter [tilespmem:s28], [sflag:$0x3], $0x2800, $0x38;
	[tilespmem:$0x1ED80] =	vst v63  }
0x89: {  	_ = 	snop  }
0x8a: {  	[spmem:s20] =	stream.linear.scatter [tilespmem:s28], [sflag:$0x3], $0x2800, $0x38;
	[tilespmem:$0x1ED80] =	vst v63  }
0x8b: {  	_ = 	snop  }
0x8c: {  	[spmem:s21] =	stream.linear.scatter [tilespmem:s28], [sflag:$0x3], $0x2800, $0x38;
	[tilespmem:$0x1ED80] =	vst v63  }
0x8d: {  	_ = 	snop  }
0x8e: {  	[spmem:s22] =	stream.linear.scatter [tilespmem:s28], [sflag:$0x3], $0x2800, $0x38;
	[tilespmem:$0x1ED80] =	vst v63  }
0x8f: {  	_ = 	snop  }
0x90: {  	[spmem:s23] =	stream.linear.scatter [tilespmem:s28], [sflag:$0x3], $0x2800, $0x38;
	[tilespmem:$0x1ED80] =	vst v63  }
0x91: {  	s8 =	simm.s32 @!p0 $0x8D00  }
0x92: {  	[spmem:s24] =	stream.linear.scatter @!p0 [tilespmem:s8], [sflag:$0x3], $0x2800, $0x38;
	[tilespmem:$0x1ED80] =	vst v63  }
0x93: {  	_ =	swait.ge [sflag:s29], $0x2800  }
0x94: {  	[sflag:s29] =	ssyncset.done $0x0  }
0x95: {  	[sflag:s29] =	ssyncadd.s32 $0xFFFFD800  }
0x96: {  	_ =	swait.ge [sflag:s29], $0x2800  }
0x97: {  	[sflag:s29] =	ssyncset.done $0x0  }
0x98: {  	[sflag:s29] =	ssyncadd.s32 $0xFFFFD800  }
0x99: {  	_ =	swait.ge [sflag:s29], $0x2800  }
0x9a: {  	[sflag:s29] =	ssyncset.done $0x0  }
0x9b: {  	[sflag:s29] =	ssyncadd.s32 $0xFFFFD800  }
0x9c: {  	_ =	swait.ge [sflag:s29], $0x2800  }
0x9d: {  	[sflag:s29] =	ssyncset.done $0x0  }
0x9e: {  	[sflag:s29] =	ssyncadd.s32 $0xFFFFD800  }
0x9f: {  	_ =	swait.ge [sflag:s29], $0x2800  }
0xa0: {  	[sflag:s29] =	ssyncset.done $0x0  }
0xa1: {  	[sflag:s29] =	ssyncadd.s32 $0xFFFFD800  }
0xa2: {  	_ =	swait.ge [sflag:s29], $0x2800  }
0xa3: {  	[sflag:s29] =	ssyncset.done $0x0  }
0xa4: {  	[sflag:s29] =	ssyncadd.s32 $0xFFFFD800  }
0xa5: {  	_ =	swait.ge [sflag:s29], $0x2800  }
0xa6: {  	[sflag:s29] =	ssyncset.done $0x0  }
0xa7: {  	s8 =	simm.s32 @!p1 $0x3;
	[sflag:s29] =	ssyncadd.s32 $0xFFFFD800  }
0xa8: {  	_ =	swait.ge @!p1 [sflag:s8], $0x2800  }
0xa9: {  	[sflag:s8] =	ssyncset.done @!p1 $0x0  }
0xaa: {  	[sflag:s8] =	ssyncadd.s32 @!p1 $0xFFFFD800  }
0xab: {  	[bflag:$0x0] =	sbarrier.arrive $0xFFFF  }
0xac: {  	_ =	swait.ge [sflag:s30], $0x400  }
0xad: {  	[sflag:s30] =	ssyncset.done $0x0  }
.Ltmp3:
0xae: {  	[sflag:s30] =	ssyncadd.s32 $0xFFFFFC00;
	(pc) =	sbr.rel .LBB2_4-.Ltmp3, $4  }
0xaf: {  	_ =	swait.ge [sflag:s31], $0x400  }
0xb0: {  	[sflag:s31] =	ssyncset.done $0x0  }
0xb1: {  	s9 =	simm.s32 $0x0;
	s8 =	simm.s32 $0x0;
	[sflag:s31] =	ssyncadd.s32 $0xFFFFFC00  }
0xb2: {  	[tilespmem:s0], [sflag:$0x1] =	stream.indirect.gather [hbm4b:s16+s1], $0x80, s8, s1, $0xb8;
	[tilespmem:$0x1ED80] =	vst v63  }
.LBB2_6:
0xb3: {  	s11 =	sand.u32 $0x400, s8  }
0xb4: {  	s13 =	sadd.s32 s9, s15;
	s12 =	sxor.u32 $0x400, s11  }
0xb5: {  	[tilespmem:s12], [sflag:$0x5] =	stream.linear.gather [hbm4b:s13+s3], $0x400, $0x38;
	[tilespmem:$0x1ED80] =	vst v63  }
0xb6: {  	s25 =	sadd.s32 s9, s14;
	p2 =	por $0x0, $0x0;
	s13 =	sxor.u32 $0xC00, s11  }
0xb7: {  	[tilespmem:s13], [sflag:$0x6] =	stream.linear.gather [hbm4b:s25+s3], $0x400, $0x38;
	[tilespmem:$0x1ED80] =	vst v63  }
.LBB2_7:
0xb8: {  	s12 =	sor.u32 $0x80, s11  }
0xb9: {  	[tilespmem:s26], [sflag:$0x2] =	stream.indirect.gather [hbm4b:s16+s1], $0x80, s12, s1, $0xb8;
	[tilespmem:$0x1ED80] =	vst v63  }
0xba: {  	_ =	swait.ge [sflag:s4], $0x3E80  }
0xbb: {  	[sflag:s4] =	ssyncset.done $0x0  }
0xbc: {  	s13 =	sor.u32 $0x800, s11;
	[sflag:s4] =	ssyncadd.s32 $0xFFFFC180  }
0xbd: {  	[spmem:s2] =	stream.indirect.scatter.add.f32 [tilespmem:s0], [sflag:$0x3], $0x80, s13, s1, $0xb8;
	[tilespmem:$0x1ED80] =	vst v63  }
0xbe: {  	_ =	swait.ge [sflag:s29], $0x3E80  }
0xbf: {  	[sflag:s29] =	ssyncset.done $0x0  }
0xc0: {  	s25 =	sor.u32 $0x100, s11;
	[sflag:s29] =	ssyncadd.s32 $0xFFFFC180  }
0xc1: {  	[tilespmem:s0], [sflag:$0x1] =	stream.indirect.gather [hbm4b:s16+s1], $0x80, s25, s1, $0xb8;
	[tilespmem:$0x1ED80] =	vst v63  }
0xc2: {  	_ =	swait.ge [sflag:s5], $0x3E80  }
0xc3: {  	[sflag:s5] =	ssyncset.done $0x0  }
0xc4: {  	s13 =	sor.u32 $0x880, s11;
	[sflag:s5] =	ssyncadd.s32 $0xFFFFC180  }
0xc5: {  	[spmem:s2] =	stream.indirect.scatter.add.f32 [tilespmem:s26], [sflag:$0x4], $0x80, s13, s1, $0xb8;
	[tilespmem:$0x1ED80] =	vst v63  }
0xc6: {  	_ =	swait.ge [sflag:s6], $0x3E80  }
0xc7: {  	[sflag:s6] =	ssyncset.done $0x0  }
0xc8: {  	s25 =	sor.u32 $0x180, s11;
	[sflag:s6] =	ssyncadd.s32 $0xFFFFC180  }
0xc9: {  	[tilespmem:s26], [sflag:$0x2] =	stream.indirect.gather [hbm4b:s16+s1], $0x80, s25, s1, $0xb8;
	[tilespmem:$0x1ED80] =	vst v63  }
0xca: {  	_ =	swait.ge [sflag:s4], $0x3E80  }
0xcb: {  	[sflag:s4] =	ssyncset.done $0x0  }
0xcc: {  	s13 =	sor.u32 $0x900, s11;
	[sflag:s4] =	ssyncadd.s32 $0xFFFFC180  }
0xcd: {  	[spmem:s2] =	stream.indirect.scatter.add.f32 [tilespmem:s0], [sflag:$0x3], $0x80, s13, s1, $0xb8;
	[tilespmem:$0x1ED80] =	vst v63  }
0xce: {  	_ =	swait.ge [sflag:s29], $0x3E80  }
0xcf: {  	[sflag:s29] =	ssyncset.done $0x0  }
0xd0: {  	s25 =	sor.u32 $0x200, s11;
	[sflag:s29] =	ssyncadd.s32 $0xFFFFC180  }
0xd1: {  	[tilespmem:s0], [sflag:$0x1] =	stream.indirect.gather [hbm4b:s16+s1], $0x80, s25, s1, $0xb8;
	[tilespmem:$0x1ED80] =	vst v63  }
0xd2: {  	_ =	swait.ge [sflag:s5], $0x3E80  }
0xd3: {  	[sflag:s5] =	ssyncset.done $0x0  }
0xd4: {  	s13 =	sor.u32 $0x980, s11;
	[sflag:s5] =	ssyncadd.s32 $0xFFFFC180  }
0xd5: {  	[spmem:s2] =	stream.indirect.scatter.add.f32 [tilespmem:s26], [sflag:$0x4], $0x80, s13, s1, $0xb8;
	[tilespmem:$0x1ED80] =	vst v63  }
0xd6: {  	_ =	swait.ge [sflag:s6], $0x3E80  }
0xd7: {  	[sflag:s6] =	ssyncset.done $0x0  }
0xd8: {  	s25 =	sor.u32 $0x280, s11;
	[sflag:s6] =	ssyncadd.s32 $0xFFFFC180  }
0xd9: {  	[tilespmem:s26], [sflag:$0x2] =	stream.indirect.gather [hbm4b:s16+s1], $0x80, s25, s1, $0xb8;
	[tilespmem:$0x1ED80] =	vst v63  }
0xda: {  	_ =	swait.ge [sflag:s4], $0x3E80  }
0xdb: {  	[sflag:s4] =	ssyncset.done $0x0  }
0xdc: {  	s13 =	sor.u32 $0xA00, s11;
	[sflag:s4] =	ssyncadd.s32 $0xFFFFC180  }
0xdd: {  	[spmem:s2] =	stream.indirect.scatter.add.f32 [tilespmem:s0], [sflag:$0x3], $0x80, s13, s1, $0xb8;
	[tilespmem:$0x1ED80] =	vst v63  }
0xde: {  	_ =	swait.ge [sflag:s29], $0x3E80  }
0xdf: {  	[sflag:s29] =	ssyncset.done $0x0  }
0xe0: {  	s25 =	sor.u32 $0x300, s11;
	[sflag:s29] =	ssyncadd.s32 $0xFFFFC180  }
0xe1: {  	[tilespmem:s0], [sflag:$0x1] =	stream.indirect.gather [hbm4b:s16+s1], $0x80, s25, s1, $0xb8;
	[tilespmem:$0x1ED80] =	vst v63  }
0xe2: {  	_ =	swait.ge [sflag:s5], $0x3E80  }
0xe3: {  	[sflag:s5] =	ssyncset.done $0x0  }
0xe4: {  	s13 =	sor.u32 $0xA80, s11;
	[sflag:s5] =	ssyncadd.s32 $0xFFFFC180  }
0xe5: {  	[spmem:s2] =	stream.indirect.scatter.add.f32 [tilespmem:s26], [sflag:$0x4], $0x80, s13, s1, $0xb8;
	[tilespmem:$0x1ED80] =	vst v63  }
0xe6: {  	_ =	swait.ge [sflag:s6], $0x3E80  }
0xe7: {  	[sflag:s6] =	ssyncset.done $0x0  }
0xe8: {  	s12 =	sor.u32 $0x380, s11;
	[sflag:s6] =	ssyncadd.s32 $0xFFFFC180  }
0xe9: {  	[tilespmem:s26], [sflag:$0x2] =	stream.indirect.gather [hbm4b:s16+s1], $0x80, s12, s1, $0xb8;
	[tilespmem:$0x1ED80] =	vst v63  }
0xea: {  	_ =	swait.ge [sflag:s4], $0x3E80  }
0xeb: {  	[sflag:s4] =	ssyncset.done $0x0  }
0xec: {  	s13 =	sor.u32 $0xB00, s11;
	[sflag:s4] =	ssyncadd.s32 $0xFFFFC180  }
0xed: {  	[spmem:s2] =	stream.indirect.scatter.add.f32 [tilespmem:s0], [sflag:$0x3], $0x80, s13, s1, $0xb8;
	[tilespmem:$0x1ED80] =	vst v63  }
0xee: {  	_ =	swait.ge [sflag:s29], $0x3E80  }
0xef: {  	[sflag:s29] =	ssyncset.done $0x0  }
0xf0: {  	s13 =	simm.s32 @!p2 $0x5;
	[sflag:s29] =	ssyncadd.s32 $0xFFFFC180  }
0xf1: {  	_ =	swait.ge @!p2 [sflag:s13], $0x400  }
0xf2: {  	[sflag:s13] =	ssyncset.done @!p2 $0x0  }
0xf3: {  	[sflag:s13] =	ssyncadd.s32 @!p2 $0xFFFFFC00;
	s13 =	simm.s32 @!p2 $0x6  }
0xf4: {  	_ =	swait.ge @!p2 [sflag:s13], $0x400  }
0xf5: {  	s9 =	sadd.s32 $0x80, s9;
	s25 =	simm.s32 @!p2 $0x1000;
	[sflag:s13] =	ssyncset.done @!p2 $0x0  }
0xf6: {  	s11 =	ssub.s32 @!p2 $0x400, s11;
	[sflag:s13] =	ssyncadd.s32 @!p2 $0xFFFFFC00;
	s13 =	simm.s32 @!p2 $0x7D  }
0xf7: {  	[tilespmem:s25], [sflag:$0x1] =	stream.indirect.gather @!p2 [hbm4b:s16+s13], $0x80, s11, s13, $0xb8;
	[tilespmem:$0x1ED80] =	vst v63  }
0xf8: {  	p2 =	sne.s32 s9, $0x500  }
.Ltmp4:
0xf9: {  	_ = 	snop;
	(pc) =	sbr.rel @!p2 .LBB2_8-.Ltmp4, $4  }
0xfa: {  	_ =	swait.ge [sflag:s5], $0x3E80  }
0xfb: {  	[sflag:s5] =	ssyncset.done $0x0  }
0xfc: {  	s8 =	sadd.s32 $0x400, s8;
	s25 =	sor.u32 $0x800, s12;
	[sflag:s5] =	ssyncadd.s32 $0xFFFFC180  }
0xfd: {  	[spmem:s2] =	stream.indirect.scatter.add.f32 [tilespmem:s26], [sflag:$0x4], $0x80, s25, s1, $0xb8;
	[tilespmem:$0x1ED80] =	vst v63  }
.LBB2_4:
0xfe: {  	p3 =	seq.s32 s9, $0x0  }
0xff: {  	p2 =	seq.s32 @!p3 s9, $0x480  }
0x100: {  	p2 =	por p3, !p2  }
.Ltmp5:
0x101: {  	_ = 	snop;
	(pc) =	sbr.rel @p2 .LBB2_6-.Ltmp5, $4  }
0x102: {  	s11 =	simm.s32 @!p3 $0x4  }
0x103: {  	_ =	swait.ge @!p3 [sflag:s11], $0x3E80  }
0x104: {  	[sflag:s11] =	ssyncset.done @!p3 $0x0  }
0x105: {  	[sflag:s11] =	ssyncadd.s32 @!p3 $0xFFFFC180  }
.Ltmp6:
0x106: {  	(pc) =	sbr.rel .LBB2_7-.Ltmp6, $2  }
0x107: {  	_ =	sdelay $0x2  }
0x108: {  	p2 =	por @!p3 $0x1, $0x1;
	s11 =	simm.s32 @!p3 $0x400  }
.LBB2_9:
0x109: {  	_ =	sfence.sel $0x180000  }
0x10a: {  	[bflag:$0x0] =	sbarrier.arrive $0xFFFF  }
0x10b: {  	_ =	strace $0x9000004A  }
0x10c: {  	s0 =	stileid.u32;
	[bflag:$0x2] =	sbarrier.arrive $0xFFFF  }
0x10d: {  	p0 =	sne.s32 s0, $0x0;
	s0 =	rddreg [dreg:$0x2]  }
0x10e: {  	s0 =	sadd.s32 @!p0 $0x100000, s0  }
0x10f: {  	[sflag:s0] =	ssyncadd.tile.s32 @!p0 $0x1;
	_ =	shalt  }
.Lfunc_end2:
_tile_overlayer_lowered:
.L_overlay_start_2:
0x110: {  	(tag) =	ssettag $0x2  }
0x111: {  	s0 =	rddreg [dreg:$0x0];
	s2 =	stileid.u32  }
0x112: {  	s1 =	rddreg [dreg:$0x1];
	p0 =	sne.s32 s2, $0x0  }
0x113: {  	s3 =	rddreg [dreg:$0x2];
	[bflag:$0x3] =	sbarrier.arrive $0xFFFF;
	s2 =	simm.s32 @!p0 $0x1C07  }
0x114: {  	[timem:s3], [sflag:s2] =	dma.local @!p0 [hbm:s0], s1  }
0x115: {  	s0 =	simm.s32 @!p0 $0x7  }
0x116: {  	_ =	swait.ge @!p0 [sflag:s0], s1  }
0x117: {  	s1 =	ssub.s32 @!p0 $0x0, s1;
	[sflag:s0] =	ssyncset.done @!p0 $0x0  }
0x118: {  	[sflag:s0] =	ssyncadd.s32 @!p0 s1  }
0x119: {  	[bflag:$0x3] =	sbarrier.arrive $0xFFFF  }
0x11a: {  	_ =	shalt  }

// kernel: kernel.14.cloned.1.call-start
scs
__scs_entry_jumppad:
0x0: {  	(pc) =	sbr.rel $0x88, $3  }
0x1: {  	(tag) =	ssettag $0x0;
	lr =	simm.s32 $0x1  }
0x2: {  	[smem:$0x3F9B] =	sst lr;
	_ =	strace $0xD0000000  }
0x3: {  	_ = 	snop  }
0x4: {  	_ = 	snop  }
0x5: {  	_ = 	snop  }
0x6: {  	_ = 	snop  }
0x7: {  	_ = 	snop  }
__scs_overlays_trampoline_lowered:
0x8: {  	[smem:$0x3FAA] =	sst s0  }
0x9: {  	[smem:$0x3FAB] =	sst s1  }
0xa: {  	[smem:$0x3FAC] =	sst s2  }
0xb: {  	[smem:$0x3FAD] =	sst s3  }
0xc: {  	[smem:$0x3FAE] =	sst s4  }
0xd: {  	[smem:$0x3FAF] =	sst s5  }
0xe: {  	[smem:$0x3FB0] =	sst s6  }
0xf: {  	[smem:$0x3FB1] =	sst s7  }
0x10: {  	[smem:$0x3FB2] =	sst s8  }
0x11: {  	[smem:$0x3FB3] =	sst s9;
	s0 =	simm.s32 @!p0 $0x0  }
0x12: {  	s1 =	sld [smem:$0x3F99];
	s0 =	simm.s32 @p0 $0x1  }
0x13: {  	[smem:$0x3FB4] =	sst s0;
	s0 =	simm.s32 @!p1 $0x0  }
0x14: {  	s2 =	sld [smem:$0x3F98];
	s0 =	simm.s32 @p1 $0x1  }
0x15: {  	[smem:$0x3FB5] =	sst s0;
	s0 =	simm.s32 @!p2 $0x0  }
0x16: {  	s3 =	sld [smem:$0x3FDB];
	s0 =	simm.s32 @p2 $0x1  }
0x17: {  	s4 =	simm.s32 $0x1BF5;
	[smem:$0x3FB7] =	sst s0  }
0x18: {  	s0 =	sld [smem:$0x3F9A];
	_ =	swait.ge [sflag:s4], $0x0  }
0x19: {  	s7 =	sld [smem:$0x3F9B]  }
0x1a: {  	s8 =	sadd.s32 $0xFFFFE003, lr  }
0x1b: {  	s9 =	sadd.s32 $0xFFFFFEF7, lr;
	s5 =	simm.s32 $0xFFFFFFFF;
	p2 =	slt.u32 s8, $0xFFFFF086  }
0x1c: {  	p1 =	slt.u32 s9, $0xF7A;
	s5 =	simm.s32 @!p2 $0x0  }
0x1d: {  	s5 =	simm.s32 @p1 $0x1;
	p0 =	seq.s32 s7, s2  }
0x1e: {  	s7 =	smul.u32 @!p0 $0xF7A, s2;
	p2 =	seq.s32 @!p0 s5, $0x0  }
0x1f: {  	s9 =	smul.u32 $0xF7A, s1;
	s8 =	simm.s32 @!p0 $0x1BF5;
	p2 =	por !p2, p0  }
0x20: {  	[sflag:s8] =	ssyncset.s32 @!p0 $0xFFFFF086;
	s6 =	sadd.s32 @!p0 s3, s7;
	s7 =	simm.s32 @!p0 $0x108  }
0x21: {  	s3 =	sadd.s32 s3, s9;
	s6 =	sadd.s32 @!p0 $0x88, s6;
	s7 =	simm.s32 @p2 $0x1082  }
0x22: {  	[simem:s7], [sflag:s8] =	dma.local @!p0 [hbm:s6], $0xF7A  }
0x23: {  	s9 =	sor.u32 $0xD0000000, s2;
	s6 =	simm.s32 $0x108;
	_ =	swait.ge @!p0 [sflag:s8], $0x0  }
0x24: {  	s3 =	sadd.s32 $0x88, s3;
	s6 =	simm.s32 @!p1 $0x1082;
	[sflag:s4] =	ssyncset.s32 $0xFFFFF086  }
0x25: {  	[simem:s6], [sflag:s4] =	dma.local [hbm:s3], $0xF7A  }
0x26: {  	[smem:$0x3F9B] =	sst s1;
	(tag) =	ssettag s2;
	_ =	strace s9  }
0x27: {  	s1 =	sld [smem:$0x3FAB]  }
0x28: {  	s2 =	sld [smem:$0x3FAC]  }
0x29: {  	s4 =	sld [smem:$0x3FAE]  }
0x2a: {  	p0 =	seq.s32 s5, $0x0;
	s5 =	sld [smem:$0x3FAF]  }
0x2b: {  	s6 =	sld [smem:$0x3FB0]  }
0x2c: {  	s7 =	sld [smem:$0x3FB1]  }
0x2d: {  	s3 =	simm.s32 $0x108;
	s8 =	sld [smem:$0x3FB2]  }
0x2e: {  	s3 =	simm.s32 @!p0 $0x1082;
	s9 =	sld [smem:$0x3FB3]  }
0x2f: {  	lr =	sadd.s32 s0, s3;
	s0 =	sld [smem:$0x3FAA]  }
0x30: {  	s3 =	sld [smem:$0x3FAD]  }
0x31: {  	[smem:$0x3FB6] =	sst s10  }
0x32: {  	s10 =	sld [smem:$0x3FB4];
	_ =	sdelay $0x3  }
0x33: {  	p0 =	seq.s32 s10, $0x1;
	s10 =	sld [smem:$0x3FB6];
	_ =	sdelay $0x3  }
0x34: {  	[smem:$0x3FB6] =	sst s10  }
0x35: {  	s10 =	sld [smem:$0x3FB5];
	_ =	sdelay $0x3  }
0x36: {  	p1 =	seq.s32 s10, $0x1;
	s10 =	sld [smem:$0x3FB6];
	_ =	sdelay $0x3  }
0x37: {  	[smem:$0x3FB6] =	sst s10  }
0x38: {  	s10 =	sld [smem:$0x3FB7]  }
0x39: {  	_ = 	snop;
	(pc) =	sbr.ind lr, $3  }
0x3a: {  	_ = 	snop  }
0x3b: {  	_ = 	snop  }
0x3c: {  	p2 =	seq.s32 s10, $0x1;
	s10 =	sld [smem:$0x3FB6]  }
0x3d: {  	_ =	shalt  }
0x3e: {  	_ =	shalt  }
0x3f: {  	_ =	shalt  }
0x40: {  	_ =	shalt  }
0x41: {  	_ =	shalt  }
0x42: {  	_ =	shalt  }
0x43: {  	_ =	shalt  }
0x44: {  	_ =	shalt  }
0x45: {  	_ =	shalt  }
0x46: {  	_ =	shalt  }
0x47: {  	_ =	shalt  }
0x48: {  	_ =	shalt  }
0x49: {  	_ =	shalt  }
0x4a: {  	_ =	shalt  }
0x4b: {  	_ =	shalt  }
0x4c: {  	_ =	shalt  }
0x4d: {  	_ =	shalt  }
0x4e: {  	_ =	shalt  }
0x4f: {  	_ =	shalt  }
0x50: {  	_ =	shalt  }
0x51: {  	_ =	shalt  }
0x52: {  	_ =	shalt  }
0x53: {  	_ =	shalt  }
0x54: {  	_ =	shalt  }
0x55: {  	_ =	shalt  }
0x56: {  	_ =	shalt  }
0x57: {  	_ =	shalt  }
0x58: {  	_ =	shalt  }
0x59: {  	_ =	shalt  }
0x5a: {  	_ =	shalt  }
0x5b: {  	_ =	shalt  }
0x5c: {  	_ =	shalt  }
0x5d: {  	_ =	shalt  }
0x5e: {  	_ =	shalt  }
0x5f: {  	_ =	shalt  }
0x60: {  	_ =	shalt  }
0x61: {  	_ =	shalt  }
0x62: {  	_ =	shalt  }
0x63: {  	_ =	shalt  }
0x64: {  	_ =	shalt  }
0x65: {  	_ =	shalt  }
0x66: {  	_ =	shalt  }
0x67: {  	_ =	shalt  }
0x68: {  	_ =	shalt  }
0x69: {  	_ =	shalt  }
0x6a: {  	_ =	shalt  }
0x6b: {  	_ =	shalt  }
0x6c: {  	_ =	shalt  }
0x6d: {  	_ =	shalt  }
0x6e: {  	_ =	shalt  }
0x6f: {  	_ =	shalt  }
0x70: {  	_ =	shalt  }
0x71: {  	_ =	shalt  }
0x72: {  	_ =	shalt  }
0x73: {  	_ =	shalt  }
0x74: {  	_ =	shalt  }
0x75: {  	_ =	shalt  }
0x76: {  	_ =	shalt  }
0x77: {  	_ =	shalt  }
0x78: {  	_ =	shalt  }
0x79: {  	_ =	shalt  }
0x7a: {  	_ =	shalt  }
0x7b: {  	_ =	shalt  }
0x7c: {  	_ =	shalt  }
0x7d: {  	_ =	shalt  }
0x7e: {  	_ =	shalt  }
0x7f: {  	_ =	shalt  }
0x80: {  	_ =	shalt  }
0x81: {  	_ =	shalt  }
0x82: {  	_ =	shalt  }
0x83: {  	_ =	shalt  }
0x84: {  	_ =	shalt  }
0x85: {  	_ =	shalt  }
0x86: {  	_ =	shalt  }
0x87: {  	_ =	shalt  }
.Lfunc_end0:
.L_simem_size_0:
called_computation.2_lowered:
.L_overlay_start_0:
0x88: {  	s2 =	sld [smem:$0x3FD9]  }
0x89: {  	s3 =	sld [smem:$0x3FFE];
	_ =	sdelay $0x1  }
0x8a: {  	s1 =	srdreg.scid  }
0x8b: {  	s0 =	sand.u32 $0x1, s1  }
0x8c: {  	s17 =	sshll.u32 s0, $0xA;
	s2 =	sadd.s32 s3, s2  }
0x8d: {  	s2 =	sadd.s32 s2, s17  }
0x8e: {  	[smem:$0x3FC2] =	sst s2  }
0x8f: {  	_ = 	snop  }
0x90: {  	s2 =	sld [smem:$0x3FD0];
	(tm) =	ssettm $0x1  }
0x91: {  	s18 =	sld [smem:$0x3FFB];
	_ =	sdelay $0x3  }
0x92: {  	_ =	strace s18  }
0x93: {  	s3 =	sld [smem:$0x3FFC];
	_ =	sdelay $0x3  }
0x94: {  	_ =	strace s3  }
0x95: {  	s3 =	sld [smem:$0x3FFD];
	_ =	sdelay $0x3  }
0x96: {  	_ =	strace s3  }
0x97: {  	_ =	strace $0x8FFFFFFF  }
0x98: {  	s19 =	sld [smem:$0x3FDB];
	_ =	sdelay $0x1  }
0x99: {  	s4 =	simm.s32 $_scs_section_size  }
0x9a: {  	s5 =	simm.s32 $_size__tile_overlayer_lowered;
	s6 =	simm.s32 $_tile_overlayer_lowered  }
0x9b: {  	s22 =	simm.s32 $0x1BFF;
	s21 =	sshll.u32 s6, $0x1;
	s3 =	sadd.s32 s4, s19  }
0x9c: {  	s7 =	simm.s32 $0x0;
	s20 =	sshll.u32 s5, $0x1;
	s5 =	sadd.s32 s21, s3  }
0x9d: {  	[timem:s7], [sflag:s22] =	dma.local [hbm:s5], s20  }
0x9e: {  	_ =	swait.ge [sflag:s22], s20  }
0x9f: {  	s4 =	ssub.s32 $0x0, s20;
	[sflag:s22] =	ssyncset.done $0x0  }
0xa0: {  	[sflag:s22] =	ssyncadd.s32 s4;
	_ =	sdelay $0x1  }
0xa1: {  	s23 =	simm.s32 $0x1B8B  }
0xa2: {  	_ =	swait.ge [sflag:s23], $0x1  }
0xa3: {  	[sflag:s23] =	ssyncset.done $0x0  }
0xa4: {  	s25 =	simm.s32 $0x1B8E;
	s24 =	sld [smem:$0x3FFE];
	[sflag:s23] =	ssyncadd.s32 $0xFFFFFFFF  }
0xa5: {  	s26 =	simm.s32 $execute0_lowered;
	[smem:$0x3FD2] =	sst s25  }
0xa6: {  	s5 =	sshll.u32 s26, $0x1;
	_ =	strace $0x8000004C;
	[dreg:$0x1] =	wrdreg $0xFFFFFFFF  }
0xa7: {  	s28 =	simm.s32 $_size_execute0_lowered;
	s3 =	sadd.s32 s3, s5;
	[dreg:$0x0] =	wrdreg $0x0  }
0xa8: {  	s5 =	sshll.u32 s28, $0x1;
	[dreg:$0x2] =	wrdreg s3  }
0xa9: {  	[dreg:$0x3] =	wrdreg s5  }
0xaa: {  	[dreg:$0x4] =	wrdreg $0xC0  }
0xab: {  	_ =	task [dreg:s7], $0x5FFFF  }
0xac: {  	[dreg:$0x1] =	wrdreg $0xFFFFFFFF  }
0xad: {  	[dreg:$0x0] =	wrdreg $0x60  }
0xae: {  	[dreg:$0x2] =	wrdreg s2  }
0xaf: {  	[dreg:$0x3] =	wrdreg s24  }
0xb0: {  	[dreg:$0x4] =	wrdreg $0x7CC00  }
0xb1: {  	[dreg:$0x5] =	wrdreg $0x9  }
0xb2: {  	_ =	task.clear_ibuf [dreg:s7], $0x6FFFF;
	_ =	strace $0x9000004C  }
0xb3: {  	s29 =	simm.s32 $0x9;
	_ =	strace $0x8000004E  }
0xb4: {  	_ =	swait.ge [sflag:s29], $0x1  }
0xb5: {  	[sflag:s29] =	ssyncadd.s32 $0xFFFFFFFF  }
0xb6: {  	_ =	strace $0x9000004E  }
0xb7: {  	_ =	sfence  }
0xb8: {  	s30 =	sld [smem:$0x0];
	_ =	sdelay $0x2  }
0xb9: {  	s31 =	sshll.u32 s1, $0xD;
	s1 =	sshrl.u32 s1, $0x2  }
0xba: {  	s3 =	sand.u32 $0x4000, s31;
	s1 =	sadd.s32 s1, s30  }
0xbb: {  	s0 =	sor.u32 s3, s0;
	s1 =	sshll.u32 s1, $0x11  }
0xbc: {  	s0 =	sor.u32 s1, s0  }
0xbd: {  	s0 =	sadd.s32 $0x8F2B, s0  }
0xbe: {  	[sflag:s0] =	ssyncadd.remote.s32 $0x1  }
0xbf: {  	_ =	sfence.sel $0xFFFF  }
0xc0: {  	[dreg:$0x0] =	wrdreg $0xFFFFFFFF;
	(pc) =	sbr.abs _section_cstart, $3  }
0xc1: {  	[dreg:$0x1] =	wrdreg $0xFFFFFFFF  }
0xc2: {  	_ =	task.clear_ibuf [dreg:s7], $0x2FFFF;
	_ =	strace $0x9FFFFFFF  }
0xc3: {  	(tm) =	ssettm $0x7FFFFFFF  }
tec
execute0_lowered:
.L_overlay_start_1:
0x0: {  	(tag) =	ssettag $0x1  }
0x1: {  	s1 =	rddreg [dreg:$0x0]  }
0x2: {  	s2 =	rddreg [dreg:$0x1];
	s25 =	stileid.u32  }
0x3: {  	s0 =	srdreg.scid;
	s8 =	smul.u32 $0xF00, s25  }
0x4: {  	s3 =	rddreg [dreg:$0x2];
	s5 =	sand.u32 $0x1, s0;
	s23 =	smul.u32 $0x5000, s25  }
0x5: {  	s4 =	simm.s32 $0x0;
	s7 =	sor.u32 $0x10, s25;
	s6 =	smul.u32 $0x75300, s5  }
0x6: {  	s28 =	simm.s32 $0x6DC0;
	s9 =	sor.u32 $0x20, s25;
	s10 =	smul.u32 $0xF00, s7  }
0x7: {  	s29 =	simm.s32 $0x5;
	s12 =	sor.u32 $0x30, s25;
	s13 =	smul.u32 $0xF00, s9  }
0x8: {  	s15 =	sshll.u32 s25, $0x1;
	s17 =	sor.u32 $0x50, s25;
	s14 =	smul.u32 $0xF00, s12  }
0x9: {  	s18 =	sor.u32 $0x60, s25;
	s20 =	sor.u32 $0x70, s25;
	s19 =	smul.u32 $0xF00, s17  }
0xa: {  	[smem:$0x7FF] =	sst s4;
	p1 =	sgt.u32 s25, $0xC;
	s21 =	smul.u32 $0xF00, s18  }
0xb: {  	s0 =	ssub.s32 $0x2, s5;
	s15 =	sor.u32 s5, s15;
	s22 =	smul.u32 $0xF00, s20  }
0xc: {  	s5 =	smul.u32 $0x2800, s5;
	p0 =	sgt.u32 s20, $0x7C;
	s11 =	sshrl.u32 s0, $0x1  }
0xd: {  	s15 =	smul.u32 $0x2800, s15;
	s0 =	ssub.s32 s0, s11;
	s11 =	sor.u32 $0x40, s25  }
0xe: {  	s8 =	sadd.s32 s8, s6;
	s10 =	sadd.s32 s6, s10;
	s13 =	sadd.s32 s6, s13  }
0xf: {  	s14 =	sadd.s32 s6, s14;
	s19 =	sadd.s32 s6, s19;
	s21 =	sadd.s32 s6, s21  }
0x10: {  	s5 =	sadd.s32 s5, s23;
	s23 =	sadd.s32 $0x2C00, s2;
	s16 =	smul.u32 $0xF00, s11  }
0x11: {  	s15 =	sshrl.u32 s15, $0x3;
	s8 =	sshrl.u32 s8, $0x3;
	s10 =	sshrl.u32 s10, $0x3  }
0x12: {  	s19 =	sshrl.u32 s19, $0x3;
	s24 =	sshrl.u32 s21, $0x3;
	s16 =	sadd.s32 s6, s16  }
0x13: {  	s6 =	sadd.s32 s6, s22;
	s22 =	sadd.s32 $0xCC00, s2;
	s2 =	sadd.s32 $0x16C00, s2  }
0x14: {  	s26 =	sor.u32 $0x400, s5;
	s0 =	smax.u32 s0, $0x1;
	s8 =	sadd.s32 s2, s8  }
0x15: {  	s31 =	sadd.s32 s2, s10;
	s10 =	sshrl.u32 s13, $0x3;
	s13 =	sshrl.u32 s14, $0x3  }
0x16: {  	s14 =	sshrl.u32 s16, $0x3;
	s6 =	sshrl.u32 s6, $0x3;
	[dreg:$0x4] =	wrdreg s8  }
0x17: {  	s30 =	sadd.s32 s22, s15;
	[dreg:$0x5] =	wrdreg s31;
	s8 =	sadd.s32 s2, s10  }
0x18: {  	s16 =	sadd.s32 s2, s14;
	[dreg:$0xc] =	wrdreg s30;
	s31 =	smul.u32 $0x3C00, s7  }
0x19: {  	s7 =	sadd.s32 s23, s15;
	s10 =	smul.u32 $0x3C00, s9;
	[dreg:$0x6] =	wrdreg s8  }
0x1a: {  	s14 =	smul.u32 $0x3C00, s11;
	s9 =	simm.s32 $0x6;
	[dreg:$0x8] =	wrdreg s16  }
0x1b: {  	s8 =	sadd.s32 s2, s13;
	[dreg:$0xd] =	wrdreg s7;
	s13 =	smul.u32 $0x3C00, s12  }
0x1c: {  	s7 =	simm.s32 $0x1;
	s12 =	simm.s32 $0x7;
	[dreg:$0x7] =	wrdreg s8  }
0x1d: {  	s8 =	sadd.s32 s2, s19;
	s5 =	sshrl.u32 s31, $0x2;
	s19 =	smul.u32 $0x3C00, s17  }
0x1e: {  	[dreg:$0x9] =	wrdreg s8;
	s8 =	sadd.s32 s2, s24;
	s2 =	sadd.s32 s2, s6  }
0x1f: {  	s5 =	sadd.s32 s5, s3;
	s21 =	sshrl.u32 s13, $0x2;
	[dreg:$0xa] =	wrdreg s8  }
0x20: {  	s13 =	simm.s32 $0x4;
	[dreg:$0xb] =	wrdreg s2;
	s2 =	sshrl.u32 s26, $0x3  }
0x21: {  	s8 =	smul.u32 $0x3C00, s25;
	s26 =	sshrl.u32 s19, $0x2;
	s25 =	simm.s32 $0x0  }
0x22: {  	s15 =	sadd.s32 s2, s23;
	s16 =	sadd.s32 s2, s22;
	_ =	strace $0x8000004D  }
0x23: {  	[dreg:$0xf] =	wrdreg s5;
	s2 =	sshrl.u32 s10, $0x2;
	s22 =	smul.u32 $0x3C00, s18  }
0x24: {  	s23 =	smul.u32 $0x3C00, s20;
	[dreg:$0x14] =	wrdreg s0;
	s0 =	simm.s32 $0x7D  }
0x25: {  	s5 =	simm.s32 $0x3EE0;
	s10 =	simm.s32 $0x3;
	s6 =	sshrl.u32 s8, $0x2  }
0x26: {  	s2 =	sadd.s32 s2, s3;
	s8 =	simm.s32 $0x2;
	s6 =	sadd.s32 s6, s3  }
0x27: {  	[dreg:$0x10] =	wrdreg s2;
	s2 =	sadd.s32 s21, s3;
	s30 =	sshrl.u32 s22, $0x2  }
.Ltmp0:
0x28: {  	s31 =	sshrl.u32 s23, $0x2;
	[dreg:$0xe] =	wrdreg s6;
	(pc) =	sbr.rel .LBB2_1-.Ltmp0, $4  }
0x29: {  	s6 =	sshrl.u32 s14, $0x2;
	[dreg:$0x11] =	wrdreg s2;
	s2 =	sadd.s32 s26, s3  }
0x2a: {  	s23 =	sadd.s32 s30, s3;
	s26 =	simm.s32 $0x2770;
	s14 =	simm.s32 $0x8  }
0x2b: {  	s24 =	sadd.s32 s6, s3;
	[dreg:$0x13] =	wrdreg s2;
	s2 =	simm.s32 $0x1000  }
0x2c: {  	v0 =	vimm.f32 $0.0e+00;
	s6 =	simm.s32 $0x5650;
	[dreg:$0x12] =	wrdreg s24;
	s24 =	sadd.s32 s31, s3  }
.LBB2_8:
0x2d: {  	_ =	swait.ge [sflag:s14], $0x1770  }
0x2e: {  	[sflag:s14] =	ssyncset.done $0x0  }
0x2f: {  	[sflag:s14] =	ssyncadd.s32 $0xFFFFE890  }
0x30: {  	[bflag:$0x0] =	sbarrier.arrive $0xFFFF  }
0x31: {  	s11 =	rddreg [dreg:$0xe]  }
0x32: {  	[tilespmem:s2], [sflag:$0x1] =	stream.linear.gather [spmem:s11], $0xF00, $0x38;
	[tilespmem:$0xF1F0] =	vst v63  }
0x33: {  	s21 =	rddreg [dreg:$0xf]  }
0x34: {  	[tilespmem:s26], [sflag:$0x2] =	stream.linear.gather [spmem:s21], $0xF00, $0x38;
	[tilespmem:$0xF1F0] =	vst v63  }
0x35: {  	_ =	swait.ge [sflag:s7], $0xF00  }
0x36: {  	[sflag:s7] =	ssyncset.done $0x0  }
0x37: {  	s22 =	rddreg [dreg:$0x4];
	[sflag:s7] =	ssyncadd.s32 $0xFFFFF100  }
0x38: {  	[hbm4b:s22+s4] =	stream.linear.scatter [tilespmem:s2], [sflag:$0x5], $0xF00, $0x38;
	[tilespmem:$0xF1F0] =	vst v63  }
0x39: {  	_ =	swait.ge [sflag:s29], $0xF00  }
0x3a: {  	[sflag:s29] =	ssyncset.done $0x0  }
0x3b: {  	s30 =	rddreg [dreg:$0x10];
	[sflag:s29] =	ssyncadd.s32 $0xFFFFF100  }
0x3c: {  	[tilespmem:s2], [sflag:$0x1] =	stream.linear.gather [spmem:s30], $0xF00, $0x38;
	[tilespmem:$0xF1F0] =	vst v63  }
0x3d: {  	_ =	swait.ge [sflag:s8], $0xF00  }
0x3e: {  	[sflag:s8] =	ssyncset.done $0x0  }
0x3f: {  	s31 =	rddreg [dreg:$0x5];
	[sflag:s8] =	ssyncadd.s32 $0xFFFFF100  }
0x40: {  	[hbm4b:s31+s4] =	stream.linear.scatter [tilespmem:s26], [sflag:$0x6], $0xF00, $0x38;
	[tilespmem:$0xF1F0] =	vst v63  }
0x41: {  	_ =	swait.ge [sflag:s9], $0xF00  }
0x42: {  	[sflag:s9] =	ssyncset.done $0x0  }
0x43: {  	s17 =	rddreg [dreg:$0x11];
	[sflag:s9] =	ssyncadd.s32 $0xFFFFF100  }
0x44: {  	[tilespmem:s26], [sflag:$0x2] =	stream.linear.gather [spmem:s17], $0xF00, $0x38;
	[tilespmem:$0xF1F0] =	vst v63  }
0x45: {  	_ =	swait.ge [sflag:s7], $0xF00  }
0x46: {  	[sflag:s7] =	ssyncset.done $0x0  }
0x47: {  	s18 =	rddreg [dreg:$0x6];
	[sflag:s7] =	ssyncadd.s32 $0xFFFFF100  }
0x48: {  	[hbm4b:s18+s4] =	stream.linear.scatter [tilespmem:s2], [sflag:$0x5], $0xF00, $0x38;
	[tilespmem:$0xF1F0] =	vst v63  }
0x49: {  	_ =	swait.ge [sflag:s29], $0xF00  }
0x4a: {  	[sflag:s29] =	ssyncset.done $0x0  }
0x4b: {  	s19 =	rddreg [dreg:$0x12];
	[sflag:s29] =	ssyncadd.s32 $0xFFFFF100  }
0x4c: {  	[tilespmem:s2], [sflag:$0x1] =	stream.linear.gather [spmem:s19], $0xF00, $0x38;
	[tilespmem:$0xF1F0] =	vst v63  }
0x4d: {  	_ =	swait.ge [sflag:s8], $0xF00  }
0x4e: {  	[sflag:s8] =	ssyncset.done $0x0  }
0x4f: {  	s20 =	rddreg [dreg:$0x7];
	[sflag:s8] =	ssyncadd.s32 $0xFFFFF100  }
0x50: {  	[hbm4b:s20+s4] =	stream.linear.scatter [tilespmem:s26], [sflag:$0x6], $0xF00, $0x38;
	[tilespmem:$0xF1F0] =	vst v63  }
0x51: {  	_ =	swait.ge [sflag:s9], $0xF00  }
0x52: {  	[sflag:s9] =	ssyncset.done $0x0  }
0x53: {  	s21 =	rddreg [dreg:$0x13];
	[sflag:s9] =	ssyncadd.s32 $0xFFFFF100  }
0x54: {  	[tilespmem:s26], [sflag:$0x2] =	stream.linear.gather [spmem:s21], $0xF00, $0x38;
	[tilespmem:$0xF1F0] =	vst v63  }
0x55: {  	_ =	swait.ge [sflag:s7], $0xF00  }
0x56: {  	[sflag:s7] =	ssyncset.done $0x0  }
0x57: {  	s22 =	rddreg [dreg:$0x8];
	[sflag:s7] =	ssyncadd.s32 $0xFFFFF100  }
0x58: {  	[hbm4b:s22+s4] =	stream.linear.scatter [tilespmem:s2], [sflag:$0x5], $0xF00, $0x38;
	[tilespmem:$0xF1F0] =	vst v63  }
0x59: {  	_ =	swait.ge [sflag:s29], $0xF00  }
0x5a: {  	[sflag:s29] =	ssyncset.done $0x0  }
0x5b: {  	[sflag:s29] =	ssyncadd.s32 $0xFFFFF100  }
0x5c: {  	[tilespmem:s2], [sflag:$0x1] =	stream.linear.gather [spmem:s23], $0xF00, $0x38;
	[tilespmem:$0xF1F0] =	vst v63  }
0x5d: {  	_ =	swait.ge [sflag:s8], $0xF00  }
0x5e: {  	[sflag:s8] =	ssyncset.done $0x0  }
0x5f: {  	s30 =	rddreg [dreg:$0x9];
	[sflag:s8] =	ssyncadd.s32 $0xFFFFF100  }
0x60: {  	[hbm4b:s30+s4] =	stream.linear.scatter [tilespmem:s26], [sflag:$0x6], $0xF00, $0x38;
	[tilespmem:$0xF1F0] =	vst v63  }
0x61: {  	_ =	swait.ge [sflag:s9], $0xF00  }
0x62: {  	[sflag:s9] =	ssyncset.done $0x0  }
0x63: {  	s11 =	simm.s32 @p1 $0x1;
	[sflag:s9] =	ssyncadd.s32 $0xFFFFF100  }
0x64: {  	_ =	swait.ge @p1 [sflag:s11], $0xF00  }
0x65: {  	s17 =	simm.s32 @p1 $0x1000;
	[sflag:s11] =	ssyncset.done @p1 $0x0  }
0x66: {  	s19 =	rddreg [dreg:$0xa];
	[sflag:s11] =	ssyncadd.s32 @p1 $0xFFFFF100;
	s11 =	simm.s32 @p1 $0x0  }
0x67: {  	[hbm4b:s19+s11] =	stream.linear.scatter @p1 [tilespmem:s17], [sflag:$0x5], $0xF00, $0x38;
	[tilespmem:$0xF1F0] =	vst v63  }
0x68: {  	s11 =	simm.s32 @!p1 $0x2770;
	s17 =	simm.s32 @!p1 $0x1  }
0x69: {  	[tilespmem:s11], [sflag:$0x2] =	stream.linear.gather @!p1 [spmem:s24], $0xF00, $0x38;
	[tilespmem:$0xF1F0] =	vst v63  }
0x6a: {  	_ =	swait.ge @!p1 [sflag:s17], $0xF00  }
0x6b: {  	[sflag:s17] =	ssyncset.done @!p1 $0x0  }
0x6c: {  	s18 =	simm.s32 @!p1 $0x1000;
	[sflag:s17] =	ssyncadd.s32 @!p1 $0xFFFFF100;
	s17 =	simm.s32 @!p1 $0x0  }
0x6d: {  	[hbm4b:s19+s17] =	stream.linear.scatter @!p1 [tilespmem:s18], [sflag:$0x5], $0xF00, $0x38;
	[tilespmem:$0xF1F0] =	vst v63  }
0x6e: {  	s18 =	simm.s32 @!p1 $0x2  }
0x6f: {  	_ =	swait.ge @!p1 [sflag:s18], $0xF00  }
0x70: {  	[sflag:s18] =	ssyncset.done @!p1 $0x0  }
0x71: {  	[sflag:s18] =	ssyncadd.s32 @!p1 $0xFFFFF100;
	s18 =	rddreg [dreg:$0xb]  }
0x72: {  	[hbm4b:s18+s17] =	stream.linear.scatter @!p1 [tilespmem:s11], [sflag:$0x6], $0xF00, $0x38;
	[tilespmem:$0xF1F0] =	vst v63  }
0x73: {  	s11 =	simm.s32 @!p1 $0x5  }
0x74: {  	_ =	swait.ge @!p1 [sflag:s11], $0xF00  }
0x75: {  	s17 =	simm.s32 @!p1 $0x6;
	[sflag:s11] =	ssyncset.done @!p1 $0x0  }
0x76: {  	s17 =	simm.s32 @p1 $0x5;
	[sflag:s11] =	ssyncadd.s32 @!p1 $0xFFFFF100  }
0x77: {  	_ =	swait.ge [sflag:s17], $0xF00  }
0x78: {  	s25 =	sadd.s32 $0x1, s25;
	s31 =	rddreg [dreg:$0x14]  }
0x79: {  	p2 =	sne.s32 s25, s31  }
.Ltmp1:
0x7a: {  	_ = 	snop;
	(pc) =	sbr.rel @!p2 .LBB2_9-.Ltmp1, $3  }
0x7b: {  	_ =	sdelay $0x1  }
0x7c: {  	[sflag:s17] =	ssyncset.done $0x0  }
0x7d: {  	[sflag:s17] =	ssyncadd.s32 $0xFFFFF100  }
.LBB2_1:
0x7e: {  	s11 =	rddreg [dreg:$0xc];
	s20 =	smul.u32 $0xAB, s4  }
0x7f: {  	[tilespmem:s4], [sflag:$0x9] =	stream.linear.gather [hbm4b:s11+s4], $0x400, $0x38;
	[tilespmem:$0xF1F0] =	vst v63  }
0x80: {  	s17 =	rddreg [dreg:$0xd];
	s18 =	simm.s32 $0x800;
	s11 =	sshrl.u32 s20, $0x9  }
0x81: {  	[tilespmem:s18], [sflag:$0xA] =	stream.linear.gather [hbm4b:s17+s4], $0x400, $0x38;
	[tilespmem:$0xF1F0] =	vst v63  }
0x82: {  	s21 =	sand.u32 $0x7F, s11  }
0x83: {  	s11 =	simm.s32 $0x1;
	s22 =	smul.u32 $0x3, s21  }
0x84: {  	s31 =	smul.u32 $0xAB, s11  }
0x85: {  	s17 =	smul.u32 $0xC0, s21;
	s18 =	ssub.s32 $0x0, s22  }
0x86: {  	s30 =	simm.s32 $0x2;
	s19 =	sand.u32 $0xFF, s18  }
0x87: {  	s18 =	sshrl.u32 s31, $0x9;
	s31 =	sshrl.u32 s17, $0x2;
	s17 =	sshll.u32 s19, $0x4  }
.LBB2_2:
0x88: {  	s19 =	smul.u32 $0xAB, s30;
	s18 =	sand.u32 $0x7F, s18  }
0x89: {  	s17 =	sadd.s32 s17, s31;
	p2 =	sne.s32 s30, $0xEF;
	s31 =	smul.u32 $0x3, s18  }
.Ltmp2:
0x8a: {  	[tilespmem:s17+$0x6DC0] =	vst v0;
	(pc) =	sbr.rel @p2 .LBB2_2-.Ltmp2, $4  }
0x8b: {  	s17 =	smul.u32 $0xC0, s18;
	s18 =	smov.u32 s30  }
0x8c: {  	s30 =	sadd.s32 $0x1, s30;
	s11 =	ssub.s32 s11, s31  }
0x8d: {  	s20 =	sand.u32 $0xFF, s11;
	s11 =	smov.u32 s18  }
0x8e: {  	s31 =	sshrl.u32 s17, $0x2;
	s18 =	sshrl.u32 s19, $0x9;
	s17 =	sshll.u32 s20, $0x4  }
0x8f: {  	s18 =	sand.u32 $0x7F, s18  }
0x90: {  	s19 =	smul.u32 $0x3, s18;
	_ =	sdelay $0x1  }
0x91: {  	s18 =	smul.u32 $0xC0, s18;
	s11 =	ssub.s32 s11, s19  }
0x92: {  	s11 =	sand.u32 $0xFF, s11  }
0x93: {  	s17 =	sadd.s32 s17, s31;
	s18 =	sshrl.u32 s18, $0x2;
	s11 =	sshll.u32 s11, $0x4  }
0x94: {  	[tilespmem:s17+$0x6DC0] =	vst v0;
	s11 =	sadd.s32 s11, s18  }
0x95: {  	s19 =	rddreg [dreg:$0xe];
	[tilespmem:s11+$0x6DC0] =	vst v0  }
0x96: {  	[spmem:s19] =	stream.linear.scatter [tilespmem:s28], [sflag:$0x5], $0xF00, $0x38;
	[tilespmem:$0xF1F0] =	vst v63  }
0x97: {  	s20 =	rddreg [dreg:$0xf]  }
0x98: {  	[spmem:s20] =	stream.linear.scatter [tilespmem:s28], [sflag:$0x5], $0xF00, $0x38;
	[tilespmem:$0xF1F0] =	vst v63  }
0x99: {  	s21 =	rddreg [dreg:$0x10]  }
0x9a: {  	[spmem:s21] =	stream.linear.scatter [tilespmem:s28], [sflag:$0x5], $0xF00, $0x38;
	[tilespmem:$0xF1F0] =	vst v63  }
0x9b: {  	s22 =	rddreg [dreg:$0x11]  }
0x9c: {  	[spmem:s22] =	stream.linear.scatter [tilespmem:s28], [sflag:$0x5], $0xF00, $0x38;
	[tilespmem:$0xF1F0] =	vst v63  }
0x9d: {  	s17 =	rddreg [dreg:$0x12]  }
0x9e: {  	[spmem:s17] =	stream.linear.scatter [tilespmem:s28], [sflag:$0x5], $0xF00, $0x38;
	[tilespmem:$0xF1F0] =	vst v63  }
0x9f: {  	s18 =	rddreg [dreg:$0x13]  }
0xa0: {  	[spmem:s18] =	stream.linear.scatter [tilespmem:s28], [sflag:$0x5], $0xF00, $0x38;
	[tilespmem:$0xF1F0] =	vst v63  }
0xa1: {  	_ = 	snop  }
0xa2: {  	[spmem:s23] =	stream.linear.scatter [tilespmem:s28], [sflag:$0x5], $0xF00, $0x38;
	[tilespmem:$0xF1F0] =	vst v63  }
0xa3: {  	s11 =	simm.s32 @!p0 $0x6DC0  }
0xa4: {  	[spmem:s24] =	stream.linear.scatter @!p0 [tilespmem:s11], [sflag:$0x5], $0xF00, $0x38;
	[tilespmem:$0xF1F0] =	vst v63  }
0xa5: {  	_ =	swait.ge [sflag:s29], $0xF00  }
0xa6: {  	[sflag:s29] =	ssyncset.done $0x0  }
0xa7: {  	[sflag:s29] =	ssyncadd.s32 $0xFFFFF100  }
0xa8: {  	_ =	swait.ge [sflag:s29], $0xF00  }
0xa9: {  	[sflag:s29] =	ssyncset.done $0x0  }
0xaa: {  	[sflag:s29] =	ssyncadd.s32 $0xFFFFF100  }
0xab: {  	_ =	swait.ge [sflag:s29], $0xF00  }
0xac: {  	[sflag:s29] =	ssyncset.done $0x0  }
0xad: {  	[sflag:s29] =	ssyncadd.s32 $0xFFFFF100  }
0xae: {  	_ =	swait.ge [sflag:s29], $0xF00  }
0xaf: {  	[sflag:s29] =	ssyncset.done $0x0  }
0xb0: {  	[sflag:s29] =	ssyncadd.s32 $0xFFFFF100  }
0xb1: {  	_ =	swait.ge [sflag:s29], $0xF00  }
0xb2: {  	[sflag:s29] =	ssyncset.done $0x0  }
0xb3: {  	[sflag:s29] =	ssyncadd.s32 $0xFFFFF100  }
0xb4: {  	_ =	swait.ge [sflag:s29], $0xF00  }
0xb5: {  	[sflag:s29] =	ssyncset.done $0x0  }
0xb6: {  	[sflag:s29] =	ssyncadd.s32 $0xFFFFF100  }
0xb7: {  	_ =	swait.ge [sflag:s29], $0xF00  }
0xb8: {  	[sflag:s29] =	ssyncset.done $0x0  }
0xb9: {  	s11 =	simm.s32 @!p1 $0x5;
	[sflag:s29] =	ssyncadd.s32 $0xFFFFF100  }
0xba: {  	_ =	swait.ge @!p1 [sflag:s11], $0xF00  }
0xbb: {  	[sflag:s11] =	ssyncset.done @!p1 $0x0  }
0xbc: {  	[sflag:s11] =	ssyncadd.s32 @!p1 $0xFFFFF100  }
0xbd: {  	s19 =	simm.s32 $0x9;
	[bflag:$0x0] =	sbarrier.arrive $0xFFFF  }
0xbe: {  	_ =	swait.ge [sflag:s19], $0x400  }
0xbf: {  	[sflag:s19] =	ssyncset.done $0x0  }
0xc0: {  	s20 =	simm.s32 $0xA;
	[sflag:s19] =	ssyncadd.s32 $0xFFFFFC00  }
0xc1: {  	_ =	swait.ge [sflag:s20], $0x400  }
0xc2: {  	[sflag:s20] =	ssyncset.done $0x0  }
0xc3: {  	s30 =	simm.s32 $0x0;
	[sflag:s20] =	ssyncadd.s32 $0xFFFFFC00  }
0xc4: {  	[tilespmem:s2], [sflag:$0x1] =	stream.indirect.gather [hbm4b:s1+s0], $0x30, s30, s0, $0xb8;
	[tilespmem:$0xF1F0] =	vst v63  }
.Ltmp3:
0xc5: {  	_ = 	snop;
	(pc) =	sbr.rel .LBB2_4-.Ltmp3, $4  }
0xc6: {  	s21 =	simm.s32 $0x80  }
0xc7: {  	[tilespmem:s26], [sflag:$0x2] =	stream.indirect.gather [hbm4b:s1+s0], $0x30, s21, s0, $0xb8;
	[tilespmem:$0xF1F0] =	vst v63  }
0xc8: {  	s31 =	simm.s32 $0x0;
	s22 =	simm.s32 $0x100  }
0xc9: {  	[tilespmem:s5], [sflag:$0x3] =	stream.indirect.gather [hbm4b:s1+s0], $0x30, s22, s0, $0xb8;
	[tilespmem:$0xF1F0] =	vst v63  }
.LBB2_6:
0xca: {  	s11 =	sand.u32 $0x400, s30  }
0xcb: {  	s18 =	sadd.s32 s31, s16;
	s17 =	sxor.u32 $0x400, s11  }
0xcc: {  	[tilespmem:s17], [sflag:$0x9] =	stream.linear.gather [hbm4b:s18+s4], $0x400, $0x38;
	[tilespmem:$0xF1F0] =	vst v63  }
0xcd: {  	s22 =	sadd.s32 s31, s15;
	p2 =	por $0x0, $0x0;
	s21 =	sxor.u32 $0xC00, s11  }
0xce: {  	[tilespmem:s21], [sflag:$0xA] =	stream.linear.gather [hbm4b:s22+s4], $0x400, $0x38;
	[tilespmem:$0xF1F0] =	vst v63  }
.LBB2_7:
0xcf: {  	s17 =	sor.u32 $0x180, s11  }
0xd0: {  	[tilespmem:s6], [sflag:$0x4] =	stream.indirect.gather [hbm4b:s1+s0], $0x30, s17, s0, $0xb8;
	[tilespmem:$0xF1F0] =	vst v63  }
0xd1: {  	_ =	swait.ge [sflag:s7], $0x1770  }
0xd2: {  	[sflag:s7] =	ssyncset.done $0x0  }
0xd3: {  	s22 =	sor.u32 $0x800, s11;
	[sflag:s7] =	ssyncadd.s32 $0xFFFFE890  }
0xd4: {  	[spmem:s3] =	stream.indirect.scatter.add.f32 [tilespmem:s2], [sflag:$0x5], $0x30, s22, s0, $0xb8;
	[tilespmem:$0xF1F0] =	vst v63  }
0xd5: {  	_ =	swait.ge [sflag:s29], $0x1770  }
0xd6: {  	[sflag:s29] =	ssyncset.done $0x0  }
0xd7: {  	s18 =	sor.u32 $0x200, s11;
	[sflag:s29] =	ssyncadd.s32 $0xFFFFE890  }
0xd8: {  	[tilespmem:s2], [sflag:$0x1] =	stream.indirect.gather [hbm4b:s1+s0], $0x30, s18, s0, $0xb8;
	[tilespmem:$0xF1F0] =	vst v63  }
0xd9: {  	_ =	swait.ge [sflag:s8], $0x1770  }
0xda: {  	[sflag:s8] =	ssyncset.done $0x0  }
0xdb: {  	s19 =	sadd.s32 $0x880, s11;
	[sflag:s8] =	ssyncadd.s32 $0xFFFFE890  }
0xdc: {  	[spmem:s3] =	stream.indirect.scatter.add.f32 [tilespmem:s26], [sflag:$0x6], $0x30, s19, s0, $0xb8;
	[tilespmem:$0xF1F0] =	vst v63  }
0xdd: {  	_ =	swait.ge [sflag:s9], $0x1770  }
0xde: {  	[sflag:s9] =	ssyncset.done $0x0  }
0xdf: {  	s17 =	sor.u32 $0x280, s11;
	[sflag:s9] =	ssyncadd.s32 $0xFFFFE890  }
0xe0: {  	[tilespmem:s26], [sflag:$0x2] =	stream.indirect.gather [hbm4b:s1+s0], $0x30, s17, s0, $0xb8;
	[tilespmem:$0xF1F0] =	vst v63  }
0xe1: {  	_ =	swait.ge [sflag:s10], $0x1770  }
0xe2: {  	[sflag:s10] =	ssyncset.done $0x0  }
0xe3: {  	s18 =	sadd.s32 $0x900, s11;
	[sflag:s10] =	ssyncadd.s32 $0xFFFFE890  }
0xe4: {  	[spmem:s3] =	stream.indirect.scatter.add.f32 [tilespmem:s5], [sflag:$0x7], $0x30, s18, s0, $0xb8;
	[tilespmem:$0xF1F0] =	vst v63  }
0xe5: {  	_ =	swait.ge [sflag:s12], $0x1770  }
0xe6: {  	[sflag:s12] =	ssyncset.done $0x0  }
0xe7: {  	s18 =	sor.u32 $0x300, s11;
	[sflag:s12] =	ssyncadd.s32 $0xFFFFE890  }
0xe8: {  	[tilespmem:s5], [sflag:$0x3] =	stream.indirect.gather [hbm4b:s1+s0], $0x30, s18, s0, $0xb8;
	[tilespmem:$0xF1F0] =	vst v63  }
0xe9: {  	_ =	swait.ge [sflag:s13], $0x1770  }
0xea: {  	[sflag:s13] =	ssyncset.done $0x0  }
0xeb: {  	s19 =	sor.u32 $0x980, s11;
	[sflag:s13] =	ssyncadd.s32 $0xFFFFE890  }
0xec: {  	[spmem:s3] =	stream.indirect.scatter.add.f32 [tilespmem:s6], [sflag:$0x8], $0x30, s19, s0, $0xb8;
	[tilespmem:$0xF1F0] =	vst v63  }
0xed: {  	_ =	swait.ge [sflag:s14], $0x1770  }
0xee: {  	[sflag:s14] =	ssyncset.done $0x0  }
0xef: {  	s19 =	sor.u32 $0x380, s11;
	[sflag:s14] =	ssyncadd.s32 $0xFFFFE890  }
0xf0: {  	[tilespmem:s6], [sflag:$0x4] =	stream.indirect.gather [hbm4b:s1+s0], $0x30, s19, s0, $0xb8;
	[tilespmem:$0xF1F0] =	vst v63  }
0xf1: {  	_ =	swait.ge [sflag:s7], $0x1770  }
0xf2: {  	[sflag:s7] =	ssyncset.done $0x0  }
0xf3: {  	s20 =	sor.u32 $0xA00, s11;
	[sflag:s7] =	ssyncadd.s32 $0xFFFFE890  }
0xf4: {  	[spmem:s3] =	stream.indirect.scatter.add.f32 [tilespmem:s2], [sflag:$0x5], $0x30, s20, s0, $0xb8;
	[tilespmem:$0xF1F0] =	vst v63  }
0xf5: {  	_ =	swait.ge [sflag:s29], $0x1770  }
0xf6: {  	[sflag:s29] =	ssyncset.done $0x0  }
0xf7: {  	s20 =	simm.s32 @p2 $0x2;
	[sflag:s29] =	ssyncadd.s32 $0xFFFFE890  }
0xf8: {  	_ =	swait.ge @p2 [sflag:s20], $0x1770  }
0xf9: {  	s21 =	simm.s32 @p2 $0x7D;
	[sflag:s20] =	ssyncset.done @p2 $0x0  }
0xfa: {  	s22 =	simm.s32 @p2 $0x2770;
	[sflag:s20] =	ssyncadd.s32 @p2 $0xFFFFE890;
	s20 =	sor.u32 @p2 $0x800, s17  }
0xfb: {  	[spmem:s3] =	stream.indirect.scatter.add.f32 @p2 [tilespmem:s22], [sflag:$0x6], $0x30, s20, s21, $0xb8;
	[tilespmem:$0xF1F0] =	vst v63  }
0xfc: {  	s20 =	simm.s32 @p2 $0x6  }
0xfd: {  	_ =	swait.ge @p2 [sflag:s20], $0x1770  }
0xfe: {  	[sflag:s20] =	ssyncset.done @p2 $0x0  }
0xff: {  	[sflag:s20] =	ssyncadd.s32 @p2 $0xFFFFE890;
	s20 =	simm.s32 @!p2 $0x9  }
0x100: {  	_ =	swait.ge @!p2 [sflag:s20], $0x400  }
0x101: {  	[sflag:s20] =	ssyncset.done @!p2 $0x0  }
0x102: {  	[sflag:s20] =	ssyncadd.s32 @!p2 $0xFFFFFC00;
	s20 =	simm.s32 @!p2 $0xA  }
0x103: {  	_ =	swait.ge @!p2 [sflag:s20], $0x400  }
0x104: {  	s21 =	simm.s32 @!p2 $0x7D;
	[sflag:s20] =	ssyncset.done @!p2 $0x0  }
0x105: {  	s22 =	simm.s32 @!p2 $0x1000;
	[sflag:s20] =	ssyncadd.s32 @!p2 $0xFFFFFC00;
	s20 =	ssub.s32 @!p2 $0x400, s11  }
0x106: {  	[tilespmem:s22], [sflag:$0x1] =	stream.indirect.gather @!p2 [hbm4b:s1+s21], $0x30, s20, s21, $0xb8;
	[tilespmem:$0xF1F0] =	vst v63  }
0x107: {  	s20 =	simm.s32 @!p2 $0x2  }
0x108: {  	_ =	swait.ge @!p2 [sflag:s20], $0x1770  }
0x109: {  	[sflag:s20] =	ssyncset.done @!p2 $0x0  }
0x10a: {  	s17 =	sor.u32 @!p2 $0x800, s17;
	[sflag:s20] =	ssyncadd.s32 @!p2 $0xFFFFE890;
	s20 =	simm.s32 @!p2 $0x2770  }
0x10b: {  	[spmem:s3] =	stream.indirect.scatter.add.f32 @!p2 [tilespmem:s20], [sflag:$0x6], $0x30, s17, s21, $0xb8;
	[tilespmem:$0xF1F0] =	vst v63  }
0x10c: {  	s17 =	simm.s32 @!p2 $0x6  }
0x10d: {  	_ =	swait.ge @!p2 [sflag:s17], $0x1770  }
0x10e: {  	[sflag:s17] =	ssyncset.done @!p2 $0x0  }
0x10f: {  	[sflag:s17] =	ssyncadd.s32 @!p2 $0xFFFFE890;
	s17 =	ssub.s32 @!p2 $0x480, s11  }
0x110: {  	[tilespmem:s20], [sflag:$0x2] =	stream.indirect.gather @!p2 [hbm4b:s1+s21], $0x30, s17, s21, $0xb8;
	[tilespmem:$0xF1F0] =	vst v63  }
0x111: {  	_ =	swait.ge [sflag:s10], $0x1770  }
0x112: {  	[sflag:s10] =	ssyncset.done $0x0  }
0x113: {  	s20 =	sor.u32 $0x800, s18;
	[sflag:s10] =	ssyncadd.s32 $0xFFFFE890  }
0x114: {  	[spmem:s3] =	stream.indirect.scatter.add.f32 [tilespmem:s5], [sflag:$0x7], $0x30, s20, s0, $0xb8;
	[tilespmem:$0xF1F0] =	vst v63  }
0x115: {  	_ =	swait.ge [sflag:s12], $0x1770  }
0x116: {  	s31 =	sadd.s32 $0x80, s31;
	[sflag:s12] =	ssyncset.done $0x0  }
0x117: {  	s11 =	ssub.s32 @!p2 $0x500, s11;
	s17 =	simm.s32 @!p2 $0x3EE0;
	[sflag:s12] =	ssyncadd.s32 $0xFFFFE890  }
0x118: {  	[tilespmem:s17], [sflag:$0x3] =	stream.indirect.gather @!p2 [hbm4b:s1+s21], $0x30, s11, s21, $0xb8;
	[tilespmem:$0xF1F0] =	vst v63  }
0x119: {  	p2 =	sne.s32 s31, $0x500  }
.Ltmp4:
0x11a: {  	_ = 	snop;
	(pc) =	sbr.rel @!p2 .LBB2_8-.Ltmp4, $4  }
0x11b: {  	_ =	swait.ge [sflag:s13], $0x1770  }
0x11c: {  	[sflag:s13] =	ssyncset.done $0x0  }
0x11d: {  	s30 =	sadd.s32 $0x400, s30;
	s22 =	sor.u32 $0x800, s19;
	[sflag:s13] =	ssyncadd.s32 $0xFFFFE890  }
0x11e: {  	[spmem:s3] =	stream.indirect.scatter.add.f32 [tilespmem:s6], [sflag:$0x8], $0x30, s22, s0, $0xb8;
	[tilespmem:$0xF1F0] =	vst v63  }
.LBB2_4:
0x11f: {  	p3 =	seq.s32 s31, $0x0  }
0x120: {  	p2 =	seq.s32 @!p3 s31, $0x480  }
0x121: {  	p2 =	por p3, !p2  }
.Ltmp5:
0x122: {  	_ = 	snop;
	(pc) =	sbr.rel @p2 .LBB2_6-.Ltmp5, $4  }
0x123: {  	s11 =	simm.s32 @!p3 $0x8  }
0x124: {  	_ =	swait.ge @!p3 [sflag:s11], $0x1770  }
0x125: {  	[sflag:s11] =	ssyncset.done @!p3 $0x0  }
0x126: {  	[sflag:s11] =	ssyncadd.s32 @!p3 $0xFFFFE890  }
.Ltmp6:
0x127: {  	(pc) =	sbr.rel .LBB2_7-.Ltmp6, $2  }
0x128: {  	_ =	sdelay $0x2  }
0x129: {  	p2 =	por @!p3 $0x1, $0x1;
	s11 =	simm.s32 @!p3 $0x400  }
.LBB2_9:
0x12a: {  	_ =	sfence.sel $0x180000  }
0x12b: {  	[bflag:$0x0] =	sbarrier.arrive $0xFFFF  }
0x12c: {  	_ =	strace $0x9000004D  }
0x12d: {  	s0 =	stileid.u32;
	[bflag:$0x2] =	sbarrier.arrive $0xFFFF  }
0x12e: {  	p0 =	sne.s32 s0, $0x0;
	s0 =	rddreg [dreg:$0x3]  }
0x12f: {  	s0 =	sadd.s32 @!p0 $0x100000, s0  }
0x130: {  	[sflag:s0] =	ssyncadd.tile.s32 @!p0 $0x1;
	_ =	shalt  }
.Lfunc_end2:
_tile_overlayer_lowered:
.L_overlay_start_2:
0x131: {  	(tag) =	ssettag $0x2  }
0x132: {  	s0 =	rddreg [dreg:$0x0];
	s2 =	stileid.u32  }
0x133: {  	s1 =	rddreg [dreg:$0x1];
	p0 =	sne.s32 s2, $0x0  }
0x134: {  	s3 =	rddreg [dreg:$0x2];
	[bflag:$0x3] =	sbarrier.arrive $0xFFFF;
	s2 =	simm.s32 @!p0 $0x1C0B  }
0x135: {  	[timem:s3], [sflag:s2] =	dma.local @!p0 [hbm:s0], s1  }
0x136: {  	s0 =	simm.s32 @!p0 $0xB  }
0x137: {  	_ =	swait.ge @!p0 [sflag:s0], s1  }
0x138: {  	s1 =	ssub.s32 @!p0 $0x0, s1;
	[sflag:s0] =	ssyncset.done @!p0 $0x0  }
0x139: {  	[sflag:s0] =	ssyncadd.s32 @!p0 s1  }
0x13a: {  	[bflag:$0x3] =	sbarrier.arrive $0xFFFF  }
0x13b: {  	_ =	shalt  }

// kernel: kernel.8.cloned.1.call-start
scs
__scs_entry_jumppad:
0x0: {  	(pc) =	sbr.rel $0x88, $3  }
0x1: {  	(tag) =	ssettag $0x0;
	lr =	simm.s32 $0x1  }
0x2: {  	[smem:$0x3F9B] =	sst lr;
	_ =	strace $0xD0000000  }
0x3: {  	_ = 	snop  }
0x4: {  	_ = 	snop  }
0x5: {  	_ = 	snop  }
0x6: {  	_ = 	snop  }
0x7: {  	_ = 	snop  }
__scs_overlays_trampoline_lowered:
0x8: {  	[smem:$0x3FAA] =	sst s0  }
0x9: {  	[smem:$0x3FAB] =	sst s1  }
0xa: {  	[smem:$0x3FAC] =	sst s2  }
0xb: {  	[smem:$0x3FAD] =	sst s3  }
0xc: {  	[smem:$0x3FAE] =	sst s4  }
0xd: {  	[smem:$0x3FAF] =	sst s5  }
0xe: {  	[smem:$0x3FB0] =	sst s6  }
0xf: {  	[smem:$0x3FB1] =	sst s7  }
0x10: {  	[smem:$0x3FB2] =	sst s8  }
0x11: {  	[smem:$0x3FB3] =	sst s9;
	s0 =	simm.s32 @!p0 $0x0  }
0x12: {  	s1 =	sld [smem:$0x3F99];
	s0 =	simm.s32 @p0 $0x1  }
0x13: {  	[smem:$0x3FB4] =	sst s0;
	s0 =	simm.s32 @!p1 $0x0  }
0x14: {  	s2 =	sld [smem:$0x3F98];
	s0 =	simm.s32 @p1 $0x1  }
0x15: {  	[smem:$0x3FB5] =	sst s0;
	s0 =	simm.s32 @!p2 $0x0  }
0x16: {  	s3 =	sld [smem:$0x3FDB];
	s0 =	simm.s32 @p2 $0x1  }
0x17: {  	s4 =	simm.s32 $0x1BF5;
	[smem:$0x3FB7] =	sst s0  }
0x18: {  	s0 =	sld [smem:$0x3F9A];
	_ =	swait.ge [sflag:s4], $0x0  }
0x19: {  	s7 =	sld [smem:$0x3F9B]  }
0x1a: {  	s8 =	sadd.s32 $0xFFFFE003, lr  }
0x1b: {  	s9 =	sadd.s32 $0xFFFFFEF7, lr;
	s5 =	simm.s32 $0xFFFFFFFF;
	p2 =	slt.u32 s8, $0xFFFFF086  }
0x1c: {  	p1 =	slt.u32 s9, $0xF7A;
	s5 =	simm.s32 @!p2 $0x0  }
0x1d: {  	s5 =	simm.s32 @p1 $0x1;
	p0 =	seq.s32 s7, s2  }
0x1e: {  	s7 =	smul.u32 @!p0 $0xF7A, s2;
	p2 =	seq.s32 @!p0 s5, $0x0  }
0x1f: {  	s9 =	smul.u32 $0xF7A, s1;
	s8 =	simm.s32 @!p0 $0x1BF5;
	p2 =	por !p2, p0  }
0x20: {  	[sflag:s8] =	ssyncset.s32 @!p0 $0xFFFFF086;
	s6 =	sadd.s32 @!p0 s3, s7;
	s7 =	simm.s32 @!p0 $0x108  }
0x21: {  	s3 =	sadd.s32 s3, s9;
	s6 =	sadd.s32 @!p0 $0x88, s6;
	s7 =	simm.s32 @p2 $0x1082  }
0x22: {  	[simem:s7], [sflag:s8] =	dma.local @!p0 [hbm:s6], $0xF7A  }
0x23: {  	s9 =	sor.u32 $0xD0000000, s2;
	s6 =	simm.s32 $0x108;
	_ =	swait.ge @!p0 [sflag:s8], $0x0  }
0x24: {  	s3 =	sadd.s32 $0x88, s3;
	s6 =	simm.s32 @!p1 $0x1082;
	[sflag:s4] =	ssyncset.s32 $0xFFFFF086  }
0x25: {  	[simem:s6], [sflag:s4] =	dma.local [hbm:s3], $0xF7A  }
0x26: {  	[smem:$0x3F9B] =	sst s1;
	(tag) =	ssettag s2;
	_ =	strace s9  }
0x27: {  	s1 =	sld [smem:$0x3FAB]  }
0x28: {  	s2 =	sld [smem:$0x3FAC]  }
0x29: {  	s4 =	sld [smem:$0x3FAE]  }
0x2a: {  	p0 =	seq.s32 s5, $0x0;
	s5 =	sld [smem:$0x3FAF]  }
0x2b: {  	s6 =	sld [smem:$0x3FB0]  }
0x2c: {  	s7 =	sld [smem:$0x3FB1]  }
0x2d: {  	s3 =	simm.s32 $0x108;
	s8 =	sld [smem:$0x3FB2]  }
0x2e: {  	s3 =	simm.s32 @!p0 $0x1082;
	s9 =	sld [smem:$0x3FB3]  }
0x2f: {  	lr =	sadd.s32 s0, s3;
	s0 =	sld [smem:$0x3FAA]  }
0x30: {  	s3 =	sld [smem:$0x3FAD]  }
0x31: {  	[smem:$0x3FB6] =	sst s10  }
0x32: {  	s10 =	sld [smem:$0x3FB4];
	_ =	sdelay $0x3  }
0x33: {  	p0 =	seq.s32 s10, $0x1;
	s10 =	sld [smem:$0x3FB6];
	_ =	sdelay $0x3  }
0x34: {  	[smem:$0x3FB6] =	sst s10  }
0x35: {  	s10 =	sld [smem:$0x3FB5];
	_ =	sdelay $0x3  }
0x36: {  	p1 =	seq.s32 s10, $0x1;
	s10 =	sld [smem:$0x3FB6];
	_ =	sdelay $0x3  }
0x37: {  	[smem:$0x3FB6] =	sst s10  }
0x38: {  	s10 =	sld [smem:$0x3FB7]  }
0x39: {  	_ = 	snop;
	(pc) =	sbr.ind lr, $3  }
0x3a: {  	_ = 	snop  }
0x3b: {  	_ = 	snop  }
0x3c: {  	p2 =	seq.s32 s10, $0x1;
	s10 =	sld [smem:$0x3FB6]  }
0x3d: {  	_ =	shalt  }
0x3e: {  	_ =	shalt  }
0x3f: {  	_ =	shalt  }
0x40: {  	_ =	shalt  }
0x41: {  	_ =	shalt  }
0x42: {  	_ =	shalt  }
0x43: {  	_ =	shalt  }
0x44: {  	_ =	shalt  }
0x45: {  	_ =	shalt  }
0x46: {  	_ =	shalt  }
0x47: {  	_ =	shalt  }
0x48: {  	_ =	shalt  }
0x49: {  	_ =	shalt  }
0x4a: {  	_ =	shalt  }
0x4b: {  	_ =	shalt  }
0x4c: {  	_ =	shalt  }
0x4d: {  	_ =	shalt  }
0x4e: {  	_ =	shalt  }
0x4f: {  	_ =	shalt  }
0x50: {  	_ =	shalt  }
0x51: {  	_ =	shalt  }
0x52: {  	_ =	shalt  }
0x53: {  	_ =	shalt  }
0x54: {  	_ =	shalt  }
0x55: {  	_ =	shalt  }
0x56: {  	_ =	shalt  }
0x57: {  	_ =	shalt  }
0x58: {  	_ =	shalt  }
0x59: {  	_ =	shalt  }
0x5a: {  	_ =	shalt  }
0x5b: {  	_ =	shalt  }
0x5c: {  	_ =	shalt  }
0x5d: {  	_ =	shalt  }
0x5e: {  	_ =	shalt  }
0x5f: {  	_ =	shalt  }
0x60: {  	_ =	shalt  }
0x61: {  	_ =	shalt  }
0x62: {  	_ =	shalt  }
0x63: {  	_ =	shalt  }
0x64: {  	_ =	shalt  }
0x65: {  	_ =	shalt  }
0x66: {  	_ =	shalt  }
0x67: {  	_ =	shalt  }
0x68: {  	_ =	shalt  }
0x69: {  	_ =	shalt  }
0x6a: {  	_ =	shalt  }
0x6b: {  	_ =	shalt  }
0x6c: {  	_ =	shalt  }
0x6d: {  	_ =	shalt  }
0x6e: {  	_ =	shalt  }
0x6f: {  	_ =	shalt  }
0x70: {  	_ =	shalt  }
0x71: {  	_ =	shalt  }
0x72: {  	_ =	shalt  }
0x73: {  	_ =	shalt  }
0x74: {  	_ =	shalt  }
0x75: {  	_ =	shalt  }
0x76: {  	_ =	shalt  }
0x77: {  	_ =	shalt  }
0x78: {  	_ =	shalt  }
0x79: {  	_ =	shalt  }
0x7a: {  	_ =	shalt  }
0x7b: {  	_ =	shalt  }
0x7c: {  	_ =	shalt  }
0x7d: {  	_ =	shalt  }
0x7e: {  	_ =	shalt  }
0x7f: {  	_ =	shalt  }
0x80: {  	_ =	shalt  }
0x81: {  	_ =	shalt  }
0x82: {  	_ =	shalt  }
0x83: {  	_ =	shalt  }
0x84: {  	_ =	shalt  }
0x85: {  	_ =	shalt  }
0x86: {  	_ =	shalt  }
0x87: {  	_ =	shalt  }
.Lfunc_end0:
.L_simem_size_0:
called_computation_lowered:
.L_overlay_start_0:
0x88: {  	s2 =	sld [smem:$0x3FD9]  }
0x89: {  	s3 =	sld [smem:$0x3FFE];
	_ =	sdelay $0x1  }
0x8a: {  	s1 =	srdreg.scid  }
0x8b: {  	s0 =	sand.u32 $0x1, s1  }
0x8c: {  	s17 =	sshll.u32 s0, $0xA;
	s2 =	sadd.s32 s3, s2  }
0x8d: {  	s2 =	sadd.s32 s2, s17  }
0x8e: {  	[smem:$0x3FC2] =	sst s2  }
0x8f: {  	_ = 	snop  }
0x90: {  	s2 =	sld [smem:$0x3FC8]  }
0x91: {  	s18 =	sld [smem:$0x3FD0];
	(tm) =	ssettm $0x1  }
0x92: {  	s4 =	sld [smem:$0x3FFB];
	_ =	sdelay $0x3  }
0x93: {  	_ =	strace s4  }
0x94: {  	s4 =	sld [smem:$0x3FFC];
	_ =	sdelay $0x3  }
0x95: {  	_ =	strace s4  }
0x96: {  	s4 =	sld [smem:$0x3FFD];
	_ =	sdelay $0x3  }
0x97: {  	_ =	strace s4  }
0x98: {  	_ =	strace $0x8FFFFFFF  }
0x99: {  	s19 =	sld [smem:$0x3FDB];
	_ =	sdelay $0x1  }
0x9a: {  	s5 =	simm.s32 $_scs_section_size  }
0x9b: {  	s6 =	simm.s32 $_size__tile_overlayer_lowered;
	s7 =	simm.s32 $_tile_overlayer_lowered  }
0x9c: {  	s22 =	simm.s32 $0x1BFF;
	s21 =	sshll.u32 s7, $0x1;
	s4 =	sadd.s32 s5, s19  }
0x9d: {  	s8 =	simm.s32 $0x0;
	s20 =	sshll.u32 s6, $0x1;
	s6 =	sadd.s32 s21, s4  }
0x9e: {  	[timem:s8], [sflag:s22] =	dma.local [hbm:s6], s20  }
0x9f: {  	_ =	swait.ge [sflag:s22], s20  }
0xa0: {  	s5 =	ssub.s32 $0x0, s20;
	[sflag:s22] =	ssyncset.done $0x0  }
0xa1: {  	[sflag:s22] =	ssyncadd.s32 s5;
	_ =	sdelay $0x1  }
0xa2: {  	s23 =	simm.s32 $0x1B8B  }
0xa3: {  	_ =	swait.ge [sflag:s23], $0x1  }
0xa4: {  	[sflag:s23] =	ssyncset.done $0x0  }
0xa5: {  	s25 =	simm.s32 $0x1B8E;
	s24 =	sld [smem:$0x3FFE];
	[sflag:s23] =	ssyncadd.s32 $0xFFFFFFFF  }
0xa6: {  	s26 =	simm.s32 $execute0_lowered;
	[smem:$0x3FD2] =	sst s25  }
0xa7: {  	s6 =	sshll.u32 s26, $0x1;
	_ =	strace $0x80000046;
	[dreg:$0x1] =	wrdreg $0xFFFFFFFF  }
0xa8: {  	s28 =	simm.s32 $_size_execute0_lowered;
	s4 =	sadd.s32 s4, s6;
	[dreg:$0x0] =	wrdreg $0x0  }
0xa9: {  	s6 =	sshll.u32 s28, $0x1;
	[dreg:$0x2] =	wrdreg s4  }
0xaa: {  	[dreg:$0x3] =	wrdreg s6  }
0xab: {  	[dreg:$0x4] =	wrdreg $0xC0  }
0xac: {  	_ =	task [dreg:s8], $0x5FFFF  }
0xad: {  	[dreg:$0x1] =	wrdreg $0xFFFFFFFF  }
0xae: {  	[dreg:$0x0] =	wrdreg $0x60  }
0xaf: {  	[dreg:$0x2] =	wrdreg s2  }
0xb0: {  	[dreg:$0x3] =	wrdreg s18  }
0xb1: {  	[dreg:$0x4] =	wrdreg s24  }
0xb2: {  	[dreg:$0x5] =	wrdreg $0x9  }
0xb3: {  	_ =	task.clear_ibuf [dreg:s8], $0x6FFFF;
	_ =	strace $0x90000046  }
0xb4: {  	s29 =	simm.s32 $0x9;
	_ =	strace $0x80000048  }
0xb5: {  	_ =	swait.ge [sflag:s29], $0x1  }
0xb6: {  	[sflag:s29] =	ssyncadd.s32 $0xFFFFFFFF  }
0xb7: {  	_ =	strace $0x90000048  }
0xb8: {  	_ =	sfence  }
0xb9: {  	s30 =	sld [smem:$0x0];
	_ =	sdelay $0x2  }
0xba: {  	s31 =	sshll.u32 s1, $0xD;
	s1 =	sshrl.u32 s1, $0x2  }
0xbb: {  	s3 =	sand.u32 $0x4000, s31;
	s1 =	sadd.s32 s1, s30  }
0xbc: {  	s0 =	sor.u32 s3, s0;
	s1 =	sshll.u32 s1, $0x11  }
0xbd: {  	s0 =	sor.u32 s1, s0  }
0xbe: {  	s0 =	sadd.s32 $0x8F2B, s0  }
0xbf: {  	[sflag:s0] =	ssyncadd.remote.s32 $0x1  }
0xc0: {  	_ =	sfence.sel $0xFFFF  }
0xc1: {  	[dreg:$0x0] =	wrdreg $0xFFFFFFFF;
	(pc) =	sbr.abs _section_cstart, $3  }
0xc2: {  	[dreg:$0x1] =	wrdreg $0xFFFFFFFF  }
0xc3: {  	_ =	task.clear_ibuf [dreg:s8], $0x2FFFF;
	_ =	strace $0x9FFFFFFF  }
0xc4: {  	(tm) =	ssettm $0x7FFFFFFF  }
0xc5: {  	_ =	shalt  }
tec
execute0_lowered:
.L_overlay_start_1:
0x0: {  	(tag) =	ssettag $0x1  }
0x1: {  	s8 =	rddreg [dreg:$0x0]  }
0x2: {  	s1 =	srdreg.scid;
	s12 =	rddreg [dreg:$0x1]  }
0x3: {  	s0 =	stileid.u32;
	s10 =	rddreg [dreg:$0x2]  }
0x4: {  	s2 =	simm.s32 $0x0;
	s11 =	simm.s32 $0x198;
	s16 =	simm.s32 $0x7680  }
0x5: {  	s17 =	simm.s32 $0x80;
	s18 =	simm.s32 $0x400;
	s19 =	simm.s32 $0x2  }
0x6: {  	s3 =	sand.u32 $0x1, s1;
	s28 =	sshll.u32 s0, $0x1;
	s1 =	rddreg [dreg:$0x3]  }
0x7: {  	s29 =	sshrl.u32 s0, $0x2;
	[smem:$0x7FF] =	sst s2;
	s9 =	sadd.s32 $0x20110, s10  }
0x8: {  	s4 =	sor.u32 s3, s28;
	s5 =	smul.u32 $0x13C00, s29;
	s3 =	ssub.s32 $0x2, s3  }
0x9: {  	_ =	strace $0x80000047;
	s6 =	sshll.u32 s4, $0x7;
	s30 =	smul.u32 $0x4F0, s4  }
0xa: {  	s31 =	smul.u32 $0x9E0, s4;
	s7 =	sshrl.u32 s3, $0x1;
	p0 =	seq.s32 s4, $0x1F  }
0xb: {  	s6 =	sand.u32 $0x380, s6;
	s15 =	ssub.s32 s3, s7;
	s7 =	sadd.s32 $0x13220, s8  }
0xc: {  	s11 =	simm.s32 @!p0 $0x278;
	s5 =	sor.u32 s5, s6;
	s6 =	sadd.s32 s30, s10  }
0xd: {  	s3 =	sadd.s32 s8, s31;
	s8 =	sadd.s32 $0x13230, s8;
	s13 =	sshrl.u32 s5, $0x3  }
0xe: {  	s4 =	sadd.s32 $0x10, s3;
	s5 =	sadd.s32 $0x16800, s6;
	s6 =	sadd.s32 $0xCA00, s6  }
0xf: {  	s14 =	sadd.s32 s13, s10;
	s10 =	sadd.s32 $0x16310, s10;
	s12 =	sadd.s32 s12, s13  }
0x10: {  	v0 =	vimm.f32 $0.0e+00;
	v1 =	vimm.f32 $1.000000000e+00;
	s13 =	sadd.s32 $0x2C00, s14;
	s14 =	smax.u32 s15, $0x1;
	s15 =	simm.s32 $0x4F00  }
.LBB2_1:
0x11: {  	s20 =	simm.s32 @p0 $0x80  }
0x12: {  	s21 =	simm.s32 @p0 $0x100;
	s22 =	simm.s32 @p0 $0x0;
	s23 =	simm.s32 @p0 $0x2  }
0x13: {  	[tilespmem:s22], [sflag:$0x2] =	stream.strided.gather @p0 [hbm4b:s7+s20], $0x1980, s21, s20, $0x38;
	[tilespmem:$0x9E00] =	vst v63  }
0x14: {  	_ =	swait.ge @p0 [sflag:s23], $0x1980  }
0x15: {  	[sflag:s23] =	ssyncset.done @p0 $0x0  }
0x16: {  	s24 =	simm.s32 @p0 $0x2780;
	[sflag:s23] =	ssyncadd.s32 @p0 $0xFFFFE680  }
0x17: {  	[tilespmem:s24], [sflag:$0x2] =	stream.strided.gather @p0 [hbm4b:s8+s20], $0x1980, s21, s20, $0x38;
	[tilespmem:$0x9E00] =	vst v63  }
0x18: {  	_ =	swait.ge @p0 [sflag:s23], $0x1980  }
0x19: {  	[sflag:s23] =	ssyncset.done @p0 $0x0  }
0x1a: {  	[sflag:s23] =	ssyncadd.s32 @p0 $0xFFFFE680  }
0x1b: {  	[hbm4b:s9+s22] =	stream.linear.scatter @p0 [tilespmem:s22], [sflag:$0x1], $0x1980, $0x38;
	[tilespmem:$0x9E00] =	vst v63  }
0x1c: {  	s20 =	simm.s32 @!p0 $0x80  }
0x1d: {  	[hbm4b:s10+s22] =	stream.linear.scatter @p0 [tilespmem:s24], [sflag:$0x1], $0x1980, $0x38;
	[tilespmem:$0x9E00] =	vst v63  }
0x1e: {  	s21 =	simm.s32 @!p0 $0x100;
	s23 =	simm.s32 @!p0 $0x2;
	s22 =	simm.s32 @!p0 $0x0  }
0x1f: {  	[tilespmem:s22], [sflag:$0x2] =	stream.strided.gather @!p0 [hbm4b:s3+s20], $0x2780, s21, s20, $0x38;
	[tilespmem:$0x9E00] =	vst v63  }
0x20: {  	_ =	swait.ge @!p0 [sflag:s23], $0x2780  }
0x21: {  	[sflag:s23] =	ssyncset.done @!p0 $0x0  }
0x22: {  	s24 =	simm.s32 @!p0 $0x2780;
	[sflag:s23] =	ssyncadd.s32 @!p0 $0xFFFFD880  }
0x23: {  	[tilespmem:s24], [sflag:$0x2] =	stream.strided.gather @!p0 [hbm4b:s4+s20], $0x2780, s21, s20, $0x38;
	[tilespmem:$0x9E00] =	vst v63  }
0x24: {  	_ =	swait.ge @!p0 [sflag:s23], $0x2780  }
0x25: {  	[sflag:s23] =	ssyncset.done @!p0 $0x0  }
0x26: {  	[sflag:s23] =	ssyncadd.s32 @!p0 $0xFFFFD880  }
0x27: {  	[hbm4b:s5+s22] =	stream.linear.scatter @!p0 [tilespmem:s22], [sflag:$0x1], $0x2780, $0x38;
	[tilespmem:$0x9E00] =	vst v63  }
0x28: {  	s20 =	simm.s32 $0x0  }
0x29: {  	[hbm4b:s6+s22] =	stream.linear.scatter @!p0 [tilespmem:s24], [sflag:$0x1], $0x2780, $0x38;
	[tilespmem:$0x9E00] =	vst v63  }
.LBB2_2:
0x2a: {  	p1 =	sne.s32 s20, $0x9C00  }
.Ltmp0:
0x2b: {  	_ = 	snop;
	(pc) =	sbr.rel @p1 .LBB2_2-.Ltmp0, $4  }
0x2c: {  	_ = 	snop  }
0x2d: {  	s21 =	sshra.s32 s20, $0x2  }
0x2e: {  	[tilespmem:s21+$0x4F00] =	vst v0  }
0x2f: {  	s20 =	sadd.s32 $0x40, s20;
	[tilespmem:s21+$0x7680] =	vst v0  }
0x30: {  	p1 =	sne.s32 s11, $0x1  }
.Ltmp1:
0x31: {  	_ = 	snop;
	(pc) =	sbr.rel @!p1 .LBB2_5-.Ltmp1, $4  }
0x32: {  	_ = 	snop  }
0x33: {  	s20 =	simm.s32 $0x0  }
0x34: {  	s21 =	simm.s32 $0x2780;
	v2 =	vld [tilespmem:s20+$0x0]  }
0x35: {  	s22 =	sadd.s32 $0xFFFFFFFF, s11;
	v3 =	vld [tilespmem:s21+$0x0]  }
.LBB2_4:
0x36: {  	p1 =	sne.s32 s22, $0x1;
	_ =	sdelay $0x4  }
.Ltmp2:
0x37: {  	(pc) =	sbr.rel @p1 .LBB2_4-.Ltmp2, $4  }
0x38: {  	[tilespmem:v2+s15+$0x0] =	vst.idx.add.f32.msk $0xffff, v1  }
0x39: {  	s20 =	sadd.s32 $0x10, s20;
	[tilespmem:v3+s16+$0x0] =	vst.idx.add.f32.msk $0xffff, v1  }
0x3a: {  	s21 =	sadd.s32 $0x10, s21;
	v2 =	vld [tilespmem:s20+$0x0]  }
0x3b: {  	s22 =	sadd.s32 $0xFFFFFFFF, s22;
	v3 =	vld [tilespmem:s21+$0x0]  }
.LBB2_5:
0x3c: {  	_ =	sdelay $0x6  }
0x3d: {  	[tilespmem:v2+s15+$0x0] =	vst.idx.add.f32.msk $0xffff, v1  }
0x3e: {  	[tilespmem:v3+s16+$0x0] =	vst.idx.add.f32.msk $0xffff, v1  }
0x3f: {  	[hbm4b:s12+s17] =	stream.strided.scatter [tilespmem:s15], [sflag:$0x2], $0x2780, s18, s17, $0x38;
	[tilespmem:$0x9E00] =	vst v63  }
0x40: {  	_ =	swait.ge [sflag:s19], $0x2780  }
0x41: {  	[sflag:s19] =	ssyncset.done $0x0  }
0x42: {  	[sflag:s19] =	ssyncadd.s32 $0xFFFFD880  }
0x43: {  	[hbm4b:s13+s17] =	stream.strided.scatter [tilespmem:s16], [sflag:$0x2], $0x2780, s18, s17, $0x38;
	[tilespmem:$0x9E00] =	vst v63  }
0x44: {  	_ =	swait.ge [sflag:s19], $0x2780  }
0x45: {  	[sflag:s19] =	ssyncset.done $0x0  }
0x46: {  	s20 =	simm.s32 @p0 $0x1;
	[sflag:s19] =	ssyncadd.s32 $0xFFFFD880  }
0x47: {  	_ =	swait.ge @p0 [sflag:s20], $0x1980  }
0x48: {  	[sflag:s20] =	ssyncset.done @p0 $0x0  }
0x49: {  	[sflag:s20] =	ssyncadd.s32 @p0 $0xFFFFE680  }
0x4a: {  	_ =	swait.ge @p0 [sflag:s20], $0x1980  }
0x4b: {  	[sflag:s20] =	ssyncset.done @p0 $0x0  }
0x4c: {  	s2 =	sadd.s32 $0x1, s2;
	[sflag:s20] =	ssyncadd.s32 @p0 $0xFFFFE680;
	s20 =	simm.s32 @!p0 $0x1  }
0x4d: {  	p1 =	sne.s32 s2, s14;
	_ =	swait.ge @!p0 [sflag:s20], $0x2780  }
.Ltmp3:
0x4e: {  	[sflag:s20] =	ssyncset.done @!p0 $0x0;
	(pc) =	sbr.rel @p1 .LBB2_1-.Ltmp3, $4  }
0x4f: {  	[sflag:s20] =	ssyncadd.s32 @!p0 $0xFFFFD880  }
0x50: {  	_ =	swait.ge @!p0 [sflag:s20], $0x2780  }
0x51: {  	[sflag:s20] =	ssyncset.done @!p0 $0x0  }
0x52: {  	[sflag:s20] =	ssyncadd.s32 @!p0 $0xFFFFD880  }
0x53: {  	_ =	sfence.sel $0x180000  }
0x54: {  	[bflag:$0x0] =	sbarrier.arrive $0xFFFF  }
0x55: {  	p0 =	sne.s32 s0, $0x0;
	_ =	strace $0x90000047  }
0x56: {  	s0 =	sadd.s32 @!p0 $0x100000, s1;
	[bflag:$0x2] =	sbarrier.arrive $0xFFFF  }
0x57: {  	[sflag:s0] =	ssyncadd.tile.s32 @!p0 $0x1;
	_ =	shalt  }
.Lfunc_end2:
_tile_overlayer_lowered:
.L_overlay_start_2:
0x58: {  	(tag) =	ssettag $0x2  }
0x59: {  	s0 =	rddreg [dreg:$0x0];
	s2 =	stileid.u32  }
0x5a: {  	s1 =	rddreg [dreg:$0x1];
	p0 =	sne.s32 s2, $0x0  }
0x5b: {  	s3 =	rddreg [dreg:$0x2];
	[bflag:$0x3] =	sbarrier.arrive $0xFFFF;
	s2 =	simm.s32 @!p0 $0x1C02  }
0x5c: {  	[timem:s3], [sflag:s2] =	dma.local @!p0 [hbm:s0], s1  }
0x5d: {  	s0 =	simm.s32 @!p0 $0x2  }
0x5e: {  	_ =	swait.ge @!p0 [sflag:s0], s1  }
0x5f: {  	s1 =	ssub.s32 @!p0 $0x0, s1;
	[sflag:s0] =	ssyncset.done @!p0 $0x0  }
0x60: {  	[sflag:s0] =	ssyncadd.s32 @!p0 s1  }
0x61: {  	[bflag:$0x3] =	sbarrier.arrive $0xFFFF  }
0x62: {  	_ =	shalt  }

</sc_bundles>
